<compile_context>
chip_gen: v7x
topology: tpu7x:2x2x1
jax: 0.10.2.dev20260603
libtpu: 0.0.44.dev20260713+nightly
codegen_flags: <defaults>
</compile_context>

<pallas_src>
import functools

import jax
import jax.numpy as jnp
from jax import lax
from jax.experimental import pallas as pl
from jax.experimental.pallas import tpu as pltpu
from jax.experimental.pallas import tpu_sc as plsc

_NC = 2
_NS = 16
_NW = _NC * _NS
_WIN = 80
_NBUF = 4
_SN = 2 * _NBUF


def _sc_aggregate(h, src3, dst3, zeros):
    n, d = h.shape
    n_win = src3.shape[1]
    _CHUNK = 16
    n_chunks = n // _CHUNK
    mesh = plsc.VectorSubcoreMesh(core_axis_name="c", subcore_axis_name="s")

    @functools.partial(
        pl.kernel,
        mesh=mesh,
        out_type=jax.ShapeDtypeStruct((_NC, n, d), jnp.float32),
        scratch_types=[
            pltpu.VMEM_SHARED((n, d), jnp.float32),
        ],
    )
    def k(h_hbm, src_hbm, dst_hbm, z_hbm, out_hbm, acc_sh):
        def scoped(*ring):
            rows = ring[:_NBUF]
            didx = ring[_NBUF:2 * _NBUF]
            sidx = ring[2 * _NBUF:2 * _NBUF + _SN]
            gsems = ring[2 * _NBUF + _SN:3 * _NBUF + _SN]
            dsems = ring[3 * _NBUF + _SN:4 * _NBUF + _SN]
            isems = ring[4 * _NBUF + _SN:]
            _run(h_hbm, src_hbm, dst_hbm, z_hbm, out_hbm,
                 acc_sh, rows, didx, sidx, gsems, dsems, isems)

        pl.run_scoped(scoped,
                      *([pltpu.VMEM((_WIN, d), jnp.float32)] * _NBUF),
                      *([pltpu.VMEM((_WIN,), jnp.int32)] * _NBUF),
                      *([pltpu.VMEM((_WIN,), jnp.int32)] * _SN),
                      *([pltpu.SemaphoreType.DMA] * (2 * _NBUF + _SN)))

    def _run(h_hbm, src_hbm, dst_hbm, z_hbm, out_hbm,
             acc_sh, rows, didx, sidx, gsems, dsems, isems):
        c = lax.axis_index("c")
        s = lax.axis_index("s")
        wid = c * _NS + s
        dst_my = dst_hbm.at[wid]
        src_my = src_hbm.at[wid]

        for j in range(_SN):
            pltpu.async_copy(src_my.at[j], sidx[j], isems[j])
        for b in range(_NBUF):
            pltpu.make_async_copy(src_my.at[b], sidx[b], isems[b]).wait()
            pltpu.async_copy(h_hbm.at[sidx[b]], rows[b], gsems[b])
            pltpu.async_copy(dst_my.at[b], didx[b], dsems[b])

        @pl.loop(s, n_chunks, step=_NS)
        def _(ch):
            pltpu.sync_copy(z_hbm.at[pl.ds(ch * _CHUNK, _CHUNK)],
                            acc_sh.at[pl.ds(ch * _CHUNK, _CHUNK)])
        plsc.subcore_barrier()

        @pl.loop(0, n_win, step=_SN)
        def _(g):
            for b8 in range(_SN):
                w = g + b8
                b = b8 % _NBUF
                b4 = (b8 + _NBUF) % _SN

                @pl.when(w < n_win)
                def _():
                    pltpu.make_async_copy(
                        h_hbm.at[pl.ds(0, _WIN)], rows[b], gsems[b]).wait()
                    pltpu.make_async_copy(
                        dst_my.at[w], didx[b], dsems[b]).wait()
                    pltpu.sync_copy(rows[b], acc_sh.at[didx[b]], add=True)

                    @pl.when(w + _NBUF < n_win)
                    def _():
                        pltpu.make_async_copy(
                            src_my.at[w + _NBUF], sidx[b4], isems[b4]).wait()
                        pltpu.async_copy(h_hbm.at[sidx[b4]], rows[b],
                                         gsems[b])
                        pltpu.async_copy(dst_my.at[w + _NBUF],
                                         didx[b], dsems[b])

                    @pl.when(w + _SN < n_win)
                    def _():
                        pltpu.async_copy(src_my.at[w + _SN], sidx[b8],
                                         isems[b8])

        plsc.subcore_barrier()

        @pl.loop(s, n_chunks, step=_NS)
        def _(ch):
            pltpu.sync_copy(acc_sh.at[pl.ds(ch * _CHUNK, _CHUNK)],
                            out_hbm.at[c].at[pl.ds(ch * _CHUNK, _CHUNK)])

    return k(h, src3, dst3, zeros)


_BLK = 10000


def _tc_matmul(x, w):
    n, d_in = x.shape
    d_out = w.shape[0]

    def body(x_ref, w_ref, o_ref):
        o_ref[...] = lax.dot_general(
            x_ref[...], w_ref[...], (((1,), (1,)), ((), ())),
            preferred_element_type=jnp.float32)

    return pl.pallas_call(
        body,
        grid=(n // _BLK,),
        in_specs=[
            pl.BlockSpec((_BLK, d_in), lambda i: (i, 0)),
            pl.BlockSpec((d_out, d_in), lambda i: (0, 0)),
        ],
        out_specs=pl.BlockSpec((_BLK, d_out), lambda i: (i, 0)),
        out_shape=jax.ShapeDtypeStruct((n, d_out), jnp.float32),
    )(x, w)


def _tc_combine_matmul(p, b, w):
    _, n, d = p.shape
    d_out = w.shape[0]

    def body(p_ref, b_ref, w_ref, o_ref):
        a = jnp.maximum(p_ref[0] + p_ref[1] + b_ref[...], 0.0)
        o_ref[...] = lax.dot_general(
            a, w_ref[...], (((1,), (1,)), ((), ())),
            preferred_element_type=jnp.float32)

    return pl.pallas_call(
        body,
        grid=(n // _BLK,),
        in_specs=[
            pl.BlockSpec((2, _BLK, d), lambda i: (0, i, 0)),
            pl.BlockSpec((1, d), lambda i: (0, 0)),
            pl.BlockSpec((d_out, d), lambda i: (0, 0)),
        ],
        out_specs=pl.BlockSpec((_BLK, d_out), lambda i: (i, 0)),
        out_shape=jax.ShapeDtypeStruct((n, d_out), jnp.float32),
    )(p, b, w)


def _tc_combine(p, b):
    _, n, d = p.shape

    def body(p_ref, b_ref, o_ref):
        o_ref[...] = jnp.maximum(p_ref[0] + p_ref[1] + b_ref[...], 0.0)

    return pl.pallas_call(
        body,
        grid=(n // _BLK,),
        in_specs=[
            pl.BlockSpec((2, _BLK, d), lambda i: (0, i, 0)),
            pl.BlockSpec((1, d), lambda i: (0, 0)),
        ],
        out_specs=pl.BlockSpec((_BLK, d), lambda i: (i, 0)),
        out_shape=jax.ShapeDtypeStruct((n, d), jnp.float32),
    )(p, b)


def kernel(node_states, edge_index, W1, b1, W2, b2):
    e = edge_index.shape[1]
    n_win = e // (_NW * _WIN)
    src3 = edge_index[0].astype(jnp.int32).reshape(_NW, n_win, _WIN)
    dst3 = edge_index[1].astype(jnp.int32).reshape(_NW, n_win, _WIN)
    n = node_states.shape[0]
    zeros = jnp.zeros((n, W1.shape[0]), jnp.float32)

    h1 = _tc_matmul(node_states, W1)
    p1 = _sc_aggregate(h1, src3, dst3, zeros)
    h2 = _tc_combine_matmul(p1, b1.reshape(1, -1), W2)
    p2 = _sc_aggregate(h2, src3, dst3, zeros)
    return _tc_combine(p2, b2.reshape(1, -1))

# --- scband reference (transcript-rebuilt; emitter-appended) ---
"""Pipeline reference for scband-graph-convolution-81965155877088 (READ-ONLY COPY).

The authoritative reference and input builder live on the scoring server;
editing this copy changes nothing except your own understanding.
"""

import jax, jax.numpy as jnp
import numpy as np

N_NODES = 10000
N_EDGES = 320000
D_IN = 128
D_HID = 128
D_OUT = 128


def setup_inputs(seed: int = 0) -> dict:
    key = jax.random.key(seed)
    k1, k2, k3, k4, k5, k6 = jax.random.split(key, 6)
    node_states = jax.random.normal(k1, (N_NODES, D_IN), dtype=jnp.float32)
    edge_index = jax.random.randint(k2, (2, N_EDGES), 0, N_NODES, dtype=jnp.int64)
    # GCNConv uses Linear(in, out, bias=False) + separate bias param
    glorot1 = np.sqrt(6.0 / (D_IN + D_HID))
    glorot2 = np.sqrt(6.0 / (D_HID + D_OUT))
    W1 = jax.random.uniform(k3, (D_HID, D_IN), dtype=jnp.float32, minval=-glorot1, maxval=glorot1)
    b1 = jnp.zeros((D_HID,), dtype=jnp.float32)
    W2 = jax.random.uniform(k4, (D_OUT, D_HID), dtype=jnp.float32, minval=-glorot2, maxval=glorot2)
    b2 = jnp.zeros((D_OUT,), dtype=jnp.float32)
    return {"node_states": node_states, "edge_index": edge_index, "W1": W1, "b1": b1, "W2": W2, "b2": b2}


def _gcn_conv(x, edge_index, W, b):
    # PyG GCNConv with normalize=False, edge_weight=None:
    #   x' = x @ W^T ; out[i] = sum_{(j->i) in E} x'[j] ; out = out + b
    src = edge_index[0]
    dst = edge_index[1]
    h = x @ W.T
    msgs = jnp.take(h, src, axis=0)
    agg = jnp.zeros((x.shape[0], W.shape[0]), dtype=h.dtype).at[dst].add(msgs)
    return agg + b


def reference(node_states, edge_index, W1, b1, W2, b2):
    h1 = jax.nn.relu(_gcn_conv(node_states, edge_index, W1, b1))
    h2 = jax.nn.relu(_gcn_conv(h1, edge_index, W2, b2))
    return h2

if __name__ == "__main__":
    import jax
    _d = setup_inputs()
    print(jax.jit(kernel)(*tuple(_d.values())))

</pallas_src>

<mosaic_0001>
#map = affine_map<(d0, d1) -> (0, 0)>
#map1 = affine_map<(d0, d1) -> (0, 0, 0)>
module attributes {stable_mosaic.version = 14 : i64} {
  func.func @k(%arg0: i32, %arg1: i32, %arg2: memref<10000x128xf32, #tpu.memory_space<hbm>>, %arg3: memref<32x125x80xi32, #tpu.memory_space<hbm>>, %arg4: memref<32x125x80xi32, #tpu.memory_space<hbm>>, %arg5: memref<10000x128xf32, #tpu.memory_space<hbm>>, %arg6: memref<2x10000x128xf32, #tpu.memory_space<hbm>>, %arg7: memref<10000x128xf32, #tpu.memory_space<vmem_shared>>) attributes {dimension_semantics = [#tpu.dimension_semantics<core_parallel>, #tpu.dimension_semantics<subcore_parallel>], iteration_bounds = array<i64: 2, 16>, scalar_prefetch = 0 : i64, scratch_operands = 1 : i64, tpu.core_type = #tpu.core_type<sc_vector_subcore>, window_params = [{transform_indices = #map}, {transform_indices = #map1}, {transform_indices = #map1}, {transform_indices = #map}, {transform_indices = #map1}]} {
    "tpu.region"() ({
      %run_scoped3A = memref.alloca() : memref<80x128xf32, #tpu.memory_space<vmem>>
      %run_scoped3A_0 = memref.alloca() : memref<80x128xf32, #tpu.memory_space<vmem>>
      %run_scoped3A_1 = memref.alloca() : memref<80x128xf32, #tpu.memory_space<vmem>>
      %run_scoped3A_2 = memref.alloca() : memref<80x128xf32, #tpu.memory_space<vmem>>
      %run_scoped3A_3 = memref.alloca() : memref<80xi32, #tpu.memory_space<vmem>>
      %run_scoped3A_4 = memref.alloca() : memref<80xi32, #tpu.memory_space<vmem>>
      %run_scoped3A_5 = memref.alloca() : memref<80xi32, #tpu.memory_space<vmem>>
      %run_scoped3A_6 = memref.alloca() : memref<80xi32, #tpu.memory_space<vmem>>
      %run_scoped3A_7 = memref.alloca() : memref<80xi32, #tpu.memory_space<vmem>>
      %run_scoped3A_8 = memref.alloca() : memref<80xi32, #tpu.memory_space<vmem>>
      %run_scoped3A_9 = memref.alloca() : memref<80xi32, #tpu.memory_space<vmem>>
      %run_scoped3A_10 = memref.alloca() : memref<80xi32, #tpu.memory_space<vmem>>
      %run_scoped3A_11 = memref.alloca() : memref<80xi32, #tpu.memory_space<vmem>>
      %run_scoped3A_12 = memref.alloca() : memref<80xi32, #tpu.memory_space<vmem>>
      %run_scoped3A_13 = memref.alloca() : memref<80xi32, #tpu.memory_space<vmem>>
      %run_scoped3A_14 = memref.alloca() : memref<80xi32, #tpu.memory_space<vmem>>
      %run_scoped3A_15 = tpu.sem_alloc : memref<!tpu.dma_semaphore, #tpu.memory_space<semaphore_mem>>
      %run_scoped3A_16 = tpu.sem_alloc : memref<!tpu.dma_semaphore, #tpu.memory_space<semaphore_mem>>
      %run_scoped3A_17 = tpu.sem_alloc : memref<!tpu.dma_semaphore, #tpu.memory_space<semaphore_mem>>
      %run_scoped3A_18 = tpu.sem_alloc : memref<!tpu.dma_semaphore, #tpu.memory_space<semaphore_mem>>
      %run_scoped3A_19 = tpu.sem_alloc : memref<!tpu.dma_semaphore, #tpu.memory_space<semaphore_mem>>
      %run_scoped3A_20 = tpu.sem_alloc : memref<!tpu.dma_semaphore, #tpu.memory_space<semaphore_mem>>
      %run_scoped3A_21 = tpu.sem_alloc : memref<!tpu.dma_semaphore, #tpu.memory_space<semaphore_mem>>
      %run_scoped3A_22 = tpu.sem_alloc : memref<!tpu.dma_semaphore, #tpu.memory_space<semaphore_mem>>
      %run_scoped3A_23 = tpu.sem_alloc : memref<!tpu.dma_semaphore, #tpu.memory_space<semaphore_mem>>
      %run_scoped3A_24 = tpu.sem_alloc : memref<!tpu.dma_semaphore, #tpu.memory_space<semaphore_mem>>
      %run_scoped3A_25 = tpu.sem_alloc : memref<!tpu.dma_semaphore, #tpu.memory_space<semaphore_mem>>
      %run_scoped3A_26 = tpu.sem_alloc : memref<!tpu.dma_semaphore, #tpu.memory_space<semaphore_mem>>
      %run_scoped3A_27 = tpu.sem_alloc : memref<!tpu.dma_semaphore, #tpu.memory_space<semaphore_mem>>
      %run_scoped3A_28 = tpu.sem_alloc : memref<!tpu.dma_semaphore, #tpu.memory_space<semaphore_mem>>
      %run_scoped3A_29 = tpu.sem_alloc : memref<!tpu.dma_semaphore, #tpu.memory_space<semaphore_mem>>
      %run_scoped3A_30 = tpu.sem_alloc : memref<!tpu.dma_semaphore, #tpu.memory_space<semaphore_mem>>
      %mul3A = arith.constant 16 : i32
      %mul3A_31 = arith.muli %arg0, %mul3A : i32
      %add3A = arith.addi %mul3A_31, %arg1 : i32
      %dma_start3A = arith.constant 0 : i32
      %dma_start3A_32 = arith.constant 0 : i32
      %dma_start3A_33 = arith.constant 0 : i32
      %dma_start3A_34 = tpu.memref_slice %arg3[%add3A, %dma_start3A_32, %dma_start3A_33] : memref<32x125x80xi32, #tpu.memory_space<hbm>> -> memref<1x125x80xi32, #tpu.memory_space<hbm>>
      %dma_start3A_35 = tpu.memref_squeeze %dma_start3A_34 : memref<1x125x80xi32, #tpu.memory_space<hbm>> -> memref<125x80xi32, #tpu.memory_space<hbm>>
      %dma_start3A_36 = arith.constant 0 : i32
      %dma_start3A_37 = tpu.memref_slice %dma_start3A_35[%dma_start3A, %dma_start3A_36] : memref<125x80xi32, #tpu.memory_space<hbm>> -> memref<1x80xi32, #tpu.memory_space<hbm>>
      %dma_start3A_38 = tpu.memref_squeeze %dma_start3A_37 : memref<1x80xi32, #tpu.memory_space<hbm>> -> memref<80xi32, #tpu.memory_space<hbm>>
      %dma_start3A_39 = arith.constant 0 : i32
      %dma_start3A_40 = arith.constant 0 : i32
      %dma_start3A_41 = tpu.memref_slice %arg3[%add3A, %dma_start3A_39, %dma_start3A_40] : memref<32x125x80xi32, #tpu.memory_space<hbm>> -> memref<1x125x80xi32, #tpu.memory_space<hbm>>
      %dma_start3A_42 = tpu.memref_squeeze %dma_start3A_41 : memref<1x125x80xi32, #tpu.memory_space<hbm>> -> memref<125x80xi32, #tpu.memory_space<hbm>>
      %dma_start3A_43 = arith.constant 0 : i32
      %dma_start3A_44 = tpu.memref_slice %dma_start3A_42[%dma_start3A, %dma_start3A_43] : memref<125x80xi32, #tpu.memory_space<hbm>> -> memref<1x80xi32, #tpu.memory_space<hbm>>
      %dma_start3A_45 = tpu.memref_squeeze %dma_start3A_44 : memref<1x80xi32, #tpu.memory_space<hbm>> -> memref<80xi32, #tpu.memory_space<hbm>>
      tpu.enqueue_dma source(%dma_start3A_45 : memref<80xi32, #tpu.memory_space<hbm>>) target(%run_scoped3A_7 : memref<80xi32, #tpu.memory_space<vmem>>) target_semaphore(%run_scoped3A_23 : memref<!tpu.dma_semaphore, #tpu.memory_space<semaphore_mem>>)
      %dma_start3A_46 = arith.constant 1 : i32
      %dma_start3A_47 = arith.constant 0 : i32
      %dma_start3A_48 = arith.constant 0 : i32
      %dma_start3A_49 = tpu.memref_slice %arg3[%add3A, %dma_start3A_47, %dma_start3A_48] : memref<32x125x80xi32, #tpu.memory_space<hbm>> -> memref<1x125x80xi32, #tpu.memory_space<hbm>>
      %dma_start3A_50 = tpu.memref_squeeze %dma_start3A_49 : memref<1x125x80xi32, #tpu.memory_space<hbm>> -> memref<125x80xi32, #tpu.memory_space<hbm>>
      %dma_start3A_51 = arith.constant 0 : i32
      %dma_start3A_52 = tpu.memref_slice %dma_start3A_50[%dma_start3A_46, %dma_start3A_51] : memref<125x80xi32, #tpu.memory_space<hbm>> -> memref<1x80xi32, #tpu.memory_space<hbm>>
      %dma_start3A_53 = tpu.memref_squeeze %dma_start3A_52 : memref<1x80xi32, #tpu.memory_space<hbm>> -> memref<80xi32, #tpu.memory_space<hbm>>
      %dma_start3A_54 = arith.constant 0 : i32
      %dma_start3A_55 = arith.constant 0 : i32
      %dma_start3A_56 = tpu.memref_slice %arg3[%add3A, %dma_start3A_54, %dma_start3A_55] : memref<32x125x80xi32, #tpu.memory_space<hbm>> -> memref<1x125x80xi32, #tpu.memory_space<hbm>>
      %dma_start3A_57 = tpu.memref_squeeze %dma_start3A_56 : memref<1x125x80xi32, #tpu.memory_space<hbm>> -> memref<125x80xi32, #tpu.memory_space<hbm>>
      %dma_start3A_58 = arith.constant 0 : i32
      %dma_start3A_59 = tpu.memref_slice %dma_start3A_57[%dma_start3A_46, %dma_start3A_58] : memref<125x80xi32, #tpu.memory_space<hbm>> -> memref<1x80xi32, #tpu.memory_space<hbm>>
      %dma_start3A_60 = tpu.memref_squeeze %dma_start3A_59 : memref<1x80xi32, #tpu.memory_space<hbm>> -> memref<80xi32, #tpu.memory_space<hbm>>
      tpu.enqueue_dma source(%dma_start3A_60 : memref<80xi32, #tpu.memory_space<hbm>>) target(%run_scoped3A_8 : memref<80xi32, #tpu.memory_space<vmem>>) target_semaphore(%run_scoped3A_24 : memref<!tpu.dma_semaphore, #tpu.memory_space<semaphore_mem>>)
      %dma_start3A_61 = arith.constant 2 : i32
      %dma_start3A_62 = arith.constant 0 : i32
      %dma_start3A_63 = arith.constant 0 : i32
      %dma_start3A_64 = tpu.memref_slice %arg3[%add3A, %dma_start3A_62, %dma_start3A_63] : memref<32x125x80xi32, #tpu.memory_space<hbm>> -> memref<1x125x80xi32, #tpu.memory_space<hbm>>
      %dma_start3A_65 = tpu.memref_squeeze %dma_start3A_64 : memref<1x125x80xi32, #tpu.memory_space<hbm>> -> memref<125x80xi32, #tpu.memory_space<hbm>>
      %dma_start3A_66 = arith.constant 0 : i32
      %dma_start3A_67 = tpu.memref_slice %dma_start3A_65[%dma_start3A_61, %dma_start3A_66] : memref<125x80xi32, #tpu.memory_space<hbm>> -> memref<1x80xi32, #tpu.memory_space<hbm>>
      %dma_start3A_68 = tpu.memref_squeeze %dma_start3A_67 : memref<1x80xi32, #tpu.memory_space<hbm>> -> memref<80xi32, #tpu.memory_space<hbm>>
      %dma_start3A_69 = arith.constant 0 : i32
      %dma_start3A_70 = arith.constant 0 : i32
      %dma_start3A_71 = tpu.memref_slice %arg3[%add3A, %dma_start3A_69, %dma_start3A_70] : memref<32x125x80xi32, #tpu.memory_space<hbm>> -> memref<1x125x80xi32, #tpu.memory_space<hbm>>
      %dma_start3A_72 = tpu.memref_squeeze %dma_start3A_71 : memref<1x125x80xi32, #tpu.memory_space<hbm>> -> memref<125x80xi32, #tpu.memory_space<hbm>>
      %dma_start3A_73 = arith.constant 0 : i32
      %dma_start3A_74 = tpu.memref_slice %dma_start3A_72[%dma_start3A_61, %dma_start3A_73] : memref<125x80xi32, #tpu.memory_space<hbm>> -> memref<1x80xi32, #tpu.memory_space<hbm>>
      %dma_start3A_75 = tpu.memref_squeeze %dma_start3A_74 : memref<1x80xi32, #tpu.memory_space<hbm>> -> memref<80xi32, #tpu.memory_space<hbm>>
      tpu.enqueue_dma source(%dma_start3A_75 : memref<80xi32, #tpu.memory_space<hbm>>) target(%run_scoped3A_9 : memref<80xi32, #tpu.memory_space<vmem>>) target_semaphore(%run_scoped3A_25 : memref<!tpu.dma_semaphore, #tpu.memory_space<semaphore_mem>>)
      %dma_start3A_76 = arith.constant 3 : i32
      %dma_start3A_77 = arith.constant 0 : i32
      %dma_start3A_78 = arith.constant 0 : i32
      %dma_start3A_79 = tpu.memref_slice %arg3[%add3A, %dma_start3A_77, %dma_start3A_78] : memref<32x125x80xi32, #tpu.memory_space<hbm>> -> memref<1x125x80xi32, #tpu.memory_space<hbm>>
      %dma_start3A_80 = tpu.memref_squeeze %dma_start3A_79 : memref<1x125x80xi32, #tpu.memory_space<hbm>> -> memref<125x80xi32, #tpu.memory_space<hbm>>
      %dma_start3A_81 = arith.constant 0 : i32
      %dma_start3A_82 = tpu.memref_slice %dma_start3A_80[%dma_start3A_76, %dma_start3A_81] : memref<125x80xi32, #tpu.memory_space<hbm>> -> memref<1x80xi32, #tpu.memory_space<hbm>>
      %dma_start3A_83 = tpu.memref_squeeze %dma_start3A_82 : memref<1x80xi32, #tpu.memory_space<hbm>> -> memref<80xi32, #tpu.memory_space<hbm>>
      %dma_start3A_84 = arith.constant 0 : i32
      %dma_start3A_85 = arith.constant 0 : i32
      %dma_start3A_86 = tpu.memref_slice %arg3[%add3A, %dma_start3A_84, %dma_start3A_85] : memref<32x125x80xi32, #tpu.memory_space<hbm>> -> memref<1x125x80xi32, #tpu.memory_space<hbm>>
      %dma_start3A_87 = tpu.memref_squeeze %dma_start3A_86 : memref<1x125x80xi32, #tpu.memory_space<hbm>> -> memref<125x80xi32, #tpu.memory_space<hbm>>
      %dma_start3A_88 = arith.constant 0 : i32
      %dma_start3A_89 = tpu.memref_slice %dma_start3A_87[%dma_start3A_76, %dma_start3A_88] : memref<125x80xi32, #tpu.memory_space<hbm>> -> memref<1x80xi32, #tpu.memory_space<hbm>>
      %dma_start3A_90 = tpu.memref_squeeze %dma_start3A_89 : memref<1x80xi32, #tpu.memory_space<hbm>> -> memref<80xi32, #tpu.memory_space<hbm>>
      tpu.enqueue_dma source(%dma_start3A_90 : memref<80xi32, #tpu.memory_space<hbm>>) target(%run_scoped3A_10 : memref<80xi32, #tpu.memory_space<vmem>>) target_semaphore(%run_scoped3A_26 : memref<!tpu.dma_semaphore, #tpu.memory_space<semaphore_mem>>)
      %dma_start3A_91 = arith.constant 4 : i32
      %dma_start3A_92 = arith.constant 0 : i32
      %dma_start3A_93 = arith.constant 0 : i32
      %dma_start3A_94 = tpu.memref_slice %arg3[%add3A, %dma_start3A_92, %dma_start3A_93] : memref<32x125x80xi32, #tpu.memory_space<hbm>> -> memref<1x125x80xi32, #tpu.memory_space<hbm>>
      %dma_start3A_95 = tpu.memref_squeeze %dma_start3A_94 : memref<1x125x80xi32, #tpu.memory_space<hbm>> -> memref<125x80xi32, #tpu.memory_space<hbm>>
      %dma_start3A_96 = arith.constant 0 : i32
      %dma_start3A_97 = tpu.memref_slice %dma_start3A_95[%dma_start3A_91, %dma_start3A_96] : memref<125x80xi32, #tpu.memory_space<hbm>> -> memref<1x80xi32, #tpu.memory_space<hbm>>
      %dma_start3A_98 = tpu.memref_squeeze %dma_start3A_97 : memref<1x80xi32, #tpu.memory_space<hbm>> -> memref<80xi32, #tpu.memory_space<hbm>>
      %dma_start3A_99 = arith.constant 0 : i32
      %dma_start3A_100 = arith.constant 0 : i32
      %dma_start3A_101 = tpu.memref_slice %arg3[%add3A, %dma_start3A_99, %dma_start3A_100] : memref<32x125x80xi32, #tpu.memory_space<hbm>> -> memref<1x125x80xi32, #tpu.memory_space<hbm>>
      %dma_start3A_102 = tpu.memref_squeeze %dma_start3A_101 : memref<1x125x80xi32, #tpu.memory_space<hbm>> -> memref<125x80xi32, #tpu.memory_space<hbm>>
      %dma_start3A_103 = arith.constant 0 : i32
      %dma_start3A_104 = tpu.memref_slice %dma_start3A_102[%dma_start3A_91, %dma_start3A_103] : memref<125x80xi32, #tpu.memory_space<hbm>> -> memref<1x80xi32, #tpu.memory_space<hbm>>
      %dma_start3A_105 = tpu.memref_squeeze %dma_start3A_104 : memref<1x80xi32, #tpu.memory_space<hbm>> -> memref<80xi32, #tpu.memory_space<hbm>>
      tpu.enqueue_dma source(%dma_start3A_105 : memref<80xi32, #tpu.memory_space<hbm>>) target(%run_scoped3A_11 : memref<80xi32, #tpu.memory_space<vmem>>) target_semaphore(%run_scoped3A_27 : memref<!tpu.dma_semaphore, #tpu.memory_space<semaphore_mem>>)
      %dma_start3A_106 = arith.constant 5 : i32
      %dma_start3A_107 = arith.constant 0 : i32
      %dma_start3A_108 = arith.constant 0 : i32
      %dma_start3A_109 = tpu.memref_slice %arg3[%add3A, %dma_start3A_107, %dma_start3A_108] : memref<32x125x80xi32, #tpu.memory_space<hbm>> -> memref<1x125x80xi32, #tpu.memory_space<hbm>>
      %dma_start3A_110 = tpu.memref_squeeze %dma_start3A_109 : memref<1x125x80xi32, #tpu.memory_space<hbm>> -> memref<125x80xi32, #tpu.memory_space<hbm>>
      %dma_start3A_111 = arith.constant 0 : i32
      %dma_start3A_112 = tpu.memref_slice %dma_start3A_110[%dma_start3A_106, %dma_start3A_111] : memref<125x80xi32, #tpu.memory_space<hbm>> -> memref<1x80xi32, #tpu.memory_space<hbm>>
      %dma_start3A_113 = tpu.memref_squeeze %dma_start3A_112 : memref<1x80xi32, #tpu.memory_space<hbm>> -> memref<80xi32, #tpu.memory_space<hbm>>
      %dma_start3A_114 = arith.constant 0 : i32
      %dma_start3A_115 = arith.constant 0 : i32
      %dma_start3A_116 = tpu.memref_slice %arg3[%add3A, %dma_start3A_114, %dma_start3A_115] : memref<32x125x80xi32, #tpu.memory_space<hbm>> -> memref<1x125x80xi32, #tpu.memory_space<hbm>>
      %dma_start3A_117 = tpu.memref_squeeze %dma_start3A_116 : memref<1x125x80xi32, #tpu.memory_space<hbm>> -> memref<125x80xi32, #tpu.memory_space<hbm>>
      %dma_start3A_118 = arith.constant 0 : i32
      %dma_start3A_119 = tpu.memref_slice %dma_start3A_117[%dma_start3A_106, %dma_start3A_118] : memref<125x80xi32, #tpu.memory_space<hbm>> -> memref<1x80xi32, #tpu.memory_space<hbm>>
      %dma_start3A_120 = tpu.memref_squeeze %dma_start3A_119 : memref<1x80xi32, #tpu.memory_space<hbm>> -> memref<80xi32, #tpu.memory_space<hbm>>
      tpu.enqueue_dma source(%dma_start3A_120 : memref<80xi32, #tpu.memory_space<hbm>>) target(%run_scoped3A_12 : memref<80xi32, #tpu.memory_space<vmem>>) target_semaphore(%run_scoped3A_28 : memref<!tpu.dma_semaphore, #tpu.memory_space<semaphore_mem>>)
      %dma_start3A_121 = arith.constant 6 : i32
      %dma_start3A_122 = arith.constant 0 : i32
      %dma_start3A_123 = arith.constant 0 : i32
      %dma_start3A_124 = tpu.memref_slice %arg3[%add3A, %dma_start3A_122, %dma_start3A_123] : memref<32x125x80xi32, #tpu.memory_space<hbm>> -> memref<1x125x80xi32, #tpu.memory_space<hbm>>
      %dma_start3A_125 = tpu.memref_squeeze %dma_start3A_124 : memref<1x125x80xi32, #tpu.memory_space<hbm>> -> memref<125x80xi32, #tpu.memory_space<hbm>>
      %dma_start3A_126 = arith.constant 0 : i32
      %dma_start3A_127 = tpu.memref_slice %dma_start3A_125[%dma_start3A_121, %dma_start3A_126] : memref<125x80xi32, #tpu.memory_space<hbm>> -> memref<1x80xi32, #tpu.memory_space<hbm>>
      %dma_start3A_128 = tpu.memref_squeeze %dma_start3A_127 : memref<1x80xi32, #tpu.memory_space<hbm>> -> memref<80xi32, #tpu.memory_space<hbm>>
      %dma_start3A_129 = arith.constant 0 : i32
      %dma_start3A_130 = arith.constant 0 : i32
      %dma_start3A_131 = tpu.memref_slice %arg3[%add3A, %dma_start3A_129, %dma_start3A_130] : memref<32x125x80xi32, #tpu.memory_space<hbm>> -> memref<1x125x80xi32, #tpu.memory_space<hbm>>
      %dma_start3A_132 = tpu.memref_squeeze %dma_start3A_131 : memref<1x125x80xi32, #tpu.memory_space<hbm>> -> memref<125x80xi32, #tpu.memory_space<hbm>>
      %dma_start3A_133 = arith.constant 0 : i32
      %dma_start3A_134 = tpu.memref_slice %dma_start3A_132[%dma_start3A_121, %dma_start3A_133] : memref<125x80xi32, #tpu.memory_space<hbm>> -> memref<1x80xi32, #tpu.memory_space<hbm>>
      %dma_start3A_135 = tpu.memref_squeeze %dma_start3A_134 : memref<1x80xi32, #tpu.memory_space<hbm>> -> memref<80xi32, #tpu.memory_space<hbm>>
      tpu.enqueue_dma source(%dma_start3A_135 : memref<80xi32, #tpu.memory_space<hbm>>) target(%run_scoped3A_13 : memref<80xi32, #tpu.memory_space<vmem>>) target_semaphore(%run_scoped3A_29 : memref<!tpu.dma_semaphore, #tpu.memory_space<semaphore_mem>>)
      %dma_start3A_136 = arith.constant 7 : i32
      %dma_start3A_137 = arith.constant 0 : i32
      %dma_start3A_138 = arith.constant 0 : i32
      %dma_start3A_139 = tpu.memref_slice %arg3[%add3A, %dma_start3A_137, %dma_start3A_138] : memref<32x125x80xi32, #tpu.memory_space<hbm>> -> memref<1x125x80xi32, #tpu.memory_space<hbm>>
      %dma_start3A_140 = tpu.memref_squeeze %dma_start3A_139 : memref<1x125x80xi32, #tpu.memory_space<hbm>> -> memref<125x80xi32, #tpu.memory_space<hbm>>
      %dma_start3A_141 = arith.constant 0 : i32
      %dma_start3A_142 = tpu.memref_slice %dma_start3A_140[%dma_start3A_136, %dma_start3A_141] : memref<125x80xi32, #tpu.memory_space<hbm>> -> memref<1x80xi32, #tpu.memory_space<hbm>>
      %dma_start3A_143 = tpu.memref_squeeze %dma_start3A_142 : memref<1x80xi32, #tpu.memory_space<hbm>> -> memref<80xi32, #tpu.memory_space<hbm>>
      %dma_start3A_144 = arith.constant 0 : i32
      %dma_start3A_145 = arith.constant 0 : i32
      %dma_start3A_146 = tpu.memref_slice %arg3[%add3A, %dma_start3A_144, %dma_start3A_145] : memref<32x125x80xi32, #tpu.memory_space<hbm>> -> memref<1x125x80xi32, #tpu.memory_space<hbm>>
      %dma_start3A_147 = tpu.memref_squeeze %dma_start3A_146 : memref<1x125x80xi32, #tpu.memory_space<hbm>> -> memref<125x80xi32, #tpu.memory_space<hbm>>
      %dma_start3A_148 = arith.constant 0 : i32
      %dma_start3A_149 = tpu.memref_slice %dma_start3A_147[%dma_start3A_136, %dma_start3A_148] : memref<125x80xi32, #tpu.memory_space<hbm>> -> memref<1x80xi32, #tpu.memory_space<hbm>>
      %dma_start3A_150 = tpu.memref_squeeze %dma_start3A_149 : memref<1x80xi32, #tpu.memory_space<hbm>> -> memref<80xi32, #tpu.memory_space<hbm>>
      tpu.enqueue_dma source(%dma_start3A_150 : memref<80xi32, #tpu.memory_space<hbm>>) target(%run_scoped3A_14 : memref<80xi32, #tpu.memory_space<vmem>>) target_semaphore(%run_scoped3A_30 : memref<!tpu.dma_semaphore, #tpu.memory_space<semaphore_mem>>)
      %dma_wait3A = arith.constant 0 : i32
      %dma_wait3A_151 = arith.constant 0 : i32
      %dma_wait3A_152 = arith.constant 0 : i32
      %dma_wait3A_153 = tpu.memref_slice %arg3[%add3A, %dma_wait3A_151, %dma_wait3A_152] : memref<32x125x80xi32, #tpu.memory_space<hbm>> -> memref<1x125x80xi32, #tpu.memory_space<hbm>>
      %dma_wait3A_154 = tpu.memref_squeeze %dma_wait3A_153 : memref<1x125x80xi32, #tpu.memory_space<hbm>> -> memref<125x80xi32, #tpu.memory_space<hbm>>
      %dma_wait3A_155 = arith.constant 0 : i32
      %dma_wait3A_156 = tpu.memref_slice %dma_wait3A_154[%dma_wait3A, %dma_wait3A_155] : memref<125x80xi32, #tpu.memory_space<hbm>> -> memref<1x80xi32, #tpu.memory_space<hbm>>
      %dma_wait3A_157 = tpu.memref_squeeze %dma_wait3A_156 : memref<1x80xi32, #tpu.memory_space<hbm>> -> memref<80xi32, #tpu.memory_space<hbm>>
      %dma_wait3A_158 = arith.constant 0 : i32
      %dma_wait3A_159 = arith.constant 0 : i32
      %dma_wait3A_160 = tpu.memref_slice %arg3[%add3A, %dma_wait3A_158, %dma_wait3A_159] : memref<32x125x80xi32, #tpu.memory_space<hbm>> -> memref<1x125x80xi32, #tpu.memory_space<hbm>>
      %dma_wait3A_161 = tpu.memref_squeeze %dma_wait3A_160 : memref<1x125x80xi32, #tpu.memory_space<hbm>> -> memref<125x80xi32, #tpu.memory_space<hbm>>
      %dma_wait3A_162 = arith.constant 0 : i32
      %dma_wait3A_163 = tpu.memref_slice %dma_wait3A_161[%dma_wait3A, %dma_wait3A_162] : memref<125x80xi32, #tpu.memory_space<hbm>> -> memref<1x80xi32, #tpu.memory_space<hbm>>
      %dma_wait3A_164 = tpu.memref_squeeze %dma_wait3A_163 : memref<1x80xi32, #tpu.memory_space<hbm>> -> memref<80xi32, #tpu.memory_space<hbm>>
      tpu.wait_dma2 semaphore(%run_scoped3A_23 : memref<!tpu.dma_semaphore, #tpu.memory_space<semaphore_mem>>) src(%dma_wait3A_164 : memref<80xi32, #tpu.memory_space<hbm>>) dst(%run_scoped3A_7 : memref<80xi32, #tpu.memory_space<vmem>>)
      %dma_start3A_165 = arith.constant 0 : i32
      %dma_start3A_166 = arith.constant 0 : i32
      %dma_start3A_167 = tpu.memref_slice %arg2[%dma_start3A_165, %dma_start3A_166] : memref<10000x128xf32, #tpu.memory_space<hbm>> -> memref<10000x128xf32, #tpu.memory_space<hbm>>
      tpu.enqueue_indirect_dma source(%dma_start3A_167 : memref<10000x128xf32, #tpu.memory_space<hbm>>) target(%run_scoped3A : memref<80x128xf32, #tpu.memory_space<vmem>>) offsets(%run_scoped3A_7 : memref<80xi32, #tpu.memory_space<vmem>>) semaphore(%run_scoped3A_15 : memref<!tpu.dma_semaphore, #tpu.memory_space<semaphore_mem>>)
      %dma_start3A_168 = arith.constant 0 : i32
      %dma_start3A_169 = arith.constant 0 : i32
      %dma_start3A_170 = arith.constant 0 : i32
      %dma_start3A_171 = tpu.memref_slice %arg4[%add3A, %dma_start3A_169, %dma_start3A_170] : memref<32x125x80xi32, #tpu.memory_space<hbm>> -> memref<1x125x80xi32, #tpu.memory_space<hbm>>
      %dma_start3A_172 = tpu.memref_squeeze %dma_start3A_171 : memref<1x125x80xi32, #tpu.memory_space<hbm>> -> memref<125x80xi32, #tpu.memory_space<hbm>>
      %dma_start3A_173 = arith.constant 0 : i32
      %dma_start3A_174 = tpu.memref_slice %dma_start3A_172[%dma_start3A_168, %dma_start3A_173] : memref<125x80xi32, #tpu.memory_space<hbm>> -> memref<1x80xi32, #tpu.memory_space<hbm>>
      %dma_start3A_175 = tpu.memref_squeeze %dma_start3A_174 : memref<1x80xi32, #tpu.memory_space<hbm>> -> memref<80xi32, #tpu.memory_space<hbm>>
      %dma_start3A_176 = arith.constant 0 : i32
      %dma_start3A_177 = arith.constant 0 : i32
      %dma_start3A_178 = tpu.memref_slice %arg4[%add3A, %dma_start3A_176, %dma_start3A_177] : memref<32x125x80xi32, #tpu.memory_space<hbm>> -> memref<1x125x80xi32, #tpu.memory_space<hbm>>
      %dma_start3A_179 = tpu.memref_squeeze %dma_start3A_178 : memref<1x125x80xi32, #tpu.memory_space<hbm>> -> memref<125x80xi32, #tpu.memory_space<hbm>>
      %dma_start3A_180 = arith.constant 0 : i32
      %dma_start3A_181 = tpu.memref_slice %dma_start3A_179[%dma_start3A_168, %dma_start3A_180] : memref<125x80xi32, #tpu.memory_space<hbm>> -> memref<1x80xi32, #tpu.memory_space<hbm>>
      %dma_start3A_182 = tpu.memref_squeeze %dma_start3A_181 : memref<1x80xi32, #tpu.memory_space<hbm>> -> memref<80xi32, #tpu.memory_space<hbm>>
      tpu.enqueue_dma source(%dma_start3A_182 : memref<80xi32, #tpu.memory_space<hbm>>) target(%run_scoped3A_3 : memref<80xi32, #tpu.memory_space<vmem>>) target_semaphore(%run_scoped3A_19 : memref<!tpu.dma_semaphore, #tpu.memory_space<semaphore_mem>>)
      %dma_wait3A_183 = arith.constant 1 : i32
      %dma_wait3A_184 = arith.constant 0 : i32
      %dma_wait3A_185 = arith.constant 0 : i32
      %dma_wait3A_186 = tpu.memref_slice %arg3[%add3A, %dma_wait3A_184, %dma_wait3A_185] : memref<32x125x80xi32, #tpu.memory_space<hbm>> -> memref<1x125x80xi32, #tpu.memory_space<hbm>>
      %dma_wait3A_187 = tpu.memref_squeeze %dma_wait3A_186 : memref<1x125x80xi32, #tpu.memory_space<hbm>> -> memref<125x80xi32, #tpu.memory_space<hbm>>
      %dma_wait3A_188 = arith.constant 0 : i32
      %dma_wait3A_189 = tpu.memref_slice %dma_wait3A_187[%dma_wait3A_183, %dma_wait3A_188] : memref<125x80xi32, #tpu.memory_space<hbm>> -> memref<1x80xi32, #tpu.memory_space<hbm>>
      %dma_wait3A_190 = tpu.memref_squeeze %dma_wait3A_189 : memref<1x80xi32, #tpu.memory_space<hbm>> -> memref<80xi32, #tpu.memory_space<hbm>>
      %dma_wait3A_191 = arith.constant 0 : i32
      %dma_wait3A_192 = arith.constant 0 : i32
      %dma_wait3A_193 = tpu.memref_slice %arg3[%add3A, %dma_wait3A_191, %dma_wait3A_192] : memref<32x125x80xi32, #tpu.memory_space<hbm>> -> memref<1x125x80xi32, #tpu.memory_space<hbm>>
      %dma_wait3A_194 = tpu.memref_squeeze %dma_wait3A_193 : memref<1x125x80xi32, #tpu.memory_space<hbm>> -> memref<125x80xi32, #tpu.memory_space<hbm>>
      %dma_wait3A_195 = arith.constant 0 : i32
      %dma_wait3A_196 = tpu.memref_slice %dma_wait3A_194[%dma_wait3A_183, %dma_wait3A_195] : memref<125x80xi32, #tpu.memory_space<hbm>> -> memref<1x80xi32, #tpu.memory_space<hbm>>
      %dma_wait3A_197 = tpu.memref_squeeze %dma_wait3A_196 : memref<1x80xi32, #tpu.memory_space<hbm>> -> memref<80xi32, #tpu.memory_space<hbm>>
      tpu.wait_dma2 semaphore(%run_scoped3A_24 : memref<!tpu.dma_semaphore, #tpu.memory_space<semaphore_mem>>) src(%dma_wait3A_197 : memref<80xi32, #tpu.memory_space<hbm>>) dst(%run_scoped3A_8 : memref<80xi32, #tpu.memory_space<vmem>>)
      %dma_start3A_198 = arith.constant 0 : i32
      %dma_start3A_199 = arith.constant 0 : i32
      %dma_start3A_200 = tpu.memref_slice %arg2[%dma_start3A_198, %dma_start3A_199] : memref<10000x128xf32, #tpu.memory_space<hbm>> -> memref<10000x128xf32, #tpu.memory_space<hbm>>
      tpu.enqueue_indirect_dma source(%dma_start3A_200 : memref<10000x128xf32, #tpu.memory_space<hbm>>) target(%run_scoped3A_0 : memref<80x128xf32, #tpu.memory_space<vmem>>) offsets(%run_scoped3A_8 : memref<80xi32, #tpu.memory_space<vmem>>) semaphore(%run_scoped3A_16 : memref<!tpu.dma_semaphore, #tpu.memory_space<semaphore_mem>>)
      %dma_start3A_201 = arith.constant 1 : i32
      %dma_start3A_202 = arith.constant 0 : i32
      %dma_start3A_203 = arith.constant 0 : i32
      %dma_start3A_204 = tpu.memref_slice %arg4[%add3A, %dma_start3A_202, %dma_start3A_203] : memref<32x125x80xi32, #tpu.memory_space<hbm>> -> memref<1x125x80xi32, #tpu.memory_space<hbm>>
      %dma_start3A_205 = tpu.memref_squeeze %dma_start3A_204 : memref<1x125x80xi32, #tpu.memory_space<hbm>> -> memref<125x80xi32, #tpu.memory_space<hbm>>
      %dma_start3A_206 = arith.constant 0 : i32
      %dma_start3A_207 = tpu.memref_slice %dma_start3A_205[%dma_start3A_201, %dma_start3A_206] : memref<125x80xi32, #tpu.memory_space<hbm>> -> memref<1x80xi32, #tpu.memory_space<hbm>>
      %dma_start3A_208 = tpu.memref_squeeze %dma_start3A_207 : memref<1x80xi32, #tpu.memory_space<hbm>> -> memref<80xi32, #tpu.memory_space<hbm>>
      %dma_start3A_209 = arith.constant 0 : i32
      %dma_start3A_210 = arith.constant 0 : i32
      %dma_start3A_211 = tpu.memref_slice %arg4[%add3A, %dma_start3A_209, %dma_start3A_210] : memref<32x125x80xi32, #tpu.memory_space<hbm>> -> memref<1x125x80xi32, #tpu.memory_space<hbm>>
      %dma_start3A_212 = tpu.memref_squeeze %dma_start3A_211 : memref<1x125x80xi32, #tpu.memory_space<hbm>> -> memref<125x80xi32, #tpu.memory_space<hbm>>
      %dma_start3A_213 = arith.constant 0 : i32
      %dma_start3A_214 = tpu.memref_slice %dma_start3A_212[%dma_start3A_201, %dma_start3A_213] : memref<125x80xi32, #tpu.memory_space<hbm>> -> memref<1x80xi32, #tpu.memory_space<hbm>>
      %dma_start3A_215 = tpu.memref_squeeze %dma_start3A_214 : memref<1x80xi32, #tpu.memory_space<hbm>> -> memref<80xi32, #tpu.memory_space<hbm>>
      tpu.enqueue_dma source(%dma_start3A_215 : memref<80xi32, #tpu.memory_space<hbm>>) target(%run_scoped3A_4 : memref<80xi32, #tpu.memory_space<vmem>>) target_semaphore(%run_scoped3A_20 : memref<!tpu.dma_semaphore, #tpu.memory_space<semaphore_mem>>)
      %dma_wait3A_216 = arith.constant 2 : i32
      %dma_wait3A_217 = arith.constant 0 : i32
      %dma_wait3A_218 = arith.constant 0 : i32
      %dma_wait3A_219 = tpu.memref_slice %arg3[%add3A, %dma_wait3A_217, %dma_wait3A_218] : memref<32x125x80xi32, #tpu.memory_space<hbm>> -> memref<1x125x80xi32, #tpu.memory_space<hbm>>
      %dma_wait3A_220 = tpu.memref_squeeze %dma_wait3A_219 : memref<1x125x80xi32, #tpu.memory_space<hbm>> -> memref<125x80xi32, #tpu.memory_space<hbm>>
      %dma_wait3A_221 = arith.constant 0 : i32
      %dma_wait3A_222 = tpu.memref_slice %dma_wait3A_220[%dma_wait3A_216, %dma_wait3A_221] : memref<125x80xi32, #tpu.memory_space<hbm>> -> memref<1x80xi32, #tpu.memory_space<hbm>>
      %dma_wait3A_223 = tpu.memref_squeeze %dma_wait3A_222 : memref<1x80xi32, #tpu.memory_space<hbm>> -> memref<80xi32, #tpu.memory_space<hbm>>
      %dma_wait3A_224 = arith.constant 0 : i32
      %dma_wait3A_225 = arith.constant 0 : i32
      %dma_wait3A_226 = tpu.memref_slice %arg3[%add3A, %dma_wait3A_224, %dma_wait3A_225] : memref<32x125x80xi32, #tpu.memory_space<hbm>> -> memref<1x125x80xi32, #tpu.memory_space<hbm>>
      %dma_wait3A_227 = tpu.memref_squeeze %dma_wait3A_226 : memref<1x125x80xi32, #tpu.memory_space<hbm>> -> memref<125x80xi32, #tpu.memory_space<hbm>>
      %dma_wait3A_228 = arith.constant 0 : i32
      %dma_wait3A_229 = tpu.memref_slice %dma_wait3A_227[%dma_wait3A_216, %dma_wait3A_228] : memref<125x80xi32, #tpu.memory_space<hbm>> -> memref<1x80xi32, #tpu.memory_space<hbm>>
      %dma_wait3A_230 = tpu.memref_squeeze %dma_wait3A_229 : memref<1x80xi32, #tpu.memory_space<hbm>> -> memref<80xi32, #tpu.memory_space<hbm>>
      tpu.wait_dma2 semaphore(%run_scoped3A_25 : memref<!tpu.dma_semaphore, #tpu.memory_space<semaphore_mem>>) src(%dma_wait3A_230 : memref<80xi32, #tpu.memory_space<hbm>>) dst(%run_scoped3A_9 : memref<80xi32, #tpu.memory_space<vmem>>)
      %dma_start3A_231 = arith.constant 0 : i32
      %dma_start3A_232 = arith.constant 0 : i32
      %dma_start3A_233 = tpu.memref_slice %arg2[%dma_start3A_231, %dma_start3A_232] : memref<10000x128xf32, #tpu.memory_space<hbm>> -> memref<10000x128xf32, #tpu.memory_space<hbm>>
      tpu.enqueue_indirect_dma source(%dma_start3A_233 : memref<10000x128xf32, #tpu.memory_space<hbm>>) target(%run_scoped3A_1 : memref<80x128xf32, #tpu.memory_space<vmem>>) offsets(%run_scoped3A_9 : memref<80xi32, #tpu.memory_space<vmem>>) semaphore(%run_scoped3A_17 : memref<!tpu.dma_semaphore, #tpu.memory_space<semaphore_mem>>)
      %dma_start3A_234 = arith.constant 2 : i32
      %dma_start3A_235 = arith.constant 0 : i32
      %dma_start3A_236 = arith.constant 0 : i32
      %dma_start3A_237 = tpu.memref_slice %arg4[%add3A, %dma_start3A_235, %dma_start3A_236] : memref<32x125x80xi32, #tpu.memory_space<hbm>> -> memref<1x125x80xi32, #tpu.memory_space<hbm>>
      %dma_start3A_238 = tpu.memref_squeeze %dma_start3A_237 : memref<1x125x80xi32, #tpu.memory_space<hbm>> -> memref<125x80xi32, #tpu.memory_space<hbm>>
      %dma_start3A_239 = arith.constant 0 : i32
      %dma_start3A_240 = tpu.memref_slice %dma_start3A_238[%dma_start3A_234, %dma_start3A_239] : memref<125x80xi32, #tpu.memory_space<hbm>> -> memref<1x80xi32, #tpu.memory_space<hbm>>
      %dma_start3A_241 = tpu.memref_squeeze %dma_start3A_240 : memref<1x80xi32, #tpu.memory_space<hbm>> -> memref<80xi32, #tpu.memory_space<hbm>>
      %dma_start3A_242 = arith.constant 0 : i32
      %dma_start3A_243 = arith.constant 0 : i32
      %dma_start3A_244 = tpu.memref_slice %arg4[%add3A, %dma_start3A_242, %dma_start3A_243] : memref<32x125x80xi32, #tpu.memory_space<hbm>> -> memref<1x125x80xi32, #tpu.memory_space<hbm>>
      %dma_start3A_245 = tpu.memref_squeeze %dma_start3A_244 : memref<1x125x80xi32, #tpu.memory_space<hbm>> -> memref<125x80xi32, #tpu.memory_space<hbm>>
      %dma_start3A_246 = arith.constant 0 : i32
      %dma_start3A_247 = tpu.memref_slice %dma_start3A_245[%dma_start3A_234, %dma_start3A_246] : memref<125x80xi32, #tpu.memory_space<hbm>> -> memref<1x80xi32, #tpu.memory_space<hbm>>
      %dma_start3A_248 = tpu.memref_squeeze %dma_start3A_247 : memref<1x80xi32, #tpu.memory_space<hbm>> -> memref<80xi32, #tpu.memory_space<hbm>>
      tpu.enqueue_dma source(%dma_start3A_248 : memref<80xi32, #tpu.memory_space<hbm>>) target(%run_scoped3A_5 : memref<80xi32, #tpu.memory_space<vmem>>) target_semaphore(%run_scoped3A_21 : memref<!tpu.dma_semaphore, #tpu.memory_space<semaphore_mem>>)
      %dma_wait3A_249 = arith.constant 3 : i32
      %dma_wait3A_250 = arith.constant 0 : i32
      %dma_wait3A_251 = arith.constant 0 : i32
      %dma_wait3A_252 = tpu.memref_slice %arg3[%add3A, %dma_wait3A_250, %dma_wait3A_251] : memref<32x125x80xi32, #tpu.memory_space<hbm>> -> memref<1x125x80xi32, #tpu.memory_space<hbm>>
      %dma_wait3A_253 = tpu.memref_squeeze %dma_wait3A_252 : memref<1x125x80xi32, #tpu.memory_space<hbm>> -> memref<125x80xi32, #tpu.memory_space<hbm>>
      %dma_wait3A_254 = arith.constant 0 : i32
      %dma_wait3A_255 = tpu.memref_slice %dma_wait3A_253[%dma_wait3A_249, %dma_wait3A_254] : memref<125x80xi32, #tpu.memory_space<hbm>> -> memref<1x80xi32, #tpu.memory_space<hbm>>
      %dma_wait3A_256 = tpu.memref_squeeze %dma_wait3A_255 : memref<1x80xi32, #tpu.memory_space<hbm>> -> memref<80xi32, #tpu.memory_space<hbm>>
      %dma_wait3A_257 = arith.constant 0 : i32
      %dma_wait3A_258 = arith.constant 0 : i32
      %dma_wait3A_259 = tpu.memref_slice %arg3[%add3A, %dma_wait3A_257, %dma_wait3A_258] : memref<32x125x80xi32, #tpu.memory_space<hbm>> -> memref<1x125x80xi32, #tpu.memory_space<hbm>>
      %dma_wait3A_260 = tpu.memref_squeeze %dma_wait3A_259 : memref<1x125x80xi32, #tpu.memory_space<hbm>> -> memref<125x80xi32, #tpu.memory_space<hbm>>
      %dma_wait3A_261 = arith.constant 0 : i32
      %dma_wait3A_262 = tpu.memref_slice %dma_wait3A_260[%dma_wait3A_249, %dma_wait3A_261] : memref<125x80xi32, #tpu.memory_space<hbm>> -> memref<1x80xi32, #tpu.memory_space<hbm>>
      %dma_wait3A_263 = tpu.memref_squeeze %dma_wait3A_262 : memref<1x80xi32, #tpu.memory_space<hbm>> -> memref<80xi32, #tpu.memory_space<hbm>>
      tpu.wait_dma2 semaphore(%run_scoped3A_26 : memref<!tpu.dma_semaphore, #tpu.memory_space<semaphore_mem>>) src(%dma_wait3A_263 : memref<80xi32, #tpu.memory_space<hbm>>) dst(%run_scoped3A_10 : memref<80xi32, #tpu.memory_space<vmem>>)
      %dma_start3A_264 = arith.constant 0 : i32
      %dma_start3A_265 = arith.constant 0 : i32
      %dma_start3A_266 = tpu.memref_slice %arg2[%dma_start3A_264, %dma_start3A_265] : memref<10000x128xf32, #tpu.memory_space<hbm>> -> memref<10000x128xf32, #tpu.memory_space<hbm>>
      tpu.enqueue_indirect_dma source(%dma_start3A_266 : memref<10000x128xf32, #tpu.memory_space<hbm>>) target(%run_scoped3A_2 : memref<80x128xf32, #tpu.memory_space<vmem>>) offsets(%run_scoped3A_10 : memref<80xi32, #tpu.memory_space<vmem>>) semaphore(%run_scoped3A_18 : memref<!tpu.dma_semaphore, #tpu.memory_space<semaphore_mem>>)
      %dma_start3A_267 = arith.constant 3 : i32
      %dma_start3A_268 = arith.constant 0 : i32
      %dma_start3A_269 = arith.constant 0 : i32
      %dma_start3A_270 = tpu.memref_slice %arg4[%add3A, %dma_start3A_268, %dma_start3A_269] : memref<32x125x80xi32, #tpu.memory_space<hbm>> -> memref<1x125x80xi32, #tpu.memory_space<hbm>>
      %dma_start3A_271 = tpu.memref_squeeze %dma_start3A_270 : memref<1x125x80xi32, #tpu.memory_space<hbm>> -> memref<125x80xi32, #tpu.memory_space<hbm>>
      %dma_start3A_272 = arith.constant 0 : i32
      %dma_start3A_273 = tpu.memref_slice %dma_start3A_271[%dma_start3A_267, %dma_start3A_272] : memref<125x80xi32, #tpu.memory_space<hbm>> -> memref<1x80xi32, #tpu.memory_space<hbm>>
      %dma_start3A_274 = tpu.memref_squeeze %dma_start3A_273 : memref<1x80xi32, #tpu.memory_space<hbm>> -> memref<80xi32, #tpu.memory_space<hbm>>
      %dma_start3A_275 = arith.constant 0 : i32
      %dma_start3A_276 = arith.constant 0 : i32
      %dma_start3A_277 = tpu.memref_slice %arg4[%add3A, %dma_start3A_275, %dma_start3A_276] : memref<32x125x80xi32, #tpu.memory_space<hbm>> -> memref<1x125x80xi32, #tpu.memory_space<hbm>>
      %dma_start3A_278 = tpu.memref_squeeze %dma_start3A_277 : memref<1x125x80xi32, #tpu.memory_space<hbm>> -> memref<125x80xi32, #tpu.memory_space<hbm>>
      %dma_start3A_279 = arith.constant 0 : i32
      %dma_start3A_280 = tpu.memref_slice %dma_start3A_278[%dma_start3A_267, %dma_start3A_279] : memref<125x80xi32, #tpu.memory_space<hbm>> -> memref<1x80xi32, #tpu.memory_space<hbm>>
      %dma_start3A_281 = tpu.memref_squeeze %dma_start3A_280 : memref<1x80xi32, #tpu.memory_space<hbm>> -> memref<80xi32, #tpu.memory_space<hbm>>
      tpu.enqueue_dma source(%dma_start3A_281 : memref<80xi32, #tpu.memory_space<hbm>>) target(%run_scoped3A_6 : memref<80xi32, #tpu.memory_space<vmem>>) target_semaphore(%run_scoped3A_22 : memref<!tpu.dma_semaphore, #tpu.memory_space<semaphore_mem>>)
      %sub3A = arith.constant 625 : i32
      %sub3A_282 = arith.subi %sub3A, %arg1 : i32
      %sub3A_283 = arith.constant 16 : i32
      %sub3A_284 = arith.constant 1 : i32
      %sub3A_285 = arith.subi %sub3A_283, %sub3A_284 : i32
      %add3A_286 = arith.addi %sub3A_282, %sub3A_285 : i32
      %div3A = arith.constant 16 : i32
      %div3A_287 = arith.divsi %add3A_286, %div3A : i32
      %while3A = arith.constant 16 : i32
      %while3A_288 = arith.constant 0 : i32
      %while3A_289 = arith.subi %div3A_287, %while3A_288 : i32
      %while3A_290 = arith.addi %while3A_288, %while3A_289 : i32
      %while3A_291 = arith.constant 1 : i32
      %while3A_292 = arith.divsi %while3A_289, %while3A_291 : i32
      %while3A_293 = arith.muli %while3A_292, %while3A_291 : i32
      %while3A_294 = arith.addi %while3A_288, %while3A_293 : i32
      %while3A_295 = arith.constant 1 : i32
      scf.for %while3A_320 = %while3A_288 to %while3A_294 step %while3A_295  : i32 {
        %mul3A_321 = arith.muli %while3A_320, %while3A : i32
        %add3A_322 = arith.addi %arg1, %mul3A_321 : i32
        %mul3A_323 = arith.constant 16 : i32
        %mul3A_324 = arith.muli %add3A_322, %mul3A_323 : i32
        %mul3A_325 = arith.constant 16 : i32
        %mul3A_326 = arith.muli %add3A_322, %mul3A_325 : i32
        "tpu.region"() ({
          %run_scoped3A_327 = tpu.sem_alloc : memref<!tpu.dma_semaphore, #tpu.memory_space<semaphore_mem>>
          %dma_start3A_328 = arith.constant 0 : i32
          %dma_start3A_329 = tpu.memref_slice %arg7[%mul3A_326, %dma_start3A_328] : memref<10000x128xf32, #tpu.memory_space<vmem_shared>> -> memref<16x128xf32, #tpu.memory_space<vmem_shared>>
          %dma_start3A_330 = arith.constant 0 : i32
          %dma_start3A_331 = tpu.memref_slice %arg5[%mul3A_324, %dma_start3A_330] : memref<10000x128xf32, #tpu.memory_space<hbm>> -> memref<16x128xf32, #tpu.memory_space<hbm>>
          tpu.enqueue_dma source(%dma_start3A_331 : memref<16x128xf32, #tpu.memory_space<hbm>>) target(%dma_start3A_329 : memref<16x128xf32, #tpu.memory_space<vmem_shared>>) target_semaphore(%run_scoped3A_327 : memref<!tpu.dma_semaphore, #tpu.memory_space<semaphore_mem>>)
          %dma_wait3A_332 = arith.constant 0 : i32
          %dma_wait3A_333 = tpu.memref_slice %arg7[%mul3A_326, %dma_wait3A_332] : memref<10000x128xf32, #tpu.memory_space<vmem_shared>> -> memref<16x128xf32, #tpu.memory_space<vmem_shared>>
          %dma_wait3A_334 = arith.constant 0 : i32
          %dma_wait3A_335 = tpu.memref_slice %arg5[%mul3A_324, %dma_wait3A_334] : memref<10000x128xf32, #tpu.memory_space<hbm>> -> memref<16x128xf32, #tpu.memory_space<hbm>>
          tpu.wait_dma2 semaphore(%run_scoped3A_327 : memref<!tpu.dma_semaphore, #tpu.memory_space<semaphore_mem>>) src(%dma_wait3A_335 : memref<16x128xf32, #tpu.memory_space<hbm>>) dst(%dma_wait3A_333 : memref<16x128xf32, #tpu.memory_space<vmem_shared>>)
          tpu.yield
        }) : () -> ()
      }
      %while3A_296 = arith.constant 1 : i32
      scf.for %while3A_320 = %while3A_294 to %while3A_290 step %while3A_296  : i32 {
        %mul3A_321 = arith.muli %while3A_320, %while3A : i32
        %add3A_322 = arith.addi %arg1, %mul3A_321 : i32
        %mul3A_323 = arith.constant 16 : i32
        %mul3A_324 = arith.muli %add3A_322, %mul3A_323 : i32
        %mul3A_325 = arith.constant 16 : i32
        %mul3A_326 = arith.muli %add3A_322, %mul3A_325 : i32
        "tpu.region"() ({
          %run_scoped3A_327 = tpu.sem_alloc : memref<!tpu.dma_semaphore, #tpu.memory_space<semaphore_mem>>
          %dma_start3A_328 = arith.constant 0 : i32
          %dma_start3A_329 = tpu.memref_slice %arg7[%mul3A_326, %dma_start3A_328] : memref<10000x128xf32, #tpu.memory_space<vmem_shared>> -> memref<16x128xf32, #tpu.memory_space<vmem_shared>>
          %dma_start3A_330 = arith.constant 0 : i32
          %dma_start3A_331 = tpu.memref_slice %arg5[%mul3A_324, %dma_start3A_330] : memref<10000x128xf32, #tpu.memory_space<hbm>> -> memref<16x128xf32, #tpu.memory_space<hbm>>
          tpu.enqueue_dma source(%dma_start3A_331 : memref<16x128xf32, #tpu.memory_space<hbm>>) target(%dma_start3A_329 : memref<16x128xf32, #tpu.memory_space<vmem_shared>>) target_semaphore(%run_scoped3A_327 : memref<!tpu.dma_semaphore, #tpu.memory_space<semaphore_mem>>)
          %dma_wait3A_332 = arith.constant 0 : i32
          %dma_wait3A_333 = tpu.memref_slice %arg7[%mul3A_326, %dma_wait3A_332] : memref<10000x128xf32, #tpu.memory_space<vmem_shared>> -> memref<16x128xf32, #tpu.memory_space<vmem_shared>>
          %dma_wait3A_334 = arith.constant 0 : i32
          %dma_wait3A_335 = tpu.memref_slice %arg5[%mul3A_324, %dma_wait3A_334] : memref<10000x128xf32, #tpu.memory_space<hbm>> -> memref<16x128xf32, #tpu.memory_space<hbm>>
          tpu.wait_dma2 semaphore(%run_scoped3A_327 : memref<!tpu.dma_semaphore, #tpu.memory_space<semaphore_mem>>) src(%dma_wait3A_335 : memref<16x128xf32, #tpu.memory_space<hbm>>) dst(%dma_wait3A_333 : memref<16x128xf32, #tpu.memory_space<vmem_shared>>)
          tpu.yield
        }) : () -> ()
      }
      %barrier3A = arith.constant 0 : index
      tpu.barrier barrier_id(%barrier3A)
      %scan3A = arith.constant 0 : i32
      %scan3A_297 = arith.constant 16 : i32
      %scan3A_298 = arith.addi %scan3A, %scan3A_297 : i32
      %scan3A_299 = arith.constant 1 : i32
      scf.for %scan3A_320 = %scan3A to %scan3A_298 step %scan3A_299  : i32 {
        %mul3A_321 = arith.constant 8 : i32
        %mul3A_322 = arith.muli %scan3A_320, %mul3A_321 : i32
        %add3A_323 = arith.constant 0 : i32
        %add3A_324 = arith.addi %add3A_323, %mul3A_322 : i32
        %add3A_325 = arith.constant 0 : i32
        %add3A_326 = arith.addi %add3A_324, %add3A_325 : i32
        %lt3A = arith.constant 125 : i32
        %lt3A_327 = arith.cmpi slt, %add3A_326, %lt3A : i32
        %convert_element_type3A = arith.extui %lt3A_327 : i1 to i32
        %cond3A = arith.constant 0 : i32
        %cond3A_328 = arith.cmpi ne, %convert_element_type3A, %cond3A : i32
        scf.if %cond3A_328 {
          %dma_wait3A_378 = arith.constant 0 : i32
          %dma_wait3A_379 = arith.constant 0 : i32
          %dma_wait3A_380 = tpu.memref_slice %arg2[%dma_wait3A_378, %dma_wait3A_379] : memref<10000x128xf32, #tpu.memory_space<hbm>> -> memref<80x128xf32, #tpu.memory_space<hbm>>
          %dma_wait3A_381 = arith.constant 0 : i32
          %dma_wait3A_382 = arith.constant 0 : i32
          %dma_wait3A_383 = tpu.memref_slice %arg2[%dma_wait3A_381, %dma_wait3A_382] : memref<10000x128xf32, #tpu.memory_space<hbm>> -> memref<80x128xf32, #tpu.memory_space<hbm>>
          tpu.wait_dma2 semaphore(%run_scoped3A_15 : memref<!tpu.dma_semaphore, #tpu.memory_space<semaphore_mem>>) src(%dma_wait3A_383 : memref<80x128xf32, #tpu.memory_space<hbm>>) dst(%run_scoped3A : memref<80x128xf32, #tpu.memory_space<vmem>>)
          %dma_wait3A_384 = arith.constant 0 : i32
          %dma_wait3A_385 = arith.constant 0 : i32
          %dma_wait3A_386 = tpu.memref_slice %arg4[%add3A, %dma_wait3A_384, %dma_wait3A_385] : memref<32x125x80xi32, #tpu.memory_space<hbm>> -> memref<1x125x80xi32, #tpu.memory_space<hbm>>
          %dma_wait3A_387 = tpu.memref_squeeze %dma_wait3A_386 : memref<1x125x80xi32, #tpu.memory_space<hbm>> -> memref<125x80xi32, #tpu.memory_space<hbm>>
          %dma_wait3A_388 = arith.constant 0 : i32
          %dma_wait3A_389 = tpu.memref_slice %dma_wait3A_387[%add3A_326, %dma_wait3A_388] : memref<125x80xi32, #tpu.memory_space<hbm>> -> memref<1x80xi32, #tpu.memory_space<hbm>>
          %dma_wait3A_390 = tpu.memref_squeeze %dma_wait3A_389 : memref<1x80xi32, #tpu.memory_space<hbm>> -> memref<80xi32, #tpu.memory_space<hbm>>
          %dma_wait3A_391 = arith.constant 0 : i32
          %dma_wait3A_392 = arith.constant 0 : i32
          %dma_wait3A_393 = tpu.memref_slice %arg4[%add3A, %dma_wait3A_391, %dma_wait3A_392] : memref<32x125x80xi32, #tpu.memory_space<hbm>> -> memref<1x125x80xi32, #tpu.memory_space<hbm>>
          %dma_wait3A_394 = tpu.memref_squeeze %dma_wait3A_393 : memref<1x125x80xi32, #tpu.memory_space<hbm>> -> memref<125x80xi32, #tpu.memory_space<hbm>>
          %dma_wait3A_395 = arith.constant 0 : i32
          %dma_wait3A_396 = tpu.memref_slice %dma_wait3A_394[%add3A_326, %dma_wait3A_395] : memref<125x80xi32, #tpu.memory_space<hbm>> -> memref<1x80xi32, #tpu.memory_space<hbm>>
          %dma_wait3A_397 = tpu.memref_squeeze %dma_wait3A_396 : memref<1x80xi32, #tpu.memory_space<hbm>> -> memref<80xi32, #tpu.memory_space<hbm>>
          tpu.wait_dma2 semaphore(%run_scoped3A_19 : memref<!tpu.dma_semaphore, #tpu.memory_space<semaphore_mem>>) src(%dma_wait3A_397 : memref<80xi32, #tpu.memory_space<hbm>>) dst(%run_scoped3A_3 : memref<80xi32, #tpu.memory_space<vmem>>)
          "tpu.region"() ({
            %run_scoped3A_412 = tpu.sem_alloc : memref<!tpu.dma_semaphore, #tpu.memory_space<semaphore_mem>>
            %dma_start3A_413 = arith.constant 0 : i32
            %dma_start3A_414 = arith.constant 0 : i32
            %dma_start3A_415 = tpu.memref_slice %arg7[%dma_start3A_413, %dma_start3A_414] : memref<10000x128xf32, #tpu.memory_space<vmem_shared>> -> memref<10000x128xf32, #tpu.memory_space<vmem_shared>>
            tpu.enqueue_indirect_dma source(%run_scoped3A : memref<80x128xf32, #tpu.memory_space<vmem>>) target(%dma_start3A_415 : memref<10000x128xf32, #tpu.memory_space<vmem_shared>>) offsets(%run_scoped3A_3 : memref<80xi32, #tpu.memory_space<vmem>>) semaphore(%run_scoped3A_412 : memref<!tpu.dma_semaphore, #tpu.memory_space<semaphore_mem>>) {add = true}
            %dma_wait3A_416 = arith.constant 0 : i32
            %dma_wait3A_417 = arith.constant 0 : i32
            %dma_wait3A_418 = tpu.memref_slice %arg7[%dma_wait3A_416, %dma_wait3A_417] : memref<10000x128xf32, #tpu.memory_space<vmem_shared>> -> memref<10000x128xf32, #tpu.memory_space<vmem_shared>>
            tpu.wait_indirect_dma semaphore(%run_scoped3A_412 : memref<!tpu.dma_semaphore, #tpu.memory_space<semaphore_mem>>) src(%run_scoped3A : memref<80x128xf32, #tpu.memory_space<vmem>>) dst(%dma_wait3A_418 : memref<10000x128xf32, #tpu.memory_space<vmem_shared>>)
            tpu.yield
          }) : () -> ()
          %add3A_398 = arith.constant 4 : i32
          %add3A_399 = arith.addi %add3A_326, %add3A_398 : i32
          %lt3A_400 = arith.constant 125 : i32
          %lt3A_401 = arith.cmpi slt, %add3A_399, %lt3A_400 : i32
          %convert_element_type3A_402 = arith.extui %lt3A_401 : i1 to i32
          %cond3A_403 = arith.constant 0 : i32
          %cond3A_404 = arith.cmpi ne, %convert_element_type3A_402, %cond3A_403 : i32
          scf.if %cond3A_404 {
            %add3A_412 = arith.constant 4 : i32
            %add3A_413 = arith.addi %add3A_326, %add3A_412 : i32
            %dma_wait3A_414 = arith.constant 0 : i32
            %dma_wait3A_415 = arith.constant 0 : i32
            %dma_wait3A_416 = tpu.memref_slice %arg3[%add3A, %dma_wait3A_414, %dma_wait3A_415] : memref<32x125x80xi32, #tpu.memory_space<hbm>> -> memref<1x125x80xi32, #tpu.memory_space<hbm>>
            %dma_wait3A_417 = tpu.memref_squeeze %dma_wait3A_416 : memref<1x125x80xi32, #tpu.memory_space<hbm>> -> memref<125x80xi32, #tpu.memory_space<hbm>>
            %dma_wait3A_418 = arith.constant 0 : i32
            %dma_wait3A_419 = tpu.memref_slice %dma_wait3A_417[%add3A_413, %dma_wait3A_418] : memref<125x80xi32, #tpu.memory_space<hbm>> -> memref<1x80xi32, #tpu.memory_space<hbm>>
            %dma_wait3A_420 = tpu.memref_squeeze %dma_wait3A_419 : memref<1x80xi32, #tpu.memory_space<hbm>> -> memref<80xi32, #tpu.memory_space<hbm>>
            %dma_wait3A_421 = arith.constant 0 : i32
            %dma_wait3A_422 = arith.constant 0 : i32
            %dma_wait3A_423 = tpu.memref_slice %arg3[%add3A, %dma_wait3A_421, %dma_wait3A_422] : memref<32x125x80xi32, #tpu.memory_space<hbm>> -> memref<1x125x80xi32, #tpu.memory_space<hbm>>
            %dma_wait3A_424 = tpu.memref_squeeze %dma_wait3A_423 : memref<1x125x80xi32, #tpu.memory_space<hbm>> -> memref<125x80xi32, #tpu.memory_space<hbm>>
            %dma_wait3A_425 = arith.constant 0 : i32
            %dma_wait3A_426 = tpu.memref_slice %dma_wait3A_424[%add3A_413, %dma_wait3A_425] : memref<125x80xi32, #tpu.memory_space<hbm>> -> memref<1x80xi32, #tpu.memory_space<hbm>>
            %dma_wait3A_427 = tpu.memref_squeeze %dma_wait3A_426 : memref<1x80xi32, #tpu.memory_space<hbm>> -> memref<80xi32, #tpu.memory_space<hbm>>
            tpu.wait_dma2 semaphore(%run_scoped3A_27 : memref<!tpu.dma_semaphore, #tpu.memory_space<semaphore_mem>>) src(%dma_wait3A_427 : memref<80xi32, #tpu.memory_space<hbm>>) dst(%run_scoped3A_11 : memref<80xi32, #tpu.memory_space<vmem>>)
            %dma_start3A_428 = arith.constant 0 : i32
            %dma_start3A_429 = arith.constant 0 : i32
            %dma_start3A_430 = tpu.memref_slice %arg2[%dma_start3A_428, %dma_start3A_429] : memref<10000x128xf32, #tpu.memory_space<hbm>> -> memref<10000x128xf32, #tpu.memory_space<hbm>>
            tpu.enqueue_indirect_dma source(%dma_start3A_430 : memref<10000x128xf32, #tpu.memory_space<hbm>>) target(%run_scoped3A : memref<80x128xf32, #tpu.memory_space<vmem>>) offsets(%run_scoped3A_11 : memref<80xi32, #tpu.memory_space<vmem>>) semaphore(%run_scoped3A_15 : memref<!tpu.dma_semaphore, #tpu.memory_space<semaphore_mem>>)
            %add3A_431 = arith.constant 4 : i32
            %add3A_432 = arith.addi %add3A_326, %add3A_431 : i32
            %dma_start3A_433 = arith.constant 0 : i32
            %dma_start3A_434 = arith.constant 0 : i32
            %dma_start3A_435 = tpu.memref_slice %arg4[%add3A, %dma_start3A_433, %dma_start3A_434] : memref<32x125x80xi32, #tpu.memory_space<hbm>> -> memref<1x125x80xi32, #tpu.memory_space<hbm>>
            %dma_start3A_436 = tpu.memref_squeeze %dma_start3A_435 : memref<1x125x80xi32, #tpu.memory_space<hbm>> -> memref<125x80xi32, #tpu.memory_space<hbm>>
            %dma_start3A_437 = arith.constant 0 : i32
            %dma_start3A_438 = tpu.memref_slice %dma_start3A_436[%add3A_432, %dma_start3A_437] : memref<125x80xi32, #tpu.memory_space<hbm>> -> memref<1x80xi32, #tpu.memory_space<hbm>>
            %dma_start3A_439 = tpu.memref_squeeze %dma_start3A_438 : memref<1x80xi32, #tpu.memory_space<hbm>> -> memref<80xi32, #tpu.memory_space<hbm>>
            %dma_start3A_440 = arith.constant 0 : i32
            %dma_start3A_441 = arith.constant 0 : i32
            %dma_start3A_442 = tpu.memref_slice %arg4[%add3A, %dma_start3A_440, %dma_start3A_441] : memref<32x125x80xi32, #tpu.memory_space<hbm>> -> memref<1x125x80xi32, #tpu.memory_space<hbm>>
            %dma_start3A_443 = tpu.memref_squeeze %dma_start3A_442 : memref<1x125x80xi32, #tpu.memory_space<hbm>> -> memref<125x80xi32, #tpu.memory_space<hbm>>
            %dma_start3A_444 = arith.constant 0 : i32
            %dma_start3A_445 = tpu.memref_slice %dma_start3A_443[%add3A_432, %dma_start3A_444] : memref<125x80xi32, #tpu.memory_space<hbm>> -> memref<1x80xi32, #tpu.memory_space<hbm>>
            %dma_start3A_446 = tpu.memref_squeeze %dma_start3A_445 : memref<1x80xi32, #tpu.memory_space<hbm>> -> memref<80xi32, #tpu.memory_space<hbm>>
            tpu.enqueue_dma source(%dma_start3A_446 : memref<80xi32, #tpu.memory_space<hbm>>) target(%run_scoped3A_3 : memref<80xi32, #tpu.memory_space<vmem>>) target_semaphore(%run_scoped3A_19 : memref<!tpu.dma_semaphore, #tpu.memory_space<semaphore_mem>>)
          } else {
          }
          %add3A_405 = arith.constant 8 : i32
          %add3A_406 = arith.addi %add3A_326, %add3A_405 : i32
          %lt3A_407 = arith.constant 125 : i32
          %lt3A_408 = arith.cmpi slt, %add3A_406, %lt3A_407 : i32
          %convert_element_type3A_409 = arith.extui %lt3A_408 : i1 to i32
          %cond3A_410 = arith.constant 0 : i32
          %cond3A_411 = arith.cmpi ne, %convert_element_type3A_409, %cond3A_410 : i32
          scf.if %cond3A_411 {
            %add3A_412 = arith.constant 8 : i32
            %add3A_413 = arith.addi %add3A_326, %add3A_412 : i32
            %dma_start3A_414 = arith.constant 0 : i32
            %dma_start3A_415 = arith.constant 0 : i32
            %dma_start3A_416 = tpu.memref_slice %arg3[%add3A, %dma_start3A_414, %dma_start3A_415] : memref<32x125x80xi32, #tpu.memory_space<hbm>> -> memref<1x125x80xi32, #tpu.memory_space<hbm>>
            %dma_start3A_417 = tpu.memref_squeeze %dma_start3A_416 : memref<1x125x80xi32, #tpu.memory_space<hbm>> -> memref<125x80xi32, #tpu.memory_space<hbm>>
            %dma_start3A_418 = arith.constant 0 : i32
            %dma_start3A_419 = tpu.memref_slice %dma_start3A_417[%add3A_413, %dma_start3A_418] : memref<125x80xi32, #tpu.memory_space<hbm>> -> memref<1x80xi32, #tpu.memory_space<hbm>>
            %dma_start3A_420 = tpu.memref_squeeze %dma_start3A_419 : memref<1x80xi32, #tpu.memory_space<hbm>> -> memref<80xi32, #tpu.memory_space<hbm>>
            %dma_start3A_421 = arith.constant 0 : i32
            %dma_start3A_422 = arith.constant 0 : i32
            %dma_start3A_423 = tpu.memref_slice %arg3[%add3A, %dma_start3A_421, %dma_start3A_422] : memref<32x125x80xi32, #tpu.memory_space<hbm>> -> memref<1x125x80xi32, #tpu.memory_space<hbm>>
            %dma_start3A_424 = tpu.memref_squeeze %dma_start3A_423 : memref<1x125x80xi32, #tpu.memory_space<hbm>> -> memref<125x80xi32, #tpu.memory_space<hbm>>
            %dma_start3A_425 = arith.constant 0 : i32
            %dma_start3A_426 = tpu.memref_slice %dma_start3A_424[%add3A_413, %dma_start3A_425] : memref<125x80xi32, #tpu.memory_space<hbm>> -> memref<1x80xi32, #tpu.memory_space<hbm>>
            %dma_start3A_427 = tpu.memref_squeeze %dma_start3A_426 : memref<1x80xi32, #tpu.memory_space<hbm>> -> memref<80xi32, #tpu.memory_space<hbm>>
            tpu.enqueue_dma source(%dma_start3A_427 : memref<80xi32, #tpu.memory_space<hbm>>) target(%run_scoped3A_7 : memref<80xi32, #tpu.memory_space<vmem>>) target_semaphore(%run_scoped3A_23 : memref<!tpu.dma_semaphore, #tpu.memory_space<semaphore_mem>>)
          } else {
          }
        } else {
        }
        %add3A_329 = arith.constant 1 : i32
        %add3A_330 = arith.addi %add3A_324, %add3A_329 : i32
        %lt3A_331 = arith.constant 125 : i32
        %lt3A_332 = arith.cmpi slt, %add3A_330, %lt3A_331 : i32
        %convert_element_type3A_333 = arith.extui %lt3A_332 : i1 to i32
        %cond3A_334 = arith.constant 0 : i32
        %cond3A_335 = arith.cmpi ne, %convert_element_type3A_333, %cond3A_334 : i32
        scf.if %cond3A_335 {
          %dma_wait3A_378 = arith.constant 0 : i32
          %dma_wait3A_379 = arith.constant 0 : i32
          %dma_wait3A_380 = tpu.memref_slice %arg2[%dma_wait3A_378, %dma_wait3A_379] : memref<10000x128xf32, #tpu.memory_space<hbm>> -> memref<80x128xf32, #tpu.memory_space<hbm>>
          %dma_wait3A_381 = arith.constant 0 : i32
          %dma_wait3A_382 = arith.constant 0 : i32
          %dma_wait3A_383 = tpu.memref_slice %arg2[%dma_wait3A_381, %dma_wait3A_382] : memref<10000x128xf32, #tpu.memory_space<hbm>> -> memref<80x128xf32, #tpu.memory_space<hbm>>
          tpu.wait_dma2 semaphore(%run_scoped3A_16 : memref<!tpu.dma_semaphore, #tpu.memory_space<semaphore_mem>>) src(%dma_wait3A_383 : memref<80x128xf32, #tpu.memory_space<hbm>>) dst(%run_scoped3A_0 : memref<80x128xf32, #tpu.memory_space<vmem>>)
          %dma_wait3A_384 = arith.constant 0 : i32
          %dma_wait3A_385 = arith.constant 0 : i32
          %dma_wait3A_386 = tpu.memref_slice %arg4[%add3A, %dma_wait3A_384, %dma_wait3A_385] : memref<32x125x80xi32, #tpu.memory_space<hbm>> -> memref<1x125x80xi32, #tpu.memory_space<hbm>>
          %dma_wait3A_387 = tpu.memref_squeeze %dma_wait3A_386 : memref<1x125x80xi32, #tpu.memory_space<hbm>> -> memref<125x80xi32, #tpu.memory_space<hbm>>
          %dma_wait3A_388 = arith.constant 0 : i32
          %dma_wait3A_389 = tpu.memref_slice %dma_wait3A_387[%add3A_330, %dma_wait3A_388] : memref<125x80xi32, #tpu.memory_space<hbm>> -> memref<1x80xi32, #tpu.memory_space<hbm>>
          %dma_wait3A_390 = tpu.memref_squeeze %dma_wait3A_389 : memref<1x80xi32, #tpu.memory_space<hbm>> -> memref<80xi32, #tpu.memory_space<hbm>>
          %dma_wait3A_391 = arith.constant 0 : i32
          %dma_wait3A_392 = arith.constant 0 : i32
          %dma_wait3A_393 = tpu.memref_slice %arg4[%add3A, %dma_wait3A_391, %dma_wait3A_392] : memref<32x125x80xi32, #tpu.memory_space<hbm>> -> memref<1x125x80xi32, #tpu.memory_space<hbm>>
          %dma_wait3A_394 = tpu.memref_squeeze %dma_wait3A_393 : memref<1x125x80xi32, #tpu.memory_space<hbm>> -> memref<125x80xi32, #tpu.memory_space<hbm>>
          %dma_wait3A_395 = arith.constant 0 : i32
          %dma_wait3A_396 = tpu.memref_slice %dma_wait3A_394[%add3A_330, %dma_wait3A_395] : memref<125x80xi32, #tpu.memory_space<hbm>> -> memref<1x80xi32, #tpu.memory_space<hbm>>
          %dma_wait3A_397 = tpu.memref_squeeze %dma_wait3A_396 : memref<1x80xi32, #tpu.memory_space<hbm>> -> memref<80xi32, #tpu.memory_space<hbm>>
          tpu.wait_dma2 semaphore(%run_scoped3A_20 : memref<!tpu.dma_semaphore, #tpu.memory_space<semaphore_mem>>) src(%dma_wait3A_397 : memref<80xi32, #tpu.memory_space<hbm>>) dst(%run_scoped3A_4 : memref<80xi32, #tpu.memory_space<vmem>>)
          "tpu.region"() ({
            %run_scoped3A_412 = tpu.sem_alloc : memref<!tpu.dma_semaphore, #tpu.memory_space<semaphore_mem>>
            %dma_start3A_413 = arith.constant 0 : i32
            %dma_start3A_414 = arith.constant 0 : i32
            %dma_start3A_415 = tpu.memref_slice %arg7[%dma_start3A_413, %dma_start3A_414] : memref<10000x128xf32, #tpu.memory_space<vmem_shared>> -> memref<10000x128xf32, #tpu.memory_space<vmem_shared>>
            tpu.enqueue_indirect_dma source(%run_scoped3A_0 : memref<80x128xf32, #tpu.memory_space<vmem>>) target(%dma_start3A_415 : memref<10000x128xf32, #tpu.memory_space<vmem_shared>>) offsets(%run_scoped3A_4 : memref<80xi32, #tpu.memory_space<vmem>>) semaphore(%run_scoped3A_412 : memref<!tpu.dma_semaphore, #tpu.memory_space<semaphore_mem>>) {add = true}
            %dma_wait3A_416 = arith.constant 0 : i32
            %dma_wait3A_417 = arith.constant 0 : i32
            %dma_wait3A_418 = tpu.memref_slice %arg7[%dma_wait3A_416, %dma_wait3A_417] : memref<10000x128xf32, #tpu.memory_space<vmem_shared>> -> memref<10000x128xf32, #tpu.memory_space<vmem_shared>>
            tpu.wait_indirect_dma semaphore(%run_scoped3A_412 : memref<!tpu.dma_semaphore, #tpu.memory_space<semaphore_mem>>) src(%run_scoped3A_0 : memref<80x128xf32, #tpu.memory_space<vmem>>) dst(%dma_wait3A_418 : memref<10000x128xf32, #tpu.memory_space<vmem_shared>>)
            tpu.yield
          }) : () -> ()
          %add3A_398 = arith.constant 4 : i32
          %add3A_399 = arith.addi %add3A_330, %add3A_398 : i32
          %lt3A_400 = arith.constant 125 : i32
          %lt3A_401 = arith.cmpi slt, %add3A_399, %lt3A_400 : i32
          %convert_element_type3A_402 = arith.extui %lt3A_401 : i1 to i32
          %cond3A_403 = arith.constant 0 : i32
          %cond3A_404 = arith.cmpi ne, %convert_element_type3A_402, %cond3A_403 : i32
          scf.if %cond3A_404 {
            %add3A_412 = arith.constant 4 : i32
            %add3A_413 = arith.addi %add3A_330, %add3A_412 : i32
            %dma_wait3A_414 = arith.constant 0 : i32
            %dma_wait3A_415 = arith.constant 0 : i32
            %dma_wait3A_416 = tpu.memref_slice %arg3[%add3A, %dma_wait3A_414, %dma_wait3A_415] : memref<32x125x80xi32, #tpu.memory_space<hbm>> -> memref<1x125x80xi32, #tpu.memory_space<hbm>>
            %dma_wait3A_417 = tpu.memref_squeeze %dma_wait3A_416 : memref<1x125x80xi32, #tpu.memory_space<hbm>> -> memref<125x80xi32, #tpu.memory_space<hbm>>
            %dma_wait3A_418 = arith.constant 0 : i32
            %dma_wait3A_419 = tpu.memref_slice %dma_wait3A_417[%add3A_413, %dma_wait3A_418] : memref<125x80xi32, #tpu.memory_space<hbm>> -> memref<1x80xi32, #tpu.memory_space<hbm>>
            %dma_wait3A_420 = tpu.memref_squeeze %dma_wait3A_419 : memref<1x80xi32, #tpu.memory_space<hbm>> -> memref<80xi32, #tpu.memory_space<hbm>>
            %dma_wait3A_421 = arith.constant 0 : i32
            %dma_wait3A_422 = arith.constant 0 : i32
            %dma_wait3A_423 = tpu.memref_slice %arg3[%add3A, %dma_wait3A_421, %dma_wait3A_422] : memref<32x125x80xi32, #tpu.memory_space<hbm>> -> memref<1x125x80xi32, #tpu.memory_space<hbm>>
            %dma_wait3A_424 = tpu.memref_squeeze %dma_wait3A_423 : memref<1x125x80xi32, #tpu.memory_space<hbm>> -> memref<125x80xi32, #tpu.memory_space<hbm>>
            %dma_wait3A_425 = arith.constant 0 : i32
            %dma_wait3A_426 = tpu.memref_slice %dma_wait3A_424[%add3A_413, %dma_wait3A_425] : memref<125x80xi32, #tpu.memory_space<hbm>> -> memref<1x80xi32, #tpu.memory_space<hbm>>
            %dma_wait3A_427 = tpu.memref_squeeze %dma_wait3A_426 : memref<1x80xi32, #tpu.memory_space<hbm>> -> memref<80xi32, #tpu.memory_space<hbm>>
            tpu.wait_dma2 semaphore(%run_scoped3A_28 : memref<!tpu.dma_semaphore, #tpu.memory_space<semaphore_mem>>) src(%dma_wait3A_427 : memref<80xi32, #tpu.memory_space<hbm>>) dst(%run_scoped3A_12 : memref<80xi32, #tpu.memory_space<vmem>>)
            %dma_start3A_428 = arith.constant 0 : i32
            %dma_start3A_429 = arith.constant 0 : i32
            %dma_start3A_430 = tpu.memref_slice %arg2[%dma_start3A_428, %dma_start3A_429] : memref<10000x128xf32, #tpu.memory_space<hbm>> -> memref<10000x128xf32, #tpu.memory_space<hbm>>
            tpu.enqueue_indirect_dma source(%dma_start3A_430 : memref<10000x128xf32, #tpu.memory_space<hbm>>) target(%run_scoped3A_0 : memref<80x128xf32, #tpu.memory_space<vmem>>) offsets(%run_scoped3A_12 : memref<80xi32, #tpu.memory_space<vmem>>) semaphore(%run_scoped3A_16 : memref<!tpu.dma_semaphore, #tpu.memory_space<semaphore_mem>>)
            %add3A_431 = arith.constant 4 : i32
            %add3A_432 = arith.addi %add3A_330, %add3A_431 : i32
            %dma_start3A_433 = arith.constant 0 : i32
            %dma_start3A_434 = arith.constant 0 : i32
            %dma_start3A_435 = tpu.memref_slice %arg4[%add3A, %dma_start3A_433, %dma_start3A_434] : memref<32x125x80xi32, #tpu.memory_space<hbm>> -> memref<1x125x80xi32, #tpu.memory_space<hbm>>
            %dma_start3A_436 = tpu.memref_squeeze %dma_start3A_435 : memref<1x125x80xi32, #tpu.memory_space<hbm>> -> memref<125x80xi32, #tpu.memory_space<hbm>>
            %dma_start3A_437 = arith.constant 0 : i32
            %dma_start3A_438 = tpu.memref_slice %dma_start3A_436[%add3A_432, %dma_start3A_437] : memref<125x80xi32, #tpu.memory_space<hbm>> -> memref<1x80xi32, #tpu.memory_space<hbm>>
            %dma_start3A_439 = tpu.memref_squeeze %dma_start3A_438 : memref<1x80xi32, #tpu.memory_space<hbm>> -> memref<80xi32, #tpu.memory_space<hbm>>
            %dma_start3A_440 = arith.constant 0 : i32
            %dma_start3A_441 = arith.constant 0 : i32
            %dma_start3A_442 = tpu.memref_slice %arg4[%add3A, %dma_start3A_440, %dma_start3A_441] : memref<32x125x80xi32, #tpu.memory_space<hbm>> -> memref<1x125x80xi32, #tpu.memory_space<hbm>>
            %dma_start3A_443 = tpu.memref_squeeze %dma_start3A_442 : memref<1x125x80xi32, #tpu.memory_space<hbm>> -> memref<125x80xi32, #tpu.memory_space<hbm>>
            %dma_start3A_444 = arith.constant 0 : i32
            %dma_start3A_445 = tpu.memref_slice %dma_start3A_443[%add3A_432, %dma_start3A_444] : memref<125x80xi32, #tpu.memory_space<hbm>> -> memref<1x80xi32, #tpu.memory_space<hbm>>
            %dma_start3A_446 = tpu.memref_squeeze %dma_start3A_445 : memref<1x80xi32, #tpu.memory_space<hbm>> -> memref<80xi32, #tpu.memory_space<hbm>>
            tpu.enqueue_dma source(%dma_start3A_446 : memref<80xi32, #tpu.memory_space<hbm>>) target(%run_scoped3A_4 : memref<80xi32, #tpu.memory_space<vmem>>) target_semaphore(%run_scoped3A_20 : memref<!tpu.dma_semaphore, #tpu.memory_space<semaphore_mem>>)
          } else {
          }
          %add3A_405 = arith.constant 8 : i32
          %add3A_406 = arith.addi %add3A_330, %add3A_405 : i32
          %lt3A_407 = arith.constant 125 : i32
          %lt3A_408 = arith.cmpi slt, %add3A_406, %lt3A_407 : i32
          %convert_element_type3A_409 = arith.extui %lt3A_408 : i1 to i32
          %cond3A_410 = arith.constant 0 : i32
          %cond3A_411 = arith.cmpi ne, %convert_element_type3A_409, %cond3A_410 : i32
          scf.if %cond3A_411 {
            %add3A_412 = arith.constant 8 : i32
            %add3A_413 = arith.addi %add3A_330, %add3A_412 : i32
            %dma_start3A_414 = arith.constant 0 : i32
            %dma_start3A_415 = arith.constant 0 : i32
            %dma_start3A_416 = tpu.memref_slice %arg3[%add3A, %dma_start3A_414, %dma_start3A_415] : memref<32x125x80xi32, #tpu.memory_space<hbm>> -> memref<1x125x80xi32, #tpu.memory_space<hbm>>
            %dma_start3A_417 = tpu.memref_squeeze %dma_start3A_416 : memref<1x125x80xi32, #tpu.memory_space<hbm>> -> memref<125x80xi32, #tpu.memory_space<hbm>>
            %dma_start3A_418 = arith.constant 0 : i32
            %dma_start3A_419 = tpu.memref_slice %dma_start3A_417[%add3A_413, %dma_start3A_418] : memref<125x80xi32, #tpu.memory_space<hbm>> -> memref<1x80xi32, #tpu.memory_space<hbm>>
            %dma_start3A_420 = tpu.memref_squeeze %dma_start3A_419 : memref<1x80xi32, #tpu.memory_space<hbm>> -> memref<80xi32, #tpu.memory_space<hbm>>
            %dma_start3A_421 = arith.constant 0 : i32
            %dma_start3A_422 = arith.constant 0 : i32
            %dma_start3A_423 = tpu.memref_slice %arg3[%add3A, %dma_start3A_421, %dma_start3A_422] : memref<32x125x80xi32, #tpu.memory_space<hbm>> -> memref<1x125x80xi32, #tpu.memory_space<hbm>>
            %dma_start3A_424 = tpu.memref_squeeze %dma_start3A_423 : memref<1x125x80xi32, #tpu.memory_space<hbm>> -> memref<125x80xi32, #tpu.memory_space<hbm>>
            %dma_start3A_425 = arith.constant 0 : i32
            %dma_start3A_426 = tpu.memref_slice %dma_start3A_424[%add3A_413, %dma_start3A_425] : memref<125x80xi32, #tpu.memory_space<hbm>> -> memref<1x80xi32, #tpu.memory_space<hbm>>
            %dma_start3A_427 = tpu.memref_squeeze %dma_start3A_426 : memref<1x80xi32, #tpu.memory_space<hbm>> -> memref<80xi32, #tpu.memory_space<hbm>>
            tpu.enqueue_dma source(%dma_start3A_427 : memref<80xi32, #tpu.memory_space<hbm>>) target(%run_scoped3A_8 : memref<80xi32, #tpu.memory_space<vmem>>) target_semaphore(%run_scoped3A_24 : memref<!tpu.dma_semaphore, #tpu.memory_space<semaphore_mem>>)
          } else {
          }
        } else {
        }
        %add3A_336 = arith.constant 2 : i32
        %add3A_337 = arith.addi %add3A_324, %add3A_336 : i32
        %lt3A_338 = arith.constant 125 : i32
        %lt3A_339 = arith.cmpi slt, %add3A_337, %lt3A_338 : i32
        %convert_element_type3A_340 = arith.extui %lt3A_339 : i1 to i32
        %cond3A_341 = arith.constant 0 : i32
        %cond3A_342 = arith.cmpi ne, %convert_element_type3A_340, %cond3A_341 : i32
        scf.if %cond3A_342 {
          %dma_wait3A_378 = arith.constant 0 : i32
          %dma_wait3A_379 = arith.constant 0 : i32
          %dma_wait3A_380 = tpu.memref_slice %arg2[%dma_wait3A_378, %dma_wait3A_379] : memref<10000x128xf32, #tpu.memory_space<hbm>> -> memref<80x128xf32, #tpu.memory_space<hbm>>
          %dma_wait3A_381 = arith.constant 0 : i32
          %dma_wait3A_382 = arith.constant 0 : i32
          %dma_wait3A_383 = tpu.memref_slice %arg2[%dma_wait3A_381, %dma_wait3A_382] : memref<10000x128xf32, #tpu.memory_space<hbm>> -> memref<80x128xf32, #tpu.memory_space<hbm>>
          tpu.wait_dma2 semaphore(%run_scoped3A_17 : memref<!tpu.dma_semaphore, #tpu.memory_space<semaphore_mem>>) src(%dma_wait3A_383 : memref<80x128xf32, #tpu.memory_space<hbm>>) dst(%run_scoped3A_1 : memref<80x128xf32, #tpu.memory_space<vmem>>)
          %dma_wait3A_384 = arith.constant 0 : i32
          %dma_wait3A_385 = arith.constant 0 : i32
          %dma_wait3A_386 = tpu.memref_slice %arg4[%add3A, %dma_wait3A_384, %dma_wait3A_385] : memref<32x125x80xi32, #tpu.memory_space<hbm>> -> memref<1x125x80xi32, #tpu.memory_space<hbm>>
          %dma_wait3A_387 = tpu.memref_squeeze %dma_wait3A_386 : memref<1x125x80xi32, #tpu.memory_space<hbm>> -> memref<125x80xi32, #tpu.memory_space<hbm>>
          %dma_wait3A_388 = arith.constant 0 : i32
          %dma_wait3A_389 = tpu.memref_slice %dma_wait3A_387[%add3A_337, %dma_wait3A_388] : memref<125x80xi32, #tpu.memory_space<hbm>> -> memref<1x80xi32, #tpu.memory_space<hbm>>
          %dma_wait3A_390 = tpu.memref_squeeze %dma_wait3A_389 : memref<1x80xi32, #tpu.memory_space<hbm>> -> memref<80xi32, #tpu.memory_space<hbm>>
          %dma_wait3A_391 = arith.constant 0 : i32
          %dma_wait3A_392 = arith.constant 0 : i32
          %dma_wait3A_393 = tpu.memref_slice %arg4[%add3A, %dma_wait3A_391, %dma_wait3A_392] : memref<32x125x80xi32, #tpu.memory_space<hbm>> -> memref<1x125x80xi32, #tpu.memory_space<hbm>>
          %dma_wait3A_394 = tpu.memref_squeeze %dma_wait3A_393 : memref<1x125x80xi32, #tpu.memory_space<hbm>> -> memref<125x80xi32, #tpu.memory_space<hbm>>
          %dma_wait3A_395 = arith.constant 0 : i32
          %dma_wait3A_396 = tpu.memref_slice %dma_wait3A_394[%add3A_337, %dma_wait3A_395] : memref<125x80xi32, #tpu.memory_space<hbm>> -> memref<1x80xi32, #tpu.memory_space<hbm>>
          %dma_wait3A_397 = tpu.memref_squeeze %dma_wait3A_396 : memref<1x80xi32, #tpu.memory_space<hbm>> -> memref<80xi32, #tpu.memory_space<hbm>>
          tpu.wait_dma2 semaphore(%run_scoped3A_21 : memref<!tpu.dma_semaphore, #tpu.memory_space<semaphore_mem>>) src(%dma_wait3A_397 : memref<80xi32, #tpu.memory_space<hbm>>) dst(%run_scoped3A_5 : memref<80xi32, #tpu.memory_space<vmem>>)
          "tpu.region"() ({
            %run_scoped3A_412 = tpu.sem_alloc : memref<!tpu.dma_semaphore, #tpu.memory_space<semaphore_mem>>
            %dma_start3A_413 = arith.constant 0 : i32
            %dma_start3A_414 = arith.constant 0 : i32
            %dma_start3A_415 = tpu.memref_slice %arg7[%dma_start3A_413, %dma_start3A_414] : memref<10000x128xf32, #tpu.memory_space<vmem_shared>> -> memref<10000x128xf32, #tpu.memory_space<vmem_shared>>
            tpu.enqueue_indirect_dma source(%run_scoped3A_1 : memref<80x128xf32, #tpu.memory_space<vmem>>) target(%dma_start3A_415 : memref<10000x128xf32, #tpu.memory_space<vmem_shared>>) offsets(%run_scoped3A_5 : memref<80xi32, #tpu.memory_space<vmem>>) semaphore(%run_scoped3A_412 : memref<!tpu.dma_semaphore, #tpu.memory_space<semaphore_mem>>) {add = true}
            %dma_wait3A_416 = arith.constant 0 : i32
            %dma_wait3A_417 = arith.constant 0 : i32
            %dma_wait3A_418 = tpu.memref_slice %arg7[%dma_wait3A_416, %dma_wait3A_417] : memref<10000x128xf32, #tpu.memory_space<vmem_shared>> -> memref<10000x128xf32, #tpu.memory_space<vmem_shared>>
            tpu.wait_indirect_dma semaphore(%run_scoped3A_412 : memref<!tpu.dma_semaphore, #tpu.memory_space<semaphore_mem>>) src(%run_scoped3A_1 : memref<80x128xf32, #tpu.memory_space<vmem>>) dst(%dma_wait3A_418 : memref<10000x128xf32, #tpu.memory_space<vmem_shared>>)
            tpu.yield
          }) : () -> ()
          %add3A_398 = arith.constant 4 : i32
          %add3A_399 = arith.addi %add3A_337, %add3A_398 : i32
          %lt3A_400 = arith.constant 125 : i32
          %lt3A_401 = arith.cmpi slt, %add3A_399, %lt3A_400 : i32
          %convert_element_type3A_402 = arith.extui %lt3A_401 : i1 to i32
          %cond3A_403 = arith.constant 0 : i32
          %cond3A_404 = arith.cmpi ne, %convert_element_type3A_402, %cond3A_403 : i32
          scf.if %cond3A_404 {
            %add3A_412 = arith.constant 4 : i32
            %add3A_413 = arith.addi %add3A_337, %add3A_412 : i32
            %dma_wait3A_414 = arith.constant 0 : i32
            %dma_wait3A_415 = arith.constant 0 : i32
            %dma_wait3A_416 = tpu.memref_slice %arg3[%add3A, %dma_wait3A_414, %dma_wait3A_415] : memref<32x125x80xi32, #tpu.memory_space<hbm>> -> memref<1x125x80xi32, #tpu.memory_space<hbm>>
            %dma_wait3A_417 = tpu.memref_squeeze %dma_wait3A_416 : memref<1x125x80xi32, #tpu.memory_space<hbm>> -> memref<125x80xi32, #tpu.memory_space<hbm>>
            %dma_wait3A_418 = arith.constant 0 : i32
            %dma_wait3A_419 = tpu.memref_slice %dma_wait3A_417[%add3A_413, %dma_wait3A_418] : memref<125x80xi32, #tpu.memory_space<hbm>> -> memref<1x80xi32, #tpu.memory_space<hbm>>
            %dma_wait3A_420 = tpu.memref_squeeze %dma_wait3A_419 : memref<1x80xi32, #tpu.memory_space<hbm>> -> memref<80xi32, #tpu.memory_space<hbm>>
            %dma_wait3A_421 = arith.constant 0 : i32
            %dma_wait3A_422 = arith.constant 0 : i32
            %dma_wait3A_423 = tpu.memref_slice %arg3[%add3A, %dma_wait3A_421, %dma_wait3A_422] : memref<32x125x80xi32, #tpu.memory_space<hbm>> -> memref<1x125x80xi32, #tpu.memory_space<hbm>>
            %dma_wait3A_424 = tpu.memref_squeeze %dma_wait3A_423 : memref<1x125x80xi32, #tpu.memory_space<hbm>> -> memref<125x80xi32, #tpu.memory_space<hbm>>
            %dma_wait3A_425 = arith.constant 0 : i32
            %dma_wait3A_426 = tpu.memref_slice %dma_wait3A_424[%add3A_413, %dma_wait3A_425] : memref<125x80xi32, #tpu.memory_space<hbm>> -> memref<1x80xi32, #tpu.memory_space<hbm>>
            %dma_wait3A_427 = tpu.memref_squeeze %dma_wait3A_426 : memref<1x80xi32, #tpu.memory_space<hbm>> -> memref<80xi32, #tpu.memory_space<hbm>>
            tpu.wait_dma2 semaphore(%run_scoped3A_29 : memref<!tpu.dma_semaphore, #tpu.memory_space<semaphore_mem>>) src(%dma_wait3A_427 : memref<80xi32, #tpu.memory_space<hbm>>) dst(%run_scoped3A_13 : memref<80xi32, #tpu.memory_space<vmem>>)
            %dma_start3A_428 = arith.constant 0 : i32
            %dma_start3A_429 = arith.constant 0 : i32
            %dma_start3A_430 = tpu.memref_slice %arg2[%dma_start3A_428, %dma_start3A_429] : memref<10000x128xf32, #tpu.memory_space<hbm>> -> memref<10000x128xf32, #tpu.memory_space<hbm>>
            tpu.enqueue_indirect_dma source(%dma_start3A_430 : memref<10000x128xf32, #tpu.memory_space<hbm>>) target(%run_scoped3A_1 : memref<80x128xf32, #tpu.memory_space<vmem>>) offsets(%run_scoped3A_13 : memref<80xi32, #tpu.memory_space<vmem>>) semaphore(%run_scoped3A_17 : memref<!tpu.dma_semaphore, #tpu.memory_space<semaphore_mem>>)
            %add3A_431 = arith.constant 4 : i32
            %add3A_432 = arith.addi %add3A_337, %add3A_431 : i32
            %dma_start3A_433 = arith.constant 0 : i32
            %dma_start3A_434 = arith.constant 0 : i32
            %dma_start3A_435 = tpu.memref_slice %arg4[%add3A, %dma_start3A_433, %dma_start3A_434] : memref<32x125x80xi32, #tpu.memory_space<hbm>> -> memref<1x125x80xi32, #tpu.memory_space<hbm>>
            %dma_start3A_436 = tpu.memref_squeeze %dma_start3A_435 : memref<1x125x80xi32, #tpu.memory_space<hbm>> -> memref<125x80xi32, #tpu.memory_space<hbm>>
            %dma_start3A_437 = arith.constant 0 : i32
            %dma_start3A_438 = tpu.memref_slice %dma_start3A_436[%add3A_432, %dma_start3A_437] : memref<125x80xi32, #tpu.memory_space<hbm>> -> memref<1x80xi32, #tpu.memory_space<hbm>>
            %dma_start3A_439 = tpu.memref_squeeze %dma_start3A_438 : memref<1x80xi32, #tpu.memory_space<hbm>> -> memref<80xi32, #tpu.memory_space<hbm>>
            %dma_start3A_440 = arith.constant 0 : i32
            %dma_start3A_441 = arith.constant 0 : i32
            %dma_start3A_442 = tpu.memref_slice %arg4[%add3A, %dma_start3A_440, %dma_start3A_441] : memref<32x125x80xi32, #tpu.memory_space<hbm>> -> memref<1x125x80xi32, #tpu.memory_space<hbm>>
            %dma_start3A_443 = tpu.memref_squeeze %dma_start3A_442 : memref<1x125x80xi32, #tpu.memory_space<hbm>> -> memref<125x80xi32, #tpu.memory_space<hbm>>
            %dma_start3A_444 = arith.constant 0 : i32
            %dma_start3A_445 = tpu.memref_slice %dma_start3A_443[%add3A_432, %dma_start3A_444] : memref<125x80xi32, #tpu.memory_space<hbm>> -> memref<1x80xi32, #tpu.memory_space<hbm>>
            %dma_start3A_446 = tpu.memref_squeeze %dma_start3A_445 : memref<1x80xi32, #tpu.memory_space<hbm>> -> memref<80xi32, #tpu.memory_space<hbm>>
            tpu.enqueue_dma source(%dma_start3A_446 : memref<80xi32, #tpu.memory_space<hbm>>) target(%run_scoped3A_5 : memref<80xi32, #tpu.memory_space<vmem>>) target_semaphore(%run_scoped3A_21 : memref<!tpu.dma_semaphore, #tpu.memory_space<semaphore_mem>>)
          } else {
          }
          %add3A_405 = arith.constant 8 : i32
          %add3A_406 = arith.addi %add3A_337, %add3A_405 : i32
          %lt3A_407 = arith.constant 125 : i32
          %lt3A_408 = arith.cmpi slt, %add3A_406, %lt3A_407 : i32
          %convert_element_type3A_409 = arith.extui %lt3A_408 : i1 to i32
          %cond3A_410 = arith.constant 0 : i32
          %cond3A_411 = arith.cmpi ne, %convert_element_type3A_409, %cond3A_410 : i32
          scf.if %cond3A_411 {
            %add3A_412 = arith.constant 8 : i32
            %add3A_413 = arith.addi %add3A_337, %add3A_412 : i32
            %dma_start3A_414 = arith.constant 0 : i32
            %dma_start3A_415 = arith.constant 0 : i32
            %dma_start3A_416 = tpu.memref_slice %arg3[%add3A, %dma_start3A_414, %dma_start3A_415] : memref<32x125x80xi32, #tpu.memory_space<hbm>> -> memref<1x125x80xi32, #tpu.memory_space<hbm>>
            %dma_start3A_417 = tpu.memref_squeeze %dma_start3A_416 : memref<1x125x80xi32, #tpu.memory_space<hbm>> -> memref<125x80xi32, #tpu.memory_space<hbm>>
            %dma_start3A_418 = arith.constant 0 : i32
            %dma_start3A_419 = tpu.memref_slice %dma_start3A_417[%add3A_413, %dma_start3A_418] : memref<125x80xi32, #tpu.memory_space<hbm>> -> memref<1x80xi32, #tpu.memory_space<hbm>>
            %dma_start3A_420 = tpu.memref_squeeze %dma_start3A_419 : memref<1x80xi32, #tpu.memory_space<hbm>> -> memref<80xi32, #tpu.memory_space<hbm>>
            %dma_start3A_421 = arith.constant 0 : i32
            %dma_start3A_422 = arith.constant 0 : i32
            %dma_start3A_423 = tpu.memref_slice %arg3[%add3A, %dma_start3A_421, %dma_start3A_422] : memref<32x125x80xi32, #tpu.memory_space<hbm>> -> memref<1x125x80xi32, #tpu.memory_space<hbm>>
            %dma_start3A_424 = tpu.memref_squeeze %dma_start3A_423 : memref<1x125x80xi32, #tpu.memory_space<hbm>> -> memref<125x80xi32, #tpu.memory_space<hbm>>
            %dma_start3A_425 = arith.constant 0 : i32
            %dma_start3A_426 = tpu.memref_slice %dma_start3A_424[%add3A_413, %dma_start3A_425] : memref<125x80xi32, #tpu.memory_space<hbm>> -> memref<1x80xi32, #tpu.memory_space<hbm>>
            %dma_start3A_427 = tpu.memref_squeeze %dma_start3A_426 : memref<1x80xi32, #tpu.memory_space<hbm>> -> memref<80xi32, #tpu.memory_space<hbm>>
            tpu.enqueue_dma source(%dma_start3A_427 : memref<80xi32, #tpu.memory_space<hbm>>) target(%run_scoped3A_9 : memref<80xi32, #tpu.memory_space<vmem>>) target_semaphore(%run_scoped3A_25 : memref<!tpu.dma_semaphore, #tpu.memory_space<semaphore_mem>>)
          } else {
          }
        } else {
        }
        %add3A_343 = arith.constant 3 : i32
        %add3A_344 = arith.addi %add3A_324, %add3A_343 : i32
        %lt3A_345 = arith.constant 125 : i32
        %lt3A_346 = arith.cmpi slt, %add3A_344, %lt3A_345 : i32
        %convert_element_type3A_347 = arith.extui %lt3A_346 : i1 to i32
        %cond3A_348 = arith.constant 0 : i32
        %cond3A_349 = arith.cmpi ne, %convert_element_type3A_347, %cond3A_348 : i32
        scf.if %cond3A_349 {
          %dma_wait3A_378 = arith.constant 0 : i32
          %dma_wait3A_379 = arith.constant 0 : i32
          %dma_wait3A_380 = tpu.memref_slice %arg2[%dma_wait3A_378, %dma_wait3A_379] : memref<10000x128xf32, #tpu.memory_space<hbm>> -> memref<80x128xf32, #tpu.memory_space<hbm>>
          %dma_wait3A_381 = arith.constant 0 : i32
          %dma_wait3A_382 = arith.constant 0 : i32
          %dma_wait3A_383 = tpu.memref_slice %arg2[%dma_wait3A_381, %dma_wait3A_382] : memref<10000x128xf32, #tpu.memory_space<hbm>> -> memref<80x128xf32, #tpu.memory_space<hbm>>
          tpu.wait_dma2 semaphore(%run_scoped3A_18 : memref<!tpu.dma_semaphore, #tpu.memory_space<semaphore_mem>>) src(%dma_wait3A_383 : memref<80x128xf32, #tpu.memory_space<hbm>>) dst(%run_scoped3A_2 : memref<80x128xf32, #tpu.memory_space<vmem>>)
          %dma_wait3A_384 = arith.constant 0 : i32
          %dma_wait3A_385 = arith.constant 0 : i32
          %dma_wait3A_386 = tpu.memref_slice %arg4[%add3A, %dma_wait3A_384, %dma_wait3A_385] : memref<32x125x80xi32, #tpu.memory_space<hbm>> -> memref<1x125x80xi32, #tpu.memory_space<hbm>>
          %dma_wait3A_387 = tpu.memref_squeeze %dma_wait3A_386 : memref<1x125x80xi32, #tpu.memory_space<hbm>> -> memref<125x80xi32, #tpu.memory_space<hbm>>
          %dma_wait3A_388 = arith.constant 0 : i32
          %dma_wait3A_389 = tpu.memref_slice %dma_wait3A_387[%add3A_344, %dma_wait3A_388] : memref<125x80xi32, #tpu.memory_space<hbm>> -> memref<1x80xi32, #tpu.memory_space<hbm>>
          %dma_wait3A_390 = tpu.memref_squeeze %dma_wait3A_389 : memref<1x80xi32, #tpu.memory_space<hbm>> -> memref<80xi32, #tpu.memory_space<hbm>>
          %dma_wait3A_391 = arith.constant 0 : i32
          %dma_wait3A_392 = arith.constant 0 : i32
          %dma_wait3A_393 = tpu.memref_slice %arg4[%add3A, %dma_wait3A_391, %dma_wait3A_392] : memref<32x125x80xi32, #tpu.memory_space<hbm>> -> memref<1x125x80xi32, #tpu.memory_space<hbm>>
          %dma_wait3A_394 = tpu.memref_squeeze %dma_wait3A_393 : memref<1x125x80xi32, #tpu.memory_space<hbm>> -> memref<125x80xi32, #tpu.memory_space<hbm>>
          %dma_wait3A_395 = arith.constant 0 : i32
          %dma_wait3A_396 = tpu.memref_slice %dma_wait3A_394[%add3A_344, %dma_wait3A_395] : memref<125x80xi32, #tpu.memory_space<hbm>> -> memref<1x80xi32, #tpu.memory_space<hbm>>
          %dma_wait3A_397 = tpu.memref_squeeze %dma_wait3A_396 : memref<1x80xi32, #tpu.memory_space<hbm>> -> memref<80xi32, #tpu.memory_space<hbm>>
          tpu.wait_dma2 semaphore(%run_scoped3A_22 : memref<!tpu.dma_semaphore, #tpu.memory_space<semaphore_mem>>) src(%dma_wait3A_397 : memref<80xi32, #tpu.memory_space<hbm>>) dst(%run_scoped3A_6 : memref<80xi32, #tpu.memory_space<vmem>>)
          "tpu.region"() ({
            %run_scoped3A_412 = tpu.sem_alloc : memref<!tpu.dma_semaphore, #tpu.memory_space<semaphore_mem>>
            %dma_start3A_413 = arith.constant 0 : i32
            %dma_start3A_414 = arith.constant 0 : i32
            %dma_start3A_415 = tpu.memref_slice %arg7[%dma_start3A_413, %dma_start3A_414] : memref<10000x128xf32, #tpu.memory_space<vmem_shared>> -> memref<10000x128xf32, #tpu.memory_space<vmem_shared>>
            tpu.enqueue_indirect_dma source(%run_scoped3A_2 : memref<80x128xf32, #tpu.memory_space<vmem>>) target(%dma_start3A_415 : memref<10000x128xf32, #tpu.memory_space<vmem_shared>>) offsets(%run_scoped3A_6 : memref<80xi32, #tpu.memory_space<vmem>>) semaphore(%run_scoped3A_412 : memref<!tpu.dma_semaphore, #tpu.memory_space<semaphore_mem>>) {add = true}
            %dma_wait3A_416 = arith.constant 0 : i32
            %dma_wait3A_417 = arith.constant 0 : i32
            %dma_wait3A_418 = tpu.memref_slice %arg7[%dma_wait3A_416, %dma_wait3A_417] : memref<10000x128xf32, #tpu.memory_space<vmem_shared>> -> memref<10000x128xf32, #tpu.memory_space<vmem_shared>>
            tpu.wait_indirect_dma semaphore(%run_scoped3A_412 : memref<!tpu.dma_semaphore, #tpu.memory_space<semaphore_mem>>) src(%run_scoped3A_2 : memref<80x128xf32, #tpu.memory_space<vmem>>) dst(%dma_wait3A_418 : memref<10000x128xf32, #tpu.memory_space<vmem_shared>>)
            tpu.yield
          }) : () -> ()
          %add3A_398 = arith.constant 4 : i32
          %add3A_399 = arith.addi %add3A_344, %add3A_398 : i32
          %lt3A_400 = arith.constant 125 : i32
          %lt3A_401 = arith.cmpi slt, %add3A_399, %lt3A_400 : i32
          %convert_element_type3A_402 = arith.extui %lt3A_401 : i1 to i32
          %cond3A_403 = arith.constant 0 : i32
          %cond3A_404 = arith.cmpi ne, %convert_element_type3A_402, %cond3A_403 : i32
          scf.if %cond3A_404 {
            %add3A_412 = arith.constant 4 : i32
            %add3A_413 = arith.addi %add3A_344, %add3A_412 : i32
            %dma_wait3A_414 = arith.constant 0 : i32
            %dma_wait3A_415 = arith.constant 0 : i32
            %dma_wait3A_416 = tpu.memref_slice %arg3[%add3A, %dma_wait3A_414, %dma_wait3A_415] : memref<32x125x80xi32, #tpu.memory_space<hbm>> -> memref<1x125x80xi32, #tpu.memory_space<hbm>>
            %dma_wait3A_417 = tpu.memref_squeeze %dma_wait3A_416 : memref<1x125x80xi32, #tpu.memory_space<hbm>> -> memref<125x80xi32, #tpu.memory_space<hbm>>
            %dma_wait3A_418 = arith.constant 0 : i32
            %dma_wait3A_419 = tpu.memref_slice %dma_wait3A_417[%add3A_413, %dma_wait3A_418] : memref<125x80xi32, #tpu.memory_space<hbm>> -> memref<1x80xi32, #tpu.memory_space<hbm>>
            %dma_wait3A_420 = tpu.memref_squeeze %dma_wait3A_419 : memref<1x80xi32, #tpu.memory_space<hbm>> -> memref<80xi32, #tpu.memory_space<hbm>>
            %dma_wait3A_421 = arith.constant 0 : i32
            %dma_wait3A_422 = arith.constant 0 : i32
            %dma_wait3A_423 = tpu.memref_slice %arg3[%add3A, %dma_wait3A_421, %dma_wait3A_422] : memref<32x125x80xi32, #tpu.memory_space<hbm>> -> memref<1x125x80xi32, #tpu.memory_space<hbm>>
            %dma_wait3A_424 = tpu.memref_squeeze %dma_wait3A_423 : memref<1x125x80xi32, #tpu.memory_space<hbm>> -> memref<125x80xi32, #tpu.memory_space<hbm>>
            %dma_wait3A_425 = arith.constant 0 : i32
            %dma_wait3A_426 = tpu.memref_slice %dma_wait3A_424[%add3A_413, %dma_wait3A_425] : memref<125x80xi32, #tpu.memory_space<hbm>> -> memref<1x80xi32, #tpu.memory_space<hbm>>
            %dma_wait3A_427 = tpu.memref_squeeze %dma_wait3A_426 : memref<1x80xi32, #tpu.memory_space<hbm>> -> memref<80xi32, #tpu.memory_space<hbm>>
            tpu.wait_dma2 semaphore(%run_scoped3A_30 : memref<!tpu.dma_semaphore, #tpu.memory_space<semaphore_mem>>) src(%dma_wait3A_427 : memref<80xi32, #tpu.memory_space<hbm>>) dst(%run_scoped3A_14 : memref<80xi32, #tpu.memory_space<vmem>>)
            %dma_start3A_428 = arith.constant 0 : i32
            %dma_start3A_429 = arith.constant 0 : i32
            %dma_start3A_430 = tpu.memref_slice %arg2[%dma_start3A_428, %dma_start3A_429] : memref<10000x128xf32, #tpu.memory_space<hbm>> -> memref<10000x128xf32, #tpu.memory_space<hbm>>
            tpu.enqueue_indirect_dma source(%dma_start3A_430 : memref<10000x128xf32, #tpu.memory_space<hbm>>) target(%run_scoped3A_2 : memref<80x128xf32, #tpu.memory_space<vmem>>) offsets(%run_scoped3A_14 : memref<80xi32, #tpu.memory_space<vmem>>) semaphore(%run_scoped3A_18 : memref<!tpu.dma_semaphore, #tpu.memory_space<semaphore_mem>>)
            %add3A_431 = arith.constant 4 : i32
            %add3A_432 = arith.addi %add3A_344, %add3A_431 : i32
            %dma_start3A_433 = arith.constant 0 : i32
            %dma_start3A_434 = arith.constant 0 : i32
            %dma_start3A_435 = tpu.memref_slice %arg4[%add3A, %dma_start3A_433, %dma_start3A_434] : memref<32x125x80xi32, #tpu.memory_space<hbm>> -> memref<1x125x80xi32, #tpu.memory_space<hbm>>
            %dma_start3A_436 = tpu.memref_squeeze %dma_start3A_435 : memref<1x125x80xi32, #tpu.memory_space<hbm>> -> memref<125x80xi32, #tpu.memory_space<hbm>>
            %dma_start3A_437 = arith.constant 0 : i32
            %dma_start3A_438 = tpu.memref_slice %dma_start3A_436[%add3A_432, %dma_start3A_437] : memref<125x80xi32, #tpu.memory_space<hbm>> -> memref<1x80xi32, #tpu.memory_space<hbm>>
            %dma_start3A_439 = tpu.memref_squeeze %dma_start3A_438 : memref<1x80xi32, #tpu.memory_space<hbm>> -> memref<80xi32, #tpu.memory_space<hbm>>
            %dma_start3A_440 = arith.constant 0 : i32
            %dma_start3A_441 = arith.constant 0 : i32
            %dma_start3A_442 = tpu.memref_slice %arg4[%add3A, %dma_start3A_440, %dma_start3A_441] : memref<32x125x80xi32, #tpu.memory_space<hbm>> -> memref<1x125x80xi32, #tpu.memory_space<hbm>>
            %dma_start3A_443 = tpu.memref_squeeze %dma_start3A_442 : memref<1x125x80xi32, #tpu.memory_space<hbm>> -> memref<125x80xi32, #tpu.memory_space<hbm>>
            %dma_start3A_444 = arith.constant 0 : i32
            %dma_start3A_445 = tpu.memref_slice %dma_start3A_443[%add3A_432, %dma_start3A_444] : memref<125x80xi32, #tpu.memory_space<hbm>> -> memref<1x80xi32, #tpu.memory_space<hbm>>
            %dma_start3A_446 = tpu.memref_squeeze %dma_start3A_445 : memref<1x80xi32, #tpu.memory_space<hbm>> -> memref<80xi32, #tpu.memory_space<hbm>>
            tpu.enqueue_dma source(%dma_start3A_446 : memref<80xi32, #tpu.memory_space<hbm>>) target(%run_scoped3A_6 : memref<80xi32, #tpu.memory_space<vmem>>) target_semaphore(%run_scoped3A_22 : memref<!tpu.dma_semaphore, #tpu.memory_space<semaphore_mem>>)
          } else {
          }
          %add3A_405 = arith.constant 8 : i32
          %add3A_406 = arith.addi %add3A_344, %add3A_405 : i32
          %lt3A_407 = arith.constant 125 : i32
          %lt3A_408 = arith.cmpi slt, %add3A_406, %lt3A_407 : i32
          %convert_element_type3A_409 = arith.extui %lt3A_408 : i1 to i32
          %cond3A_410 = arith.constant 0 : i32
          %cond3A_411 = arith.cmpi ne, %convert_element_type3A_409, %cond3A_410 : i32
          scf.if %cond3A_411 {
            %add3A_412 = arith.constant 8 : i32
            %add3A_413 = arith.addi %add3A_344, %add3A_412 : i32
            %dma_start3A_414 = arith.constant 0 : i32
            %dma_start3A_415 = arith.constant 0 : i32
            %dma_start3A_416 = tpu.memref_slice %arg3[%add3A, %dma_start3A_414, %dma_start3A_415] : memref<32x125x80xi32, #tpu.memory_space<hbm>> -> memref<1x125x80xi32, #tpu.memory_space<hbm>>
            %dma_start3A_417 = tpu.memref_squeeze %dma_start3A_416 : memref<1x125x80xi32, #tpu.memory_space<hbm>> -> memref<125x80xi32, #tpu.memory_space<hbm>>
            %dma_start3A_418 = arith.constant 0 : i32
            %dma_start3A_419 = tpu.memref_slice %dma_start3A_417[%add3A_413, %dma_start3A_418] : memref<125x80xi32, #tpu.memory_space<hbm>> -> memref<1x80xi32, #tpu.memory_space<hbm>>
            %dma_start3A_420 = tpu.memref_squeeze %dma_start3A_419 : memref<1x80xi32, #tpu.memory_space<hbm>> -> memref<80xi32, #tpu.memory_space<hbm>>
            %dma_start3A_421 = arith.constant 0 : i32
            %dma_start3A_422 = arith.constant 0 : i32
            %dma_start3A_423 = tpu.memref_slice %arg3[%add3A, %dma_start3A_421, %dma_start3A_422] : memref<32x125x80xi32, #tpu.memory_space<hbm>> -> memref<1x125x80xi32, #tpu.memory_space<hbm>>
            %dma_start3A_424 = tpu.memref_squeeze %dma_start3A_423 : memref<1x125x80xi32, #tpu.memory_space<hbm>> -> memref<125x80xi32, #tpu.memory_space<hbm>>
            %dma_start3A_425 = arith.constant 0 : i32
            %dma_start3A_426 = tpu.memref_slice %dma_start3A_424[%add3A_413, %dma_start3A_425] : memref<125x80xi32, #tpu.memory_space<hbm>> -> memref<1x80xi32, #tpu.memory_space<hbm>>
            %dma_start3A_427 = tpu.memref_squeeze %dma_start3A_426 : memref<1x80xi32, #tpu.memory_space<hbm>> -> memref<80xi32, #tpu.memory_space<hbm>>
            tpu.enqueue_dma source(%dma_start3A_427 : memref<80xi32, #tpu.memory_space<hbm>>) target(%run_scoped3A_10 : memref<80xi32, #tpu.memory_space<vmem>>) target_semaphore(%run_scoped3A_26 : memref<!tpu.dma_semaphore, #tpu.memory_space<semaphore_mem>>)
          } else {
          }
        } else {
        }
        %add3A_350 = arith.constant 4 : i32
        %add3A_351 = arith.addi %add3A_324, %add3A_350 : i32
        %lt3A_352 = arith.constant 125 : i32
        %lt3A_353 = arith.cmpi slt, %add3A_351, %lt3A_352 : i32
        %convert_element_type3A_354 = arith.extui %lt3A_353 : i1 to i32
        %cond3A_355 = arith.constant 0 : i32
        %cond3A_356 = arith.cmpi ne, %convert_element_type3A_354, %cond3A_355 : i32
        scf.if %cond3A_356 {
          %dma_wait3A_378 = arith.constant 0 : i32
          %dma_wait3A_379 = arith.constant 0 : i32
          %dma_wait3A_380 = tpu.memref_slice %arg2[%dma_wait3A_378, %dma_wait3A_379] : memref<10000x128xf32, #tpu.memory_space<hbm>> -> memref<80x128xf32, #tpu.memory_space<hbm>>
          %dma_wait3A_381 = arith.constant 0 : i32
          %dma_wait3A_382 = arith.constant 0 : i32
          %dma_wait3A_383 = tpu.memref_slice %arg2[%dma_wait3A_381, %dma_wait3A_382] : memref<10000x128xf32, #tpu.memory_space<hbm>> -> memref<80x128xf32, #tpu.memory_space<hbm>>
          tpu.wait_dma2 semaphore(%run_scoped3A_15 : memref<!tpu.dma_semaphore, #tpu.memory_space<semaphore_mem>>) src(%dma_wait3A_383 : memref<80x128xf32, #tpu.memory_space<hbm>>) dst(%run_scoped3A : memref<80x128xf32, #tpu.memory_space<vmem>>)
          %dma_wait3A_384 = arith.constant 0 : i32
          %dma_wait3A_385 = arith.constant 0 : i32
          %dma_wait3A_386 = tpu.memref_slice %arg4[%add3A, %dma_wait3A_384, %dma_wait3A_385] : memref<32x125x80xi32, #tpu.memory_space<hbm>> -> memref<1x125x80xi32, #tpu.memory_space<hbm>>
          %dma_wait3A_387 = tpu.memref_squeeze %dma_wait3A_386 : memref<1x125x80xi32, #tpu.memory_space<hbm>> -> memref<125x80xi32, #tpu.memory_space<hbm>>
          %dma_wait3A_388 = arith.constant 0 : i32
          %dma_wait3A_389 = tpu.memref_slice %dma_wait3A_387[%add3A_351, %dma_wait3A_388] : memref<125x80xi32, #tpu.memory_space<hbm>> -> memref<1x80xi32, #tpu.memory_space<hbm>>
          %dma_wait3A_390 = tpu.memref_squeeze %dma_wait3A_389 : memref<1x80xi32, #tpu.memory_space<hbm>> -> memref<80xi32, #tpu.memory_space<hbm>>
          %dma_wait3A_391 = arith.constant 0 : i32
          %dma_wait3A_392 = arith.constant 0 : i32
          %dma_wait3A_393 = tpu.memref_slice %arg4[%add3A, %dma_wait3A_391, %dma_wait3A_392] : memref<32x125x80xi32, #tpu.memory_space<hbm>> -> memref<1x125x80xi32, #tpu.memory_space<hbm>>
          %dma_wait3A_394 = tpu.memref_squeeze %dma_wait3A_393 : memref<1x125x80xi32, #tpu.memory_space<hbm>> -> memref<125x80xi32, #tpu.memory_space<hbm>>
          %dma_wait3A_395 = arith.constant 0 : i32
          %dma_wait3A_396 = tpu.memref_slice %dma_wait3A_394[%add3A_351, %dma_wait3A_395] : memref<125x80xi32, #tpu.memory_space<hbm>> -> memref<1x80xi32, #tpu.memory_space<hbm>>
          %dma_wait3A_397 = tpu.memref_squeeze %dma_wait3A_396 : memref<1x80xi32, #tpu.memory_space<hbm>> -> memref<80xi32, #tpu.memory_space<hbm>>
          tpu.wait_dma2 semaphore(%run_scoped3A_19 : memref<!tpu.dma_semaphore, #tpu.memory_space<semaphore_mem>>) src(%dma_wait3A_397 : memref<80xi32, #tpu.memory_space<hbm>>) dst(%run_scoped3A_3 : memref<80xi32, #tpu.memory_space<vmem>>)
          "tpu.region"() ({
            %run_scoped3A_412 = tpu.sem_alloc : memref<!tpu.dma_semaphore, #tpu.memory_space<semaphore_mem>>
            %dma_start3A_413 = arith.constant 0 : i32
            %dma_start3A_414 = arith.constant 0 : i32
            %dma_start3A_415 = tpu.memref_slice %arg7[%dma_start3A_413, %dma_start3A_414] : memref<10000x128xf32, #tpu.memory_space<vmem_shared>> -> memref<10000x128xf32, #tpu.memory_space<vmem_shared>>
            tpu.enqueue_indirect_dma source(%run_scoped3A : memref<80x128xf32, #tpu.memory_space<vmem>>) target(%dma_start3A_415 : memref<10000x128xf32, #tpu.memory_space<vmem_shared>>) offsets(%run_scoped3A_3 : memref<80xi32, #tpu.memory_space<vmem>>) semaphore(%run_scoped3A_412 : memref<!tpu.dma_semaphore, #tpu.memory_space<semaphore_mem>>) {add = true}
            %dma_wait3A_416 = arith.constant 0 : i32
            %dma_wait3A_417 = arith.constant 0 : i32
            %dma_wait3A_418 = tpu.memref_slice %arg7[%dma_wait3A_416, %dma_wait3A_417] : memref<10000x128xf32, #tpu.memory_space<vmem_shared>> -> memref<10000x128xf32, #tpu.memory_space<vmem_shared>>
            tpu.wait_indirect_dma semaphore(%run_scoped3A_412 : memref<!tpu.dma_semaphore, #tpu.memory_space<semaphore_mem>>) src(%run_scoped3A : memref<80x128xf32, #tpu.memory_space<vmem>>) dst(%dma_wait3A_418 : memref<10000x128xf32, #tpu.memory_space<vmem_shared>>)
            tpu.yield
          }) : () -> ()
          %add3A_398 = arith.constant 4 : i32
          %add3A_399 = arith.addi %add3A_351, %add3A_398 : i32
          %lt3A_400 = arith.constant 125 : i32
          %lt3A_401 = arith.cmpi slt, %add3A_399, %lt3A_400 : i32
          %convert_element_type3A_402 = arith.extui %lt3A_401 : i1 to i32
          %cond3A_403 = arith.constant 0 : i32
          %cond3A_404 = arith.cmpi ne, %convert_element_type3A_402, %cond3A_403 : i32
          scf.if %cond3A_404 {
            %add3A_412 = arith.constant 4 : i32
            %add3A_413 = arith.addi %add3A_351, %add3A_412 : i32
            %dma_wait3A_414 = arith.constant 0 : i32
            %dma_wait3A_415 = arith.constant 0 : i32
            %dma_wait3A_416 = tpu.memref_slice %arg3[%add3A, %dma_wait3A_414, %dma_wait3A_415] : memref<32x125x80xi32, #tpu.memory_space<hbm>> -> memref<1x125x80xi32, #tpu.memory_space<hbm>>
            %dma_wait3A_417 = tpu.memref_squeeze %dma_wait3A_416 : memref<1x125x80xi32, #tpu.memory_space<hbm>> -> memref<125x80xi32, #tpu.memory_space<hbm>>
            %dma_wait3A_418 = arith.constant 0 : i32
            %dma_wait3A_419 = tpu.memref_slice %dma_wait3A_417[%add3A_413, %dma_wait3A_418] : memref<125x80xi32, #tpu.memory_space<hbm>> -> memref<1x80xi32, #tpu.memory_space<hbm>>
            %dma_wait3A_420 = tpu.memref_squeeze %dma_wait3A_419 : memref<1x80xi32, #tpu.memory_space<hbm>> -> memref<80xi32, #tpu.memory_space<hbm>>
            %dma_wait3A_421 = arith.constant 0 : i32
            %dma_wait3A_422 = arith.constant 0 : i32
            %dma_wait3A_423 = tpu.memref_slice %arg3[%add3A, %dma_wait3A_421, %dma_wait3A_422] : memref<32x125x80xi32, #tpu.memory_space<hbm>> -> memref<1x125x80xi32, #tpu.memory_space<hbm>>
            %dma_wait3A_424 = tpu.memref_squeeze %dma_wait3A_423 : memref<1x125x80xi32, #tpu.memory_space<hbm>> -> memref<125x80xi32, #tpu.memory_space<hbm>>
            %dma_wait3A_425 = arith.constant 0 : i32
            %dma_wait3A_426 = tpu.memref_slice %dma_wait3A_424[%add3A_413, %dma_wait3A_425] : memref<125x80xi32, #tpu.memory_space<hbm>> -> memref<1x80xi32, #tpu.memory_space<hbm>>
            %dma_wait3A_427 = tpu.memref_squeeze %dma_wait3A_426 : memref<1x80xi32, #tpu.memory_space<hbm>> -> memref<80xi32, #tpu.memory_space<hbm>>
            tpu.wait_dma2 semaphore(%run_scoped3A_23 : memref<!tpu.dma_semaphore, #tpu.memory_space<semaphore_mem>>) src(%dma_wait3A_427 : memref<80xi32, #tpu.memory_space<hbm>>) dst(%run_scoped3A_7 : memref<80xi32, #tpu.memory_space<vmem>>)
            %dma_start3A_428 = arith.constant 0 : i32
            %dma_start3A_429 = arith.constant 0 : i32
            %dma_start3A_430 = tpu.memref_slice %arg2[%dma_start3A_428, %dma_start3A_429] : memref<10000x128xf32, #tpu.memory_space<hbm>> -> memref<10000x128xf32, #tpu.memory_space<hbm>>
            tpu.enqueue_indirect_dma source(%dma_start3A_430 : memref<10000x128xf32, #tpu.memory_space<hbm>>) target(%run_scoped3A : memref<80x128xf32, #tpu.memory_space<vmem>>) offsets(%run_scoped3A_7 : memref<80xi32, #tpu.memory_space<vmem>>) semaphore(%run_scoped3A_15 : memref<!tpu.dma_semaphore, #tpu.memory_space<semaphore_mem>>)
            %add3A_431 = arith.constant 4 : i32
            %add3A_432 = arith.addi %add3A_351, %add3A_431 : i32
            %dma_start3A_433 = arith.constant 0 : i32
            %dma_start3A_434 = arith.constant 0 : i32
            %dma_start3A_435 = tpu.memref_slice %arg4[%add3A, %dma_start3A_433, %dma_start3A_434] : memref<32x125x80xi32, #tpu.memory_space<hbm>> -> memref<1x125x80xi32, #tpu.memory_space<hbm>>
            %dma_start3A_436 = tpu.memref_squeeze %dma_start3A_435 : memref<1x125x80xi32, #tpu.memory_space<hbm>> -> memref<125x80xi32, #tpu.memory_space<hbm>>
            %dma_start3A_437 = arith.constant 0 : i32
            %dma_start3A_438 = tpu.memref_slice %dma_start3A_436[%add3A_432, %dma_start3A_437] : memref<125x80xi32, #tpu.memory_space<hbm>> -> memref<1x80xi32, #tpu.memory_space<hbm>>
            %dma_start3A_439 = tpu.memref_squeeze %dma_start3A_438 : memref<1x80xi32, #tpu.memory_space<hbm>> -> memref<80xi32, #tpu.memory_space<hbm>>
            %dma_start3A_440 = arith.constant 0 : i32
            %dma_start3A_441 = arith.constant 0 : i32
            %dma_start3A_442 = tpu.memref_slice %arg4[%add3A, %dma_start3A_440, %dma_start3A_441] : memref<32x125x80xi32, #tpu.memory_space<hbm>> -> memref<1x125x80xi32, #tpu.memory_space<hbm>>
            %dma_start3A_443 = tpu.memref_squeeze %dma_start3A_442 : memref<1x125x80xi32, #tpu.memory_space<hbm>> -> memref<125x80xi32, #tpu.memory_space<hbm>>
            %dma_start3A_444 = arith.constant 0 : i32
            %dma_start3A_445 = tpu.memref_slice %dma_start3A_443[%add3A_432, %dma_start3A_444] : memref<125x80xi32, #tpu.memory_space<hbm>> -> memref<1x80xi32, #tpu.memory_space<hbm>>
            %dma_start3A_446 = tpu.memref_squeeze %dma_start3A_445 : memref<1x80xi32, #tpu.memory_space<hbm>> -> memref<80xi32, #tpu.memory_space<hbm>>
            tpu.enqueue_dma source(%dma_start3A_446 : memref<80xi32, #tpu.memory_space<hbm>>) target(%run_scoped3A_3 : memref<80xi32, #tpu.memory_space<vmem>>) target_semaphore(%run_scoped3A_19 : memref<!tpu.dma_semaphore, #tpu.memory_space<semaphore_mem>>)
          } else {
          }
          %add3A_405 = arith.constant 8 : i32
          %add3A_406 = arith.addi %add3A_351, %add3A_405 : i32
          %lt3A_407 = arith.constant 125 : i32
          %lt3A_408 = arith.cmpi slt, %add3A_406, %lt3A_407 : i32
          %convert_element_type3A_409 = arith.extui %lt3A_408 : i1 to i32
          %cond3A_410 = arith.constant 0 : i32
          %cond3A_411 = arith.cmpi ne, %convert_element_type3A_409, %cond3A_410 : i32
          scf.if %cond3A_411 {
            %add3A_412 = arith.constant 8 : i32
            %add3A_413 = arith.addi %add3A_351, %add3A_412 : i32
            %dma_start3A_414 = arith.constant 0 : i32
            %dma_start3A_415 = arith.constant 0 : i32
            %dma_start3A_416 = tpu.memref_slice %arg3[%add3A, %dma_start3A_414, %dma_start3A_415] : memref<32x125x80xi32, #tpu.memory_space<hbm>> -> memref<1x125x80xi32, #tpu.memory_space<hbm>>
            %dma_start3A_417 = tpu.memref_squeeze %dma_start3A_416 : memref<1x125x80xi32, #tpu.memory_space<hbm>> -> memref<125x80xi32, #tpu.memory_space<hbm>>
            %dma_start3A_418 = arith.constant 0 : i32
            %dma_start3A_419 = tpu.memref_slice %dma_start3A_417[%add3A_413, %dma_start3A_418] : memref<125x80xi32, #tpu.memory_space<hbm>> -> memref<1x80xi32, #tpu.memory_space<hbm>>
            %dma_start3A_420 = tpu.memref_squeeze %dma_start3A_419 : memref<1x80xi32, #tpu.memory_space<hbm>> -> memref<80xi32, #tpu.memory_space<hbm>>
            %dma_start3A_421 = arith.constant 0 : i32
            %dma_start3A_422 = arith.constant 0 : i32
            %dma_start3A_423 = tpu.memref_slice %arg3[%add3A, %dma_start3A_421, %dma_start3A_422] : memref<32x125x80xi32, #tpu.memory_space<hbm>> -> memref<1x125x80xi32, #tpu.memory_space<hbm>>
            %dma_start3A_424 = tpu.memref_squeeze %dma_start3A_423 : memref<1x125x80xi32, #tpu.memory_space<hbm>> -> memref<125x80xi32, #tpu.memory_space<hbm>>
            %dma_start3A_425 = arith.constant 0 : i32
            %dma_start3A_426 = tpu.memref_slice %dma_start3A_424[%add3A_413, %dma_start3A_425] : memref<125x80xi32, #tpu.memory_space<hbm>> -> memref<1x80xi32, #tpu.memory_space<hbm>>
            %dma_start3A_427 = tpu.memref_squeeze %dma_start3A_426 : memref<1x80xi32, #tpu.memory_space<hbm>> -> memref<80xi32, #tpu.memory_space<hbm>>
            tpu.enqueue_dma source(%dma_start3A_427 : memref<80xi32, #tpu.memory_space<hbm>>) target(%run_scoped3A_11 : memref<80xi32, #tpu.memory_space<vmem>>) target_semaphore(%run_scoped3A_27 : memref<!tpu.dma_semaphore, #tpu.memory_space<semaphore_mem>>)
          } else {
          }
        } else {
        }
        %add3A_357 = arith.constant 5 : i32
        %add3A_358 = arith.addi %add3A_324, %add3A_357 : i32
        %lt3A_359 = arith.constant 125 : i32
        %lt3A_360 = arith.cmpi slt, %add3A_358, %lt3A_359 : i32
        %convert_element_type3A_361 = arith.extui %lt3A_360 : i1 to i32
        %cond3A_362 = arith.constant 0 : i32
        %cond3A_363 = arith.cmpi ne, %convert_element_type3A_361, %cond3A_362 : i32
        scf.if %cond3A_363 {
          %dma_wait3A_378 = arith.constant 0 : i32
          %dma_wait3A_379 = arith.constant 0 : i32
          %dma_wait3A_380 = tpu.memref_slice %arg2[%dma_wait3A_378, %dma_wait3A_379] : memref<10000x128xf32, #tpu.memory_space<hbm>> -> memref<80x128xf32, #tpu.memory_space<hbm>>
          %dma_wait3A_381 = arith.constant 0 : i32
          %dma_wait3A_382 = arith.constant 0 : i32
          %dma_wait3A_383 = tpu.memref_slice %arg2[%dma_wait3A_381, %dma_wait3A_382] : memref<10000x128xf32, #tpu.memory_space<hbm>> -> memref<80x128xf32, #tpu.memory_space<hbm>>
          tpu.wait_dma2 semaphore(%run_scoped3A_16 : memref<!tpu.dma_semaphore, #tpu.memory_space<semaphore_mem>>) src(%dma_wait3A_383 : memref<80x128xf32, #tpu.memory_space<hbm>>) dst(%run_scoped3A_0 : memref<80x128xf32, #tpu.memory_space<vmem>>)
          %dma_wait3A_384 = arith.constant 0 : i32
          %dma_wait3A_385 = arith.constant 0 : i32
          %dma_wait3A_386 = tpu.memref_slice %arg4[%add3A, %dma_wait3A_384, %dma_wait3A_385] : memref<32x125x80xi32, #tpu.memory_space<hbm>> -> memref<1x125x80xi32, #tpu.memory_space<hbm>>
          %dma_wait3A_387 = tpu.memref_squeeze %dma_wait3A_386 : memref<1x125x80xi32, #tpu.memory_space<hbm>> -> memref<125x80xi32, #tpu.memory_space<hbm>>
          %dma_wait3A_388 = arith.constant 0 : i32
          %dma_wait3A_389 = tpu.memref_slice %dma_wait3A_387[%add3A_358, %dma_wait3A_388] : memref<125x80xi32, #tpu.memory_space<hbm>> -> memref<1x80xi32, #tpu.memory_space<hbm>>
          %dma_wait3A_390 = tpu.memref_squeeze %dma_wait3A_389 : memref<1x80xi32, #tpu.memory_space<hbm>> -> memref<80xi32, #tpu.memory_space<hbm>>
          %dma_wait3A_391 = arith.constant 0 : i32
          %dma_wait3A_392 = arith.constant 0 : i32
          %dma_wait3A_393 = tpu.memref_slice %arg4[%add3A, %dma_wait3A_391, %dma_wait3A_392] : memref<32x125x80xi32, #tpu.memory_space<hbm>> -> memref<1x125x80xi32, #tpu.memory_space<hbm>>
          %dma_wait3A_394 = tpu.memref_squeeze %dma_wait3A_393 : memref<1x125x80xi32, #tpu.memory_space<hbm>> -> memref<125x80xi32, #tpu.memory_space<hbm>>
          %dma_wait3A_395 = arith.constant 0 : i32
          %dma_wait3A_396 = tpu.memref_slice %dma_wait3A_394[%add3A_358, %dma_wait3A_395] : memref<125x80xi32, #tpu.memory_space<hbm>> -> memref<1x80xi32, #tpu.memory_space<hbm>>
          %dma_wait3A_397 = tpu.memref_squeeze %dma_wait3A_396 : memref<1x80xi32, #tpu.memory_space<hbm>> -> memref<80xi32, #tpu.memory_space<hbm>>
          tpu.wait_dma2 semaphore(%run_scoped3A_20 : memref<!tpu.dma_semaphore, #tpu.memory_space<semaphore_mem>>) src(%dma_wait3A_397 : memref<80xi32, #tpu.memory_space<hbm>>) dst(%run_scoped3A_4 : memref<80xi32, #tpu.memory_space<vmem>>)
          "tpu.region"() ({
            %run_scoped3A_412 = tpu.sem_alloc : memref<!tpu.dma_semaphore, #tpu.memory_space<semaphore_mem>>
            %dma_start3A_413 = arith.constant 0 : i32
            %dma_start3A_414 = arith.constant 0 : i32
            %dma_start3A_415 = tpu.memref_slice %arg7[%dma_start3A_413, %dma_start3A_414] : memref<10000x128xf32, #tpu.memory_space<vmem_shared>> -> memref<10000x128xf32, #tpu.memory_space<vmem_shared>>
            tpu.enqueue_indirect_dma source(%run_scoped3A_0 : memref<80x128xf32, #tpu.memory_space<vmem>>) target(%dma_start3A_415 : memref<10000x128xf32, #tpu.memory_space<vmem_shared>>) offsets(%run_scoped3A_4 : memref<80xi32, #tpu.memory_space<vmem>>) semaphore(%run_scoped3A_412 : memref<!tpu.dma_semaphore, #tpu.memory_space<semaphore_mem>>) {add = true}
            %dma_wait3A_416 = arith.constant 0 : i32
            %dma_wait3A_417 = arith.constant 0 : i32
            %dma_wait3A_418 = tpu.memref_slice %arg7[%dma_wait3A_416, %dma_wait3A_417] : memref<10000x128xf32, #tpu.memory_space<vmem_shared>> -> memref<10000x128xf32, #tpu.memory_space<vmem_shared>>
            tpu.wait_indirect_dma semaphore(%run_scoped3A_412 : memref<!tpu.dma_semaphore, #tpu.memory_space<semaphore_mem>>) src(%run_scoped3A_0 : memref<80x128xf32, #tpu.memory_space<vmem>>) dst(%dma_wait3A_418 : memref<10000x128xf32, #tpu.memory_space<vmem_shared>>)
            tpu.yield
          }) : () -> ()
          %add3A_398 = arith.constant 4 : i32
          %add3A_399 = arith.addi %add3A_358, %add3A_398 : i32
          %lt3A_400 = arith.constant 125 : i32
          %lt3A_401 = arith.cmpi slt, %add3A_399, %lt3A_400 : i32
          %convert_element_type3A_402 = arith.extui %lt3A_401 : i1 to i32
          %cond3A_403 = arith.constant 0 : i32
          %cond3A_404 = arith.cmpi ne, %convert_element_type3A_402, %cond3A_403 : i32
          scf.if %cond3A_404 {
            %add3A_412 = arith.constant 4 : i32
            %add3A_413 = arith.addi %add3A_358, %add3A_412 : i32
            %dma_wait3A_414 = arith.constant 0 : i32
            %dma_wait3A_415 = arith.constant 0 : i32
            %dma_wait3A_416 = tpu.memref_slice %arg3[%add3A, %dma_wait3A_414, %dma_wait3A_415] : memref<32x125x80xi32, #tpu.memory_space<hbm>> -> memref<1x125x80xi32, #tpu.memory_space<hbm>>
            %dma_wait3A_417 = tpu.memref_squeeze %dma_wait3A_416 : memref<1x125x80xi32, #tpu.memory_space<hbm>> -> memref<125x80xi32, #tpu.memory_space<hbm>>
            %dma_wait3A_418 = arith.constant 0 : i32
            %dma_wait3A_419 = tpu.memref_slice %dma_wait3A_417[%add3A_413, %dma_wait3A_418] : memref<125x80xi32, #tpu.memory_space<hbm>> -> memref<1x80xi32, #tpu.memory_space<hbm>>
            %dma_wait3A_420 = tpu.memref_squeeze %dma_wait3A_419 : memref<1x80xi32, #tpu.memory_space<hbm>> -> memref<80xi32, #tpu.memory_space<hbm>>
            %dma_wait3A_421 = arith.constant 0 : i32
            %dma_wait3A_422 = arith.constant 0 : i32
            %dma_wait3A_423 = tpu.memref_slice %arg3[%add3A, %dma_wait3A_421, %dma_wait3A_422] : memref<32x125x80xi32, #tpu.memory_space<hbm>> -> memref<1x125x80xi32, #tpu.memory_space<hbm>>
            %dma_wait3A_424 = tpu.memref_squeeze %dma_wait3A_423 : memref<1x125x80xi32, #tpu.memory_space<hbm>> -> memref<125x80xi32, #tpu.memory_space<hbm>>
            %dma_wait3A_425 = arith.constant 0 : i32
            %dma_wait3A_426 = tpu.memref_slice %dma_wait3A_424[%add3A_413, %dma_wait3A_425] : memref<125x80xi32, #tpu.memory_space<hbm>> -> memref<1x80xi32, #tpu.memory_space<hbm>>
            %dma_wait3A_427 = tpu.memref_squeeze %dma_wait3A_426 : memref<1x80xi32, #tpu.memory_space<hbm>> -> memref<80xi32, #tpu.memory_space<hbm>>
            tpu.wait_dma2 semaphore(%run_scoped3A_24 : memref<!tpu.dma_semaphore, #tpu.memory_space<semaphore_mem>>) src(%dma_wait3A_427 : memref<80xi32, #tpu.memory_space<hbm>>) dst(%run_scoped3A_8 : memref<80xi32, #tpu.memory_space<vmem>>)
            %dma_start3A_428 = arith.constant 0 : i32
            %dma_start3A_429 = arith.constant 0 : i32
            %dma_start3A_430 = tpu.memref_slice %arg2[%dma_start3A_428, %dma_start3A_429] : memref<10000x128xf32, #tpu.memory_space<hbm>> -> memref<10000x128xf32, #tpu.memory_space<hbm>>
            tpu.enqueue_indirect_dma source(%dma_start3A_430 : memref<10000x128xf32, #tpu.memory_space<hbm>>) target(%run_scoped3A_0 : memref<80x128xf32, #tpu.memory_space<vmem>>) offsets(%run_scoped3A_8 : memref<80xi32, #tpu.memory_space<vmem>>) semaphore(%run_scoped3A_16 : memref<!tpu.dma_semaphore, #tpu.memory_space<semaphore_mem>>)
            %add3A_431 = arith.constant 4 : i32
            %add3A_432 = arith.addi %add3A_358, %add3A_431 : i32
            %dma_start3A_433 = arith.constant 0 : i32
            %dma_start3A_434 = arith.constant 0 : i32
            %dma_start3A_435 = tpu.memref_slice %arg4[%add3A, %dma_start3A_433, %dma_start3A_434] : memref<32x125x80xi32, #tpu.memory_space<hbm>> -> memref<1x125x80xi32, #tpu.memory_space<hbm>>
            %dma_start3A_436 = tpu.memref_squeeze %dma_start3A_435 : memref<1x125x80xi32, #tpu.memory_space<hbm>> -> memref<125x80xi32, #tpu.memory_space<hbm>>
            %dma_start3A_437 = arith.constant 0 : i32
            %dma_start3A_438 = tpu.memref_slice %dma_start3A_436[%add3A_432, %dma_start3A_437] : memref<125x80xi32, #tpu.memory_space<hbm>> -> memref<1x80xi32, #tpu.memory_space<hbm>>
            %dma_start3A_439 = tpu.memref_squeeze %dma_start3A_438 : memref<1x80xi32, #tpu.memory_space<hbm>> -> memref<80xi32, #tpu.memory_space<hbm>>
            %dma_start3A_440 = arith.constant 0 : i32
            %dma_start3A_441 = arith.constant 0 : i32
            %dma_start3A_442 = tpu.memref_slice %arg4[%add3A, %dma_start3A_440, %dma_start3A_441] : memref<32x125x80xi32, #tpu.memory_space<hbm>> -> memref<1x125x80xi32, #tpu.memory_space<hbm>>
            %dma_start3A_443 = tpu.memref_squeeze %dma_start3A_442 : memref<1x125x80xi32, #tpu.memory_space<hbm>> -> memref<125x80xi32, #tpu.memory_space<hbm>>
            %dma_start3A_444 = arith.constant 0 : i32
            %dma_start3A_445 = tpu.memref_slice %dma_start3A_443[%add3A_432, %dma_start3A_444] : memref<125x80xi32, #tpu.memory_space<hbm>> -> memref<1x80xi32, #tpu.memory_space<hbm>>
            %dma_start3A_446 = tpu.memref_squeeze %dma_start3A_445 : memref<1x80xi32, #tpu.memory_space<hbm>> -> memref<80xi32, #tpu.memory_space<hbm>>
            tpu.enqueue_dma source(%dma_start3A_446 : memref<80xi32, #tpu.memory_space<hbm>>) target(%run_scoped3A_4 : memref<80xi32, #tpu.memory_space<vmem>>) target_semaphore(%run_scoped3A_20 : memref<!tpu.dma_semaphore, #tpu.memory_space<semaphore_mem>>)
          } else {
          }
          %add3A_405 = arith.constant 8 : i32
          %add3A_406 = arith.addi %add3A_358, %add3A_405 : i32
          %lt3A_407 = arith.constant 125 : i32
          %lt3A_408 = arith.cmpi slt, %add3A_406, %lt3A_407 : i32
          %convert_element_type3A_409 = arith.extui %lt3A_408 : i1 to i32
          %cond3A_410 = arith.constant 0 : i32
          %cond3A_411 = arith.cmpi ne, %convert_element_type3A_409, %cond3A_410 : i32
          scf.if %cond3A_411 {
            %add3A_412 = arith.constant 8 : i32
            %add3A_413 = arith.addi %add3A_358, %add3A_412 : i32
            %dma_start3A_414 = arith.constant 0 : i32
            %dma_start3A_415 = arith.constant 0 : i32
            %dma_start3A_416 = tpu.memref_slice %arg3[%add3A, %dma_start3A_414, %dma_start3A_415] : memref<32x125x80xi32, #tpu.memory_space<hbm>> -> memref<1x125x80xi32, #tpu.memory_space<hbm>>
            %dma_start3A_417 = tpu.memref_squeeze %dma_start3A_416 : memref<1x125x80xi32, #tpu.memory_space<hbm>> -> memref<125x80xi32, #tpu.memory_space<hbm>>
            %dma_start3A_418 = arith.constant 0 : i32
            %dma_start3A_419 = tpu.memref_slice %dma_start3A_417[%add3A_413, %dma_start3A_418] : memref<125x80xi32, #tpu.memory_space<hbm>> -> memref<1x80xi32, #tpu.memory_space<hbm>>
            %dma_start3A_420 = tpu.memref_squeeze %dma_start3A_419 : memref<1x80xi32, #tpu.memory_space<hbm>> -> memref<80xi32, #tpu.memory_space<hbm>>
            %dma_start3A_421 = arith.constant 0 : i32
            %dma_start3A_422 = arith.constant 0 : i32
            %dma_start3A_423 = tpu.memref_slice %arg3[%add3A, %dma_start3A_421, %dma_start3A_422] : memref<32x125x80xi32, #tpu.memory_space<hbm>> -> memref<1x125x80xi32, #tpu.memory_space<hbm>>
            %dma_start3A_424 = tpu.memref_squeeze %dma_start3A_423 : memref<1x125x80xi32, #tpu.memory_space<hbm>> -> memref<125x80xi32, #tpu.memory_space<hbm>>
            %dma_start3A_425 = arith.constant 0 : i32
            %dma_start3A_426 = tpu.memref_slice %dma_start3A_424[%add3A_413, %dma_start3A_425] : memref<125x80xi32, #tpu.memory_space<hbm>> -> memref<1x80xi32, #tpu.memory_space<hbm>>
            %dma_start3A_427 = tpu.memref_squeeze %dma_start3A_426 : memref<1x80xi32, #tpu.memory_space<hbm>> -> memref<80xi32, #tpu.memory_space<hbm>>
            tpu.enqueue_dma source(%dma_start3A_427 : memref<80xi32, #tpu.memory_space<hbm>>) target(%run_scoped3A_12 : memref<80xi32, #tpu.memory_space<vmem>>) target_semaphore(%run_scoped3A_28 : memref<!tpu.dma_semaphore, #tpu.memory_space<semaphore_mem>>)
          } else {
          }
        } else {
        }
        %add3A_364 = arith.constant 6 : i32
        %add3A_365 = arith.addi %add3A_324, %add3A_364 : i32
        %lt3A_366 = arith.constant 125 : i32
        %lt3A_367 = arith.cmpi slt, %add3A_365, %lt3A_366 : i32
        %convert_element_type3A_368 = arith.extui %lt3A_367 : i1 to i32
        %cond3A_369 = arith.constant 0 : i32
        %cond3A_370 = arith.cmpi ne, %convert_element_type3A_368, %cond3A_369 : i32
        scf.if %cond3A_370 {
          %dma_wait3A_378 = arith.constant 0 : i32
          %dma_wait3A_379 = arith.constant 0 : i32
          %dma_wait3A_380 = tpu.memref_slice %arg2[%dma_wait3A_378, %dma_wait3A_379] : memref<10000x128xf32, #tpu.memory_space<hbm>> -> memref<80x128xf32, #tpu.memory_space<hbm>>
          %dma_wait3A_381 = arith.constant 0 : i32
          %dma_wait3A_382 = arith.constant 0 : i32
          %dma_wait3A_383 = tpu.memref_slice %arg2[%dma_wait3A_381, %dma_wait3A_382] : memref<10000x128xf32, #tpu.memory_space<hbm>> -> memref<80x128xf32, #tpu.memory_space<hbm>>
          tpu.wait_dma2 semaphore(%run_scoped3A_17 : memref<!tpu.dma_semaphore, #tpu.memory_space<semaphore_mem>>) src(%dma_wait3A_383 : memref<80x128xf32, #tpu.memory_space<hbm>>) dst(%run_scoped3A_1 : memref<80x128xf32, #tpu.memory_space<vmem>>)
          %dma_wait3A_384 = arith.constant 0 : i32
          %dma_wait3A_385 = arith.constant 0 : i32
          %dma_wait3A_386 = tpu.memref_slice %arg4[%add3A, %dma_wait3A_384, %dma_wait3A_385] : memref<32x125x80xi32, #tpu.memory_space<hbm>> -> memref<1x125x80xi32, #tpu.memory_space<hbm>>
          %dma_wait3A_387 = tpu.memref_squeeze %dma_wait3A_386 : memref<1x125x80xi32, #tpu.memory_space<hbm>> -> memref<125x80xi32, #tpu.memory_space<hbm>>
          %dma_wait3A_388 = arith.constant 0 : i32
          %dma_wait3A_389 = tpu.memref_slice %dma_wait3A_387[%add3A_365, %dma_wait3A_388] : memref<125x80xi32, #tpu.memory_space<hbm>> -> memref<1x80xi32, #tpu.memory_space<hbm>>
          %dma_wait3A_390 = tpu.memref_squeeze %dma_wait3A_389 : memref<1x80xi32, #tpu.memory_space<hbm>> -> memref<80xi32, #tpu.memory_space<hbm>>
          %dma_wait3A_391 = arith.constant 0 : i32
          %dma_wait3A_392 = arith.constant 0 : i32
          %dma_wait3A_393 = tpu.memref_slice %arg4[%add3A, %dma_wait3A_391, %dma_wait3A_392] : memref<32x125x80xi32, #tpu.memory_space<hbm>> -> memref<1x125x80xi32, #tpu.memory_space<hbm>>
          %dma_wait3A_394 = tpu.memref_squeeze %dma_wait3A_393 : memref<1x125x80xi32, #tpu.memory_space<hbm>> -> memref<125x80xi32, #tpu.memory_space<hbm>>
          %dma_wait3A_395 = arith.constant 0 : i32
          %dma_wait3A_396 = tpu.memref_slice %dma_wait3A_394[%add3A_365, %dma_wait3A_395] : memref<125x80xi32, #tpu.memory_space<hbm>> -> memref<1x80xi32, #tpu.memory_space<hbm>>
          %dma_wait3A_397 = tpu.memref_squeeze %dma_wait3A_396 : memref<1x80xi32, #tpu.memory_space<hbm>> -> memref<80xi32, #tpu.memory_space<hbm>>
          tpu.wait_dma2 semaphore(%run_scoped3A_21 : memref<!tpu.dma_semaphore, #tpu.memory_space<semaphore_mem>>) src(%dma_wait3A_397 : memref<80xi32, #tpu.memory_space<hbm>>) dst(%run_scoped3A_5 : memref<80xi32, #tpu.memory_space<vmem>>)
          "tpu.region"() ({
            %run_scoped3A_412 = tpu.sem_alloc : memref<!tpu.dma_semaphore, #tpu.memory_space<semaphore_mem>>
            %dma_start3A_413 = arith.constant 0 : i32
            %dma_start3A_414 = arith.constant 0 : i32
            %dma_start3A_415 = tpu.memref_slice %arg7[%dma_start3A_413, %dma_start3A_414] : memref<10000x128xf32, #tpu.memory_space<vmem_shared>> -> memref<10000x128xf32, #tpu.memory_space<vmem_shared>>
            tpu.enqueue_indirect_dma source(%run_scoped3A_1 : memref<80x128xf32, #tpu.memory_space<vmem>>) target(%dma_start3A_415 : memref<10000x128xf32, #tpu.memory_space<vmem_shared>>) offsets(%run_scoped3A_5 : memref<80xi32, #tpu.memory_space<vmem>>) semaphore(%run_scoped3A_412 : memref<!tpu.dma_semaphore, #tpu.memory_space<semaphore_mem>>) {add = true}
            %dma_wait3A_416 = arith.constant 0 : i32
            %dma_wait3A_417 = arith.constant 0 : i32
            %dma_wait3A_418 = tpu.memref_slice %arg7[%dma_wait3A_416, %dma_wait3A_417] : memref<10000x128xf32, #tpu.memory_space<vmem_shared>> -> memref<10000x128xf32, #tpu.memory_space<vmem_shared>>
            tpu.wait_indirect_dma semaphore(%run_scoped3A_412 : memref<!tpu.dma_semaphore, #tpu.memory_space<semaphore_mem>>) src(%run_scoped3A_1 : memref<80x128xf32, #tpu.memory_space<vmem>>) dst(%dma_wait3A_418 : memref<10000x128xf32, #tpu.memory_space<vmem_shared>>)
            tpu.yield
          }) : () -> ()
          %add3A_398 = arith.constant 4 : i32
          %add3A_399 = arith.addi %add3A_365, %add3A_398 : i32
          %lt3A_400 = arith.constant 125 : i32
          %lt3A_401 = arith.cmpi slt, %add3A_399, %lt3A_400 : i32
          %convert_element_type3A_402 = arith.extui %lt3A_401 : i1 to i32
          %cond3A_403 = arith.constant 0 : i32
          %cond3A_404 = arith.cmpi ne, %convert_element_type3A_402, %cond3A_403 : i32
          scf.if %cond3A_404 {
            %add3A_412 = arith.constant 4 : i32
            %add3A_413 = arith.addi %add3A_365, %add3A_412 : i32
            %dma_wait3A_414 = arith.constant 0 : i32
            %dma_wait3A_415 = arith.constant 0 : i32
            %dma_wait3A_416 = tpu.memref_slice %arg3[%add3A, %dma_wait3A_414, %dma_wait3A_415] : memref<32x125x80xi32, #tpu.memory_space<hbm>> -> memref<1x125x80xi32, #tpu.memory_space<hbm>>
            %dma_wait3A_417 = tpu.memref_squeeze %dma_wait3A_416 : memref<1x125x80xi32, #tpu.memory_space<hbm>> -> memref<125x80xi32, #tpu.memory_space<hbm>>
            %dma_wait3A_418 = arith.constant 0 : i32
            %dma_wait3A_419 = tpu.memref_slice %dma_wait3A_417[%add3A_413, %dma_wait3A_418] : memref<125x80xi32, #tpu.memory_space<hbm>> -> memref<1x80xi32, #tpu.memory_space<hbm>>
            %dma_wait3A_420 = tpu.memref_squeeze %dma_wait3A_419 : memref<1x80xi32, #tpu.memory_space<hbm>> -> memref<80xi32, #tpu.memory_space<hbm>>
            %dma_wait3A_421 = arith.constant 0 : i32
            %dma_wait3A_422 = arith.constant 0 : i32
            %dma_wait3A_423 = tpu.memref_slice %arg3[%add3A, %dma_wait3A_421, %dma_wait3A_422] : memref<32x125x80xi32, #tpu.memory_space<hbm>> -> memref<1x125x80xi32, #tpu.memory_space<hbm>>
            %dma_wait3A_424 = tpu.memref_squeeze %dma_wait3A_423 : memref<1x125x80xi32, #tpu.memory_space<hbm>> -> memref<125x80xi32, #tpu.memory_space<hbm>>
            %dma_wait3A_425 = arith.constant 0 : i32
            %dma_wait3A_426 = tpu.memref_slice %dma_wait3A_424[%add3A_413, %dma_wait3A_425] : memref<125x80xi32, #tpu.memory_space<hbm>> -> memref<1x80xi32, #tpu.memory_space<hbm>>
            %dma_wait3A_427 = tpu.memref_squeeze %dma_wait3A_426 : memref<1x80xi32, #tpu.memory_space<hbm>> -> memref<80xi32, #tpu.memory_space<hbm>>
            tpu.wait_dma2 semaphore(%run_scoped3A_25 : memref<!tpu.dma_semaphore, #tpu.memory_space<semaphore_mem>>) src(%dma_wait3A_427 : memref<80xi32, #tpu.memory_space<hbm>>) dst(%run_scoped3A_9 : memref<80xi32, #tpu.memory_space<vmem>>)
            %dma_start3A_428 = arith.constant 0 : i32
            %dma_start3A_429 = arith.constant 0 : i32
            %dma_start3A_430 = tpu.memref_slice %arg2[%dma_start3A_428, %dma_start3A_429] : memref<10000x128xf32, #tpu.memory_space<hbm>> -> memref<10000x128xf32, #tpu.memory_space<hbm>>
            tpu.enqueue_indirect_dma source(%dma_start3A_430 : memref<10000x128xf32, #tpu.memory_space<hbm>>) target(%run_scoped3A_1 : memref<80x128xf32, #tpu.memory_space<vmem>>) offsets(%run_scoped3A_9 : memref<80xi32, #tpu.memory_space<vmem>>) semaphore(%run_scoped3A_17 : memref<!tpu.dma_semaphore, #tpu.memory_space<semaphore_mem>>)
            %add3A_431 = arith.constant 4 : i32
            %add3A_432 = arith.addi %add3A_365, %add3A_431 : i32
            %dma_start3A_433 = arith.constant 0 : i32
            %dma_start3A_434 = arith.constant 0 : i32
            %dma_start3A_435 = tpu.memref_slice %arg4[%add3A, %dma_start3A_433, %dma_start3A_434] : memref<32x125x80xi32, #tpu.memory_space<hbm>> -> memref<1x125x80xi32, #tpu.memory_space<hbm>>
            %dma_start3A_436 = tpu.memref_squeeze %dma_start3A_435 : memref<1x125x80xi32, #tpu.memory_space<hbm>> -> memref<125x80xi32, #tpu.memory_space<hbm>>
            %dma_start3A_437 = arith.constant 0 : i32
            %dma_start3A_438 = tpu.memref_slice %dma_start3A_436[%add3A_432, %dma_start3A_437] : memref<125x80xi32, #tpu.memory_space<hbm>> -> memref<1x80xi32, #tpu.memory_space<hbm>>
            %dma_start3A_439 = tpu.memref_squeeze %dma_start3A_438 : memref<1x80xi32, #tpu.memory_space<hbm>> -> memref<80xi32, #tpu.memory_space<hbm>>
            %dma_start3A_440 = arith.constant 0 : i32
            %dma_start3A_441 = arith.constant 0 : i32
            %dma_start3A_442 = tpu.memref_slice %arg4[%add3A, %dma_start3A_440, %dma_start3A_441] : memref<32x125x80xi32, #tpu.memory_space<hbm>> -> memref<1x125x80xi32, #tpu.memory_space<hbm>>
            %dma_start3A_443 = tpu.memref_squeeze %dma_start3A_442 : memref<1x125x80xi32, #tpu.memory_space<hbm>> -> memref<125x80xi32, #tpu.memory_space<hbm>>
            %dma_start3A_444 = arith.constant 0 : i32
            %dma_start3A_445 = tpu.memref_slice %dma_start3A_443[%add3A_432, %dma_start3A_444] : memref<125x80xi32, #tpu.memory_space<hbm>> -> memref<1x80xi32, #tpu.memory_space<hbm>>
            %dma_start3A_446 = tpu.memref_squeeze %dma_start3A_445 : memref<1x80xi32, #tpu.memory_space<hbm>> -> memref<80xi32, #tpu.memory_space<hbm>>
            tpu.enqueue_dma source(%dma_start3A_446 : memref<80xi32, #tpu.memory_space<hbm>>) target(%run_scoped3A_5 : memref<80xi32, #tpu.memory_space<vmem>>) target_semaphore(%run_scoped3A_21 : memref<!tpu.dma_semaphore, #tpu.memory_space<semaphore_mem>>)
          } else {
          }
          %add3A_405 = arith.constant 8 : i32
          %add3A_406 = arith.addi %add3A_365, %add3A_405 : i32
          %lt3A_407 = arith.constant 125 : i32
          %lt3A_408 = arith.cmpi slt, %add3A_406, %lt3A_407 : i32
          %convert_element_type3A_409 = arith.extui %lt3A_408 : i1 to i32
          %cond3A_410 = arith.constant 0 : i32
          %cond3A_411 = arith.cmpi ne, %convert_element_type3A_409, %cond3A_410 : i32
          scf.if %cond3A_411 {
            %add3A_412 = arith.constant 8 : i32
            %add3A_413 = arith.addi %add3A_365, %add3A_412 : i32
            %dma_start3A_414 = arith.constant 0 : i32
            %dma_start3A_415 = arith.constant 0 : i32
            %dma_start3A_416 = tpu.memref_slice %arg3[%add3A, %dma_start3A_414, %dma_start3A_415] : memref<32x125x80xi32, #tpu.memory_space<hbm>> -> memref<1x125x80xi32, #tpu.memory_space<hbm>>
            %dma_start3A_417 = tpu.memref_squeeze %dma_start3A_416 : memref<1x125x80xi32, #tpu.memory_space<hbm>> -> memref<125x80xi32, #tpu.memory_space<hbm>>
            %dma_start3A_418 = arith.constant 0 : i32
            %dma_start3A_419 = tpu.memref_slice %dma_start3A_417[%add3A_413, %dma_start3A_418] : memref<125x80xi32, #tpu.memory_space<hbm>> -> memref<1x80xi32, #tpu.memory_space<hbm>>
            %dma_start3A_420 = tpu.memref_squeeze %dma_start3A_419 : memref<1x80xi32, #tpu.memory_space<hbm>> -> memref<80xi32, #tpu.memory_space<hbm>>
            %dma_start3A_421 = arith.constant 0 : i32
            %dma_start3A_422 = arith.constant 0 : i32
            %dma_start3A_423 = tpu.memref_slice %arg3[%add3A, %dma_start3A_421, %dma_start3A_422] : memref<32x125x80xi32, #tpu.memory_space<hbm>> -> memref<1x125x80xi32, #tpu.memory_space<hbm>>
            %dma_start3A_424 = tpu.memref_squeeze %dma_start3A_423 : memref<1x125x80xi32, #tpu.memory_space<hbm>> -> memref<125x80xi32, #tpu.memory_space<hbm>>
            %dma_start3A_425 = arith.constant 0 : i32
            %dma_start3A_426 = tpu.memref_slice %dma_start3A_424[%add3A_413, %dma_start3A_425] : memref<125x80xi32, #tpu.memory_space<hbm>> -> memref<1x80xi32, #tpu.memory_space<hbm>>
            %dma_start3A_427 = tpu.memref_squeeze %dma_start3A_426 : memref<1x80xi32, #tpu.memory_space<hbm>> -> memref<80xi32, #tpu.memory_space<hbm>>
            tpu.enqueue_dma source(%dma_start3A_427 : memref<80xi32, #tpu.memory_space<hbm>>) target(%run_scoped3A_13 : memref<80xi32, #tpu.memory_space<vmem>>) target_semaphore(%run_scoped3A_29 : memref<!tpu.dma_semaphore, #tpu.memory_space<semaphore_mem>>)
          } else {
          }
        } else {
        }
        %add3A_371 = arith.constant 7 : i32
        %add3A_372 = arith.addi %add3A_324, %add3A_371 : i32
        %lt3A_373 = arith.constant 125 : i32
        %lt3A_374 = arith.cmpi slt, %add3A_372, %lt3A_373 : i32
        %convert_element_type3A_375 = arith.extui %lt3A_374 : i1 to i32
        %cond3A_376 = arith.constant 0 : i32
        %cond3A_377 = arith.cmpi ne, %convert_element_type3A_375, %cond3A_376 : i32
        scf.if %cond3A_377 {
          %dma_wait3A_378 = arith.constant 0 : i32
          %dma_wait3A_379 = arith.constant 0 : i32
          %dma_wait3A_380 = tpu.memref_slice %arg2[%dma_wait3A_378, %dma_wait3A_379] : memref<10000x128xf32, #tpu.memory_space<hbm>> -> memref<80x128xf32, #tpu.memory_space<hbm>>
          %dma_wait3A_381 = arith.constant 0 : i32
          %dma_wait3A_382 = arith.constant 0 : i32
          %dma_wait3A_383 = tpu.memref_slice %arg2[%dma_wait3A_381, %dma_wait3A_382] : memref<10000x128xf32, #tpu.memory_space<hbm>> -> memref<80x128xf32, #tpu.memory_space<hbm>>
          tpu.wait_dma2 semaphore(%run_scoped3A_18 : memref<!tpu.dma_semaphore, #tpu.memory_space<semaphore_mem>>) src(%dma_wait3A_383 : memref<80x128xf32, #tpu.memory_space<hbm>>) dst(%run_scoped3A_2 : memref<80x128xf32, #tpu.memory_space<vmem>>)
          %dma_wait3A_384 = arith.constant 0 : i32
          %dma_wait3A_385 = arith.constant 0 : i32
          %dma_wait3A_386 = tpu.memref_slice %arg4[%add3A, %dma_wait3A_384, %dma_wait3A_385] : memref<32x125x80xi32, #tpu.memory_space<hbm>> -> memref<1x125x80xi32, #tpu.memory_space<hbm>>
          %dma_wait3A_387 = tpu.memref_squeeze %dma_wait3A_386 : memref<1x125x80xi32, #tpu.memory_space<hbm>> -> memref<125x80xi32, #tpu.memory_space<hbm>>
          %dma_wait3A_388 = arith.constant 0 : i32
          %dma_wait3A_389 = tpu.memref_slice %dma_wait3A_387[%add3A_372, %dma_wait3A_388] : memref<125x80xi32, #tpu.memory_space<hbm>> -> memref<1x80xi32, #tpu.memory_space<hbm>>
          %dma_wait3A_390 = tpu.memref_squeeze %dma_wait3A_389 : memref<1x80xi32, #tpu.memory_space<hbm>> -> memref<80xi32, #tpu.memory_space<hbm>>
          %dma_wait3A_391 = arith.constant 0 : i32
          %dma_wait3A_392 = arith.constant 0 : i32
          %dma_wait3A_393 = tpu.memref_slice %arg4[%add3A, %dma_wait3A_391, %dma_wait3A_392] : memref<32x125x80xi32, #tpu.memory_space<hbm>> -> memref<1x125x80xi32, #tpu.memory_space<hbm>>
          %dma_wait3A_394 = tpu.memref_squeeze %dma_wait3A_393 : memref<1x125x80xi32, #tpu.memory_space<hbm>> -> memref<125x80xi32, #tpu.memory_space<hbm>>
          %dma_wait3A_395 = arith.constant 0 : i32
          %dma_wait3A_396 = tpu.memref_slice %dma_wait3A_394[%add3A_372, %dma_wait3A_395] : memref<125x80xi32, #tpu.memory_space<hbm>> -> memref<1x80xi32, #tpu.memory_space<hbm>>
          %dma_wait3A_397 = tpu.memref_squeeze %dma_wait3A_396 : memref<1x80xi32, #tpu.memory_space<hbm>> -> memref<80xi32, #tpu.memory_space<hbm>>
          tpu.wait_dma2 semaphore(%run_scoped3A_22 : memref<!tpu.dma_semaphore, #tpu.memory_space<semaphore_mem>>) src(%dma_wait3A_397 : memref<80xi32, #tpu.memory_space<hbm>>) dst(%run_scoped3A_6 : memref<80xi32, #tpu.memory_space<vmem>>)
          "tpu.region"() ({
            %run_scoped3A_412 = tpu.sem_alloc : memref<!tpu.dma_semaphore, #tpu.memory_space<semaphore_mem>>
            %dma_start3A_413 = arith.constant 0 : i32
            %dma_start3A_414 = arith.constant 0 : i32
            %dma_start3A_415 = tpu.memref_slice %arg7[%dma_start3A_413, %dma_start3A_414] : memref<10000x128xf32, #tpu.memory_space<vmem_shared>> -> memref<10000x128xf32, #tpu.memory_space<vmem_shared>>
            tpu.enqueue_indirect_dma source(%run_scoped3A_2 : memref<80x128xf32, #tpu.memory_space<vmem>>) target(%dma_start3A_415 : memref<10000x128xf32, #tpu.memory_space<vmem_shared>>) offsets(%run_scoped3A_6 : memref<80xi32, #tpu.memory_space<vmem>>) semaphore(%run_scoped3A_412 : memref<!tpu.dma_semaphore, #tpu.memory_space<semaphore_mem>>) {add = true}
            %dma_wait3A_416 = arith.constant 0 : i32
            %dma_wait3A_417 = arith.constant 0 : i32
            %dma_wait3A_418 = tpu.memref_slice %arg7[%dma_wait3A_416, %dma_wait3A_417] : memref<10000x128xf32, #tpu.memory_space<vmem_shared>> -> memref<10000x128xf32, #tpu.memory_space<vmem_shared>>
            tpu.wait_indirect_dma semaphore(%run_scoped3A_412 : memref<!tpu.dma_semaphore, #tpu.memory_space<semaphore_mem>>) src(%run_scoped3A_2 : memref<80x128xf32, #tpu.memory_space<vmem>>) dst(%dma_wait3A_418 : memref<10000x128xf32, #tpu.memory_space<vmem_shared>>)
            tpu.yield
          }) : () -> ()
          %add3A_398 = arith.constant 4 : i32
          %add3A_399 = arith.addi %add3A_372, %add3A_398 : i32
          %lt3A_400 = arith.constant 125 : i32
          %lt3A_401 = arith.cmpi slt, %add3A_399, %lt3A_400 : i32
          %convert_element_type3A_402 = arith.extui %lt3A_401 : i1 to i32
          %cond3A_403 = arith.constant 0 : i32
          %cond3A_404 = arith.cmpi ne, %convert_element_type3A_402, %cond3A_403 : i32
          scf.if %cond3A_404 {
            %add3A_412 = arith.constant 4 : i32
            %add3A_413 = arith.addi %add3A_372, %add3A_412 : i32
            %dma_wait3A_414 = arith.constant 0 : i32
            %dma_wait3A_415 = arith.constant 0 : i32
            %dma_wait3A_416 = tpu.memref_slice %arg3[%add3A, %dma_wait3A_414, %dma_wait3A_415] : memref<32x125x80xi32, #tpu.memory_space<hbm>> -> memref<1x125x80xi32, #tpu.memory_space<hbm>>
            %dma_wait3A_417 = tpu.memref_squeeze %dma_wait3A_416 : memref<1x125x80xi32, #tpu.memory_space<hbm>> -> memref<125x80xi32, #tpu.memory_space<hbm>>
            %dma_wait3A_418 = arith.constant 0 : i32
            %dma_wait3A_419 = tpu.memref_slice %dma_wait3A_417[%add3A_413, %dma_wait3A_418] : memref<125x80xi32, #tpu.memory_space<hbm>> -> memref<1x80xi32, #tpu.memory_space<hbm>>
            %dma_wait3A_420 = tpu.memref_squeeze %dma_wait3A_419 : memref<1x80xi32, #tpu.memory_space<hbm>> -> memref<80xi32, #tpu.memory_space<hbm>>
            %dma_wait3A_421 = arith.constant 0 : i32
            %dma_wait3A_422 = arith.constant 0 : i32
            %dma_wait3A_423 = tpu.memref_slice %arg3[%add3A, %dma_wait3A_421, %dma_wait3A_422] : memref<32x125x80xi32, #tpu.memory_space<hbm>> -> memref<1x125x80xi32, #tpu.memory_space<hbm>>
            %dma_wait3A_424 = tpu.memref_squeeze %dma_wait3A_423 : memref<1x125x80xi32, #tpu.memory_space<hbm>> -> memref<125x80xi32, #tpu.memory_space<hbm>>
            %dma_wait3A_425 = arith.constant 0 : i32
            %dma_wait3A_426 = tpu.memref_slice %dma_wait3A_424[%add3A_413, %dma_wait3A_425] : memref<125x80xi32, #tpu.memory_space<hbm>> -> memref<1x80xi32, #tpu.memory_space<hbm>>
            %dma_wait3A_427 = tpu.memref_squeeze %dma_wait3A_426 : memref<1x80xi32, #tpu.memory_space<hbm>> -> memref<80xi32, #tpu.memory_space<hbm>>
            tpu.wait_dma2 semaphore(%run_scoped3A_26 : memref<!tpu.dma_semaphore, #tpu.memory_space<semaphore_mem>>) src(%dma_wait3A_427 : memref<80xi32, #tpu.memory_space<hbm>>) dst(%run_scoped3A_10 : memref<80xi32, #tpu.memory_space<vmem>>)
            %dma_start3A_428 = arith.constant 0 : i32
            %dma_start3A_429 = arith.constant 0 : i32
            %dma_start3A_430 = tpu.memref_slice %arg2[%dma_start3A_428, %dma_start3A_429] : memref<10000x128xf32, #tpu.memory_space<hbm>> -> memref<10000x128xf32, #tpu.memory_space<hbm>>
            tpu.enqueue_indirect_dma source(%dma_start3A_430 : memref<10000x128xf32, #tpu.memory_space<hbm>>) target(%run_scoped3A_2 : memref<80x128xf32, #tpu.memory_space<vmem>>) offsets(%run_scoped3A_10 : memref<80xi32, #tpu.memory_space<vmem>>) semaphore(%run_scoped3A_18 : memref<!tpu.dma_semaphore, #tpu.memory_space<semaphore_mem>>)
            %add3A_431 = arith.constant 4 : i32
            %add3A_432 = arith.addi %add3A_372, %add3A_431 : i32
            %dma_start3A_433 = arith.constant 0 : i32
            %dma_start3A_434 = arith.constant 0 : i32
            %dma_start3A_435 = tpu.memref_slice %arg4[%add3A, %dma_start3A_433, %dma_start3A_434] : memref<32x125x80xi32, #tpu.memory_space<hbm>> -> memref<1x125x80xi32, #tpu.memory_space<hbm>>
            %dma_start3A_436 = tpu.memref_squeeze %dma_start3A_435 : memref<1x125x80xi32, #tpu.memory_space<hbm>> -> memref<125x80xi32, #tpu.memory_space<hbm>>
            %dma_start3A_437 = arith.constant 0 : i32
            %dma_start3A_438 = tpu.memref_slice %dma_start3A_436[%add3A_432, %dma_start3A_437] : memref<125x80xi32, #tpu.memory_space<hbm>> -> memref<1x80xi32, #tpu.memory_space<hbm>>
            %dma_start3A_439 = tpu.memref_squeeze %dma_start3A_438 : memref<1x80xi32, #tpu.memory_space<hbm>> -> memref<80xi32, #tpu.memory_space<hbm>>
            %dma_start3A_440 = arith.constant 0 : i32
            %dma_start3A_441 = arith.constant 0 : i32
            %dma_start3A_442 = tpu.memref_slice %arg4[%add3A, %dma_start3A_440, %dma_start3A_441] : memref<32x125x80xi32, #tpu.memory_space<hbm>> -> memref<1x125x80xi32, #tpu.memory_space<hbm>>
            %dma_start3A_443 = tpu.memref_squeeze %dma_start3A_442 : memref<1x125x80xi32, #tpu.memory_space<hbm>> -> memref<125x80xi32, #tpu.memory_space<hbm>>
            %dma_start3A_444 = arith.constant 0 : i32
            %dma_start3A_445 = tpu.memref_slice %dma_start3A_443[%add3A_432, %dma_start3A_444] : memref<125x80xi32, #tpu.memory_space<hbm>> -> memref<1x80xi32, #tpu.memory_space<hbm>>
            %dma_start3A_446 = tpu.memref_squeeze %dma_start3A_445 : memref<1x80xi32, #tpu.memory_space<hbm>> -> memref<80xi32, #tpu.memory_space<hbm>>
            tpu.enqueue_dma source(%dma_start3A_446 : memref<80xi32, #tpu.memory_space<hbm>>) target(%run_scoped3A_6 : memref<80xi32, #tpu.memory_space<vmem>>) target_semaphore(%run_scoped3A_22 : memref<!tpu.dma_semaphore, #tpu.memory_space<semaphore_mem>>)
          } else {
          }
          %add3A_405 = arith.constant 8 : i32
          %add3A_406 = arith.addi %add3A_372, %add3A_405 : i32
          %lt3A_407 = arith.constant 125 : i32
          %lt3A_408 = arith.cmpi slt, %add3A_406, %lt3A_407 : i32
          %convert_element_type3A_409 = arith.extui %lt3A_408 : i1 to i32
          %cond3A_410 = arith.constant 0 : i32
          %cond3A_411 = arith.cmpi ne, %convert_element_type3A_409, %cond3A_410 : i32
          scf.if %cond3A_411 {
            %add3A_412 = arith.constant 8 : i32
            %add3A_413 = arith.addi %add3A_372, %add3A_412 : i32
            %dma_start3A_414 = arith.constant 0 : i32
            %dma_start3A_415 = arith.constant 0 : i32
            %dma_start3A_416 = tpu.memref_slice %arg3[%add3A, %dma_start3A_414, %dma_start3A_415] : memref<32x125x80xi32, #tpu.memory_space<hbm>> -> memref<1x125x80xi32, #tpu.memory_space<hbm>>
            %dma_start3A_417 = tpu.memref_squeeze %dma_start3A_416 : memref<1x125x80xi32, #tpu.memory_space<hbm>> -> memref<125x80xi32, #tpu.memory_space<hbm>>
            %dma_start3A_418 = arith.constant 0 : i32
            %dma_start3A_419 = tpu.memref_slice %dma_start3A_417[%add3A_413, %dma_start3A_418] : memref<125x80xi32, #tpu.memory_space<hbm>> -> memref<1x80xi32, #tpu.memory_space<hbm>>
            %dma_start3A_420 = tpu.memref_squeeze %dma_start3A_419 : memref<1x80xi32, #tpu.memory_space<hbm>> -> memref<80xi32, #tpu.memory_space<hbm>>
            %dma_start3A_421 = arith.constant 0 : i32
            %dma_start3A_422 = arith.constant 0 : i32
            %dma_start3A_423 = tpu.memref_slice %arg3[%add3A, %dma_start3A_421, %dma_start3A_422] : memref<32x125x80xi32, #tpu.memory_space<hbm>> -> memref<1x125x80xi32, #tpu.memory_space<hbm>>
            %dma_start3A_424 = tpu.memref_squeeze %dma_start3A_423 : memref<1x125x80xi32, #tpu.memory_space<hbm>> -> memref<125x80xi32, #tpu.memory_space<hbm>>
            %dma_start3A_425 = arith.constant 0 : i32
            %dma_start3A_426 = tpu.memref_slice %dma_start3A_424[%add3A_413, %dma_start3A_425] : memref<125x80xi32, #tpu.memory_space<hbm>> -> memref<1x80xi32, #tpu.memory_space<hbm>>
            %dma_start3A_427 = tpu.memref_squeeze %dma_start3A_426 : memref<1x80xi32, #tpu.memory_space<hbm>> -> memref<80xi32, #tpu.memory_space<hbm>>
            tpu.enqueue_dma source(%dma_start3A_427 : memref<80xi32, #tpu.memory_space<hbm>>) target(%run_scoped3A_14 : memref<80xi32, #tpu.memory_space<vmem>>) target_semaphore(%run_scoped3A_30 : memref<!tpu.dma_semaphore, #tpu.memory_space<semaphore_mem>>)
          } else {
          }
        } else {
        }
      }
      %scan3A_300 = arith.constant 16 : i32
      %barrier3A_301 = arith.constant 0 : index
      tpu.barrier barrier_id(%barrier3A_301)
      %sub3A_302 = arith.constant 625 : i32
      %sub3A_303 = arith.subi %sub3A_302, %arg1 : i32
      %sub3A_304 = arith.constant 16 : i32
      %sub3A_305 = arith.constant 1 : i32
      %sub3A_306 = arith.subi %sub3A_304, %sub3A_305 : i32
      %add3A_307 = arith.addi %sub3A_303, %sub3A_306 : i32
      %div3A_308 = arith.constant 16 : i32
      %div3A_309 = arith.divsi %add3A_307, %div3A_308 : i32
      %while3A_310 = arith.constant 16 : i32
      %while3A_311 = arith.constant 0 : i32
      %while3A_312 = arith.subi %div3A_309, %while3A_311 : i32
      %while3A_313 = arith.addi %while3A_311, %while3A_312 : i32
      %while3A_314 = arith.constant 1 : i32
      %while3A_315 = arith.divsi %while3A_312, %while3A_314 : i32
      %while3A_316 = arith.muli %while3A_315, %while3A_314 : i32
      %while3A_317 = arith.addi %while3A_311, %while3A_316 : i32
      %while3A_318 = arith.constant 1 : i32
      scf.for %while3A_320 = %while3A_311 to %while3A_317 step %while3A_318  : i32 {
        %mul3A_321 = arith.muli %while3A_320, %while3A_310 : i32
        %add3A_322 = arith.addi %arg1, %mul3A_321 : i32
        %mul3A_323 = arith.constant 16 : i32
        %mul3A_324 = arith.muli %add3A_322, %mul3A_323 : i32
        %mul3A_325 = arith.constant 16 : i32
        %mul3A_326 = arith.muli %add3A_322, %mul3A_325 : i32
        "tpu.region"() ({
          %run_scoped3A_327 = tpu.sem_alloc : memref<!tpu.dma_semaphore, #tpu.memory_space<semaphore_mem>>
          %dma_start3A_328 = arith.constant 0 : i32
          %dma_start3A_329 = arith.constant 0 : i32
          %dma_start3A_330 = tpu.memref_slice %arg6[%arg0, %dma_start3A_328, %dma_start3A_329] : memref<2x10000x128xf32, #tpu.memory_space<hbm>> -> memref<1x10000x128xf32, #tpu.memory_space<hbm>>
          %dma_start3A_331 = tpu.memref_squeeze %dma_start3A_330 : memref<1x10000x128xf32, #tpu.memory_space<hbm>> -> memref<10000x128xf32, #tpu.memory_space<hbm>>
          %dma_start3A_332 = arith.constant 0 : i32
          %dma_start3A_333 = tpu.memref_slice %dma_start3A_331[%mul3A_326, %dma_start3A_332] : memref<10000x128xf32, #tpu.memory_space<hbm>> -> memref<16x128xf32, #tpu.memory_space<hbm>>
          %dma_start3A_334 = arith.constant 0 : i32
          %dma_start3A_335 = tpu.memref_slice %arg7[%mul3A_324, %dma_start3A_334] : memref<10000x128xf32, #tpu.memory_space<vmem_shared>> -> memref<16x128xf32, #tpu.memory_space<vmem_shared>>
          tpu.enqueue_dma source(%dma_start3A_335 : memref<16x128xf32, #tpu.memory_space<vmem_shared>>) target(%dma_start3A_333 : memref<16x128xf32, #tpu.memory_space<hbm>>) target_semaphore(%run_scoped3A_327 : memref<!tpu.dma_semaphore, #tpu.memory_space<semaphore_mem>>)
          %dma_wait3A_336 = arith.constant 0 : i32
          %dma_wait3A_337 = arith.constant 0 : i32
          %dma_wait3A_338 = tpu.memref_slice %arg6[%arg0, %dma_wait3A_336, %dma_wait3A_337] : memref<2x10000x128xf32, #tpu.memory_space<hbm>> -> memref<1x10000x128xf32, #tpu.memory_space<hbm>>
          %dma_wait3A_339 = tpu.memref_squeeze %dma_wait3A_338 : memref<1x10000x128xf32, #tpu.memory_space<hbm>> -> memref<10000x128xf32, #tpu.memory_space<hbm>>
          %dma_wait3A_340 = arith.constant 0 : i32
          %dma_wait3A_341 = tpu.memref_slice %dma_wait3A_339[%mul3A_326, %dma_wait3A_340] : memref<10000x128xf32, #tpu.memory_space<hbm>> -> memref<16x128xf32, #tpu.memory_space<hbm>>
          %dma_wait3A_342 = arith.constant 0 : i32
          %dma_wait3A_343 = tpu.memref_slice %arg7[%mul3A_324, %dma_wait3A_342] : memref<10000x128xf32, #tpu.memory_space<vmem_shared>> -> memref<16x128xf32, #tpu.memory_space<vmem_shared>>
          tpu.wait_dma2 semaphore(%run_scoped3A_327 : memref<!tpu.dma_semaphore, #tpu.memory_space<semaphore_mem>>) src(%dma_wait3A_343 : memref<16x128xf32, #tpu.memory_space<vmem_shared>>) dst(%dma_wait3A_341 : memref<16x128xf32, #tpu.memory_space<hbm>>)
          tpu.yield
        }) : () -> ()
      }
      %while3A_319 = arith.constant 1 : i32
      scf.for %while3A_320 = %while3A_317 to %while3A_313 step %while3A_319  : i32 {
        %mul3A_321 = arith.muli %while3A_320, %while3A_310 : i32
        %add3A_322 = arith.addi %arg1, %mul3A_321 : i32
        %mul3A_323 = arith.constant 16 : i32
        %mul3A_324 = arith.muli %add3A_322, %mul3A_323 : i32
        %mul3A_325 = arith.constant 16 : i32
        %mul3A_326 = arith.muli %add3A_322, %mul3A_325 : i32
        "tpu.region"() ({
          %run_scoped3A_327 = tpu.sem_alloc : memref<!tpu.dma_semaphore, #tpu.memory_space<semaphore_mem>>
          %dma_start3A_328 = arith.constant 0 : i32
          %dma_start3A_329 = arith.constant 0 : i32
          %dma_start3A_330 = tpu.memref_slice %arg6[%arg0, %dma_start3A_328, %dma_start3A_329] : memref<2x10000x128xf32, #tpu.memory_space<hbm>> -> memref<1x10000x128xf32, #tpu.memory_space<hbm>>
          %dma_start3A_331 = tpu.memref_squeeze %dma_start3A_330 : memref<1x10000x128xf32, #tpu.memory_space<hbm>> -> memref<10000x128xf32, #tpu.memory_space<hbm>>
          %dma_start3A_332 = arith.constant 0 : i32
          %dma_start3A_333 = tpu.memref_slice %dma_start3A_331[%mul3A_326, %dma_start3A_332] : memref<10000x128xf32, #tpu.memory_space<hbm>> -> memref<16x128xf32, #tpu.memory_space<hbm>>
          %dma_start3A_334 = arith.constant 0 : i32
          %dma_start3A_335 = tpu.memref_slice %arg7[%mul3A_324, %dma_start3A_334] : memref<10000x128xf32, #tpu.memory_space<vmem_shared>> -> memref<16x128xf32, #tpu.memory_space<vmem_shared>>
          tpu.enqueue_dma source(%dma_start3A_335 : memref<16x128xf32, #tpu.memory_space<vmem_shared>>) target(%dma_start3A_333 : memref<16x128xf32, #tpu.memory_space<hbm>>) target_semaphore(%run_scoped3A_327 : memref<!tpu.dma_semaphore, #tpu.memory_space<semaphore_mem>>)
          %dma_wait3A_336 = arith.constant 0 : i32
          %dma_wait3A_337 = arith.constant 0 : i32
          %dma_wait3A_338 = tpu.memref_slice %arg6[%arg0, %dma_wait3A_336, %dma_wait3A_337] : memref<2x10000x128xf32, #tpu.memory_space<hbm>> -> memref<1x10000x128xf32, #tpu.memory_space<hbm>>
          %dma_wait3A_339 = tpu.memref_squeeze %dma_wait3A_338 : memref<1x10000x128xf32, #tpu.memory_space<hbm>> -> memref<10000x128xf32, #tpu.memory_space<hbm>>
          %dma_wait3A_340 = arith.constant 0 : i32
          %dma_wait3A_341 = tpu.memref_slice %dma_wait3A_339[%mul3A_326, %dma_wait3A_340] : memref<10000x128xf32, #tpu.memory_space<hbm>> -> memref<16x128xf32, #tpu.memory_space<hbm>>
          %dma_wait3A_342 = arith.constant 0 : i32
          %dma_wait3A_343 = tpu.memref_slice %arg7[%mul3A_324, %dma_wait3A_342] : memref<10000x128xf32, #tpu.memory_space<vmem_shared>> -> memref<16x128xf32, #tpu.memory_space<vmem_shared>>
          tpu.wait_dma2 semaphore(%run_scoped3A_327 : memref<!tpu.dma_semaphore, #tpu.memory_space<semaphore_mem>>) src(%dma_wait3A_343 : memref<16x128xf32, #tpu.memory_space<vmem_shared>>) dst(%dma_wait3A_341 : memref<16x128xf32, #tpu.memory_space<hbm>>)
          tpu.yield
        }) : () -> ()
      }
      tpu.yield
    }) : () -> ()
    return
  }
}

#map = affine_map<(d0, d1) -> (0, 0)>
#map1 = affine_map<(d0, d1) -> (0, 0, 0)>
module attributes {stable_mosaic.version = 14 : i64} {
  func.func @k(%arg0: i32, %arg1: i32, %arg2: memref<10000x128xf32, #tpu.memory_space<hbm>>, %arg3: memref<32x125x80xi32, #tpu.memory_space<hbm>>, %arg4: memref<32x125x80xi32, #tpu.memory_space<hbm>>, %arg5: memref<10000x128xf32, #tpu.memory_space<hbm>>, %arg6: memref<2x10000x128xf32, #tpu.memory_space<hbm>>, %arg7: memref<10000x128xf32, #tpu.memory_space<vmem_shared>>) attributes {dimension_semantics = [#tpu.dimension_semantics<core_parallel>, #tpu.dimension_semantics<subcore_parallel>], iteration_bounds = array<i64: 2, 16>, scalar_prefetch = 0 : i64, scratch_operands = 1 : i64, tpu.core_type = #tpu.core_type<sc_vector_subcore>, window_params = [{transform_indices = #map}, {transform_indices = #map1}, {transform_indices = #map1}, {transform_indices = #map}, {transform_indices = #map1}]} {
    "tpu.region"() ({
      %run_scoped3A = memref.alloca() : memref<80x128xf32, #tpu.memory_space<vmem>>
      %run_scoped3A_0 = memref.alloca() : memref<80x128xf32, #tpu.memory_space<vmem>>
      %run_scoped3A_1 = memref.alloca() : memref<80x128xf32, #tpu.memory_space<vmem>>
      %run_scoped3A_2 = memref.alloca() : memref<80x128xf32, #tpu.memory_space<vmem>>
      %run_scoped3A_3 = memref.alloca() : memref<80xi32, #tpu.memory_space<vmem>>
      %run_scoped3A_4 = memref.alloca() : memref<80xi32, #tpu.memory_space<vmem>>
      %run_scoped3A_5 = memref.alloca() : memref<80xi32, #tpu.memory_space<vmem>>
      %run_scoped3A_6 = memref.alloca() : memref<80xi32, #tpu.memory_space<vmem>>
      %run_scoped3A_7 = memref.alloca() : memref<80xi32, #tpu.memory_space<vmem>>
      %run_scoped3A_8 = memref.alloca() : memref<80xi32, #tpu.memory_space<vmem>>
      %run_scoped3A_9 = memref.alloca() : memref<80xi32, #tpu.memory_space<vmem>>
      %run_scoped3A_10 = memref.alloca() : memref<80xi32, #tpu.memory_space<vmem>>
      %run_scoped3A_11 = memref.alloca() : memref<80xi32, #tpu.memory_space<vmem>>
      %run_scoped3A_12 = memref.alloca() : memref<80xi32, #tpu.memory_space<vmem>>
      %run_scoped3A_13 = memref.alloca() : memref<80xi32, #tpu.memory_space<vmem>>
      %run_scoped3A_14 = memref.alloca() : memref<80xi32, #tpu.memory_space<vmem>>
      %run_scoped3A_15 = tpu.sem_alloc : memref<!tpu.dma_semaphore, #tpu.memory_space<semaphore_mem>>
      %run_scoped3A_16 = tpu.sem_alloc : memref<!tpu.dma_semaphore, #tpu.memory_space<semaphore_mem>>
      %run_scoped3A_17 = tpu.sem_alloc : memref<!tpu.dma_semaphore, #tpu.memory_space<semaphore_mem>>
      %run_scoped3A_18 = tpu.sem_alloc : memref<!tpu.dma_semaphore, #tpu.memory_space<semaphore_mem>>
      %run_scoped3A_19 = tpu.sem_alloc : memref<!tpu.dma_semaphore, #tpu.memory_space<semaphore_mem>>
      %run_scoped3A_20 = tpu.sem_alloc : memref<!tpu.dma_semaphore, #tpu.memory_space<semaphore_mem>>
      %run_scoped3A_21 = tpu.sem_alloc : memref<!tpu.dma_semaphore, #tpu.memory_space<semaphore_mem>>
      %run_scoped3A_22 = tpu.sem_alloc : memref<!tpu.dma_semaphore, #tpu.memory_space<semaphore_mem>>
      %run_scoped3A_23 = tpu.sem_alloc : memref<!tpu.dma_semaphore, #tpu.memory_space<semaphore_mem>>
      %run_scoped3A_24 = tpu.sem_alloc : memref<!tpu.dma_semaphore, #tpu.memory_space<semaphore_mem>>
      %run_scoped3A_25 = tpu.sem_alloc : memref<!tpu.dma_semaphore, #tpu.memory_space<semaphore_mem>>
      %run_scoped3A_26 = tpu.sem_alloc : memref<!tpu.dma_semaphore, #tpu.memory_space<semaphore_mem>>
      %run_scoped3A_27 = tpu.sem_alloc : memref<!tpu.dma_semaphore, #tpu.memory_space<semaphore_mem>>
      %run_scoped3A_28 = tpu.sem_alloc : memref<!tpu.dma_semaphore, #tpu.memory_space<semaphore_mem>>
      %run_scoped3A_29 = tpu.sem_alloc : memref<!tpu.dma_semaphore, #tpu.memory_space<semaphore_mem>>
      %run_scoped3A_30 = tpu.sem_alloc : memref<!tpu.dma_semaphore, #tpu.memory_space<semaphore_mem>>
      %mul3A = arith.constant 16 : i32
      %mul3A_31 = arith.muli %arg0, %mul3A : i32
      %add3A = arith.addi %mul3A_31, %arg1 : i32
      %dma_start3A = arith.constant 0 : i32
      %dma_start3A_32 = arith.constant 0 : i32
      %dma_start3A_33 = arith.constant 0 : i32
      %dma_start3A_34 = tpu.memref_slice %arg3[%add3A, %dma_start3A_32, %dma_start3A_33] : memref<32x125x80xi32, #tpu.memory_space<hbm>> -> memref<1x125x80xi32, #tpu.memory_space<hbm>>
      %dma_start3A_35 = tpu.memref_squeeze %dma_start3A_34 : memref<1x125x80xi32, #tpu.memory_space<hbm>> -> memref<125x80xi32, #tpu.memory_space<hbm>>
      %dma_start3A_36 = arith.constant 0 : i32
      %dma_start3A_37 = tpu.memref_slice %dma_start3A_35[%dma_start3A, %dma_start3A_36] : memref<125x80xi32, #tpu.memory_space<hbm>> -> memref<1x80xi32, #tpu.memory_space<hbm>>
      %dma_start3A_38 = tpu.memref_squeeze %dma_start3A_37 : memref<1x80xi32, #tpu.memory_space<hbm>> -> memref<80xi32, #tpu.memory_space<hbm>>
      %dma_start3A_39 = arith.constant 0 : i32
      %dma_start3A_40 = arith.constant 0 : i32
      %dma_start3A_41 = tpu.memref_slice %arg3[%add3A, %dma_start3A_39, %dma_start3A_40] : memref<32x125x80xi32, #tpu.memory_space<hbm>> -> memref<1x125x80xi32, #tpu.memory_space<hbm>>
      %dma_start3A_42 = tpu.memref_squeeze %dma_start3A_41 : memref<1x125x80xi32, #tpu.memory_space<hbm>> -> memref<125x80xi32, #tpu.memory_space<hbm>>
      %dma_start3A_43 = arith.constant 0 : i32
      %dma_start3A_44 = tpu.memref_slice %dma_start3A_42[%dma_start3A, %dma_start3A_43] : memref<125x80xi32, #tpu.memory_space<hbm>> -> memref<1x80xi32, #tpu.memory_space<hbm>>
      %dma_start3A_45 = tpu.memref_squeeze %dma_start3A_44 : memref<1x80xi32, #tpu.memory_space<hbm>> -> memref<80xi32, #tpu.memory_space<hbm>>
      tpu.enqueue_dma source(%dma_start3A_45 : memref<80xi32, #tpu.memory_space<hbm>>) target(%run_scoped3A_7 : memref<80xi32, #tpu.memory_space<vmem>>) target_semaphore(%run_scoped3A_23 : memref<!tpu.dma_semaphore, #tpu.memory_space<semaphore_mem>>)
      %dma_start3A_46 = arith.constant 1 : i32
      %dma_start3A_47 = arith.constant 0 : i32
      %dma_start3A_48 = arith.constant 0 : i32
      %dma_start3A_49 = tpu.memref_slice %arg3[%add3A, %dma_start3A_47, %dma_start3A_48] : memref<32x125x80xi32, #tpu.memory_space<hbm>> -> memref<1x125x80xi32, #tpu.memory_space<hbm>>
      %dma_start3A_50 = tpu.memref_squeeze %dma_start3A_49 : memref<1x125x80xi32, #tpu.memory_space<hbm>> -> memref<125x80xi32, #tpu.memory_space<hbm>>
      %dma_start3A_51 = arith.constant 0 : i32
      %dma_start3A_52 = tpu.memref_slice %dma_start3A_50[%dma_start3A_46, %dma_start3A_51] : memref<125x80xi32, #tpu.memory_space<hbm>> -> memref<1x80xi32, #tpu.memory_space<hbm>>
      %dma_start3A_53 = tpu.memref_squeeze %dma_start3A_52 : memref<1x80xi32, #tpu.memory_space<hbm>> -> memref<80xi32, #tpu.memory_space<hbm>>
      %dma_start3A_54 = arith.constant 0 : i32
      %dma_start3A_55 = arith.constant 0 : i32
      %dma_start3A_56 = tpu.memref_slice %arg3[%add3A, %dma_start3A_54, %dma_start3A_55] : memref<32x125x80xi32, #tpu.memory_space<hbm>> -> memref<1x125x80xi32, #tpu.memory_space<hbm>>
      %dma_start3A_57 = tpu.memref_squeeze %dma_start3A_56 : memref<1x125x80xi32, #tpu.memory_space<hbm>> -> memref<125x80xi32, #tpu.memory_space<hbm>>
      %dma_start3A_58 = arith.constant 0 : i32
      %dma_start3A_59 = tpu.memref_slice %dma_start3A_57[%dma_start3A_46, %dma_start3A_58] : memref<125x80xi32, #tpu.memory_space<hbm>> -> memref<1x80xi32, #tpu.memory_space<hbm>>
      %dma_start3A_60 = tpu.memref_squeeze %dma_start3A_59 : memref<1x80xi32, #tpu.memory_space<hbm>> -> memref<80xi32, #tpu.memory_space<hbm>>
      tpu.enqueue_dma source(%dma_start3A_60 : memref<80xi32, #tpu.memory_space<hbm>>) target(%run_scoped3A_8 : memref<80xi32, #tpu.memory_space<vmem>>) target_semaphore(%run_scoped3A_24 : memref<!tpu.dma_semaphore, #tpu.memory_space<semaphore_mem>>)
      %dma_start3A_61 = arith.constant 2 : i32
      %dma_start3A_62 = arith.constant 0 : i32
      %dma_start3A_63 = arith.constant 0 : i32
      %dma_start3A_64 = tpu.memref_slice %arg3[%add3A, %dma_start3A_62, %dma_start3A_63] : memref<32x125x80xi32, #tpu.memory_space<hbm>> -> memref<1x125x80xi32, #tpu.memory_space<hbm>>
      %dma_start3A_65 = tpu.memref_squeeze %dma_start3A_64 : memref<1x125x80xi32, #tpu.memory_space<hbm>> -> memref<125x80xi32, #tpu.memory_space<hbm>>
      %dma_start3A_66 = arith.constant 0 : i32
      %dma_start3A_67 = tpu.memref_slice %dma_start3A_65[%dma_start3A_61, %dma_start3A_66] : memref<125x80xi32, #tpu.memory_space<hbm>> -> memref<1x80xi32, #tpu.memory_space<hbm>>
      %dma_start3A_68 = tpu.memref_squeeze %dma_start3A_67 : memref<1x80xi32, #tpu.memory_space<hbm>> -> memref<80xi32, #tpu.memory_space<hbm>>
      %dma_start3A_69 = arith.constant 0 : i32
      %dma_start3A_70 = arith.constant 0 : i32
      %dma_start3A_71 = tpu.memref_slice %arg3[%add3A, %dma_start3A_69, %dma_start3A_70] : memref<32x125x80xi32, #tpu.memory_space<hbm>> -> memref<1x125x80xi32, #tpu.memory_space<hbm>>
      %dma_start3A_72 = tpu.memref_squeeze %dma_start3A_71 : memref<1x125x80xi32, #tpu.memory_space<hbm>> -> memref<125x80xi32, #tpu.memory_space<hbm>>
      %dma_start3A_73 = arith.constant 0 : i32
      %dma_start3A_74 = tpu.memref_slice %dma_start3A_72[%dma_start3A_61, %dma_start3A_73] : memref<125x80xi32, #tpu.memory_space<hbm>> -> memref<1x80xi32, #tpu.memory_space<hbm>>
      %dma_start3A_75 = tpu.memref_squeeze %dma_start3A_74 : memref<1x80xi32, #tpu.memory_space<hbm>> -> memref<80xi32, #tpu.memory_space<hbm>>
      tpu.enqueue_dma source(%dma_start3A_75 : memref<80xi32, #tpu.memory_space<hbm>>) target(%run_scoped3A_9 : memref<80xi32, #tpu.memory_space<vmem>>) target_semaphore(%run_scoped3A_25 : memref<!tpu.dma_semaphore, #tpu.memory_space<semaphore_mem>>)
      %dma_start3A_76 = arith.constant 3 : i32
      %dma_start3A_77 = arith.constant 0 : i32
      %dma_start3A_78 = arith.constant 0 : i32
      %dma_start3A_79 = tpu.memref_slice %arg3[%add3A, %dma_start3A_77, %dma_start3A_78] : memref<32x125x80xi32, #tpu.memory_space<hbm>> -> memref<1x125x80xi32, #tpu.memory_space<hbm>>
      %dma_start3A_80 = tpu.memref_squeeze %dma_start3A_79 : memref<1x125x80xi32, #tpu.memory_space<hbm>> -> memref<125x80xi32, #tpu.memory_space<hbm>>
      %dma_start3A_81 = arith.constant 0 : i32
      %dma_start3A_82 = tpu.memref_slice %dma_start3A_80[%dma_start3A_76, %dma_start3A_81] : memref<125x80xi32, #tpu.memory_space<hbm>> -> memref<1x80xi32, #tpu.memory_space<hbm>>
      %dma_start3A_83 = tpu.memref_squeeze %dma_start3A_82 : memref<1x80xi32, #tpu.memory_space<hbm>> -> memref<80xi32, #tpu.memory_space<hbm>>
      %dma_start3A_84 = arith.constant 0 : i32
      %dma_start3A_85 = arith.constant 0 : i32
      %dma_start3A_86 = tpu.memref_slice %arg3[%add3A, %dma_start3A_84, %dma_start3A_85] : memref<32x125x80xi32, #tpu.memory_space<hbm>> -> memref<1x125x80xi32, #tpu.memory_space<hbm>>
      %dma_start3A_87 = tpu.memref_squeeze %dma_start3A_86 : memref<1x125x80xi32, #tpu.memory_space<hbm>> -> memref<125x80xi32, #tpu.memory_space<hbm>>
      %dma_start3A_88 = arith.constant 0 : i32
      %dma_start3A_89 = tpu.memref_slice %dma_start3A_87[%dma_start3A_76, %dma_start3A_88] : memref<125x80xi32, #tpu.memory_space<hbm>> -> memref<1x80xi32, #tpu.memory_space<hbm>>
      %dma_start3A_90 = tpu.memref_squeeze %dma_start3A_89 : memref<1x80xi32, #tpu.memory_space<hbm>> -> memref<80xi32, #tpu.memory_space<hbm>>
      tpu.enqueue_dma source(%dma_start3A_90 : memref<80xi32, #tpu.memory_space<hbm>>) target(%run_scoped3A_10 : memref<80xi32, #tpu.memory_space<vmem>>) target_semaphore(%run_scoped3A_26 : memref<!tpu.dma_semaphore, #tpu.memory_space<semaphore_mem>>)
      %dma_start3A_91 = arith.constant 4 : i32
      %dma_start3A_92 = arith.constant 0 : i32
      %dma_start3A_93 = arith.constant 0 : i32
      %dma_start3A_94 = tpu.memref_slice %arg3[%add3A, %dma_start3A_92, %dma_start3A_93] : memref<32x125x80xi32, #tpu.memory_space<hbm>> -> memref<1x125x80xi32, #tpu.memory_space<hbm>>
      %dma_start3A_95 = tpu.memref_squeeze %dma_start3A_94 : memref<1x125x80xi32, #tpu.memory_space<hbm>> -> memref<125x80xi32, #tpu.memory_space<hbm>>
      %dma_start3A_96 = arith.constant 0 : i32
      %dma_start3A_97 = tpu.memref_slice %dma_start3A_95[%dma_start3A_91, %dma_start3A_96] : memref<125x80xi32, #tpu.memory_space<hbm>> -> memref<1x80xi32, #tpu.memory_space<hbm>>
      %dma_start3A_98 = tpu.memref_squeeze %dma_start3A_97 : memref<1x80xi32, #tpu.memory_space<hbm>> -> memref<80xi32, #tpu.memory_space<hbm>>
      %dma_start3A_99 = arith.constant 0 : i32
      %dma_start3A_100 = arith.constant 0 : i32
      %dma_start3A_101 = tpu.memref_slice %arg3[%add3A, %dma_start3A_99, %dma_start3A_100] : memref<32x125x80xi32, #tpu.memory_space<hbm>> -> memref<1x125x80xi32, #tpu.memory_space<hbm>>
      %dma_start3A_102 = tpu.memref_squeeze %dma_start3A_101 : memref<1x125x80xi32, #tpu.memory_space<hbm>> -> memref<125x80xi32, #tpu.memory_space<hbm>>
      %dma_start3A_103 = arith.constant 0 : i32
      %dma_start3A_104 = tpu.memref_slice %dma_start3A_102[%dma_start3A_91, %dma_start3A_103] : memref<125x80xi32, #tpu.memory_space<hbm>> -> memref<1x80xi32, #tpu.memory_space<hbm>>
      %dma_start3A_105 = tpu.memref_squeeze %dma_start3A_104 : memref<1x80xi32, #tpu.memory_space<hbm>> -> memref<80xi32, #tpu.memory_space<hbm>>
      tpu.enqueue_dma source(%dma_start3A_105 : memref<80xi32, #tpu.memory_space<hbm>>) target(%run_scoped3A_11 : memref<80xi32, #tpu.memory_space<vmem>>) target_semaphore(%run_scoped3A_27 : memref<!tpu.dma_semaphore, #tpu.memory_space<semaphore_mem>>)
      %dma_start3A_106 = arith.constant 5 : i32
      %dma_start3A_107 = arith.constant 0 : i32
      %dma_start3A_108 = arith.constant 0 : i32
      %dma_start3A_109 = tpu.memref_slice %arg3[%add3A, %dma_start3A_107, %dma_start3A_108] : memref<32x125x80xi32, #tpu.memory_space<hbm>> -> memref<1x125x80xi32, #tpu.memory_space<hbm>>
      %dma_start3A_110 = tpu.memref_squeeze %dma_start3A_109 : memref<1x125x80xi32, #tpu.memory_space<hbm>> -> memref<125x80xi32, #tpu.memory_space<hbm>>
      %dma_start3A_111 = arith.constant 0 : i32
      %dma_start3A_112 = tpu.memref_slice %dma_start3A_110[%dma_start3A_106, %dma_start3A_111] : memref<125x80xi32, #tpu.memory_space<hbm>> -> memref<1x80xi32, #tpu.memory_space<hbm>>
      %dma_start3A_113 = tpu.memref_squeeze %dma_start3A_112 : memref<1x80xi32, #tpu.memory_space<hbm>> -> memref<80xi32, #tpu.memory_space<hbm>>
      %dma_start3A_114 = arith.constant 0 : i32
      %dma_start3A_115 = arith.constant 0 : i32
      %dma_start3A_116 = tpu.memref_slice %arg3[%add3A, %dma_start3A_114, %dma_start3A_115] : memref<32x125x80xi32, #tpu.memory_space<hbm>> -> memref<1x125x80xi32, #tpu.memory_space<hbm>>
      %dma_start3A_117 = tpu.memref_squeeze %dma_start3A_116 : memref<1x125x80xi32, #tpu.memory_space<hbm>> -> memref<125x80xi32, #tpu.memory_space<hbm>>
      %dma_start3A_118 = arith.constant 0 : i32
      %dma_start3A_119 = tpu.memref_slice %dma_start3A_117[%dma_start3A_106, %dma_start3A_118] : memref<125x80xi32, #tpu.memory_space<hbm>> -> memref<1x80xi32, #tpu.memory_space<hbm>>
      %dma_start3A_120 = tpu.memref_squeeze %dma_start3A_119 : memref<1x80xi32, #tpu.memory_space<hbm>> -> memref<80xi32, #tpu.memory_space<hbm>>
      tpu.enqueue_dma source(%dma_start3A_120 : memref<80xi32, #tpu.memory_space<hbm>>) target(%run_scoped3A_12 : memref<80xi32, #tpu.memory_space<vmem>>) target_semaphore(%run_scoped3A_28 : memref<!tpu.dma_semaphore, #tpu.memory_space<semaphore_mem>>)
      %dma_start3A_121 = arith.constant 6 : i32
      %dma_start3A_122 = arith.constant 0 : i32
      %dma_start3A_123 = arith.constant 0 : i32
      %dma_start3A_124 = tpu.memref_slice %arg3[%add3A, %dma_start3A_122, %dma_start3A_123] : memref<32x125x80xi32, #tpu.memory_space<hbm>> -> memref<1x125x80xi32, #tpu.memory_space<hbm>>
      %dma_start3A_125 = tpu.memref_squeeze %dma_start3A_124 : memref<1x125x80xi32, #tpu.memory_space<hbm>> -> memref<125x80xi32, #tpu.memory_space<hbm>>
      %dma_start3A_126 = arith.constant 0 : i32
      %dma_start3A_127 = tpu.memref_slice %dma_start3A_125[%dma_start3A_121, %dma_start3A_126] : memref<125x80xi32, #tpu.memory_space<hbm>> -> memref<1x80xi32, #tpu.memory_space<hbm>>
      %dma_start3A_128 = tpu.memref_squeeze %dma_start3A_127 : memref<1x80xi32, #tpu.memory_space<hbm>> -> memref<80xi32, #tpu.memory_space<hbm>>
      %dma_start3A_129 = arith.constant 0 : i32
      %dma_start3A_130 = arith.constant 0 : i32
      %dma_start3A_131 = tpu.memref_slice %arg3[%add3A, %dma_start3A_129, %dma_start3A_130] : memref<32x125x80xi32, #tpu.memory_space<hbm>> -> memref<1x125x80xi32, #tpu.memory_space<hbm>>
      %dma_start3A_132 = tpu.memref_squeeze %dma_start3A_131 : memref<1x125x80xi32, #tpu.memory_space<hbm>> -> memref<125x80xi32, #tpu.memory_space<hbm>>
      %dma_start3A_133 = arith.constant 0 : i32
      %dma_start3A_134 = tpu.memref_slice %dma_start3A_132[%dma_start3A_121, %dma_start3A_133] : memref<125x80xi32, #tpu.memory_space<hbm>> -> memref<1x80xi32, #tpu.memory_space<hbm>>
      %dma_start3A_135 = tpu.memref_squeeze %dma_start3A_134 : memref<1x80xi32, #tpu.memory_space<hbm>> -> memref<80xi32, #tpu.memory_space<hbm>>
      tpu.enqueue_dma source(%dma_start3A_135 : memref<80xi32, #tpu.memory_space<hbm>>) target(%run_scoped3A_13 : memref<80xi32, #tpu.memory_space<vmem>>) target_semaphore(%run_scoped3A_29 : memref<!tpu.dma_semaphore, #tpu.memory_space<semaphore_mem>>)
      %dma_start3A_136 = arith.constant 7 : i32
      %dma_start3A_137 = arith.constant 0 : i32
      %dma_start3A_138 = arith.constant 0 : i32
      %dma_start3A_139 = tpu.memref_slice %arg3[%add3A, %dma_start3A_137, %dma_start3A_138] : memref<32x125x80xi32, #tpu.memory_space<hbm>> -> memref<1x125x80xi32, #tpu.memory_space<hbm>>
      %dma_start3A_140 = tpu.memref_squeeze %dma_start3A_139 : memref<1x125x80xi32, #tpu.memory_space<hbm>> -> memref<125x80xi32, #tpu.memory_space<hbm>>
      %dma_start3A_141 = arith.constant 0 : i32
      %dma_start3A_142 = tpu.memref_slice %dma_start3A_140[%dma_start3A_136, %dma_start3A_141] : memref<125x80xi32, #tpu.memory_space<hbm>> -> memref<1x80xi32, #tpu.memory_space<hbm>>
      %dma_start3A_143 = tpu.memref_squeeze %dma_start3A_142 : memref<1x80xi32, #tpu.memory_space<hbm>> -> memref<80xi32, #tpu.memory_space<hbm>>
      %dma_start3A_144 = arith.constant 0 : i32
      %dma_start3A_145 = arith.constant 0 : i32
      %dma_start3A_146 = tpu.memref_slice %arg3[%add3A, %dma_start3A_144, %dma_start3A_145] : memref<32x125x80xi32, #tpu.memory_space<hbm>> -> memref<1x125x80xi32, #tpu.memory_space<hbm>>
      %dma_start3A_147 = tpu.memref_squeeze %dma_start3A_146 : memref<1x125x80xi32, #tpu.memory_space<hbm>> -> memref<125x80xi32, #tpu.memory_space<hbm>>
      %dma_start3A_148 = arith.constant 0 : i32
      %dma_start3A_149 = tpu.memref_slice %dma_start3A_147[%dma_start3A_136, %dma_start3A_148] : memref<125x80xi32, #tpu.memory_space<hbm>> -> memref<1x80xi32, #tpu.memory_space<hbm>>
      %dma_start3A_150 = tpu.memref_squeeze %dma_start3A_149 : memref<1x80xi32, #tpu.memory_space<hbm>> -> memref<80xi32, #tpu.memory_space<hbm>>
      tpu.enqueue_dma source(%dma_start3A_150 : memref<80xi32, #tpu.memory_space<hbm>>) target(%run_scoped3A_14 : memref<80xi32, #tpu.memory_space<vmem>>) target_semaphore(%run_scoped3A_30 : memref<!tpu.dma_semaphore, #tpu.memory_space<semaphore_mem>>)
      %dma_wait3A = arith.constant 0 : i32
      %dma_wait3A_151 = arith.constant 0 : i32
      %dma_wait3A_152 = arith.constant 0 : i32
      %dma_wait3A_153 = tpu.memref_slice %arg3[%add3A, %dma_wait3A_151, %dma_wait3A_152] : memref<32x125x80xi32, #tpu.memory_space<hbm>> -> memref<1x125x80xi32, #tpu.memory_space<hbm>>
      %dma_wait3A_154 = tpu.memref_squeeze %dma_wait3A_153 : memref<1x125x80xi32, #tpu.memory_space<hbm>> -> memref<125x80xi32, #tpu.memory_space<hbm>>
      %dma_wait3A_155 = arith.constant 0 : i32
      %dma_wait3A_156 = tpu.memref_slice %dma_wait3A_154[%dma_wait3A, %dma_wait3A_155] : memref<125x80xi32, #tpu.memory_space<hbm>> -> memref<1x80xi32, #tpu.memory_space<hbm>>
      %dma_wait3A_157 = tpu.memref_squeeze %dma_wait3A_156 : memref<1x80xi32, #tpu.memory_space<hbm>> -> memref<80xi32, #tpu.memory_space<hbm>>
      %dma_wait3A_158 = arith.constant 0 : i32
      %dma_wait3A_159 = arith.constant 0 : i32
      %dma_wait3A_160 = tpu.memref_slice %arg3[%add3A, %dma_wait3A_158, %dma_wait3A_159] : memref<32x125x80xi32, #tpu.memory_space<hbm>> -> memref<1x125x80xi32, #tpu.memory_space<hbm>>
      %dma_wait3A_161 = tpu.memref_squeeze %dma_wait3A_160 : memref<1x125x80xi32, #tpu.memory_space<hbm>> -> memref<125x80xi32, #tpu.memory_space<hbm>>
      %dma_wait3A_162 = arith.constant 0 : i32
      %dma_wait3A_163 = tpu.memref_slice %dma_wait3A_161[%dma_wait3A, %dma_wait3A_162] : memref<125x80xi32, #tpu.memory_space<hbm>> -> memref<1x80xi32, #tpu.memory_space<hbm>>
      %dma_wait3A_164 = tpu.memref_squeeze %dma_wait3A_163 : memref<1x80xi32, #tpu.memory_space<hbm>> -> memref<80xi32, #tpu.memory_space<hbm>>
      tpu.wait_dma2 semaphore(%run_scoped3A_23 : memref<!tpu.dma_semaphore, #tpu.memory_space<semaphore_mem>>) src(%dma_wait3A_164 : memref<80xi32, #tpu.memory_space<hbm>>) dst(%run_scoped3A_7 : memref<80xi32, #tpu.memory_space<vmem>>)
      %dma_start3A_165 = arith.constant 0 : i32
      %dma_start3A_166 = arith.constant 0 : i32
      %dma_start3A_167 = tpu.memref_slice %arg2[%dma_start3A_165, %dma_start3A_166] : memref<10000x128xf32, #tpu.memory_space<hbm>> -> memref<10000x128xf32, #tpu.memory_space<hbm>>
      tpu.enqueue_indirect_dma source(%dma_start3A_167 : memref<10000x128xf32, #tpu.memory_space<hbm>>) target(%run_scoped3A : memref<80x128xf32, #tpu.memory_space<vmem>>) offsets(%run_scoped3A_7 : memref<80xi32, #tpu.memory_space<vmem>>) semaphore(%run_scoped3A_15 : memref<!tpu.dma_semaphore, #tpu.memory_space<semaphore_mem>>)
      %dma_start3A_168 = arith.constant 0 : i32
      %dma_start3A_169 = arith.constant 0 : i32
      %dma_start3A_170 = arith.constant 0 : i32
      %dma_start3A_171 = tpu.memref_slice %arg4[%add3A, %dma_start3A_169, %dma_start3A_170] : memref<32x125x80xi32, #tpu.memory_space<hbm>> -> memref<1x125x80xi32, #tpu.memory_space<hbm>>
      %dma_start3A_172 = tpu.memref_squeeze %dma_start3A_171 : memref<1x125x80xi32, #tpu.memory_space<hbm>> -> memref<125x80xi32, #tpu.memory_space<hbm>>
      %dma_start3A_173 = arith.constant 0 : i32
      %dma_start3A_174 = tpu.memref_slice %dma_start3A_172[%dma_start3A_168, %dma_start3A_173] : memref<125x80xi32, #tpu.memory_space<hbm>> -> memref<1x80xi32, #tpu.memory_space<hbm>>
      %dma_start3A_175 = tpu.memref_squeeze %dma_start3A_174 : memref<1x80xi32, #tpu.memory_space<hbm>> -> memref<80xi32, #tpu.memory_space<hbm>>
      %dma_start3A_176 = arith.constant 0 : i32
      %dma_start3A_177 = arith.constant 0 : i32
      %dma_start3A_178 = tpu.memref_slice %arg4[%add3A, %dma_start3A_176, %dma_start3A_177] : memref<32x125x80xi32, #tpu.memory_space<hbm>> -> memref<1x125x80xi32, #tpu.memory_space<hbm>>
      %dma_start3A_179 = tpu.memref_squeeze %dma_start3A_178 : memref<1x125x80xi32, #tpu.memory_space<hbm>> -> memref<125x80xi32, #tpu.memory_space<hbm>>
      %dma_start3A_180 = arith.constant 0 : i32
      %dma_start3A_181 = tpu.memref_slice %dma_start3A_179[%dma_start3A_168, %dma_start3A_180] : memref<125x80xi32, #tpu.memory_space<hbm>> -> memref<1x80xi32, #tpu.memory_space<hbm>>
      %dma_start3A_182 = tpu.memref_squeeze %dma_start3A_181 : memref<1x80xi32, #tpu.memory_space<hbm>> -> memref<80xi32, #tpu.memory_space<hbm>>
      tpu.enqueue_dma source(%dma_start3A_182 : memref<80xi32, #tpu.memory_space<hbm>>) target(%run_scoped3A_3 : memref<80xi32, #tpu.memory_space<vmem>>) target_semaphore(%run_scoped3A_19 : memref<!tpu.dma_semaphore, #tpu.memory_space<semaphore_mem>>)
      %dma_wait3A_183 = arith.constant 1 : i32
      %dma_wait3A_184 = arith.constant 0 : i32
      %dma_wait3A_185 = arith.constant 0 : i32
      %dma_wait3A_186 = tpu.memref_slice %arg3[%add3A, %dma_wait3A_184, %dma_wait3A_185] : memref<32x125x80xi32, #tpu.memory_space<hbm>> -> memref<1x125x80xi32, #tpu.memory_space<hbm>>
      %dma_wait3A_187 = tpu.memref_squeeze %dma_wait3A_186 : memref<1x125x80xi32, #tpu.memory_space<hbm>> -> memref<125x80xi32, #tpu.memory_space<hbm>>
      %dma_wait3A_188 = arith.constant 0 : i32
      %dma_wait3A_189 = tpu.memref_slice %dma_wait3A_187[%dma_wait3A_183, %dma_wait3A_188] : memref<125x80xi32, #tpu.memory_space<hbm>> -> memref<1x80xi32, #tpu.memory_space<hbm>>
      %dma_wait3A_190 = tpu.memref_squeeze %dma_wait3A_189 : memref<1x80xi32, #tpu.memory_space<hbm>> -> memref<80xi32, #tpu.memory_space<hbm>>
      %dma_wait3A_191 = arith.constant 0 : i32
      %dma_wait3A_192 = arith.constant 0 : i32
      %dma_wait3A_193 = tpu.memref_slice %arg3[%add3A, %dma_wait3A_191, %dma_wait3A_192] : memref<32x125x80xi32, #tpu.memory_space<hbm>> -> memref<1x125x80xi32, #tpu.memory_space<hbm>>
      %dma_wait3A_194 = tpu.memref_squeeze %dma_wait3A_193 : memref<1x125x80xi32, #tpu.memory_space<hbm>> -> memref<125x80xi32, #tpu.memory_space<hbm>>
      %dma_wait3A_195 = arith.constant 0 : i32
      %dma_wait3A_196 = tpu.memref_slice %dma_wait3A_194[%dma_wait3A_183, %dma_wait3A_195] : memref<125x80xi32, #tpu.memory_space<hbm>> -> memref<1x80xi32, #tpu.memory_space<hbm>>
      %dma_wait3A_197 = tpu.memref_squeeze %dma_wait3A_196 : memref<1x80xi32, #tpu.memory_space<hbm>> -> memref<80xi32, #tpu.memory_space<hbm>>
      tpu.wait_dma2 semaphore(%run_scoped3A_24 : memref<!tpu.dma_semaphore, #tpu.memory_space<semaphore_mem>>) src(%dma_wait3A_197 : memref<80xi32, #tpu.memory_space<hbm>>) dst(%run_scoped3A_8 : memref<80xi32, #tpu.memory_space<vmem>>)
      %dma_start3A_198 = arith.constant 0 : i32
      %dma_start3A_199 = arith.constant 0 : i32
      %dma_start3A_200 = tpu.memref_slice %arg2[%dma_start3A_198, %dma_start3A_199] : memref<10000x128xf32, #tpu.memory_space<hbm>> -> memref<10000x128xf32, #tpu.memory_space<hbm>>
      tpu.enqueue_indirect_dma source(%dma_start3A_200 : memref<10000x128xf32, #tpu.memory_space<hbm>>) target(%run_scoped3A_0 : memref<80x128xf32, #tpu.memory_space<vmem>>) offsets(%run_scoped3A_8 : memref<80xi32, #tpu.memory_space<vmem>>) semaphore(%run_scoped3A_16 : memref<!tpu.dma_semaphore, #tpu.memory_space<semaphore_mem>>)
      %dma_start3A_201 = arith.constant 1 : i32
      %dma_start3A_202 = arith.constant 0 : i32
      %dma_start3A_203 = arith.constant 0 : i32
      %dma_start3A_204 = tpu.memref_slice %arg4[%add3A, %dma_start3A_202, %dma_start3A_203] : memref<32x125x80xi32, #tpu.memory_space<hbm>> -> memref<1x125x80xi32, #tpu.memory_space<hbm>>
      %dma_start3A_205 = tpu.memref_squeeze %dma_start3A_204 : memref<1x125x80xi32, #tpu.memory_space<hbm>> -> memref<125x80xi32, #tpu.memory_space<hbm>>
      %dma_start3A_206 = arith.constant 0 : i32
      %dma_start3A_207 = tpu.memref_slice %dma_start3A_205[%dma_start3A_201, %dma_start3A_206] : memref<125x80xi32, #tpu.memory_space<hbm>> -> memref<1x80xi32, #tpu.memory_space<hbm>>
      %dma_start3A_208 = tpu.memref_squeeze %dma_start3A_207 : memref<1x80xi32, #tpu.memory_space<hbm>> -> memref<80xi32, #tpu.memory_space<hbm>>
      %dma_start3A_209 = arith.constant 0 : i32
      %dma_start3A_210 = arith.constant 0 : i32
      %dma_start3A_211 = tpu.memref_slice %arg4[%add3A, %dma_start3A_209, %dma_start3A_210] : memref<32x125x80xi32, #tpu.memory_space<hbm>> -> memref<1x125x80xi32, #tpu.memory_space<hbm>>
      %dma_start3A_212 = tpu.memref_squeeze %dma_start3A_211 : memref<1x125x80xi32, #tpu.memory_space<hbm>> -> memref<125x80xi32, #tpu.memory_space<hbm>>
      %dma_start3A_213 = arith.constant 0 : i32
      %dma_start3A_214 = tpu.memref_slice %dma_start3A_212[%dma_start3A_201, %dma_start3A_213] : memref<125x80xi32, #tpu.memory_space<hbm>> -> memref<1x80xi32, #tpu.memory_space<hbm>>
      %dma_start3A_215 = tpu.memref_squeeze %dma_start3A_214 : memref<1x80xi32, #tpu.memory_space<hbm>> -> memref<80xi32, #tpu.memory_space<hbm>>
      tpu.enqueue_dma source(%dma_start3A_215 : memref<80xi32, #tpu.memory_space<hbm>>) target(%run_scoped3A_4 : memref<80xi32, #tpu.memory_space<vmem>>) target_semaphore(%run_scoped3A_20 : memref<!tpu.dma_semaphore, #tpu.memory_space<semaphore_mem>>)
      %dma_wait3A_216 = arith.constant 2 : i32
      %dma_wait3A_217 = arith.constant 0 : i32
      %dma_wait3A_218 = arith.constant 0 : i32
      %dma_wait3A_219 = tpu.memref_slice %arg3[%add3A, %dma_wait3A_217, %dma_wait3A_218] : memref<32x125x80xi32, #tpu.memory_space<hbm>> -> memref<1x125x80xi32, #tpu.memory_space<hbm>>
      %dma_wait3A_220 = tpu.memref_squeeze %dma_wait3A_219 : memref<1x125x80xi32, #tpu.memory_space<hbm>> -> memref<125x80xi32, #tpu.memory_space<hbm>>
      %dma_wait3A_221 = arith.constant 0 : i32
      %dma_wait3A_222 = tpu.memref_slice %dma_wait3A_220[%dma_wait3A_216, %dma_wait3A_221] : memref<125x80xi32, #tpu.memory_space<hbm>> -> memref<1x80xi32, #tpu.memory_space<hbm>>
      %dma_wait3A_223 = tpu.memref_squeeze %dma_wait3A_222 : memref<1x80xi32, #tpu.memory_space<hbm>> -> memref<80xi32, #tpu.memory_space<hbm>>
      %dma_wait3A_224 = arith.constant 0 : i32
      %dma_wait3A_225 = arith.constant 0 : i32
      %dma_wait3A_226 = tpu.memref_slice %arg3[%add3A, %dma_wait3A_224, %dma_wait3A_225] : memref<32x125x80xi32, #tpu.memory_space<hbm>> -> memref<1x125x80xi32, #tpu.memory_space<hbm>>
      %dma_wait3A_227 = tpu.memref_squeeze %dma_wait3A_226 : memref<1x125x80xi32, #tpu.memory_space<hbm>> -> memref<125x80xi32, #tpu.memory_space<hbm>>
      %dma_wait3A_228 = arith.constant 0 : i32
      %dma_wait3A_229 = tpu.memref_slice %dma_wait3A_227[%dma_wait3A_216, %dma_wait3A_228] : memref<125x80xi32, #tpu.memory_space<hbm>> -> memref<1x80xi32, #tpu.memory_space<hbm>>
      %dma_wait3A_230 = tpu.memref_squeeze %dma_wait3A_229 : memref<1x80xi32, #tpu.memory_space<hbm>> -> memref<80xi32, #tpu.memory_space<hbm>>
      tpu.wait_dma2 semaphore(%run_scoped3A_25 : memref<!tpu.dma_semaphore, #tpu.memory_space<semaphore_mem>>) src(%dma_wait3A_230 : memref<80xi32, #tpu.memory_space<hbm>>) dst(%run_scoped3A_9 : memref<80xi32, #tpu.memory_space<vmem>>)
      %dma_start3A_231 = arith.constant 0 : i32
      %dma_start3A_232 = arith.constant 0 : i32
      %dma_start3A_233 = tpu.memref_slice %arg2[%dma_start3A_231, %dma_start3A_232] : memref<10000x128xf32, #tpu.memory_space<hbm>> -> memref<10000x128xf32, #tpu.memory_space<hbm>>
      tpu.enqueue_indirect_dma source(%dma_start3A_233 : memref<10000x128xf32, #tpu.memory_space<hbm>>) target(%run_scoped3A_1 : memref<80x128xf32, #tpu.memory_space<vmem>>) offsets(%run_scoped3A_9 : memref<80xi32, #tpu.memory_space<vmem>>) semaphore(%run_scoped3A_17 : memref<!tpu.dma_semaphore, #tpu.memory_space<semaphore_mem>>)
      %dma_start3A_234 = arith.constant 2 : i32
      %dma_start3A_235 = arith.constant 0 : i32
      %dma_start3A_236 = arith.constant 0 : i32
      %dma_start3A_237 = tpu.memref_slice %arg4[%add3A, %dma_start3A_235, %dma_start3A_236] : memref<32x125x80xi32, #tpu.memory_space<hbm>> -> memref<1x125x80xi32, #tpu.memory_space<hbm>>
      %dma_start3A_238 = tpu.memref_squeeze %dma_start3A_237 : memref<1x125x80xi32, #tpu.memory_space<hbm>> -> memref<125x80xi32, #tpu.memory_space<hbm>>
      %dma_start3A_239 = arith.constant 0 : i32
      %dma_start3A_240 = tpu.memref_slice %dma_start3A_238[%dma_start3A_234, %dma_start3A_239] : memref<125x80xi32, #tpu.memory_space<hbm>> -> memref<1x80xi32, #tpu.memory_space<hbm>>
      %dma_start3A_241 = tpu.memref_squeeze %dma_start3A_240 : memref<1x80xi32, #tpu.memory_space<hbm>> -> memref<80xi32, #tpu.memory_space<hbm>>
      %dma_start3A_242 = arith.constant 0 : i32
      %dma_start3A_243 = arith.constant 0 : i32
      %dma_start3A_244 = tpu.memref_slice %arg4[%add3A, %dma_start3A_242, %dma_start3A_243] : memref<32x125x80xi32, #tpu.memory_space<hbm>> -> memref<1x125x80xi32, #tpu.memory_space<hbm>>
      %dma_start3A_245 = tpu.memref_squeeze %dma_start3A_244 : memref<1x125x80xi32, #tpu.memory_space<hbm>> -> memref<125x80xi32, #tpu.memory_space<hbm>>
      %dma_start3A_246 = arith.constant 0 : i32
      %dma_start3A_247 = tpu.memref_slice %dma_start3A_245[%dma_start3A_234, %dma_start3A_246] : memref<125x80xi32, #tpu.memory_space<hbm>> -> memref<1x80xi32, #tpu.memory_space<hbm>>
      %dma_start3A_248 = tpu.memref_squeeze %dma_start3A_247 : memref<1x80xi32, #tpu.memory_space<hbm>> -> memref<80xi32, #tpu.memory_space<hbm>>
      tpu.enqueue_dma source(%dma_start3A_248 : memref<80xi32, #tpu.memory_space<hbm>>) target(%run_scoped3A_5 : memref<80xi32, #tpu.memory_space<vmem>>) target_semaphore(%run_scoped3A_21 : memref<!tpu.dma_semaphore, #tpu.memory_space<semaphore_mem>>)
      %dma_wait3A_249 = arith.constant 3 : i32
      %dma_wait3A_250 = arith.constant 0 : i32
      %dma_wait3A_251 = arith.constant 0 : i32
      %dma_wait3A_252 = tpu.memref_slice %arg3[%add3A, %dma_wait3A_250, %dma_wait3A_251] : memref<32x125x80xi32, #tpu.memory_space<hbm>> -> memref<1x125x80xi32, #tpu.memory_space<hbm>>
      %dma_wait3A_253 = tpu.memref_squeeze %dma_wait3A_252 : memref<1x125x80xi32, #tpu.memory_space<hbm>> -> memref<125x80xi32, #tpu.memory_space<hbm>>
      %dma_wait3A_254 = arith.constant 0 : i32
      %dma_wait3A_255 = tpu.memref_slice %dma_wait3A_253[%dma_wait3A_249, %dma_wait3A_254] : memref<125x80xi32, #tpu.memory_space<hbm>> -> memref<1x80xi32, #tpu.memory_space<hbm>>
      %dma_wait3A_256 = tpu.memref_squeeze %dma_wait3A_255 : memref<1x80xi32, #tpu.memory_space<hbm>> -> memref<80xi32, #tpu.memory_space<hbm>>
      %dma_wait3A_257 = arith.constant 0 : i32
      %dma_wait3A_258 = arith.constant 0 : i32
      %dma_wait3A_259 = tpu.memref_slice %arg3[%add3A, %dma_wait3A_257, %dma_wait3A_258] : memref<32x125x80xi32, #tpu.memory_space<hbm>> -> memref<1x125x80xi32, #tpu.memory_space<hbm>>
      %dma_wait3A_260 = tpu.memref_squeeze %dma_wait3A_259 : memref<1x125x80xi32, #tpu.memory_space<hbm>> -> memref<125x80xi32, #tpu.memory_space<hbm>>
      %dma_wait3A_261 = arith.constant 0 : i32
      %dma_wait3A_262 = tpu.memref_slice %dma_wait3A_260[%dma_wait3A_249, %dma_wait3A_261] : memref<125x80xi32, #tpu.memory_space<hbm>> -> memref<1x80xi32, #tpu.memory_space<hbm>>
      %dma_wait3A_263 = tpu.memref_squeeze %dma_wait3A_262 : memref<1x80xi32, #tpu.memory_space<hbm>> -> memref<80xi32, #tpu.memory_space<hbm>>
      tpu.wait_dma2 semaphore(%run_scoped3A_26 : memref<!tpu.dma_semaphore, #tpu.memory_space<semaphore_mem>>) src(%dma_wait3A_263 : memref<80xi32, #tpu.memory_space<hbm>>) dst(%run_scoped3A_10 : memref<80xi32, #tpu.memory_space<vmem>>)
      %dma_start3A_264 = arith.constant 0 : i32
      %dma_start3A_265 = arith.constant 0 : i32
      %dma_start3A_266 = tpu.memref_slice %arg2[%dma_start3A_264, %dma_start3A_265] : memref<10000x128xf32, #tpu.memory_space<hbm>> -> memref<10000x128xf32, #tpu.memory_space<hbm>>
      tpu.enqueue_indirect_dma source(%dma_start3A_266 : memref<10000x128xf32, #tpu.memory_space<hbm>>) target(%run_scoped3A_2 : memref<80x128xf32, #tpu.memory_space<vmem>>) offsets(%run_scoped3A_10 : memref<80xi32, #tpu.memory_space<vmem>>) semaphore(%run_scoped3A_18 : memref<!tpu.dma_semaphore, #tpu.memory_space<semaphore_mem>>)
      %dma_start3A_267 = arith.constant 3 : i32
      %dma_start3A_268 = arith.constant 0 : i32
      %dma_start3A_269 = arith.constant 0 : i32
      %dma_start3A_270 = tpu.memref_slice %arg4[%add3A, %dma_start3A_268, %dma_start3A_269] : memref<32x125x80xi32, #tpu.memory_space<hbm>> -> memref<1x125x80xi32, #tpu.memory_space<hbm>>
      %dma_start3A_271 = tpu.memref_squeeze %dma_start3A_270 : memref<1x125x80xi32, #tpu.memory_space<hbm>> -> memref<125x80xi32, #tpu.memory_space<hbm>>
      %dma_start3A_272 = arith.constant 0 : i32
      %dma_start3A_273 = tpu.memref_slice %dma_start3A_271[%dma_start3A_267, %dma_start3A_272] : memref<125x80xi32, #tpu.memory_space<hbm>> -> memref<1x80xi32, #tpu.memory_space<hbm>>
      %dma_start3A_274 = tpu.memref_squeeze %dma_start3A_273 : memref<1x80xi32, #tpu.memory_space<hbm>> -> memref<80xi32, #tpu.memory_space<hbm>>
      %dma_start3A_275 = arith.constant 0 : i32
      %dma_start3A_276 = arith.constant 0 : i32
      %dma_start3A_277 = tpu.memref_slice %arg4[%add3A, %dma_start3A_275, %dma_start3A_276] : memref<32x125x80xi32, #tpu.memory_space<hbm>> -> memref<1x125x80xi32, #tpu.memory_space<hbm>>
      %dma_start3A_278 = tpu.memref_squeeze %dma_start3A_277 : memref<1x125x80xi32, #tpu.memory_space<hbm>> -> memref<125x80xi32, #tpu.memory_space<hbm>>
      %dma_start3A_279 = arith.constant 0 : i32
      %dma_start3A_280 = tpu.memref_slice %dma_start3A_278[%dma_start3A_267, %dma_start3A_279] : memref<125x80xi32, #tpu.memory_space<hbm>> -> memref<1x80xi32, #tpu.memory_space<hbm>>
      %dma_start3A_281 = tpu.memref_squeeze %dma_start3A_280 : memref<1x80xi32, #tpu.memory_space<hbm>> -> memref<80xi32, #tpu.memory_space<hbm>>
      tpu.enqueue_dma source(%dma_start3A_281 : memref<80xi32, #tpu.memory_space<hbm>>) target(%run_scoped3A_6 : memref<80xi32, #tpu.memory_space<vmem>>) target_semaphore(%run_scoped3A_22 : memref<!tpu.dma_semaphore, #tpu.memory_space<semaphore_mem>>)
      %sub3A = arith.constant 625 : i32
      %sub3A_282 = arith.subi %sub3A, %arg1 : i32
      %sub3A_283 = arith.constant 16 : i32
      %sub3A_284 = arith.constant 1 : i32
      %sub3A_285 = arith.subi %sub3A_283, %sub3A_284 : i32
      %add3A_286 = arith.addi %sub3A_282, %sub3A_285 : i32
      %div3A = arith.constant 16 : i32
      %div3A_287 = arith.divsi %add3A_286, %div3A : i32
      %while3A = arith.constant 16 : i32
      %while3A_288 = arith.constant 0 : i32
      %while3A_289 = arith.subi %div3A_287, %while3A_288 : i32
      %while3A_290 = arith.addi %while3A_288, %while3A_289 : i32
      %while3A_291 = arith.constant 1 : i32
      %while3A_292 = arith.divsi %while3A_289, %while3A_291 : i32
      %while3A_293 = arith.muli %while3A_292, %while3A_291 : i32
      %while3A_294 = arith.addi %while3A_288, %while3A_293 : i32
      %while3A_295 = arith.constant 1 : i32
      scf.for %while3A_320 = %while3A_288 to %while3A_294 step %while3A_295  : i32 {
        %mul3A_321 = arith.muli %while3A_320, %while3A : i32
        %add3A_322 = arith.addi %arg1, %mul3A_321 : i32
        %mul3A_323 = arith.constant 16 : i32
        %mul3A_324 = arith.muli %add3A_322, %mul3A_323 : i32
        %mul3A_325 = arith.constant 16 : i32
        %mul3A_326 = arith.muli %add3A_322, %mul3A_325 : i32
        "tpu.region"() ({
          %run_scoped3A_327 = tpu.sem_alloc : memref<!tpu.dma_semaphore, #tpu.memory_space<semaphore_mem>>
          %dma_start3A_328 = arith.constant 0 : i32
          %dma_start3A_329 = tpu.memref_slice %arg7[%mul3A_326, %dma_start3A_328] : memref<10000x128xf32, #tpu.memory_space<vmem_shared>> -> memref<16x128xf32, #tpu.memory_space<vmem_shared>>
          %dma_start3A_330 = arith.constant 0 : i32
          %dma_start3A_331 = tpu.memref_slice %arg5[%mul3A_324, %dma_start3A_330] : memref<10000x128xf32, #tpu.memory_space<hbm>> -> memref<16x128xf32, #tpu.memory_space<hbm>>
          tpu.enqueue_dma source(%dma_start3A_331 : memref<16x128xf32, #tpu.memory_space<hbm>>) target(%dma_start3A_329 : memref<16x128xf32, #tpu.memory_space<vmem_shared>>) target_semaphore(%run_scoped3A_327 : memref<!tpu.dma_semaphore, #tpu.memory_space<semaphore_mem>>)
          %dma_wait3A_332 = arith.constant 0 : i32
          %dma_wait3A_333 = tpu.memref_slice %arg7[%mul3A_326, %dma_wait3A_332] : memref<10000x128xf32, #tpu.memory_space<vmem_shared>> -> memref<16x128xf32, #tpu.memory_space<vmem_shared>>
          %dma_wait3A_334 = arith.constant 0 : i32
          %dma_wait3A_335 = tpu.memref_slice %arg5[%mul3A_324, %dma_wait3A_334] : memref<10000x128xf32, #tpu.memory_space<hbm>> -> memref<16x128xf32, #tpu.memory_space<hbm>>
          tpu.wait_dma2 semaphore(%run_scoped3A_327 : memref<!tpu.dma_semaphore, #tpu.memory_space<semaphore_mem>>) src(%dma_wait3A_335 : memref<16x128xf32, #tpu.memory_space<hbm>>) dst(%dma_wait3A_333 : memref<16x128xf32, #tpu.memory_space<vmem_shared>>)
          tpu.yield
        }) : () -> ()
      }
      %while3A_296 = arith.constant 1 : i32
      scf.for %while3A_320 = %while3A_294 to %while3A_290 step %while3A_296  : i32 {
        %mul3A_321 = arith.muli %while3A_320, %while3A : i32
        %add3A_322 = arith.addi %arg1, %mul3A_321 : i32
        %mul3A_323 = arith.constant 16 : i32
        %mul3A_324 = arith.muli %add3A_322, %mul3A_323 : i32
        %mul3A_325 = arith.constant 16 : i32
        %mul3A_326 = arith.muli %add3A_322, %mul3A_325 : i32
        "tpu.region"() ({
          %run_scoped3A_327 = tpu.sem_alloc : memref<!tpu.dma_semaphore, #tpu.memory_space<semaphore_mem>>
          %dma_start3A_328 = arith.constant 0 : i32
          %dma_start3A_329 = tpu.memref_slice %arg7[%mul3A_326, %dma_start3A_328] : memref<10000x128xf32, #tpu.memory_space<vmem_shared>> -> memref<16x128xf32, #tpu.memory_space<vmem_shared>>
          %dma_start3A_330 = arith.constant 0 : i32
          %dma_start3A_331 = tpu.memref_slice %arg5[%mul3A_324, %dma_start3A_330] : memref<10000x128xf32, #tpu.memory_space<hbm>> -> memref<16x128xf32, #tpu.memory_space<hbm>>
          tpu.enqueue_dma source(%dma_start3A_331 : memref<16x128xf32, #tpu.memory_space<hbm>>) target(%dma_start3A_329 : memref<16x128xf32, #tpu.memory_space<vmem_shared>>) target_semaphore(%run_scoped3A_327 : memref<!tpu.dma_semaphore, #tpu.memory_space<semaphore_mem>>)
          %dma_wait3A_332 = arith.constant 0 : i32
          %dma_wait3A_333 = tpu.memref_slice %arg7[%mul3A_326, %dma_wait3A_332] : memref<10000x128xf32, #tpu.memory_space<vmem_shared>> -> memref<16x128xf32, #tpu.memory_space<vmem_shared>>
          %dma_wait3A_334 = arith.constant 0 : i32
          %dma_wait3A_335 = tpu.memref_slice %arg5[%mul3A_324, %dma_wait3A_334] : memref<10000x128xf32, #tpu.memory_space<hbm>> -> memref<16x128xf32, #tpu.memory_space<hbm>>
          tpu.wait_dma2 semaphore(%run_scoped3A_327 : memref<!tpu.dma_semaphore, #tpu.memory_space<semaphore_mem>>) src(%dma_wait3A_335 : memref<16x128xf32, #tpu.memory_space<hbm>>) dst(%dma_wait3A_333 : memref<16x128xf32, #tpu.memory_space<vmem_shared>>)
          tpu.yield
        }) : () -> ()
      }
      %barrier3A = arith.constant 0 : index
      tpu.barrier barrier_id(%barrier3A)
      %scan3A = arith.constant 0 : i32
      %scan3A_297 = arith.constant 16 : i32
      %scan3A_298 = arith.addi %scan3A, %scan3A_297 : i32
      %scan3A_299 = arith.constant 1 : i32
      scf.for %scan3A_320 = %scan3A to %scan3A_298 step %scan3A_299  : i32 {
        %mul3A_321 = arith.constant 8 : i32
        %mul3A_322 = arith.muli %scan3A_320, %mul3A_321 : i32
        %add3A_323 = arith.constant 0 : i32
        %add3A_324 = arith.addi %add3A_323, %mul3A_322 : i32
        %add3A_325 = arith.constant 0 : i32
        %add3A_326 = arith.addi %add3A_324, %add3A_325 : i32
        %lt3A = arith.constant 125 : i32
        %lt3A_327 = arith.cmpi slt, %add3A_326, %lt3A : i32
        %convert_element_type3A = arith.extui %lt3A_327 : i1 to i32
        %cond3A = arith.constant 0 : i32
        %cond3A_328 = arith.cmpi ne, %convert_element_type3A, %cond3A : i32
        scf.if %cond3A_328 {
          %dma_wait3A_378 = arith.constant 0 : i32
          %dma_wait3A_379 = arith.constant 0 : i32
          %dma_wait3A_380 = tpu.memref_slice %arg2[%dma_wait3A_378, %dma_wait3A_379] : memref<10000x128xf32, #tpu.memory_space<hbm>> -> memref<80x128xf32, #tpu.memory_space<hbm>>
          %dma_wait3A_381 = arith.constant 0 : i32
          %dma_wait3A_382 = arith.constant 0 : i32
          %dma_wait3A_383 = tpu.memref_slice %arg2[%dma_wait3A_381, %dma_wait3A_382] : memref<10000x128xf32, #tpu.memory_space<hbm>> -> memref<80x128xf32, #tpu.memory_space<hbm>>
          tpu.wait_dma2 semaphore(%run_scoped3A_15 : memref<!tpu.dma_semaphore, #tpu.memory_space<semaphore_mem>>) src(%dma_wait3A_383 : memref<80x128xf32, #tpu.memory_space<hbm>>) dst(%run_scoped3A : memref<80x128xf32, #tpu.memory_space<vmem>>)
          %dma_wait3A_384 = arith.constant 0 : i32
          %dma_wait3A_385 = arith.constant 0 : i32
          %dma_wait3A_386 = tpu.memref_slice %arg4[%add3A, %dma_wait3A_384, %dma_wait3A_385] : memref<32x125x80xi32, #tpu.memory_space<hbm>> -> memref<1x125x80xi32, #tpu.memory_space<hbm>>
          %dma_wait3A_387 = tpu.memref_squeeze %dma_wait3A_386 : memref<1x125x80xi32, #tpu.memory_space<hbm>> -> memref<125x80xi32, #tpu.memory_space<hbm>>
          %dma_wait3A_388 = arith.constant 0 : i32
          %dma_wait3A_389 = tpu.memref_slice %dma_wait3A_387[%add3A_326, %dma_wait3A_388] : memref<125x80xi32, #tpu.memory_space<hbm>> -> memref<1x80xi32, #tpu.memory_space<hbm>>
          %dma_wait3A_390 = tpu.memref_squeeze %dma_wait3A_389 : memref<1x80xi32, #tpu.memory_space<hbm>> -> memref<80xi32, #tpu.memory_space<hbm>>
          %dma_wait3A_391 = arith.constant 0 : i32
          %dma_wait3A_392 = arith.constant 0 : i32
          %dma_wait3A_393 = tpu.memref_slice %arg4[%add3A, %dma_wait3A_391, %dma_wait3A_392] : memref<32x125x80xi32, #tpu.memory_space<hbm>> -> memref<1x125x80xi32, #tpu.memory_space<hbm>>
          %dma_wait3A_394 = tpu.memref_squeeze %dma_wait3A_393 : memref<1x125x80xi32, #tpu.memory_space<hbm>> -> memref<125x80xi32, #tpu.memory_space<hbm>>
          %dma_wait3A_395 = arith.constant 0 : i32
          %dma_wait3A_396 = tpu.memref_slice %dma_wait3A_394[%add3A_326, %dma_wait3A_395] : memref<125x80xi32, #tpu.memory_space<hbm>> -> memref<1x80xi32, #tpu.memory_space<hbm>>
          %dma_wait3A_397 = tpu.memref_squeeze %dma_wait3A_396 : memref<1x80xi32, #tpu.memory_space<hbm>> -> memref<80xi32, #tpu.memory_space<hbm>>
          tpu.wait_dma2 semaphore(%run_scoped3A_19 : memref<!tpu.dma_semaphore, #tpu.memory_space<semaphore_mem>>) src(%dma_wait3A_397 : memref<80xi32, #tpu.memory_space<hbm>>) dst(%run_scoped3A_3 : memref<80xi32, #tpu.memory_space<vmem>>)
          "tpu.region"() ({
            %run_scoped3A_412 = tpu.sem_alloc : memref<!tpu.dma_semaphore, #tpu.memory_space<semaphore_mem>>
            %dma_start3A_413 = arith.constant 0 : i32
            %dma_start3A_414 = arith.constant 0 : i32
            %dma_start3A_415 = tpu.memref_slice %arg7[%dma_start3A_413, %dma_start3A_414] : memref<10000x128xf32, #tpu.memory_space<vmem_shared>> -> memref<10000x128xf32, #tpu.memory_space<vmem_shared>>
            tpu.enqueue_indirect_dma source(%run_scoped3A : memref<80x128xf32, #tpu.memory_space<vmem>>) target(%dma_start3A_415 : memref<10000x128xf32, #tpu.memory_space<vmem_shared>>) offsets(%run_scoped3A_3 : memref<80xi32, #tpu.memory_space<vmem>>) semaphore(%run_scoped3A_412 : memref<!tpu.dma_semaphore, #tpu.memory_space<semaphore_mem>>) {add = true}
            %dma_wait3A_416 = arith.constant 0 : i32
            %dma_wait3A_417 = arith.constant 0 : i32
            %dma_wait3A_418 = tpu.memref_slice %arg7[%dma_wait3A_416, %dma_wait3A_417] : memref<10000x128xf32, #tpu.memory_space<vmem_shared>> -> memref<10000x128xf32, #tpu.memory_space<vmem_shared>>
            tpu.wait_indirect_dma semaphore(%run_scoped3A_412 : memref<!tpu.dma_semaphore, #tpu.memory_space<semaphore_mem>>) src(%run_scoped3A : memref<80x128xf32, #tpu.memory_space<vmem>>) dst(%dma_wait3A_418 : memref<10000x128xf32, #tpu.memory_space<vmem_shared>>)
            tpu.yield
          }) : () -> ()
          %add3A_398 = arith.constant 4 : i32
          %add3A_399 = arith.addi %add3A_326, %add3A_398 : i32
          %lt3A_400 = arith.constant 125 : i32
          %lt3A_401 = arith.cmpi slt, %add3A_399, %lt3A_400 : i32
          %convert_element_type3A_402 = arith.extui %lt3A_401 : i1 to i32
          %cond3A_403 = arith.constant 0 : i32
          %cond3A_404 = arith.cmpi ne, %convert_element_type3A_402, %cond3A_403 : i32
          scf.if %cond3A_404 {
            %add3A_412 = arith.constant 4 : i32
            %add3A_413 = arith.addi %add3A_326, %add3A_412 : i32
            %dma_wait3A_414 = arith.constant 0 : i32
            %dma_wait3A_415 = arith.constant 0 : i32
            %dma_wait3A_416 = tpu.memref_slice %arg3[%add3A, %dma_wait3A_414, %dma_wait3A_415] : memref<32x125x80xi32, #tpu.memory_space<hbm>> -> memref<1x125x80xi32, #tpu.memory_space<hbm>>
            %dma_wait3A_417 = tpu.memref_squeeze %dma_wait3A_416 : memref<1x125x80xi32, #tpu.memory_space<hbm>> -> memref<125x80xi32, #tpu.memory_space<hbm>>
            %dma_wait3A_418 = arith.constant 0 : i32
            %dma_wait3A_419 = tpu.memref_slice %dma_wait3A_417[%add3A_413, %dma_wait3A_418] : memref<125x80xi32, #tpu.memory_space<hbm>> -> memref<1x80xi32, #tpu.memory_space<hbm>>
            %dma_wait3A_420 = tpu.memref_squeeze %dma_wait3A_419 : memref<1x80xi32, #tpu.memory_space<hbm>> -> memref<80xi32, #tpu.memory_space<hbm>>
            %dma_wait3A_421 = arith.constant 0 : i32
            %dma_wait3A_422 = arith.constant 0 : i32
            %dma_wait3A_423 = tpu.memref_slice %arg3[%add3A, %dma_wait3A_421, %dma_wait3A_422] : memref<32x125x80xi32, #tpu.memory_space<hbm>> -> memref<1x125x80xi32, #tpu.memory_space<hbm>>
            %dma_wait3A_424 = tpu.memref_squeeze %dma_wait3A_423 : memref<1x125x80xi32, #tpu.memory_space<hbm>> -> memref<125x80xi32, #tpu.memory_space<hbm>>
            %dma_wait3A_425 = arith.constant 0 : i32
            %dma_wait3A_426 = tpu.memref_slice %dma_wait3A_424[%add3A_413, %dma_wait3A_425] : memref<125x80xi32, #tpu.memory_space<hbm>> -> memref<1x80xi32, #tpu.memory_space<hbm>>
            %dma_wait3A_427 = tpu.memref_squeeze %dma_wait3A_426 : memref<1x80xi32, #tpu.memory_space<hbm>> -> memref<80xi32, #tpu.memory_space<hbm>>
            tpu.wait_dma2 semaphore(%run_scoped3A_27 : memref<!tpu.dma_semaphore, #tpu.memory_space<semaphore_mem>>) src(%dma_wait3A_427 : memref<80xi32, #tpu.memory_space<hbm>>) dst(%run_scoped3A_11 : memref<80xi32, #tpu.memory_space<vmem>>)
            %dma_start3A_428 = arith.constant 0 : i32
            %dma_start3A_429 = arith.constant 0 : i32
            %dma_start3A_430 = tpu.memref_slice %arg2[%dma_start3A_428, %dma_start3A_429] : memref<10000x128xf32, #tpu.memory_space<hbm>> -> memref<10000x128xf32, #tpu.memory_space<hbm>>
            tpu.enqueue_indirect_dma source(%dma_start3A_430 : memref<10000x128xf32, #tpu.memory_space<hbm>>) target(%run_scoped3A : memref<80x128xf32, #tpu.memory_space<vmem>>) offsets(%run_scoped3A_11 : memref<80xi32, #tpu.memory_space<vmem>>) semaphore(%run_scoped3A_15 : memref<!tpu.dma_semaphore, #tpu.memory_space<semaphore_mem>>)
            %add3A_431 = arith.constant 4 : i32
            %add3A_432 = arith.addi %add3A_326, %add3A_431 : i32
            %dma_start3A_433 = arith.constant 0 : i32
            %dma_start3A_434 = arith.constant 0 : i32
            %dma_start3A_435 = tpu.memref_slice %arg4[%add3A, %dma_start3A_433, %dma_start3A_434] : memref<32x125x80xi32, #tpu.memory_space<hbm>> -> memref<1x125x80xi32, #tpu.memory_space<hbm>>
            %dma_start3A_436 = tpu.memref_squeeze %dma_start3A_435 : memref<1x125x80xi32, #tpu.memory_space<hbm>> -> memref<125x80xi32, #tpu.memory_space<hbm>>
            %dma_start3A_437 = arith.constant 0 : i32
            %dma_start3A_438 = tpu.memref_slice %dma_start3A_436[%add3A_432, %dma_start3A_437] : memref<125x80xi32, #tpu.memory_space<hbm>> -> memref<1x80xi32, #tpu.memory_space<hbm>>
            %dma_start3A_439 = tpu.memref_squeeze %dma_start3A_438 : memref<1x80xi32, #tpu.memory_space<hbm>> -> memref<80xi32, #tpu.memory_space<hbm>>
            %dma_start3A_440 = arith.constant 0 : i32
            %dma_start3A_441 = arith.constant 0 : i32
            %dma_start3A_442 = tpu.memref_slice %arg4[%add3A, %dma_start3A_440, %dma_start3A_441] : memref<32x125x80xi32, #tpu.memory_space<hbm>> -> memref<1x125x80xi32, #tpu.memory_space<hbm>>
            %dma_start3A_443 = tpu.memref_squeeze %dma_start3A_442 : memref<1x125x80xi32, #tpu.memory_space<hbm>> -> memref<125x80xi32, #tpu.memory_space<hbm>>
            %dma_start3A_444 = arith.constant 0 : i32
            %dma_start3A_445 = tpu.memref_slice %dma_start3A_443[%add3A_432, %dma_start3A_444] : memref<125x80xi32, #tpu.memory_space<hbm>> -> memref<1x80xi32, #tpu.memory_space<hbm>>
            %dma_start3A_446 = tpu.memref_squeeze %dma_start3A_445 : memref<1x80xi32, #tpu.memory_space<hbm>> -> memref<80xi32, #tpu.memory_space<hbm>>
            tpu.enqueue_dma source(%dma_start3A_446 : memref<80xi32, #tpu.memory_space<hbm>>) target(%run_scoped3A_3 : memref<80xi32, #tpu.memory_space<vmem>>) target_semaphore(%run_scoped3A_19 : memref<!tpu.dma_semaphore, #tpu.memory_space<semaphore_mem>>)
          } else {
          }
          %add3A_405 = arith.constant 8 : i32
          %add3A_406 = arith.addi %add3A_326, %add3A_405 : i32
          %lt3A_407 = arith.constant 125 : i32
          %lt3A_408 = arith.cmpi slt, %add3A_406, %lt3A_407 : i32
          %convert_element_type3A_409 = arith.extui %lt3A_408 : i1 to i32
          %cond3A_410 = arith.constant 0 : i32
          %cond3A_411 = arith.cmpi ne, %convert_element_type3A_409, %cond3A_410 : i32
          scf.if %cond3A_411 {
            %add3A_412 = arith.constant 8 : i32
            %add3A_413 = arith.addi %add3A_326, %add3A_412 : i32
            %dma_start3A_414 = arith.constant 0 : i32
            %dma_start3A_415 = arith.constant 0 : i32
            %dma_start3A_416 = tpu.memref_slice %arg3[%add3A, %dma_start3A_414, %dma_start3A_415] : memref<32x125x80xi32, #tpu.memory_space<hbm>> -> memref<1x125x80xi32, #tpu.memory_space<hbm>>
            %dma_start3A_417 = tpu.memref_squeeze %dma_start3A_416 : memref<1x125x80xi32, #tpu.memory_space<hbm>> -> memref<125x80xi32, #tpu.memory_space<hbm>>
            %dma_start3A_418 = arith.constant 0 : i32
            %dma_start3A_419 = tpu.memref_slice %dma_start3A_417[%add3A_413, %dma_start3A_418] : memref<125x80xi32, #tpu.memory_space<hbm>> -> memref<1x80xi32, #tpu.memory_space<hbm>>
            %dma_start3A_420 = tpu.memref_squeeze %dma_start3A_419 : memref<1x80xi32, #tpu.memory_space<hbm>> -> memref<80xi32, #tpu.memory_space<hbm>>
            %dma_start3A_421 = arith.constant 0 : i32
            %dma_start3A_422 = arith.constant 0 : i32
            %dma_start3A_423 = tpu.memref_slice %arg3[%add3A, %dma_start3A_421, %dma_start3A_422] : memref<32x125x80xi32, #tpu.memory_space<hbm>> -> memref<1x125x80xi32, #tpu.memory_space<hbm>>
            %dma_start3A_424 = tpu.memref_squeeze %dma_start3A_423 : memref<1x125x80xi32, #tpu.memory_space<hbm>> -> memref<125x80xi32, #tpu.memory_space<hbm>>
            %dma_start3A_425 = arith.constant 0 : i32
            %dma_start3A_426 = tpu.memref_slice %dma_start3A_424[%add3A_413, %dma_start3A_425] : memref<125x80xi32, #tpu.memory_space<hbm>> -> memref<1x80xi32, #tpu.memory_space<hbm>>
            %dma_start3A_427 = tpu.memref_squeeze %dma_start3A_426 : memref<1x80xi32, #tpu.memory_space<hbm>> -> memref<80xi32, #tpu.memory_space<hbm>>
            tpu.enqueue_dma source(%dma_start3A_427 : memref<80xi32, #tpu.memory_space<hbm>>) target(%run_scoped3A_7 : memref<80xi32, #tpu.memory_space<vmem>>) target_semaphore(%run_scoped3A_23 : memref<!tpu.dma_semaphore, #tpu.memory_space<semaphore_mem>>)
          } else {
          }
        } else {
        }
        %add3A_329 = arith.constant 1 : i32
        %add3A_330 = arith.addi %add3A_324, %add3A_329 : i32
        %lt3A_331 = arith.constant 125 : i32
        %lt3A_332 = arith.cmpi slt, %add3A_330, %lt3A_331 : i32
        %convert_element_type3A_333 = arith.extui %lt3A_332 : i1 to i32
        %cond3A_334 = arith.constant 0 : i32
        %cond3A_335 = arith.cmpi ne, %convert_element_type3A_333, %cond3A_334 : i32
        scf.if %cond3A_335 {
          %dma_wait3A_378 = arith.constant 0 : i32
          %dma_wait3A_379 = arith.constant 0 : i32
          %dma_wait3A_380 = tpu.memref_slice %arg2[%dma_wait3A_378, %dma_wait3A_379] : memref<10000x128xf32, #tpu.memory_space<hbm>> -> memref<80x128xf32, #tpu.memory_space<hbm>>
          %dma_wait3A_381 = arith.constant 0 : i32
          %dma_wait3A_382 = arith.constant 0 : i32
          %dma_wait3A_383 = tpu.memref_slice %arg2[%dma_wait3A_381, %dma_wait3A_382] : memref<10000x128xf32, #tpu.memory_space<hbm>> -> memref<80x128xf32, #tpu.memory_space<hbm>>
          tpu.wait_dma2 semaphore(%run_scoped3A_16 : memref<!tpu.dma_semaphore, #tpu.memory_space<semaphore_mem>>) src(%dma_wait3A_383 : memref<80x128xf32, #tpu.memory_space<hbm>>) dst(%run_scoped3A_0 : memref<80x128xf32, #tpu.memory_space<vmem>>)
          %dma_wait3A_384 = arith.constant 0 : i32
          %dma_wait3A_385 = arith.constant 0 : i32
          %dma_wait3A_386 = tpu.memref_slice %arg4[%add3A, %dma_wait3A_384, %dma_wait3A_385] : memref<32x125x80xi32, #tpu.memory_space<hbm>> -> memref<1x125x80xi32, #tpu.memory_space<hbm>>
          %dma_wait3A_387 = tpu.memref_squeeze %dma_wait3A_386 : memref<1x125x80xi32, #tpu.memory_space<hbm>> -> memref<125x80xi32, #tpu.memory_space<hbm>>
          %dma_wait3A_388 = arith.constant 0 : i32
          %dma_wait3A_389 = tpu.memref_slice %dma_wait3A_387[%add3A_330, %dma_wait3A_388] : memref<125x80xi32, #tpu.memory_space<hbm>> -> memref<1x80xi32, #tpu.memory_space<hbm>>
          %dma_wait3A_390 = tpu.memref_squeeze %dma_wait3A_389 : memref<1x80xi32, #tpu.memory_space<hbm>> -> memref<80xi32, #tpu.memory_space<hbm>>
          %dma_wait3A_391 = arith.constant 0 : i32
          %dma_wait3A_392 = arith.constant 0 : i32
          %dma_wait3A_393 = tpu.memref_slice %arg4[%add3A, %dma_wait3A_391, %dma_wait3A_392] : memref<32x125x80xi32, #tpu.memory_space<hbm>> -> memref<1x125x80xi32, #tpu.memory_space<hbm>>
          %dma_wait3A_394 = tpu.memref_squeeze %dma_wait3A_393 : memref<1x125x80xi32, #tpu.memory_space<hbm>> -> memref<125x80xi32, #tpu.memory_space<hbm>>
          %dma_wait3A_395 = arith.constant 0 : i32
          %dma_wait3A_396 = tpu.memref_slice %dma_wait3A_394[%add3A_330, %dma_wait3A_395] : memref<125x80xi32, #tpu.memory_space<hbm>> -> memref<1x80xi32, #tpu.memory_space<hbm>>
          %dma_wait3A_397 = tpu.memref_squeeze %dma_wait3A_396 : memref<1x80xi32, #tpu.memory_space<hbm>> -> memref<80xi32, #tpu.memory_space<hbm>>
          tpu.wait_dma2 semaphore(%run_scoped3A_20 : memref<!tpu.dma_semaphore, #tpu.memory_space<semaphore_mem>>) src(%dma_wait3A_397 : memref<80xi32, #tpu.memory_space<hbm>>) dst(%run_scoped3A_4 : memref<80xi32, #tpu.memory_space<vmem>>)
          "tpu.region"() ({
            %run_scoped3A_412 = tpu.sem_alloc : memref<!tpu.dma_semaphore, #tpu.memory_space<semaphore_mem>>
            %dma_start3A_413 = arith.constant 0 : i32
            %dma_start3A_414 = arith.constant 0 : i32
            %dma_start3A_415 = tpu.memref_slice %arg7[%dma_start3A_413, %dma_start3A_414] : memref<10000x128xf32, #tpu.memory_space<vmem_shared>> -> memref<10000x128xf32, #tpu.memory_space<vmem_shared>>
            tpu.enqueue_indirect_dma source(%run_scoped3A_0 : memref<80x128xf32, #tpu.memory_space<vmem>>) target(%dma_start3A_415 : memref<10000x128xf32, #tpu.memory_space<vmem_shared>>) offsets(%run_scoped3A_4 : memref<80xi32, #tpu.memory_space<vmem>>) semaphore(%run_scoped3A_412 : memref<!tpu.dma_semaphore, #tpu.memory_space<semaphore_mem>>) {add = true}
            %dma_wait3A_416 = arith.constant 0 : i32
            %dma_wait3A_417 = arith.constant 0 : i32
            %dma_wait3A_418 = tpu.memref_slice %arg7[%dma_wait3A_416, %dma_wait3A_417] : memref<10000x128xf32, #tpu.memory_space<vmem_shared>> -> memref<10000x128xf32, #tpu.memory_space<vmem_shared>>
            tpu.wait_indirect_dma semaphore(%run_scoped3A_412 : memref<!tpu.dma_semaphore, #tpu.memory_space<semaphore_mem>>) src(%run_scoped3A_0 : memref<80x128xf32, #tpu.memory_space<vmem>>) dst(%dma_wait3A_418 : memref<10000x128xf32, #tpu.memory_space<vmem_shared>>)
            tpu.yield
          }) : () -> ()
          %add3A_398 = arith.constant 4 : i32
          %add3A_399 = arith.addi %add3A_330, %add3A_398 : i32
          %lt3A_400 = arith.constant 125 : i32
          %lt3A_401 = arith.cmpi slt, %add3A_399, %lt3A_400 : i32
          %convert_element_type3A_402 = arith.extui %lt3A_401 : i1 to i32
          %cond3A_403 = arith.constant 0 : i32
          %cond3A_404 = arith.cmpi ne, %convert_element_type3A_402, %cond3A_403 : i32
          scf.if %cond3A_404 {
            %add3A_412 = arith.constant 4 : i32
            %add3A_413 = arith.addi %add3A_330, %add3A_412 : i32
            %dma_wait3A_414 = arith.constant 0 : i32
            %dma_wait3A_415 = arith.constant 0 : i32
            %dma_wait3A_416 = tpu.memref_slice %arg3[%add3A, %dma_wait3A_414, %dma_wait3A_415] : memref<32x125x80xi32, #tpu.memory_space<hbm>> -> memref<1x125x80xi32, #tpu.memory_space<hbm>>
            %dma_wait3A_417 = tpu.memref_squeeze %dma_wait3A_416 : memref<1x125x80xi32, #tpu.memory_space<hbm>> -> memref<125x80xi32, #tpu.memory_space<hbm>>
            %dma_wait3A_418 = arith.constant 0 : i32
            %dma_wait3A_419 = tpu.memref_slice %dma_wait3A_417[%add3A_413, %dma_wait3A_418] : memref<125x80xi32, #tpu.memory_space<hbm>> -> memref<1x80xi32, #tpu.memory_space<hbm>>
            %dma_wait3A_420 = tpu.memref_squeeze %dma_wait3A_419 : memref<1x80xi32, #tpu.memory_space<hbm>> -> memref<80xi32, #tpu.memory_space<hbm>>
            %dma_wait3A_421 = arith.constant 0 : i32
            %dma_wait3A_422 = arith.constant 0 : i32
            %dma_wait3A_423 = tpu.memref_slice %arg3[%add3A, %dma_wait3A_421, %dma_wait3A_422] : memref<32x125x80xi32, #tpu.memory_space<hbm>> -> memref<1x125x80xi32, #tpu.memory_space<hbm>>
            %dma_wait3A_424 = tpu.memref_squeeze %dma_wait3A_423 : memref<1x125x80xi32, #tpu.memory_space<hbm>> -> memref<125x80xi32, #tpu.memory_space<hbm>>
            %dma_wait3A_425 = arith.constant 0 : i32
            %dma_wait3A_426 = tpu.memref_slice %dma_wait3A_424[%add3A_413, %dma_wait3A_425] : memref<125x80xi32, #tpu.memory_space<hbm>> -> memref<1x80xi32, #tpu.memory_space<hbm>>
            %dma_wait3A_427 = tpu.memref_squeeze %dma_wait3A_426 : memref<1x80xi32, #tpu.memory_space<hbm>> -> memref<80xi32, #tpu.memory_space<hbm>>
            tpu.wait_dma2 semaphore(%run_scoped3A_28 : memref<!tpu.dma_semaphore, #tpu.memory_space<semaphore_mem>>) src(%dma_wait3A_427 : memref<80xi32, #tpu.memory_space<hbm>>) dst(%run_scoped3A_12 : memref<80xi32, #tpu.memory_space<vmem>>)
            %dma_start3A_428 = arith.constant 0 : i32
            %dma_start3A_429 = arith.constant 0 : i32
            %dma_start3A_430 = tpu.memref_slice %arg2[%dma_start3A_428, %dma_start3A_429] : memref<10000x128xf32, #tpu.memory_space<hbm>> -> memref<10000x128xf32, #tpu.memory_space<hbm>>
            tpu.enqueue_indirect_dma source(%dma_start3A_430 : memref<10000x128xf32, #tpu.memory_space<hbm>>) target(%run_scoped3A_0 : memref<80x128xf32, #tpu.memory_space<vmem>>) offsets(%run_scoped3A_12 : memref<80xi32, #tpu.memory_space<vmem>>) semaphore(%run_scoped3A_16 : memref<!tpu.dma_semaphore, #tpu.memory_space<semaphore_mem>>)
            %add3A_431 = arith.constant 4 : i32
            %add3A_432 = arith.addi %add3A_330, %add3A_431 : i32
            %dma_start3A_433 = arith.constant 0 : i32
            %dma_start3A_434 = arith.constant 0 : i32
            %dma_start3A_435 = tpu.memref_slice %arg4[%add3A, %dma_start3A_433, %dma_start3A_434] : memref<32x125x80xi32, #tpu.memory_space<hbm>> -> memref<1x125x80xi32, #tpu.memory_space<hbm>>
            %dma_start3A_436 = tpu.memref_squeeze %dma_start3A_435 : memref<1x125x80xi32, #tpu.memory_space<hbm>> -> memref<125x80xi32, #tpu.memory_space<hbm>>
            %dma_start3A_437 = arith.constant 0 : i32
            %dma_start3A_438 = tpu.memref_slice %dma_start3A_436[%add3A_432, %dma_start3A_437] : memref<125x80xi32, #tpu.memory_space<hbm>> -> memref<1x80xi32, #tpu.memory_space<hbm>>
            %dma_start3A_439 = tpu.memref_squeeze %dma_start3A_438 : memref<1x80xi32, #tpu.memory_space<hbm>> -> memref<80xi32, #tpu.memory_space<hbm>>
            %dma_start3A_440 = arith.constant 0 : i32
            %dma_start3A_441 = arith.constant 0 : i32
            %dma_start3A_442 = tpu.memref_slice %arg4[%add3A, %dma_start3A_440, %dma_start3A_441] : memref<32x125x80xi32, #tpu.memory_space<hbm>> -> memref<1x125x80xi32, #tpu.memory_space<hbm>>
            %dma_start3A_443 = tpu.memref_squeeze %dma_start3A_442 : memref<1x125x80xi32, #tpu.memory_space<hbm>> -> memref<125x80xi32, #tpu.memory_space<hbm>>
            %dma_start3A_444 = arith.constant 0 : i32
            %dma_start3A_445 = tpu.memref_slice %dma_start3A_443[%add3A_432, %dma_start3A_444] : memref<125x80xi32, #tpu.memory_space<hbm>> -> memref<1x80xi32, #tpu.memory_space<hbm>>
            %dma_start3A_446 = tpu.memref_squeeze %dma_start3A_445 : memref<1x80xi32, #tpu.memory_space<hbm>> -> memref<80xi32, #tpu.memory_space<hbm>>
            tpu.enqueue_dma source(%dma_start3A_446 : memref<80xi32, #tpu.memory_space<hbm>>) target(%run_scoped3A_4 : memref<80xi32, #tpu.memory_space<vmem>>) target_semaphore(%run_scoped3A_20 : memref<!tpu.dma_semaphore, #tpu.memory_space<semaphore_mem>>)
          } else {
          }
          %add3A_405 = arith.constant 8 : i32
          %add3A_406 = arith.addi %add3A_330, %add3A_405 : i32
          %lt3A_407 = arith.constant 125 : i32
          %lt3A_408 = arith.cmpi slt, %add3A_406, %lt3A_407 : i32
          %convert_element_type3A_409 = arith.extui %lt3A_408 : i1 to i32
          %cond3A_410 = arith.constant 0 : i32
          %cond3A_411 = arith.cmpi ne, %convert_element_type3A_409, %cond3A_410 : i32
          scf.if %cond3A_411 {
            %add3A_412 = arith.constant 8 : i32
            %add3A_413 = arith.addi %add3A_330, %add3A_412 : i32
            %dma_start3A_414 = arith.constant 0 : i32
            %dma_start3A_415 = arith.constant 0 : i32
            %dma_start3A_416 = tpu.memref_slice %arg3[%add3A, %dma_start3A_414, %dma_start3A_415] : memref<32x125x80xi32, #tpu.memory_space<hbm>> -> memref<1x125x80xi32, #tpu.memory_space<hbm>>
            %dma_start3A_417 = tpu.memref_squeeze %dma_start3A_416 : memref<1x125x80xi32, #tpu.memory_space<hbm>> -> memref<125x80xi32, #tpu.memory_space<hbm>>
            %dma_start3A_418 = arith.constant 0 : i32
            %dma_start3A_419 = tpu.memref_slice %dma_start3A_417[%add3A_413, %dma_start3A_418] : memref<125x80xi32, #tpu.memory_space<hbm>> -> memref<1x80xi32, #tpu.memory_space<hbm>>
            %dma_start3A_420 = tpu.memref_squeeze %dma_start3A_419 : memref<1x80xi32, #tpu.memory_space<hbm>> -> memref<80xi32, #tpu.memory_space<hbm>>
            %dma_start3A_421 = arith.constant 0 : i32
            %dma_start3A_422 = arith.constant 0 : i32
            %dma_start3A_423 = tpu.memref_slice %arg3[%add3A, %dma_start3A_421, %dma_start3A_422] : memref<32x125x80xi32, #tpu.memory_space<hbm>> -> memref<1x125x80xi32, #tpu.memory_space<hbm>>
            %dma_start3A_424 = tpu.memref_squeeze %dma_start3A_423 : memref<1x125x80xi32, #tpu.memory_space<hbm>> -> memref<125x80xi32, #tpu.memory_space<hbm>>
            %dma_start3A_425 = arith.constant 0 : i32
            %dma_start3A_426 = tpu.memref_slice %dma_start3A_424[%add3A_413, %dma_start3A_425] : memref<125x80xi32, #tpu.memory_space<hbm>> -> memref<1x80xi32, #tpu.memory_space<hbm>>
            %dma_start3A_427 = tpu.memref_squeeze %dma_start3A_426 : memref<1x80xi32, #tpu.memory_space<hbm>> -> memref<80xi32, #tpu.memory_space<hbm>>
            tpu.enqueue_dma source(%dma_start3A_427 : memref<80xi32, #tpu.memory_space<hbm>>) target(%run_scoped3A_8 : memref<80xi32, #tpu.memory_space<vmem>>) target_semaphore(%run_scoped3A_24 : memref<!tpu.dma_semaphore, #tpu.memory_space<semaphore_mem>>)
          } else {
          }
        } else {
        }
        %add3A_336 = arith.constant 2 : i32
        %add3A_337 = arith.addi %add3A_324, %add3A_336 : i32
        %lt3A_338 = arith.constant 125 : i32
        %lt3A_339 = arith.cmpi slt, %add3A_337, %lt3A_338 : i32
        %convert_element_type3A_340 = arith.extui %lt3A_339 : i1 to i32
        %cond3A_341 = arith.constant 0 : i32
        %cond3A_342 = arith.cmpi ne, %convert_element_type3A_340, %cond3A_341 : i32
        scf.if %cond3A_342 {
          %dma_wait3A_378 = arith.constant 0 : i32
          %dma_wait3A_379 = arith.constant 0 : i32
          %dma_wait3A_380 = tpu.memref_slice %arg2[%dma_wait3A_378, %dma_wait3A_379] : memref<10000x128xf32, #tpu.memory_space<hbm>> -> memref<80x128xf32, #tpu.memory_space<hbm>>
          %dma_wait3A_381 = arith.constant 0 : i32
          %dma_wait3A_382 = arith.constant 0 : i32
          %dma_wait3A_383 = tpu.memref_slice %arg2[%dma_wait3A_381, %dma_wait3A_382] : memref<10000x128xf32, #tpu.memory_space<hbm>> -> memref<80x128xf32, #tpu.memory_space<hbm>>
          tpu.wait_dma2 semaphore(%run_scoped3A_17 : memref<!tpu.dma_semaphore, #tpu.memory_space<semaphore_mem>>) src(%dma_wait3A_383 : memref<80x128xf32, #tpu.memory_space<hbm>>) dst(%run_scoped3A_1 : memref<80x128xf32, #tpu.memory_space<vmem>>)
          %dma_wait3A_384 = arith.constant 0 : i32
          %dma_wait3A_385 = arith.constant 0 : i32
          %dma_wait3A_386 = tpu.memref_slice %arg4[%add3A, %dma_wait3A_384, %dma_wait3A_385] : memref<32x125x80xi32, #tpu.memory_space<hbm>> -> memref<1x125x80xi32, #tpu.memory_space<hbm>>
          %dma_wait3A_387 = tpu.memref_squeeze %dma_wait3A_386 : memref<1x125x80xi32, #tpu.memory_space<hbm>> -> memref<125x80xi32, #tpu.memory_space<hbm>>
          %dma_wait3A_388 = arith.constant 0 : i32
          %dma_wait3A_389 = tpu.memref_slice %dma_wait3A_387[%add3A_337, %dma_wait3A_388] : memref<125x80xi32, #tpu.memory_space<hbm>> -> memref<1x80xi32, #tpu.memory_space<hbm>>
          %dma_wait3A_390 = tpu.memref_squeeze %dma_wait3A_389 : memref<1x80xi32, #tpu.memory_space<hbm>> -> memref<80xi32, #tpu.memory_space<hbm>>
          %dma_wait3A_391 = arith.constant 0 : i32
          %dma_wait3A_392 = arith.constant 0 : i32
          %dma_wait3A_393 = tpu.memref_slice %arg4[%add3A, %dma_wait3A_391, %dma_wait3A_392] : memref<32x125x80xi32, #tpu.memory_space<hbm>> -> memref<1x125x80xi32, #tpu.memory_space<hbm>>
          %dma_wait3A_394 = tpu.memref_squeeze %dma_wait3A_393 : memref<1x125x80xi32, #tpu.memory_space<hbm>> -> memref<125x80xi32, #tpu.memory_space<hbm>>
          %dma_wait3A_395 = arith.constant 0 : i32
          %dma_wait3A_396 = tpu.memref_slice %dma_wait3A_394[%add3A_337, %dma_wait3A_395] : memref<125x80xi32, #tpu.memory_space<hbm>> -> memref<1x80xi32, #tpu.memory_space<hbm>>
          %dma_wait3A_397 = tpu.memref_squeeze %dma_wait3A_396 : memref<1x80xi32, #tpu.memory_space<hbm>> -> memref<80xi32, #tpu.memory_space<hbm>>
          tpu.wait_dma2 semaphore(%run_scoped3A_21 : memref<!tpu.dma_semaphore, #tpu.memory_space<semaphore_mem>>) src(%dma_wait3A_397 : memref<80xi32, #tpu.memory_space<hbm>>) dst(%run_scoped3A_5 : memref<80xi32, #tpu.memory_space<vmem>>)
          "tpu.region"() ({
            %run_scoped3A_412 = tpu.sem_alloc : memref<!tpu.dma_semaphore, #tpu.memory_space<semaphore_mem>>
            %dma_start3A_413 = arith.constant 0 : i32
            %dma_start3A_414 = arith.constant 0 : i32
            %dma_start3A_415 = tpu.memref_slice %arg7[%dma_start3A_413, %dma_start3A_414] : memref<10000x128xf32, #tpu.memory_space<vmem_shared>> -> memref<10000x128xf32, #tpu.memory_space<vmem_shared>>
            tpu.enqueue_indirect_dma source(%run_scoped3A_1 : memref<80x128xf32, #tpu.memory_space<vmem>>) target(%dma_start3A_415 : memref<10000x128xf32, #tpu.memory_space<vmem_shared>>) offsets(%run_scoped3A_5 : memref<80xi32, #tpu.memory_space<vmem>>) semaphore(%run_scoped3A_412 : memref<!tpu.dma_semaphore, #tpu.memory_space<semaphore_mem>>) {add = true}
            %dma_wait3A_416 = arith.constant 0 : i32
            %dma_wait3A_417 = arith.constant 0 : i32
            %dma_wait3A_418 = tpu.memref_slice %arg7[%dma_wait3A_416, %dma_wait3A_417] : memref<10000x128xf32, #tpu.memory_space<vmem_shared>> -> memref<10000x128xf32, #tpu.memory_space<vmem_shared>>
            tpu.wait_indirect_dma semaphore(%run_scoped3A_412 : memref<!tpu.dma_semaphore, #tpu.memory_space<semaphore_mem>>) src(%run_scoped3A_1 : memref<80x128xf32, #tpu.memory_space<vmem>>) dst(%dma_wait3A_418 : memref<10000x128xf32, #tpu.memory_space<vmem_shared>>)
            tpu.yield
          }) : () -> ()
          %add3A_398 = arith.constant 4 : i32
          %add3A_399 = arith.addi %add3A_337, %add3A_398 : i32
          %lt3A_400 = arith.constant 125 : i32
          %lt3A_401 = arith.cmpi slt, %add3A_399, %lt3A_400 : i32
          %convert_element_type3A_402 = arith.extui %lt3A_401 : i1 to i32
          %cond3A_403 = arith.constant 0 : i32
          %cond3A_404 = arith.cmpi ne, %convert_element_type3A_402, %cond3A_403 : i32
          scf.if %cond3A_404 {
            %add3A_412 = arith.constant 4 : i32
            %add3A_413 = arith.addi %add3A_337, %add3A_412 : i32
            %dma_wait3A_414 = arith.constant 0 : i32
            %dma_wait3A_415 = arith.constant 0 : i32
            %dma_wait3A_416 = tpu.memref_slice %arg3[%add3A, %dma_wait3A_414, %dma_wait3A_415] : memref<32x125x80xi32, #tpu.memory_space<hbm>> -> memref<1x125x80xi32, #tpu.memory_space<hbm>>
            %dma_wait3A_417 = tpu.memref_squeeze %dma_wait3A_416 : memref<1x125x80xi32, #tpu.memory_space<hbm>> -> memref<125x80xi32, #tpu.memory_space<hbm>>
            %dma_wait3A_418 = arith.constant 0 : i32
            %dma_wait3A_419 = tpu.memref_slice %dma_wait3A_417[%add3A_413, %dma_wait3A_418] : memref<125x80xi32, #tpu.memory_space<hbm>> -> memref<1x80xi32, #tpu.memory_space<hbm>>
            %dma_wait3A_420 = tpu.memref_squeeze %dma_wait3A_419 : memref<1x80xi32, #tpu.memory_space<hbm>> -> memref<80xi32, #tpu.memory_space<hbm>>
            %dma_wait3A_421 = arith.constant 0 : i32
            %dma_wait3A_422 = arith.constant 0 : i32
            %dma_wait3A_423 = tpu.memref_slice %arg3[%add3A, %dma_wait3A_421, %dma_wait3A_422] : memref<32x125x80xi32, #tpu.memory_space<hbm>> -> memref<1x125x80xi32, #tpu.memory_space<hbm>>
            %dma_wait3A_424 = tpu.memref_squeeze %dma_wait3A_423 : memref<1x125x80xi32, #tpu.memory_space<hbm>> -> memref<125x80xi32, #tpu.memory_space<hbm>>
            %dma_wait3A_425 = arith.constant 0 : i32
            %dma_wait3A_426 = tpu.memref_slice %dma_wait3A_424[%add3A_413, %dma_wait3A_425] : memref<125x80xi32, #tpu.memory_space<hbm>> -> memref<1x80xi32, #tpu.memory_space<hbm>>
            %dma_wait3A_427 = tpu.memref_squeeze %dma_wait3A_426 : memref<1x80xi32, #tpu.memory_space<hbm>> -> memref<80xi32, #tpu.memory_space<hbm>>
            tpu.wait_dma2 semaphore(%run_scoped3A_29 : memref<!tpu.dma_semaphore, #tpu.memory_space<semaphore_mem>>) src(%dma_wait3A_427 : memref<80xi32, #tpu.memory_space<hbm>>) dst(%run_scoped3A_13 : memref<80xi32, #tpu.memory_space<vmem>>)
            %dma_start3A_428 = arith.constant 0 : i32
            %dma_start3A_429 = arith.constant 0 : i32
            %dma_start3A_430 = tpu.memref_slice %arg2[%dma_start3A_428, %dma_start3A_429] : memref<10000x128xf32, #tpu.memory_space<hbm>> -> memref<10000x128xf32, #tpu.memory_space<hbm>>
            tpu.enqueue_indirect_dma source(%dma_start3A_430 : memref<10000x128xf32, #tpu.memory_space<hbm>>) target(%run_scoped3A_1 : memref<80x128xf32, #tpu.memory_space<vmem>>) offsets(%run_scoped3A_13 : memref<80xi32, #tpu.memory_space<vmem>>) semaphore(%run_scoped3A_17 : memref<!tpu.dma_semaphore, #tpu.memory_space<semaphore_mem>>)
            %add3A_431 = arith.constant 4 : i32
            %add3A_432 = arith.addi %add3A_337, %add3A_431 : i32
            %dma_start3A_433 = arith.constant 0 : i32
            %dma_start3A_434 = arith.constant 0 : i32
            %dma_start3A_435 = tpu.memref_slice %arg4[%add3A, %dma_start3A_433, %dma_start3A_434] : memref<32x125x80xi32, #tpu.memory_space<hbm>> -> memref<1x125x80xi32, #tpu.memory_space<hbm>>
            %dma_start3A_436 = tpu.memref_squeeze %dma_start3A_435 : memref<1x125x80xi32, #tpu.memory_space<hbm>> -> memref<125x80xi32, #tpu.memory_space<hbm>>
            %dma_start3A_437 = arith.constant 0 : i32
            %dma_start3A_438 = tpu.memref_slice %dma_start3A_436[%add3A_432, %dma_start3A_437] : memref<125x80xi32, #tpu.memory_space<hbm>> -> memref<1x80xi32, #tpu.memory_space<hbm>>
            %dma_start3A_439 = tpu.memref_squeeze %dma_start3A_438 : memref<1x80xi32, #tpu.memory_space<hbm>> -> memref<80xi32, #tpu.memory_space<hbm>>
            %dma_start3A_440 = arith.constant 0 : i32
            %dma_start3A_441 = arith.constant 0 : i32
            %dma_start3A_442 = tpu.memref_slice %arg4[%add3A, %dma_start3A_440, %dma_start3A_441] : memref<32x125x80xi32, #tpu.memory_space<hbm>> -> memref<1x125x80xi32, #tpu.memory_space<hbm>>
            %dma_start3A_443 = tpu.memref_squeeze %dma_start3A_442 : memref<1x125x80xi32, #tpu.memory_space<hbm>> -> memref<125x80xi32, #tpu.memory_space<hbm>>
            %dma_start3A_444 = arith.constant 0 : i32
            %dma_start3A_445 = tpu.memref_slice %dma_start3A_443[%add3A_432, %dma_start3A_444] : memref<125x80xi32, #tpu.memory_space<hbm>> -> memref<1x80xi32, #tpu.memory_space<hbm>>
            %dma_start3A_446 = tpu.memref_squeeze %dma_start3A_445 : memref<1x80xi32, #tpu.memory_space<hbm>> -> memref<80xi32, #tpu.memory_space<hbm>>
            tpu.enqueue_dma source(%dma_start3A_446 : memref<80xi32, #tpu.memory_space<hbm>>) target(%run_scoped3A_5 : memref<80xi32, #tpu.memory_space<vmem>>) target_semaphore(%run_scoped3A_21 : memref<!tpu.dma_semaphore, #tpu.memory_space<semaphore_mem>>)
          } else {
          }
          %add3A_405 = arith.constant 8 : i32
          %add3A_406 = arith.addi %add3A_337, %add3A_405 : i32
          %lt3A_407 = arith.constant 125 : i32
          %lt3A_408 = arith.cmpi slt, %add3A_406, %lt3A_407 : i32
          %convert_element_type3A_409 = arith.extui %lt3A_408 : i1 to i32
          %cond3A_410 = arith.constant 0 : i32
          %cond3A_411 = arith.cmpi ne, %convert_element_type3A_409, %cond3A_410 : i32
          scf.if %cond3A_411 {
            %add3A_412 = arith.constant 8 : i32
            %add3A_413 = arith.addi %add3A_337, %add3A_412 : i32
            %dma_start3A_414 = arith.constant 0 : i32
            %dma_start3A_415 = arith.constant 0 : i32
            %dma_start3A_416 = tpu.memref_slice %arg3[%add3A, %dma_start3A_414, %dma_start3A_415] : memref<32x125x80xi32, #tpu.memory_space<hbm>> -> memref<1x125x80xi32, #tpu.memory_space<hbm>>
            %dma_start3A_417 = tpu.memref_squeeze %dma_start3A_416 : memref<1x125x80xi32, #tpu.memory_space<hbm>> -> memref<125x80xi32, #tpu.memory_space<hbm>>
            %dma_start3A_418 = arith.constant 0 : i32
            %dma_start3A_419 = tpu.memref_slice %dma_start3A_417[%add3A_413, %dma_start3A_418] : memref<125x80xi32, #tpu.memory_space<hbm>> -> memref<1x80xi32, #tpu.memory_space<hbm>>
            %dma_start3A_420 = tpu.memref_squeeze %dma_start3A_419 : memref<1x80xi32, #tpu.memory_space<hbm>> -> memref<80xi32, #tpu.memory_space<hbm>>
            %dma_start3A_421 = arith.constant 0 : i32
            %dma_start3A_422 = arith.constant 0 : i32
            %dma_start3A_423 = tpu.memref_slice %arg3[%add3A, %dma_start3A_421, %dma_start3A_422] : memref<32x125x80xi32, #tpu.memory_space<hbm>> -> memref<1x125x80xi32, #tpu.memory_space<hbm>>
            %dma_start3A_424 = tpu.memref_squeeze %dma_start3A_423 : memref<1x125x80xi32, #tpu.memory_space<hbm>> -> memref<125x80xi32, #tpu.memory_space<hbm>>
            %dma_start3A_425 = arith.constant 0 : i32
            %dma_start3A_426 = tpu.memref_slice %dma_start3A_424[%add3A_413, %dma_start3A_425] : memref<125x80xi32, #tpu.memory_space<hbm>> -> memref<1x80xi32, #tpu.memory_space<hbm>>
            %dma_start3A_427 = tpu.memref_squeeze %dma_start3A_426 : memref<1x80xi32, #tpu.memory_space<hbm>> -> memref<80xi32, #tpu.memory_space<hbm>>
            tpu.enqueue_dma source(%dma_start3A_427 : memref<80xi32, #tpu.memory_space<hbm>>) target(%run_scoped3A_9 : memref<80xi32, #tpu.memory_space<vmem>>) target_semaphore(%run_scoped3A_25 : memref<!tpu.dma_semaphore, #tpu.memory_space<semaphore_mem>>)
          } else {
          }
        } else {
        }
        %add3A_343 = arith.constant 3 : i32
        %add3A_344 = arith.addi %add3A_324, %add3A_343 : i32
        %lt3A_345 = arith.constant 125 : i32
        %lt3A_346 = arith.cmpi slt, %add3A_344, %lt3A_345 : i32
        %convert_element_type3A_347 = arith.extui %lt3A_346 : i1 to i32
        %cond3A_348 = arith.constant 0 : i32
        %cond3A_349 = arith.cmpi ne, %convert_element_type3A_347, %cond3A_348 : i32
        scf.if %cond3A_349 {
          %dma_wait3A_378 = arith.constant 0 : i32
          %dma_wait3A_379 = arith.constant 0 : i32
          %dma_wait3A_380 = tpu.memref_slice %arg2[%dma_wait3A_378, %dma_wait3A_379] : memref<10000x128xf32, #tpu.memory_space<hbm>> -> memref<80x128xf32, #tpu.memory_space<hbm>>
          %dma_wait3A_381 = arith.constant 0 : i32
          %dma_wait3A_382 = arith.constant 0 : i32
          %dma_wait3A_383 = tpu.memref_slice %arg2[%dma_wait3A_381, %dma_wait3A_382] : memref<10000x128xf32, #tpu.memory_space<hbm>> -> memref<80x128xf32, #tpu.memory_space<hbm>>
          tpu.wait_dma2 semaphore(%run_scoped3A_18 : memref<!tpu.dma_semaphore, #tpu.memory_space<semaphore_mem>>) src(%dma_wait3A_383 : memref<80x128xf32, #tpu.memory_space<hbm>>) dst(%run_scoped3A_2 : memref<80x128xf32, #tpu.memory_space<vmem>>)
          %dma_wait3A_384 = arith.constant 0 : i32
          %dma_wait3A_385 = arith.constant 0 : i32
          %dma_wait3A_386 = tpu.memref_slice %arg4[%add3A, %dma_wait3A_384, %dma_wait3A_385] : memref<32x125x80xi32, #tpu.memory_space<hbm>> -> memref<1x125x80xi32, #tpu.memory_space<hbm>>
          %dma_wait3A_387 = tpu.memref_squeeze %dma_wait3A_386 : memref<1x125x80xi32, #tpu.memory_space<hbm>> -> memref<125x80xi32, #tpu.memory_space<hbm>>
          %dma_wait3A_388 = arith.constant 0 : i32
          %dma_wait3A_389 = tpu.memref_slice %dma_wait3A_387[%add3A_344, %dma_wait3A_388] : memref<125x80xi32, #tpu.memory_space<hbm>> -> memref<1x80xi32, #tpu.memory_space<hbm>>
          %dma_wait3A_390 = tpu.memref_squeeze %dma_wait3A_389 : memref<1x80xi32, #tpu.memory_space<hbm>> -> memref<80xi32, #tpu.memory_space<hbm>>
          %dma_wait3A_391 = arith.constant 0 : i32
          %dma_wait3A_392 = arith.constant 0 : i32
          %dma_wait3A_393 = tpu.memref_slice %arg4[%add3A, %dma_wait3A_391, %dma_wait3A_392] : memref<32x125x80xi32, #tpu.memory_space<hbm>> -> memref<1x125x80xi32, #tpu.memory_space<hbm>>
          %dma_wait3A_394 = tpu.memref_squeeze %dma_wait3A_393 : memref<1x125x80xi32, #tpu.memory_space<hbm>> -> memref<125x80xi32, #tpu.memory_space<hbm>>
          %dma_wait3A_395 = arith.constant 0 : i32
          %dma_wait3A_396 = tpu.memref_slice %dma_wait3A_394[%add3A_344, %dma_wait3A_395] : memref<125x80xi32, #tpu.memory_space<hbm>> -> memref<1x80xi32, #tpu.memory_space<hbm>>
          %dma_wait3A_397 = tpu.memref_squeeze %dma_wait3A_396 : memref<1x80xi32, #tpu.memory_space<hbm>> -> memref<80xi32, #tpu.memory_space<hbm>>
          tpu.wait_dma2 semaphore(%run_scoped3A_22 : memref<!tpu.dma_semaphore, #tpu.memory_space<semaphore_mem>>) src(%dma_wait3A_397 : memref<80xi32, #tpu.memory_space<hbm>>) dst(%run_scoped3A_6 : memref<80xi32, #tpu.memory_space<vmem>>)
          "tpu.region"() ({
            %run_scoped3A_412 = tpu.sem_alloc : memref<!tpu.dma_semaphore, #tpu.memory_space<semaphore_mem>>
            %dma_start3A_413 = arith.constant 0 : i32
            %dma_start3A_414 = arith.constant 0 : i32
            %dma_start3A_415 = tpu.memref_slice %arg7[%dma_start3A_413, %dma_start3A_414] : memref<10000x128xf32, #tpu.memory_space<vmem_shared>> -> memref<10000x128xf32, #tpu.memory_space<vmem_shared>>
            tpu.enqueue_indirect_dma source(%run_scoped3A_2 : memref<80x128xf32, #tpu.memory_space<vmem>>) target(%dma_start3A_415 : memref<10000x128xf32, #tpu.memory_space<vmem_shared>>) offsets(%run_scoped3A_6 : memref<80xi32, #tpu.memory_space<vmem>>) semaphore(%run_scoped3A_412 : memref<!tpu.dma_semaphore, #tpu.memory_space<semaphore_mem>>) {add = true}
            %dma_wait3A_416 = arith.constant 0 : i32
            %dma_wait3A_417 = arith.constant 0 : i32
            %dma_wait3A_418 = tpu.memref_slice %arg7[%dma_wait3A_416, %dma_wait3A_417] : memref<10000x128xf32, #tpu.memory_space<vmem_shared>> -> memref<10000x128xf32, #tpu.memory_space<vmem_shared>>
            tpu.wait_indirect_dma semaphore(%run_scoped3A_412 : memref<!tpu.dma_semaphore, #tpu.memory_space<semaphore_mem>>) src(%run_scoped3A_2 : memref<80x128xf32, #tpu.memory_space<vmem>>) dst(%dma_wait3A_418 : memref<10000x128xf32, #tpu.memory_space<vmem_shared>>)
            tpu.yield
          }) : () -> ()
          %add3A_398 = arith.constant 4 : i32
          %add3A_399 = arith.addi %add3A_344, %add3A_398 : i32
          %lt3A_400 = arith.constant 125 : i32
          %lt3A_401 = arith.cmpi slt, %add3A_399, %lt3A_400 : i32
          %convert_element_type3A_402 = arith.extui %lt3A_401 : i1 to i32
          %cond3A_403 = arith.constant 0 : i32
          %cond3A_404 = arith.cmpi ne, %convert_element_type3A_402, %cond3A_403 : i32
          scf.if %cond3A_404 {
            %add3A_412 = arith.constant 4 : i32
            %add3A_413 = arith.addi %add3A_344, %add3A_412 : i32
            %dma_wait3A_414 = arith.constant 0 : i32
            %dma_wait3A_415 = arith.constant 0 : i32
            %dma_wait3A_416 = tpu.memref_slice %arg3[%add3A, %dma_wait3A_414, %dma_wait3A_415] : memref<32x125x80xi32, #tpu.memory_space<hbm>> -> memref<1x125x80xi32, #tpu.memory_space<hbm>>
            %dma_wait3A_417 = tpu.memref_squeeze %dma_wait3A_416 : memref<1x125x80xi32, #tpu.memory_space<hbm>> -> memref<125x80xi32, #tpu.memory_space<hbm>>
            %dma_wait3A_418 = arith.constant 0 : i32
            %dma_wait3A_419 = tpu.memref_slice %dma_wait3A_417[%add3A_413, %dma_wait3A_418] : memref<125x80xi32, #tpu.memory_space<hbm>> -> memref<1x80xi32, #tpu.memory_space<hbm>>
            %dma_wait3A_420 = tpu.memref_squeeze %dma_wait3A_419 : memref<1x80xi32, #tpu.memory_space<hbm>> -> memref<80xi32, #tpu.memory_space<hbm>>
            %dma_wait3A_421 = arith.constant 0 : i32
            %dma_wait3A_422 = arith.constant 0 : i32
            %dma_wait3A_423 = tpu.memref_slice %arg3[%add3A, %dma_wait3A_421, %dma_wait3A_422] : memref<32x125x80xi32, #tpu.memory_space<hbm>> -> memref<1x125x80xi32, #tpu.memory_space<hbm>>
            %dma_wait3A_424 = tpu.memref_squeeze %dma_wait3A_423 : memref<1x125x80xi32, #tpu.memory_space<hbm>> -> memref<125x80xi32, #tpu.memory_space<hbm>>
            %dma_wait3A_425 = arith.constant 0 : i32
            %dma_wait3A_426 = tpu.memref_slice %dma_wait3A_424[%add3A_413, %dma_wait3A_425] : memref<125x80xi32, #tpu.memory_space<hbm>> -> memref<1x80xi32, #tpu.memory_space<hbm>>
            %dma_wait3A_427 = tpu.memref_squeeze %dma_wait3A_426 : memref<1x80xi32, #tpu.memory_space<hbm>> -> memref<80xi32, #tpu.memory_space<hbm>>
            tpu.wait_dma2 semaphore(%run_scoped3A_30 : memref<!tpu.dma_semaphore, #tpu.memory_space<semaphore_mem>>) src(%dma_wait3A_427 : memref<80xi32, #tpu.memory_space<hbm>>) dst(%run_scoped3A_14 : memref<80xi32, #tpu.memory_space<vmem>>)
            %dma_start3A_428 = arith.constant 0 : i32
            %dma_start3A_429 = arith.constant 0 : i32
            %dma_start3A_430 = tpu.memref_slice %arg2[%dma_start3A_428, %dma_start3A_429] : memref<10000x128xf32, #tpu.memory_space<hbm>> -> memref<10000x128xf32, #tpu.memory_space<hbm>>
            tpu.enqueue_indirect_dma source(%dma_start3A_430 : memref<10000x128xf32, #tpu.memory_space<hbm>>) target(%run_scoped3A_2 : memref<80x128xf32, #tpu.memory_space<vmem>>) offsets(%run_scoped3A_14 : memref<80xi32, #tpu.memory_space<vmem>>) semaphore(%run_scoped3A_18 : memref<!tpu.dma_semaphore, #tpu.memory_space<semaphore_mem>>)
            %add3A_431 = arith.constant 4 : i32
            %add3A_432 = arith.addi %add3A_344, %add3A_431 : i32
            %dma_start3A_433 = arith.constant 0 : i32
            %dma_start3A_434 = arith.constant 0 : i32
            %dma_start3A_435 = tpu.memref_slice %arg4[%add3A, %dma_start3A_433, %dma_start3A_434] : memref<32x125x80xi32, #tpu.memory_space<hbm>> -> memref<1x125x80xi32, #tpu.memory_space<hbm>>
            %dma_start3A_436 = tpu.memref_squeeze %dma_start3A_435 : memref<1x125x80xi32, #tpu.memory_space<hbm>> -> memref<125x80xi32, #tpu.memory_space<hbm>>
            %dma_start3A_437 = arith.constant 0 : i32
            %dma_start3A_438 = tpu.memref_slice %dma_start3A_436[%add3A_432, %dma_start3A_437] : memref<125x80xi32, #tpu.memory_space<hbm>> -> memref<1x80xi32, #tpu.memory_space<hbm>>
            %dma_start3A_439 = tpu.memref_squeeze %dma_start3A_438 : memref<1x80xi32, #tpu.memory_space<hbm>> -> memref<80xi32, #tpu.memory_space<hbm>>
            %dma_start3A_440 = arith.constant 0 : i32
            %dma_start3A_441 = arith.constant 0 : i32
            %dma_start3A_442 = tpu.memref_slice %arg4[%add3A, %dma_start3A_440, %dma_start3A_441] : memref<32x125x80xi32, #tpu.memory_space<hbm>> -> memref<1x125x80xi32, #tpu.memory_space<hbm>>
            %dma_start3A_443 = tpu.memref_squeeze %dma_start3A_442 : memref<1x125x80xi32, #tpu.memory_space<hbm>> -> memref<125x80xi32, #tpu.memory_space<hbm>>
            %dma_start3A_444 = arith.constant 0 : i32
            %dma_start3A_445 = tpu.memref_slice %dma_start3A_443[%add3A_432, %dma_start3A_444] : memref<125x80xi32, #tpu.memory_space<hbm>> -> memref<1x80xi32, #tpu.memory_space<hbm>>
            %dma_start3A_446 = tpu.memref_squeeze %dma_start3A_445 : memref<1x80xi32, #tpu.memory_space<hbm>> -> memref<80xi32, #tpu.memory_space<hbm>>
            tpu.enqueue_dma source(%dma_start3A_446 : memref<80xi32, #tpu.memory_space<hbm>>) target(%run_scoped3A_6 : memref<80xi32, #tpu.memory_space<vmem>>) target_semaphore(%run_scoped3A_22 : memref<!tpu.dma_semaphore, #tpu.memory_space<semaphore_mem>>)
          } else {
          }
          %add3A_405 = arith.constant 8 : i32
          %add3A_406 = arith.addi %add3A_344, %add3A_405 : i32
          %lt3A_407 = arith.constant 125 : i32
          %lt3A_408 = arith.cmpi slt, %add3A_406, %lt3A_407 : i32
          %convert_element_type3A_409 = arith.extui %lt3A_408 : i1 to i32
          %cond3A_410 = arith.constant 0 : i32
          %cond3A_411 = arith.cmpi ne, %convert_element_type3A_409, %cond3A_410 : i32
          scf.if %cond3A_411 {
            %add3A_412 = arith.constant 8 : i32
            %add3A_413 = arith.addi %add3A_344, %add3A_412 : i32
            %dma_start3A_414 = arith.constant 0 : i32
            %dma_start3A_415 = arith.constant 0 : i32
            %dma_start3A_416 = tpu.memref_slice %arg3[%add3A, %dma_start3A_414, %dma_start3A_415] : memref<32x125x80xi32, #tpu.memory_space<hbm>> -> memref<1x125x80xi32, #tpu.memory_space<hbm>>
            %dma_start3A_417 = tpu.memref_squeeze %dma_start3A_416 : memref<1x125x80xi32, #tpu.memory_space<hbm>> -> memref<125x80xi32, #tpu.memory_space<hbm>>
            %dma_start3A_418 = arith.constant 0 : i32
            %dma_start3A_419 = tpu.memref_slice %dma_start3A_417[%add3A_413, %dma_start3A_418] : memref<125x80xi32, #tpu.memory_space<hbm>> -> memref<1x80xi32, #tpu.memory_space<hbm>>
            %dma_start3A_420 = tpu.memref_squeeze %dma_start3A_419 : memref<1x80xi32, #tpu.memory_space<hbm>> -> memref<80xi32, #tpu.memory_space<hbm>>
            %dma_start3A_421 = arith.constant 0 : i32
            %dma_start3A_422 = arith.constant 0 : i32
            %dma_start3A_423 = tpu.memref_slice %arg3[%add3A, %dma_start3A_421, %dma_start3A_422] : memref<32x125x80xi32, #tpu.memory_space<hbm>> -> memref<1x125x80xi32, #tpu.memory_space<hbm>>
            %dma_start3A_424 = tpu.memref_squeeze %dma_start3A_423 : memref<1x125x80xi32, #tpu.memory_space<hbm>> -> memref<125x80xi32, #tpu.memory_space<hbm>>
            %dma_start3A_425 = arith.constant 0 : i32
            %dma_start3A_426 = tpu.memref_slice %dma_start3A_424[%add3A_413, %dma_start3A_425] : memref<125x80xi32, #tpu.memory_space<hbm>> -> memref<1x80xi32, #tpu.memory_space<hbm>>
            %dma_start3A_427 = tpu.memref_squeeze %dma_start3A_426 : memref<1x80xi32, #tpu.memory_space<hbm>> -> memref<80xi32, #tpu.memory_space<hbm>>
            tpu.enqueue_dma source(%dma_start3A_427 : memref<80xi32, #tpu.memory_space<hbm>>) target(%run_scoped3A_10 : memref<80xi32, #tpu.memory_space<vmem>>) target_semaphore(%run_scoped3A_26 : memref<!tpu.dma_semaphore, #tpu.memory_space<semaphore_mem>>)
          } else {
          }
        } else {
        }
        %add3A_350 = arith.constant 4 : i32
        %add3A_351 = arith.addi %add3A_324, %add3A_350 : i32
        %lt3A_352 = arith.constant 125 : i32
        %lt3A_353 = arith.cmpi slt, %add3A_351, %lt3A_352 : i32
        %convert_element_type3A_354 = arith.extui %lt3A_353 : i1 to i32
        %cond3A_355 = arith.constant 0 : i32
        %cond3A_356 = arith.cmpi ne, %convert_element_type3A_354, %cond3A_355 : i32
        scf.if %cond3A_356 {
          %dma_wait3A_378 = arith.constant 0 : i32
          %dma_wait3A_379 = arith.constant 0 : i32
          %dma_wait3A_380 = tpu.memref_slice %arg2[%dma_wait3A_378, %dma_wait3A_379] : memref<10000x128xf32, #tpu.memory_space<hbm>> -> memref<80x128xf32, #tpu.memory_space<hbm>>
          %dma_wait3A_381 = arith.constant 0 : i32
          %dma_wait3A_382 = arith.constant 0 : i32
          %dma_wait3A_383 = tpu.memref_slice %arg2[%dma_wait3A_381, %dma_wait3A_382] : memref<10000x128xf32, #tpu.memory_space<hbm>> -> memref<80x128xf32, #tpu.memory_space<hbm>>
          tpu.wait_dma2 semaphore(%run_scoped3A_15 : memref<!tpu.dma_semaphore, #tpu.memory_space<semaphore_mem>>) src(%dma_wait3A_383 : memref<80x128xf32, #tpu.memory_space<hbm>>) dst(%run_scoped3A : memref<80x128xf32, #tpu.memory_space<vmem>>)
          %dma_wait3A_384 = arith.constant 0 : i32
          %dma_wait3A_385 = arith.constant 0 : i32
          %dma_wait3A_386 = tpu.memref_slice %arg4[%add3A, %dma_wait3A_384, %dma_wait3A_385] : memref<32x125x80xi32, #tpu.memory_space<hbm>> -> memref<1x125x80xi32, #tpu.memory_space<hbm>>
          %dma_wait3A_387 = tpu.memref_squeeze %dma_wait3A_386 : memref<1x125x80xi32, #tpu.memory_space<hbm>> -> memref<125x80xi32, #tpu.memory_space<hbm>>
          %dma_wait3A_388 = arith.constant 0 : i32
          %dma_wait3A_389 = tpu.memref_slice %dma_wait3A_387[%add3A_351, %dma_wait3A_388] : memref<125x80xi32, #tpu.memory_space<hbm>> -> memref<1x80xi32, #tpu.memory_space<hbm>>
          %dma_wait3A_390 = tpu.memref_squeeze %dma_wait3A_389 : memref<1x80xi32, #tpu.memory_space<hbm>> -> memref<80xi32, #tpu.memory_space<hbm>>
          %dma_wait3A_391 = arith.constant 0 : i32
          %dma_wait3A_392 = arith.constant 0 : i32
          %dma_wait3A_393 = tpu.memref_slice %arg4[%add3A, %dma_wait3A_391, %dma_wait3A_392] : memref<32x125x80xi32, #tpu.memory_space<hbm>> -> memref<1x125x80xi32, #tpu.memory_space<hbm>>
          %dma_wait3A_394 = tpu.memref_squeeze %dma_wait3A_393 : memref<1x125x80xi32, #tpu.memory_space<hbm>> -> memref<125x80xi32, #tpu.memory_space<hbm>>
          %dma_wait3A_395 = arith.constant 0 : i32
          %dma_wait3A_396 = tpu.memref_slice %dma_wait3A_394[%add3A_351, %dma_wait3A_395] : memref<125x80xi32, #tpu.memory_space<hbm>> -> memref<1x80xi32, #tpu.memory_space<hbm>>
          %dma_wait3A_397 = tpu.memref_squeeze %dma_wait3A_396 : memref<1x80xi32, #tpu.memory_space<hbm>> -> memref<80xi32, #tpu.memory_space<hbm>>
          tpu.wait_dma2 semaphore(%run_scoped3A_19 : memref<!tpu.dma_semaphore, #tpu.memory_space<semaphore_mem>>) src(%dma_wait3A_397 : memref<80xi32, #tpu.memory_space<hbm>>) dst(%run_scoped3A_3 : memref<80xi32, #tpu.memory_space<vmem>>)
          "tpu.region"() ({
            %run_scoped3A_412 = tpu.sem_alloc : memref<!tpu.dma_semaphore, #tpu.memory_space<semaphore_mem>>
            %dma_start3A_413 = arith.constant 0 : i32
            %dma_start3A_414 = arith.constant 0 : i32
            %dma_start3A_415 = tpu.memref_slice %arg7[%dma_start3A_413, %dma_start3A_414] : memref<10000x128xf32, #tpu.memory_space<vmem_shared>> -> memref<10000x128xf32, #tpu.memory_space<vmem_shared>>
            tpu.enqueue_indirect_dma source(%run_scoped3A : memref<80x128xf32, #tpu.memory_space<vmem>>) target(%dma_start3A_415 : memref<10000x128xf32, #tpu.memory_space<vmem_shared>>) offsets(%run_scoped3A_3 : memref<80xi32, #tpu.memory_space<vmem>>) semaphore(%run_scoped3A_412 : memref<!tpu.dma_semaphore, #tpu.memory_space<semaphore_mem>>) {add = true}
            %dma_wait3A_416 = arith.constant 0 : i32
            %dma_wait3A_417 = arith.constant 0 : i32
            %dma_wait3A_418 = tpu.memref_slice %arg7[%dma_wait3A_416, %dma_wait3A_417] : memref<10000x128xf32, #tpu.memory_space<vmem_shared>> -> memref<10000x128xf32, #tpu.memory_space<vmem_shared>>
            tpu.wait_indirect_dma semaphore(%run_scoped3A_412 : memref<!tpu.dma_semaphore, #tpu.memory_space<semaphore_mem>>) src(%run_scoped3A : memref<80x128xf32, #tpu.memory_space<vmem>>) dst(%dma_wait3A_418 : memref<10000x128xf32, #tpu.memory_space<vmem_shared>>)
            tpu.yield
          }) : () -> ()
          %add3A_398 = arith.constant 4 : i32
          %add3A_399 = arith.addi %add3A_351, %add3A_398 : i32
          %lt3A_400 = arith.constant 125 : i32
          %lt3A_401 = arith.cmpi slt, %add3A_399, %lt3A_400 : i32
          %convert_element_type3A_402 = arith.extui %lt3A_401 : i1 to i32
          %cond3A_403 = arith.constant 0 : i32
          %cond3A_404 = arith.cmpi ne, %convert_element_type3A_402, %cond3A_403 : i32
          scf.if %cond3A_404 {
            %add3A_412 = arith.constant 4 : i32
            %add3A_413 = arith.addi %add3A_351, %add3A_412 : i32
            %dma_wait3A_414 = arith.constant 0 : i32
            %dma_wait3A_415 = arith.constant 0 : i32
            %dma_wait3A_416 = tpu.memref_slice %arg3[%add3A, %dma_wait3A_414, %dma_wait3A_415] : memref<32x125x80xi32, #tpu.memory_space<hbm>> -> memref<1x125x80xi32, #tpu.memory_space<hbm>>
            %dma_wait3A_417 = tpu.memref_squeeze %dma_wait3A_416 : memref<1x125x80xi32, #tpu.memory_space<hbm>> -> memref<125x80xi32, #tpu.memory_space<hbm>>
            %dma_wait3A_418 = arith.constant 0 : i32
            %dma_wait3A_419 = tpu.memref_slice %dma_wait3A_417[%add3A_413, %dma_wait3A_418] : memref<125x80xi32, #tpu.memory_space<hbm>> -> memref<1x80xi32, #tpu.memory_space<hbm>>
            %dma_wait3A_420 = tpu.memref_squeeze %dma_wait3A_419 : memref<1x80xi32, #tpu.memory_space<hbm>> -> memref<80xi32, #tpu.memory_space<hbm>>
            %dma_wait3A_421 = arith.constant 0 : i32
            %dma_wait3A_422 = arith.constant 0 : i32
            %dma_wait3A_423 = tpu.memref_slice %arg3[%add3A, %dma_wait3A_421, %dma_wait3A_422] : memref<32x125x80xi32, #tpu.memory_space<hbm>> -> memref<1x125x80xi32, #tpu.memory_space<hbm>>
            %dma_wait3A_424 = tpu.memref_squeeze %dma_wait3A_423 : memref<1x125x80xi32, #tpu.memory_space<hbm>> -> memref<125x80xi32, #tpu.memory_space<hbm>>
            %dma_wait3A_425 = arith.constant 0 : i32
            %dma_wait3A_426 = tpu.memref_slice %dma_wait3A_424[%add3A_413, %dma_wait3A_425] : memref<125x80xi32, #tpu.memory_space<hbm>> -> memref<1x80xi32, #tpu.memory_space<hbm>>
            %dma_wait3A_427 = tpu.memref_squeeze %dma_wait3A_426 : memref<1x80xi32, #tpu.memory_space<hbm>> -> memref<80xi32, #tpu.memory_space<hbm>>
            tpu.wait_dma2 semaphore(%run_scoped3A_23 : memref<!tpu.dma_semaphore, #tpu.memory_space<semaphore_mem>>) src(%dma_wait3A_427 : memref<80xi32, #tpu.memory_space<hbm>>) dst(%run_scoped3A_7 : memref<80xi32, #tpu.memory_space<vmem>>)
            %dma_start3A_428 = arith.constant 0 : i32
            %dma_start3A_429 = arith.constant 0 : i32
            %dma_start3A_430 = tpu.memref_slice %arg2[%dma_start3A_428, %dma_start3A_429] : memref<10000x128xf32, #tpu.memory_space<hbm>> -> memref<10000x128xf32, #tpu.memory_space<hbm>>
            tpu.enqueue_indirect_dma source(%dma_start3A_430 : memref<10000x128xf32, #tpu.memory_space<hbm>>) target(%run_scoped3A : memref<80x128xf32, #tpu.memory_space<vmem>>) offsets(%run_scoped3A_7 : memref<80xi32, #tpu.memory_space<vmem>>) semaphore(%run_scoped3A_15 : memref<!tpu.dma_semaphore, #tpu.memory_space<semaphore_mem>>)
            %add3A_431 = arith.constant 4 : i32
            %add3A_432 = arith.addi %add3A_351, %add3A_431 : i32
            %dma_start3A_433 = arith.constant 0 : i32
            %dma_start3A_434 = arith.constant 0 : i32
            %dma_start3A_435 = tpu.memref_slice %arg4[%add3A, %dma_start3A_433, %dma_start3A_434] : memref<32x125x80xi32, #tpu.memory_space<hbm>> -> memref<1x125x80xi32, #tpu.memory_space<hbm>>
            %dma_start3A_436 = tpu.memref_squeeze %dma_start3A_435 : memref<1x125x80xi32, #tpu.memory_space<hbm>> -> memref<125x80xi32, #tpu.memory_space<hbm>>
            %dma_start3A_437 = arith.constant 0 : i32
            %dma_start3A_438 = tpu.memref_slice %dma_start3A_436[%add3A_432, %dma_start3A_437] : memref<125x80xi32, #tpu.memory_space<hbm>> -> memref<1x80xi32, #tpu.memory_space<hbm>>
            %dma_start3A_439 = tpu.memref_squeeze %dma_start3A_438 : memref<1x80xi32, #tpu.memory_space<hbm>> -> memref<80xi32, #tpu.memory_space<hbm>>
            %dma_start3A_440 = arith.constant 0 : i32
            %dma_start3A_441 = arith.constant 0 : i32
            %dma_start3A_442 = tpu.memref_slice %arg4[%add3A, %dma_start3A_440, %dma_start3A_441] : memref<32x125x80xi32, #tpu.memory_space<hbm>> -> memref<1x125x80xi32, #tpu.memory_space<hbm>>
            %dma_start3A_443 = tpu.memref_squeeze %dma_start3A_442 : memref<1x125x80xi32, #tpu.memory_space<hbm>> -> memref<125x80xi32, #tpu.memory_space<hbm>>
            %dma_start3A_444 = arith.constant 0 : i32
            %dma_start3A_445 = tpu.memref_slice %dma_start3A_443[%add3A_432, %dma_start3A_444] : memref<125x80xi32, #tpu.memory_space<hbm>> -> memref<1x80xi32, #tpu.memory_space<hbm>>
            %dma_start3A_446 = tpu.memref_squeeze %dma_start3A_445 : memref<1x80xi32, #tpu.memory_space<hbm>> -> memref<80xi32, #tpu.memory_space<hbm>>
            tpu.enqueue_dma source(%dma_start3A_446 : memref<80xi32, #tpu.memory_space<hbm>>) target(%run_scoped3A_3 : memref<80xi32, #tpu.memory_space<vmem>>) target_semaphore(%run_scoped3A_19 : memref<!tpu.dma_semaphore, #tpu.memory_space<semaphore_mem>>)
          } else {
          }
          %add3A_405 = arith.constant 8 : i32
          %add3A_406 = arith.addi %add3A_351, %add3A_405 : i32
          %lt3A_407 = arith.constant 125 : i32
          %lt3A_408 = arith.cmpi slt, %add3A_406, %lt3A_407 : i32
          %convert_element_type3A_409 = arith.extui %lt3A_408 : i1 to i32
          %cond3A_410 = arith.constant 0 : i32
          %cond3A_411 = arith.cmpi ne, %convert_element_type3A_409, %cond3A_410 : i32
          scf.if %cond3A_411 {
            %add3A_412 = arith.constant 8 : i32
            %add3A_413 = arith.addi %add3A_351, %add3A_412 : i32
            %dma_start3A_414 = arith.constant 0 : i32
            %dma_start3A_415 = arith.constant 0 : i32
            %dma_start3A_416 = tpu.memref_slice %arg3[%add3A, %dma_start3A_414, %dma_start3A_415] : memref<32x125x80xi32, #tpu.memory_space<hbm>> -> memref<1x125x80xi32, #tpu.memory_space<hbm>>
            %dma_start3A_417 = tpu.memref_squeeze %dma_start3A_416 : memref<1x125x80xi32, #tpu.memory_space<hbm>> -> memref<125x80xi32, #tpu.memory_space<hbm>>
            %dma_start3A_418 = arith.constant 0 : i32
            %dma_start3A_419 = tpu.memref_slice %dma_start3A_417[%add3A_413, %dma_start3A_418] : memref<125x80xi32, #tpu.memory_space<hbm>> -> memref<1x80xi32, #tpu.memory_space<hbm>>
            %dma_start3A_420 = tpu.memref_squeeze %dma_start3A_419 : memref<1x80xi32, #tpu.memory_space<hbm>> -> memref<80xi32, #tpu.memory_space<hbm>>
            %dma_start3A_421 = arith.constant 0 : i32
            %dma_start3A_422 = arith.constant 0 : i32
            %dma_start3A_423 = tpu.memref_slice %arg3[%add3A, %dma_start3A_421, %dma_start3A_422] : memref<32x125x80xi32, #tpu.memory_space<hbm>> -> memref<1x125x80xi32, #tpu.memory_space<hbm>>
            %dma_start3A_424 = tpu.memref_squeeze %dma_start3A_423 : memref<1x125x80xi32, #tpu.memory_space<hbm>> -> memref<125x80xi32, #tpu.memory_space<hbm>>
            %dma_start3A_425 = arith.constant 0 : i32
            %dma_start3A_426 = tpu.memref_slice %dma_start3A_424[%add3A_413, %dma_start3A_425] : memref<125x80xi32, #tpu.memory_space<hbm>> -> memref<1x80xi32, #tpu.memory_space<hbm>>
            %dma_start3A_427 = tpu.memref_squeeze %dma_start3A_426 : memref<1x80xi32, #tpu.memory_space<hbm>> -> memref<80xi32, #tpu.memory_space<hbm>>
            tpu.enqueue_dma source(%dma_start3A_427 : memref<80xi32, #tpu.memory_space<hbm>>) target(%run_scoped3A_11 : memref<80xi32, #tpu.memory_space<vmem>>) target_semaphore(%run_scoped3A_27 : memref<!tpu.dma_semaphore, #tpu.memory_space<semaphore_mem>>)
          } else {
          }
        } else {
        }
        %add3A_357 = arith.constant 5 : i32
        %add3A_358 = arith.addi %add3A_324, %add3A_357 : i32
        %lt3A_359 = arith.constant 125 : i32
        %lt3A_360 = arith.cmpi slt, %add3A_358, %lt3A_359 : i32
        %convert_element_type3A_361 = arith.extui %lt3A_360 : i1 to i32
        %cond3A_362 = arith.constant 0 : i32
        %cond3A_363 = arith.cmpi ne, %convert_element_type3A_361, %cond3A_362 : i32
        scf.if %cond3A_363 {
          %dma_wait3A_378 = arith.constant 0 : i32
          %dma_wait3A_379 = arith.constant 0 : i32
          %dma_wait3A_380 = tpu.memref_slice %arg2[%dma_wait3A_378, %dma_wait3A_379] : memref<10000x128xf32, #tpu.memory_space<hbm>> -> memref<80x128xf32, #tpu.memory_space<hbm>>
          %dma_wait3A_381 = arith.constant 0 : i32
          %dma_wait3A_382 = arith.constant 0 : i32
          %dma_wait3A_383 = tpu.memref_slice %arg2[%dma_wait3A_381, %dma_wait3A_382] : memref<10000x128xf32, #tpu.memory_space<hbm>> -> memref<80x128xf32, #tpu.memory_space<hbm>>
          tpu.wait_dma2 semaphore(%run_scoped3A_16 : memref<!tpu.dma_semaphore, #tpu.memory_space<semaphore_mem>>) src(%dma_wait3A_383 : memref<80x128xf32, #tpu.memory_space<hbm>>) dst(%run_scoped3A_0 : memref<80x128xf32, #tpu.memory_space<vmem>>)
          %dma_wait3A_384 = arith.constant 0 : i32
          %dma_wait3A_385 = arith.constant 0 : i32
          %dma_wait3A_386 = tpu.memref_slice %arg4[%add3A, %dma_wait3A_384, %dma_wait3A_385] : memref<32x125x80xi32, #tpu.memory_space<hbm>> -> memref<1x125x80xi32, #tpu.memory_space<hbm>>
          %dma_wait3A_387 = tpu.memref_squeeze %dma_wait3A_386 : memref<1x125x80xi32, #tpu.memory_space<hbm>> -> memref<125x80xi32, #tpu.memory_space<hbm>>
          %dma_wait3A_388 = arith.constant 0 : i32
          %dma_wait3A_389 = tpu.memref_slice %dma_wait3A_387[%add3A_358, %dma_wait3A_388] : memref<125x80xi32, #tpu.memory_space<hbm>> -> memref<1x80xi32, #tpu.memory_space<hbm>>
          %dma_wait3A_390 = tpu.memref_squeeze %dma_wait3A_389 : memref<1x80xi32, #tpu.memory_space<hbm>> -> memref<80xi32, #tpu.memory_space<hbm>>
          %dma_wait3A_391 = arith.constant 0 : i32
          %dma_wait3A_392 = arith.constant 0 : i32
          %dma_wait3A_393 = tpu.memref_slice %arg4[%add3A, %dma_wait3A_391, %dma_wait3A_392] : memref<32x125x80xi32, #tpu.memory_space<hbm>> -> memref<1x125x80xi32, #tpu.memory_space<hbm>>
          %dma_wait3A_394 = tpu.memref_squeeze %dma_wait3A_393 : memref<1x125x80xi32, #tpu.memory_space<hbm>> -> memref<125x80xi32, #tpu.memory_space<hbm>>
          %dma_wait3A_395 = arith.constant 0 : i32
          %dma_wait3A_396 = tpu.memref_slice %dma_wait3A_394[%add3A_358, %dma_wait3A_395] : memref<125x80xi32, #tpu.memory_space<hbm>> -> memref<1x80xi32, #tpu.memory_space<hbm>>
          %dma_wait3A_397 = tpu.memref_squeeze %dma_wait3A_396 : memref<1x80xi32, #tpu.memory_space<hbm>> -> memref<80xi32, #tpu.memory_space<hbm>>
          tpu.wait_dma2 semaphore(%run_scoped3A_20 : memref<!tpu.dma_semaphore, #tpu.memory_space<semaphore_mem>>) src(%dma_wait3A_397 : memref<80xi32, #tpu.memory_space<hbm>>) dst(%run_scoped3A_4 : memref<80xi32, #tpu.memory_space<vmem>>)
          "tpu.region"() ({
            %run_scoped3A_412 = tpu.sem_alloc : memref<!tpu.dma_semaphore, #tpu.memory_space<semaphore_mem>>
            %dma_start3A_413 = arith.constant 0 : i32
            %dma_start3A_414 = arith.constant 0 : i32
            %dma_start3A_415 = tpu.memref_slice %arg7[%dma_start3A_413, %dma_start3A_414] : memref<10000x128xf32, #tpu.memory_space<vmem_shared>> -> memref<10000x128xf32, #tpu.memory_space<vmem_shared>>
            tpu.enqueue_indirect_dma source(%run_scoped3A_0 : memref<80x128xf32, #tpu.memory_space<vmem>>) target(%dma_start3A_415 : memref<10000x128xf32, #tpu.memory_space<vmem_shared>>) offsets(%run_scoped3A_4 : memref<80xi32, #tpu.memory_space<vmem>>) semaphore(%run_scoped3A_412 : memref<!tpu.dma_semaphore, #tpu.memory_space<semaphore_mem>>) {add = true}
            %dma_wait3A_416 = arith.constant 0 : i32
            %dma_wait3A_417 = arith.constant 0 : i32
            %dma_wait3A_418 = tpu.memref_slice %arg7[%dma_wait3A_416, %dma_wait3A_417] : memref<10000x128xf32, #tpu.memory_space<vmem_shared>> -> memref<10000x128xf32, #tpu.memory_space<vmem_shared>>
            tpu.wait_indirect_dma semaphore(%run_scoped3A_412 : memref<!tpu.dma_semaphore, #tpu.memory_space<semaphore_mem>>) src(%run_scoped3A_0 : memref<80x128xf32, #tpu.memory_space<vmem>>) dst(%dma_wait3A_418 : memref<10000x128xf32, #tpu.memory_space<vmem_shared>>)
            tpu.yield
          }) : () -> ()
          %add3A_398 = arith.constant 4 : i32
          %add3A_399 = arith.addi %add3A_358, %add3A_398 : i32
          %lt3A_400 = arith.constant 125 : i32
          %lt3A_401 = arith.cmpi slt, %add3A_399, %lt3A_400 : i32
          %convert_element_type3A_402 = arith.extui %lt3A_401 : i1 to i32
          %cond3A_403 = arith.constant 0 : i32
          %cond3A_404 = arith.cmpi ne, %convert_element_type3A_402, %cond3A_403 : i32
          scf.if %cond3A_404 {
            %add3A_412 = arith.constant 4 : i32
            %add3A_413 = arith.addi %add3A_358, %add3A_412 : i32
            %dma_wait3A_414 = arith.constant 0 : i32
            %dma_wait3A_415 = arith.constant 0 : i32
            %dma_wait3A_416 = tpu.memref_slice %arg3[%add3A, %dma_wait3A_414, %dma_wait3A_415] : memref<32x125x80xi32, #tpu.memory_space<hbm>> -> memref<1x125x80xi32, #tpu.memory_space<hbm>>
            %dma_wait3A_417 = tpu.memref_squeeze %dma_wait3A_416 : memref<1x125x80xi32, #tpu.memory_space<hbm>> -> memref<125x80xi32, #tpu.memory_space<hbm>>
            %dma_wait3A_418 = arith.constant 0 : i32
            %dma_wait3A_419 = tpu.memref_slice %dma_wait3A_417[%add3A_413, %dma_wait3A_418] : memref<125x80xi32, #tpu.memory_space<hbm>> -> memref<1x80xi32, #tpu.memory_space<hbm>>
            %dma_wait3A_420 = tpu.memref_squeeze %dma_wait3A_419 : memref<1x80xi32, #tpu.memory_space<hbm>> -> memref<80xi32, #tpu.memory_space<hbm>>
            %dma_wait3A_421 = arith.constant 0 : i32
            %dma_wait3A_422 = arith.constant 0 : i32
            %dma_wait3A_423 = tpu.memref_slice %arg3[%add3A, %dma_wait3A_421, %dma_wait3A_422] : memref<32x125x80xi32, #tpu.memory_space<hbm>> -> memref<1x125x80xi32, #tpu.memory_space<hbm>>
            %dma_wait3A_424 = tpu.memref_squeeze %dma_wait3A_423 : memref<1x125x80xi32, #tpu.memory_space<hbm>> -> memref<125x80xi32, #tpu.memory_space<hbm>>
            %dma_wait3A_425 = arith.constant 0 : i32
            %dma_wait3A_426 = tpu.memref_slice %dma_wait3A_424[%add3A_413, %dma_wait3A_425] : memref<125x80xi32, #tpu.memory_space<hbm>> -> memref<1x80xi32, #tpu.memory_space<hbm>>
            %dma_wait3A_427 = tpu.memref_squeeze %dma_wait3A_426 : memref<1x80xi32, #tpu.memory_space<hbm>> -> memref<80xi32, #tpu.memory_space<hbm>>
            tpu.wait_dma2 semaphore(%run_scoped3A_24 : memref<!tpu.dma_semaphore, #tpu.memory_space<semaphore_mem>>) src(%dma_wait3A_427 : memref<80xi32, #tpu.memory_space<hbm>>) dst(%run_scoped3A_8 : memref<80xi32, #tpu.memory_space<vmem>>)
            %dma_start3A_428 = arith.constant 0 : i32
            %dma_start3A_429 = arith.constant 0 : i32
            %dma_start3A_430 = tpu.memref_slice %arg2[%dma_start3A_428, %dma_start3A_429] : memref<10000x128xf32, #tpu.memory_space<hbm>> -> memref<10000x128xf32, #tpu.memory_space<hbm>>
            tpu.enqueue_indirect_dma source(%dma_start3A_430 : memref<10000x128xf32, #tpu.memory_space<hbm>>) target(%run_scoped3A_0 : memref<80x128xf32, #tpu.memory_space<vmem>>) offsets(%run_scoped3A_8 : memref<80xi32, #tpu.memory_space<vmem>>) semaphore(%run_scoped3A_16 : memref<!tpu.dma_semaphore, #tpu.memory_space<semaphore_mem>>)
            %add3A_431 = arith.constant 4 : i32
            %add3A_432 = arith.addi %add3A_358, %add3A_431 : i32
            %dma_start3A_433 = arith.constant 0 : i32
            %dma_start3A_434 = arith.constant 0 : i32
            %dma_start3A_435 = tpu.memref_slice %arg4[%add3A, %dma_start3A_433, %dma_start3A_434] : memref<32x125x80xi32, #tpu.memory_space<hbm>> -> memref<1x125x80xi32, #tpu.memory_space<hbm>>
            %dma_start3A_436 = tpu.memref_squeeze %dma_start3A_435 : memref<1x125x80xi32, #tpu.memory_space<hbm>> -> memref<125x80xi32, #tpu.memory_space<hbm>>
            %dma_start3A_437 = arith.constant 0 : i32
            %dma_start3A_438 = tpu.memref_slice %dma_start3A_436[%add3A_432, %dma_start3A_437] : memref<125x80xi32, #tpu.memory_space<hbm>> -> memref<1x80xi32, #tpu.memory_space<hbm>>
            %dma_start3A_439 = tpu.memref_squeeze %dma_start3A_438 : memref<1x80xi32, #tpu.memory_space<hbm>> -> memref<80xi32, #tpu.memory_space<hbm>>
            %dma_start3A_440 = arith.constant 0 : i32
            %dma_start3A_441 = arith.constant 0 : i32
            %dma_start3A_442 = tpu.memref_slice %arg4[%add3A, %dma_start3A_440, %dma_start3A_441] : memref<32x125x80xi32, #tpu.memory_space<hbm>> -> memref<1x125x80xi32, #tpu.memory_space<hbm>>
            %dma_start3A_443 = tpu.memref_squeeze %dma_start3A_442 : memref<1x125x80xi32, #tpu.memory_space<hbm>> -> memref<125x80xi32, #tpu.memory_space<hbm>>
            %dma_start3A_444 = arith.constant 0 : i32
            %dma_start3A_445 = tpu.memref_slice %dma_start3A_443[%add3A_432, %dma_start3A_444] : memref<125x80xi32, #tpu.memory_space<hbm>> -> memref<1x80xi32, #tpu.memory_space<hbm>>
            %dma_start3A_446 = tpu.memref_squeeze %dma_start3A_445 : memref<1x80xi32, #tpu.memory_space<hbm>> -> memref<80xi32, #tpu.memory_space<hbm>>
            tpu.enqueue_dma source(%dma_start3A_446 : memref<80xi32, #tpu.memory_space<hbm>>) target(%run_scoped3A_4 : memref<80xi32, #tpu.memory_space<vmem>>) target_semaphore(%run_scoped3A_20 : memref<!tpu.dma_semaphore, #tpu.memory_space<semaphore_mem>>)
          } else {
          }
          %add3A_405 = arith.constant 8 : i32
          %add3A_406 = arith.addi %add3A_358, %add3A_405 : i32
          %lt3A_407 = arith.constant 125 : i32
          %lt3A_408 = arith.cmpi slt, %add3A_406, %lt3A_407 : i32
          %convert_element_type3A_409 = arith.extui %lt3A_408 : i1 to i32
          %cond3A_410 = arith.constant 0 : i32
          %cond3A_411 = arith.cmpi ne, %convert_element_type3A_409, %cond3A_410 : i32
          scf.if %cond3A_411 {
            %add3A_412 = arith.constant 8 : i32
            %add3A_413 = arith.addi %add3A_358, %add3A_412 : i32
            %dma_start3A_414 = arith.constant 0 : i32
            %dma_start3A_415 = arith.constant 0 : i32
            %dma_start3A_416 = tpu.memref_slice %arg3[%add3A, %dma_start3A_414, %dma_start3A_415] : memref<32x125x80xi32, #tpu.memory_space<hbm>> -> memref<1x125x80xi32, #tpu.memory_space<hbm>>
            %dma_start3A_417 = tpu.memref_squeeze %dma_start3A_416 : memref<1x125x80xi32, #tpu.memory_space<hbm>> -> memref<125x80xi32, #tpu.memory_space<hbm>>
            %dma_start3A_418 = arith.constant 0 : i32
            %dma_start3A_419 = tpu.memref_slice %dma_start3A_417[%add3A_413, %dma_start3A_418] : memref<125x80xi32, #tpu.memory_space<hbm>> -> memref<1x80xi32, #tpu.memory_space<hbm>>
            %dma_start3A_420 = tpu.memref_squeeze %dma_start3A_419 : memref<1x80xi32, #tpu.memory_space<hbm>> -> memref<80xi32, #tpu.memory_space<hbm>>
            %dma_start3A_421 = arith.constant 0 : i32
            %dma_start3A_422 = arith.constant 0 : i32
            %dma_start3A_423 = tpu.memref_slice %arg3[%add3A, %dma_start3A_421, %dma_start3A_422] : memref<32x125x80xi32, #tpu.memory_space<hbm>> -> memref<1x125x80xi32, #tpu.memory_space<hbm>>
            %dma_start3A_424 = tpu.memref_squeeze %dma_start3A_423 : memref<1x125x80xi32, #tpu.memory_space<hbm>> -> memref<125x80xi32, #tpu.memory_space<hbm>>
            %dma_start3A_425 = arith.constant 0 : i32
            %dma_start3A_426 = tpu.memref_slice %dma_start3A_424[%add3A_413, %dma_start3A_425] : memref<125x80xi32, #tpu.memory_space<hbm>> -> memref<1x80xi32, #tpu.memory_space<hbm>>
            %dma_start3A_427 = tpu.memref_squeeze %dma_start3A_426 : memref<1x80xi32, #tpu.memory_space<hbm>> -> memref<80xi32, #tpu.memory_space<hbm>>
            tpu.enqueue_dma source(%dma_start3A_427 : memref<80xi32, #tpu.memory_space<hbm>>) target(%run_scoped3A_12 : memref<80xi32, #tpu.memory_space<vmem>>) target_semaphore(%run_scoped3A_28 : memref<!tpu.dma_semaphore, #tpu.memory_space<semaphore_mem>>)
          } else {
          }
        } else {
        }
        %add3A_364 = arith.constant 6 : i32
        %add3A_365 = arith.addi %add3A_324, %add3A_364 : i32
        %lt3A_366 = arith.constant 125 : i32
        %lt3A_367 = arith.cmpi slt, %add3A_365, %lt3A_366 : i32
        %convert_element_type3A_368 = arith.extui %lt3A_367 : i1 to i32
        %cond3A_369 = arith.constant 0 : i32
        %cond3A_370 = arith.cmpi ne, %convert_element_type3A_368, %cond3A_369 : i32
        scf.if %cond3A_370 {
          %dma_wait3A_378 = arith.constant 0 : i32
          %dma_wait3A_379 = arith.constant 0 : i32
          %dma_wait3A_380 = tpu.memref_slice %arg2[%dma_wait3A_378, %dma_wait3A_379] : memref<10000x128xf32, #tpu.memory_space<hbm>> -> memref<80x128xf32, #tpu.memory_space<hbm>>
          %dma_wait3A_381 = arith.constant 0 : i32
          %dma_wait3A_382 = arith.constant 0 : i32
          %dma_wait3A_383 = tpu.memref_slice %arg2[%dma_wait3A_381, %dma_wait3A_382] : memref<10000x128xf32, #tpu.memory_space<hbm>> -> memref<80x128xf32, #tpu.memory_space<hbm>>
          tpu.wait_dma2 semaphore(%run_scoped3A_17 : memref<!tpu.dma_semaphore, #tpu.memory_space<semaphore_mem>>) src(%dma_wait3A_383 : memref<80x128xf32, #tpu.memory_space<hbm>>) dst(%run_scoped3A_1 : memref<80x128xf32, #tpu.memory_space<vmem>>)
          %dma_wait3A_384 = arith.constant 0 : i32
          %dma_wait3A_385 = arith.constant 0 : i32
          %dma_wait3A_386 = tpu.memref_slice %arg4[%add3A, %dma_wait3A_384, %dma_wait3A_385] : memref<32x125x80xi32, #tpu.memory_space<hbm>> -> memref<1x125x80xi32, #tpu.memory_space<hbm>>
          %dma_wait3A_387 = tpu.memref_squeeze %dma_wait3A_386 : memref<1x125x80xi32, #tpu.memory_space<hbm>> -> memref<125x80xi32, #tpu.memory_space<hbm>>
          %dma_wait3A_388 = arith.constant 0 : i32
          %dma_wait3A_389 = tpu.memref_slice %dma_wait3A_387[%add3A_365, %dma_wait3A_388] : memref<125x80xi32, #tpu.memory_space<hbm>> -> memref<1x80xi32, #tpu.memory_space<hbm>>
          %dma_wait3A_390 = tpu.memref_squeeze %dma_wait3A_389 : memref<1x80xi32, #tpu.memory_space<hbm>> -> memref<80xi32, #tpu.memory_space<hbm>>
          %dma_wait3A_391 = arith.constant 0 : i32
          %dma_wait3A_392 = arith.constant 0 : i32
          %dma_wait3A_393 = tpu.memref_slice %arg4[%add3A, %dma_wait3A_391, %dma_wait3A_392] : memref<32x125x80xi32, #tpu.memory_space<hbm>> -> memref<1x125x80xi32, #tpu.memory_space<hbm>>
          %dma_wait3A_394 = tpu.memref_squeeze %dma_wait3A_393 : memref<1x125x80xi32, #tpu.memory_space<hbm>> -> memref<125x80xi32, #tpu.memory_space<hbm>>
          %dma_wait3A_395 = arith.constant 0 : i32
          %dma_wait3A_396 = tpu.memref_slice %dma_wait3A_394[%add3A_365, %dma_wait3A_395] : memref<125x80xi32, #tpu.memory_space<hbm>> -> memref<1x80xi32, #tpu.memory_space<hbm>>
          %dma_wait3A_397 = tpu.memref_squeeze %dma_wait3A_396 : memref<1x80xi32, #tpu.memory_space<hbm>> -> memref<80xi32, #tpu.memory_space<hbm>>
          tpu.wait_dma2 semaphore(%run_scoped3A_21 : memref<!tpu.dma_semaphore, #tpu.memory_space<semaphore_mem>>) src(%dma_wait3A_397 : memref<80xi32, #tpu.memory_space<hbm>>) dst(%run_scoped3A_5 : memref<80xi32, #tpu.memory_space<vmem>>)
          "tpu.region"() ({
            %run_scoped3A_412 = tpu.sem_alloc : memref<!tpu.dma_semaphore, #tpu.memory_space<semaphore_mem>>
            %dma_start3A_413 = arith.constant 0 : i32
            %dma_start3A_414 = arith.constant 0 : i32
            %dma_start3A_415 = tpu.memref_slice %arg7[%dma_start3A_413, %dma_start3A_414] : memref<10000x128xf32, #tpu.memory_space<vmem_shared>> -> memref<10000x128xf32, #tpu.memory_space<vmem_shared>>
            tpu.enqueue_indirect_dma source(%run_scoped3A_1 : memref<80x128xf32, #tpu.memory_space<vmem>>) target(%dma_start3A_415 : memref<10000x128xf32, #tpu.memory_space<vmem_shared>>) offsets(%run_scoped3A_5 : memref<80xi32, #tpu.memory_space<vmem>>) semaphore(%run_scoped3A_412 : memref<!tpu.dma_semaphore, #tpu.memory_space<semaphore_mem>>) {add = true}
            %dma_wait3A_416 = arith.constant 0 : i32
            %dma_wait3A_417 = arith.constant 0 : i32
            %dma_wait3A_418 = tpu.memref_slice %arg7[%dma_wait3A_416, %dma_wait3A_417] : memref<10000x128xf32, #tpu.memory_space<vmem_shared>> -> memref<10000x128xf32, #tpu.memory_space<vmem_shared>>
            tpu.wait_indirect_dma semaphore(%run_scoped3A_412 : memref<!tpu.dma_semaphore, #tpu.memory_space<semaphore_mem>>) src(%run_scoped3A_1 : memref<80x128xf32, #tpu.memory_space<vmem>>) dst(%dma_wait3A_418 : memref<10000x128xf32, #tpu.memory_space<vmem_shared>>)
            tpu.yield
          }) : () -> ()
          %add3A_398 = arith.constant 4 : i32
          %add3A_399 = arith.addi %add3A_365, %add3A_398 : i32
          %lt3A_400 = arith.constant 125 : i32
          %lt3A_401 = arith.cmpi slt, %add3A_399, %lt3A_400 : i32
          %convert_element_type3A_402 = arith.extui %lt3A_401 : i1 to i32
          %cond3A_403 = arith.constant 0 : i32
          %cond3A_404 = arith.cmpi ne, %convert_element_type3A_402, %cond3A_403 : i32
          scf.if %cond3A_404 {
            %add3A_412 = arith.constant 4 : i32
            %add3A_413 = arith.addi %add3A_365, %add3A_412 : i32
            %dma_wait3A_414 = arith.constant 0 : i32
            %dma_wait3A_415 = arith.constant 0 : i32
            %dma_wait3A_416 = tpu.memref_slice %arg3[%add3A, %dma_wait3A_414, %dma_wait3A_415] : memref<32x125x80xi32, #tpu.memory_space<hbm>> -> memref<1x125x80xi32, #tpu.memory_space<hbm>>
            %dma_wait3A_417 = tpu.memref_squeeze %dma_wait3A_416 : memref<1x125x80xi32, #tpu.memory_space<hbm>> -> memref<125x80xi32, #tpu.memory_space<hbm>>
            %dma_wait3A_418 = arith.constant 0 : i32
            %dma_wait3A_419 = tpu.memref_slice %dma_wait3A_417[%add3A_413, %dma_wait3A_418] : memref<125x80xi32, #tpu.memory_space<hbm>> -> memref<1x80xi32, #tpu.memory_space<hbm>>
            %dma_wait3A_420 = tpu.memref_squeeze %dma_wait3A_419 : memref<1x80xi32, #tpu.memory_space<hbm>> -> memref<80xi32, #tpu.memory_space<hbm>>
            %dma_wait3A_421 = arith.constant 0 : i32
            %dma_wait3A_422 = arith.constant 0 : i32
            %dma_wait3A_423 = tpu.memref_slice %arg3[%add3A, %dma_wait3A_421, %dma_wait3A_422] : memref<32x125x80xi32, #tpu.memory_space<hbm>> -> memref<1x125x80xi32, #tpu.memory_space<hbm>>
            %dma_wait3A_424 = tpu.memref_squeeze %dma_wait3A_423 : memref<1x125x80xi32, #tpu.memory_space<hbm>> -> memref<125x80xi32, #tpu.memory_space<hbm>>
            %dma_wait3A_425 = arith.constant 0 : i32
            %dma_wait3A_426 = tpu.memref_slice %dma_wait3A_424[%add3A_413, %dma_wait3A_425] : memref<125x80xi32, #tpu.memory_space<hbm>> -> memref<1x80xi32, #tpu.memory_space<hbm>>
            %dma_wait3A_427 = tpu.memref_squeeze %dma_wait3A_426 : memref<1x80xi32, #tpu.memory_space<hbm>> -> memref<80xi32, #tpu.memory_space<hbm>>
            tpu.wait_dma2 semaphore(%run_scoped3A_25 : memref<!tpu.dma_semaphore, #tpu.memory_space<semaphore_mem>>) src(%dma_wait3A_427 : memref<80xi32, #tpu.memory_space<hbm>>) dst(%run_scoped3A_9 : memref<80xi32, #tpu.memory_space<vmem>>)
            %dma_start3A_428 = arith.constant 0 : i32
            %dma_start3A_429 = arith.constant 0 : i32
            %dma_start3A_430 = tpu.memref_slice %arg2[%dma_start3A_428, %dma_start3A_429] : memref<10000x128xf32, #tpu.memory_space<hbm>> -> memref<10000x128xf32, #tpu.memory_space<hbm>>
            tpu.enqueue_indirect_dma source(%dma_start3A_430 : memref<10000x128xf32, #tpu.memory_space<hbm>>) target(%run_scoped3A_1 : memref<80x128xf32, #tpu.memory_space<vmem>>) offsets(%run_scoped3A_9 : memref<80xi32, #tpu.memory_space<vmem>>) semaphore(%run_scoped3A_17 : memref<!tpu.dma_semaphore, #tpu.memory_space<semaphore_mem>>)
            %add3A_431 = arith.constant 4 : i32
            %add3A_432 = arith.addi %add3A_365, %add3A_431 : i32
            %dma_start3A_433 = arith.constant 0 : i32
            %dma_start3A_434 = arith.constant 0 : i32
            %dma_start3A_435 = tpu.memref_slice %arg4[%add3A, %dma_start3A_433, %dma_start3A_434] : memref<32x125x80xi32, #tpu.memory_space<hbm>> -> memref<1x125x80xi32, #tpu.memory_space<hbm>>
            %dma_start3A_436 = tpu.memref_squeeze %dma_start3A_435 : memref<1x125x80xi32, #tpu.memory_space<hbm>> -> memref<125x80xi32, #tpu.memory_space<hbm>>
            %dma_start3A_437 = arith.constant 0 : i32
            %dma_start3A_438 = tpu.memref_slice %dma_start3A_436[%add3A_432, %dma_start3A_437] : memref<125x80xi32, #tpu.memory_space<hbm>> -> memref<1x80xi32, #tpu.memory_space<hbm>>
            %dma_start3A_439 = tpu.memref_squeeze %dma_start3A_438 : memref<1x80xi32, #tpu.memory_space<hbm>> -> memref<80xi32, #tpu.memory_space<hbm>>
            %dma_start3A_440 = arith.constant 0 : i32
            %dma_start3A_441 = arith.constant 0 : i32
            %dma_start3A_442 = tpu.memref_slice %arg4[%add3A, %dma_start3A_440, %dma_start3A_441] : memref<32x125x80xi32, #tpu.memory_space<hbm>> -> memref<1x125x80xi32, #tpu.memory_space<hbm>>
            %dma_start3A_443 = tpu.memref_squeeze %dma_start3A_442 : memref<1x125x80xi32, #tpu.memory_space<hbm>> -> memref<125x80xi32, #tpu.memory_space<hbm>>
            %dma_start3A_444 = arith.constant 0 : i32
            %dma_start3A_445 = tpu.memref_slice %dma_start3A_443[%add3A_432, %dma_start3A_444] : memref<125x80xi32, #tpu.memory_space<hbm>> -> memref<1x80xi32, #tpu.memory_space<hbm>>
            %dma_start3A_446 = tpu.memref_squeeze %dma_start3A_445 : memref<1x80xi32, #tpu.memory_space<hbm>> -> memref<80xi32, #tpu.memory_space<hbm>>
            tpu.enqueue_dma source(%dma_start3A_446 : memref<80xi32, #tpu.memory_space<hbm>>) target(%run_scoped3A_5 : memref<80xi32, #tpu.memory_space<vmem>>) target_semaphore(%run_scoped3A_21 : memref<!tpu.dma_semaphore, #tpu.memory_space<semaphore_mem>>)
          } else {
          }
          %add3A_405 = arith.constant 8 : i32
          %add3A_406 = arith.addi %add3A_365, %add3A_405 : i32
          %lt3A_407 = arith.constant 125 : i32
          %lt3A_408 = arith.cmpi slt, %add3A_406, %lt3A_407 : i32
          %convert_element_type3A_409 = arith.extui %lt3A_408 : i1 to i32
          %cond3A_410 = arith.constant 0 : i32
          %cond3A_411 = arith.cmpi ne, %convert_element_type3A_409, %cond3A_410 : i32
          scf.if %cond3A_411 {
            %add3A_412 = arith.constant 8 : i32
            %add3A_413 = arith.addi %add3A_365, %add3A_412 : i32
            %dma_start3A_414 = arith.constant 0 : i32
            %dma_start3A_415 = arith.constant 0 : i32
            %dma_start3A_416 = tpu.memref_slice %arg3[%add3A, %dma_start3A_414, %dma_start3A_415] : memref<32x125x80xi32, #tpu.memory_space<hbm>> -> memref<1x125x80xi32, #tpu.memory_space<hbm>>
            %dma_start3A_417 = tpu.memref_squeeze %dma_start3A_416 : memref<1x125x80xi32, #tpu.memory_space<hbm>> -> memref<125x80xi32, #tpu.memory_space<hbm>>
            %dma_start3A_418 = arith.constant 0 : i32
            %dma_start3A_419 = tpu.memref_slice %dma_start3A_417[%add3A_413, %dma_start3A_418] : memref<125x80xi32, #tpu.memory_space<hbm>> -> memref<1x80xi32, #tpu.memory_space<hbm>>
            %dma_start3A_420 = tpu.memref_squeeze %dma_start3A_419 : memref<1x80xi32, #tpu.memory_space<hbm>> -> memref<80xi32, #tpu.memory_space<hbm>>
            %dma_start3A_421 = arith.constant 0 : i32
            %dma_start3A_422 = arith.constant 0 : i32
            %dma_start3A_423 = tpu.memref_slice %arg3[%add3A, %dma_start3A_421, %dma_start3A_422] : memref<32x125x80xi32, #tpu.memory_space<hbm>> -> memref<1x125x80xi32, #tpu.memory_space<hbm>>
            %dma_start3A_424 = tpu.memref_squeeze %dma_start3A_423 : memref<1x125x80xi32, #tpu.memory_space<hbm>> -> memref<125x80xi32, #tpu.memory_space<hbm>>
            %dma_start3A_425 = arith.constant 0 : i32
            %dma_start3A_426 = tpu.memref_slice %dma_start3A_424[%add3A_413, %dma_start3A_425] : memref<125x80xi32, #tpu.memory_space<hbm>> -> memref<1x80xi32, #tpu.memory_space<hbm>>
            %dma_start3A_427 = tpu.memref_squeeze %dma_start3A_426 : memref<1x80xi32, #tpu.memory_space<hbm>> -> memref<80xi32, #tpu.memory_space<hbm>>
            tpu.enqueue_dma source(%dma_start3A_427 : memref<80xi32, #tpu.memory_space<hbm>>) target(%run_scoped3A_13 : memref<80xi32, #tpu.memory_space<vmem>>) target_semaphore(%run_scoped3A_29 : memref<!tpu.dma_semaphore, #tpu.memory_space<semaphore_mem>>)
          } else {
          }
        } else {
        }
        %add3A_371 = arith.constant 7 : i32
        %add3A_372 = arith.addi %add3A_324, %add3A_371 : i32
        %lt3A_373 = arith.constant 125 : i32
        %lt3A_374 = arith.cmpi slt, %add3A_372, %lt3A_373 : i32
        %convert_element_type3A_375 = arith.extui %lt3A_374 : i1 to i32
        %cond3A_376 = arith.constant 0 : i32
        %cond3A_377 = arith.cmpi ne, %convert_element_type3A_375, %cond3A_376 : i32
        scf.if %cond3A_377 {
          %dma_wait3A_378 = arith.constant 0 : i32
          %dma_wait3A_379 = arith.constant 0 : i32
          %dma_wait3A_380 = tpu.memref_slice %arg2[%dma_wait3A_378, %dma_wait3A_379] : memref<10000x128xf32, #tpu.memory_space<hbm>> -> memref<80x128xf32, #tpu.memory_space<hbm>>
          %dma_wait3A_381 = arith.constant 0 : i32
          %dma_wait3A_382 = arith.constant 0 : i32
          %dma_wait3A_383 = tpu.memref_slice %arg2[%dma_wait3A_381, %dma_wait3A_382] : memref<10000x128xf32, #tpu.memory_space<hbm>> -> memref<80x128xf32, #tpu.memory_space<hbm>>
          tpu.wait_dma2 semaphore(%run_scoped3A_18 : memref<!tpu.dma_semaphore, #tpu.memory_space<semaphore_mem>>) src(%dma_wait3A_383 : memref<80x128xf32, #tpu.memory_space<hbm>>) dst(%run_scoped3A_2 : memref<80x128xf32, #tpu.memory_space<vmem>>)
          %dma_wait3A_384 = arith.constant 0 : i32
          %dma_wait3A_385 = arith.constant 0 : i32
          %dma_wait3A_386 = tpu.memref_slice %arg4[%add3A, %dma_wait3A_384, %dma_wait3A_385] : memref<32x125x80xi32, #tpu.memory_space<hbm>> -> memref<1x125x80xi32, #tpu.memory_space<hbm>>
          %dma_wait3A_387 = tpu.memref_squeeze %dma_wait3A_386 : memref<1x125x80xi32, #tpu.memory_space<hbm>> -> memref<125x80xi32, #tpu.memory_space<hbm>>
          %dma_wait3A_388 = arith.constant 0 : i32
          %dma_wait3A_389 = tpu.memref_slice %dma_wait3A_387[%add3A_372, %dma_wait3A_388] : memref<125x80xi32, #tpu.memory_space<hbm>> -> memref<1x80xi32, #tpu.memory_space<hbm>>
          %dma_wait3A_390 = tpu.memref_squeeze %dma_wait3A_389 : memref<1x80xi32, #tpu.memory_space<hbm>> -> memref<80xi32, #tpu.memory_space<hbm>>
          %dma_wait3A_391 = arith.constant 0 : i32
          %dma_wait3A_392 = arith.constant 0 : i32
          %dma_wait3A_393 = tpu.memref_slice %arg4[%add3A, %dma_wait3A_391, %dma_wait3A_392] : memref<32x125x80xi32, #tpu.memory_space<hbm>> -> memref<1x125x80xi32, #tpu.memory_space<hbm>>
          %dma_wait3A_394 = tpu.memref_squeeze %dma_wait3A_393 : memref<1x125x80xi32, #tpu.memory_space<hbm>> -> memref<125x80xi32, #tpu.memory_space<hbm>>
          %dma_wait3A_395 = arith.constant 0 : i32
          %dma_wait3A_396 = tpu.memref_slice %dma_wait3A_394[%add3A_372, %dma_wait3A_395] : memref<125x80xi32, #tpu.memory_space<hbm>> -> memref<1x80xi32, #tpu.memory_space<hbm>>
          %dma_wait3A_397 = tpu.memref_squeeze %dma_wait3A_396 : memref<1x80xi32, #tpu.memory_space<hbm>> -> memref<80xi32, #tpu.memory_space<hbm>>
          tpu.wait_dma2 semaphore(%run_scoped3A_22 : memref<!tpu.dma_semaphore, #tpu.memory_space<semaphore_mem>>) src(%dma_wait3A_397 : memref<80xi32, #tpu.memory_space<hbm>>) dst(%run_scoped3A_6 : memref<80xi32, #tpu.memory_space<vmem>>)
          "tpu.region"() ({
            %run_scoped3A_412 = tpu.sem_alloc : memref<!tpu.dma_semaphore, #tpu.memory_space<semaphore_mem>>
            %dma_start3A_413 = arith.constant 0 : i32
            %dma_start3A_414 = arith.constant 0 : i32
            %dma_start3A_415 = tpu.memref_slice %arg7[%dma_start3A_413, %dma_start3A_414] : memref<10000x128xf32, #tpu.memory_space<vmem_shared>> -> memref<10000x128xf32, #tpu.memory_space<vmem_shared>>
            tpu.enqueue_indirect_dma source(%run_scoped3A_2 : memref<80x128xf32, #tpu.memory_space<vmem>>) target(%dma_start3A_415 : memref<10000x128xf32, #tpu.memory_space<vmem_shared>>) offsets(%run_scoped3A_6 : memref<80xi32, #tpu.memory_space<vmem>>) semaphore(%run_scoped3A_412 : memref<!tpu.dma_semaphore, #tpu.memory_space<semaphore_mem>>) {add = true}
            %dma_wait3A_416 = arith.constant 0 : i32
            %dma_wait3A_417 = arith.constant 0 : i32
            %dma_wait3A_418 = tpu.memref_slice %arg7[%dma_wait3A_416, %dma_wait3A_417] : memref<10000x128xf32, #tpu.memory_space<vmem_shared>> -> memref<10000x128xf32, #tpu.memory_space<vmem_shared>>
            tpu.wait_indirect_dma semaphore(%run_scoped3A_412 : memref<!tpu.dma_semaphore, #tpu.memory_space<semaphore_mem>>) src(%run_scoped3A_2 : memref<80x128xf32, #tpu.memory_space<vmem>>) dst(%dma_wait3A_418 : memref<10000x128xf32, #tpu.memory_space<vmem_shared>>)
            tpu.yield
          }) : () -> ()
          %add3A_398 = arith.constant 4 : i32
          %add3A_399 = arith.addi %add3A_372, %add3A_398 : i32
          %lt3A_400 = arith.constant 125 : i32
          %lt3A_401 = arith.cmpi slt, %add3A_399, %lt3A_400 : i32
          %convert_element_type3A_402 = arith.extui %lt3A_401 : i1 to i32
          %cond3A_403 = arith.constant 0 : i32
          %cond3A_404 = arith.cmpi ne, %convert_element_type3A_402, %cond3A_403 : i32
          scf.if %cond3A_404 {
            %add3A_412 = arith.constant 4 : i32
            %add3A_413 = arith.addi %add3A_372, %add3A_412 : i32
            %dma_wait3A_414 = arith.constant 0 : i32
            %dma_wait3A_415 = arith.constant 0 : i32
            %dma_wait3A_416 = tpu.memref_slice %arg3[%add3A, %dma_wait3A_414, %dma_wait3A_415] : memref<32x125x80xi32, #tpu.memory_space<hbm>> -> memref<1x125x80xi32, #tpu.memory_space<hbm>>
            %dma_wait3A_417 = tpu.memref_squeeze %dma_wait3A_416 : memref<1x125x80xi32, #tpu.memory_space<hbm>> -> memref<125x80xi32, #tpu.memory_space<hbm>>
            %dma_wait3A_418 = arith.constant 0 : i32
            %dma_wait3A_419 = tpu.memref_slice %dma_wait3A_417[%add3A_413, %dma_wait3A_418] : memref<125x80xi32, #tpu.memory_space<hbm>> -> memref<1x80xi32, #tpu.memory_space<hbm>>
            %dma_wait3A_420 = tpu.memref_squeeze %dma_wait3A_419 : memref<1x80xi32, #tpu.memory_space<hbm>> -> memref<80xi32, #tpu.memory_space<hbm>>
            %dma_wait3A_421 = arith.constant 0 : i32
            %dma_wait3A_422 = arith.constant 0 : i32
            %dma_wait3A_423 = tpu.memref_slice %arg3[%add3A, %dma_wait3A_421, %dma_wait3A_422] : memref<32x125x80xi32, #tpu.memory_space<hbm>> -> memref<1x125x80xi32, #tpu.memory_space<hbm>>
            %dma_wait3A_424 = tpu.memref_squeeze %dma_wait3A_423 : memref<1x125x80xi32, #tpu.memory_space<hbm>> -> memref<125x80xi32, #tpu.memory_space<hbm>>
            %dma_wait3A_425 = arith.constant 0 : i32
            %dma_wait3A_426 = tpu.memref_slice %dma_wait3A_424[%add3A_413, %dma_wait3A_425] : memref<125x80xi32, #tpu.memory_space<hbm>> -> memref<1x80xi32, #tpu.memory_space<hbm>>
            %dma_wait3A_427 = tpu.memref_squeeze %dma_wait3A_426 : memref<1x80xi32, #tpu.memory_space<hbm>> -> memref<80xi32, #tpu.memory_space<hbm>>
            tpu.wait_dma2 semaphore(%run_scoped3A_26 : memref<!tpu.dma_semaphore, #tpu.memory_space<semaphore_mem>>) src(%dma_wait3A_427 : memref<80xi32, #tpu.memory_space<hbm>>) dst(%run_scoped3A_10 : memref<80xi32, #tpu.memory_space<vmem>>)
            %dma_start3A_428 = arith.constant 0 : i32
            %dma_start3A_429 = arith.constant 0 : i32
            %dma_start3A_430 = tpu.memref_slice %arg2[%dma_start3A_428, %dma_start3A_429] : memref<10000x128xf32, #tpu.memory_space<hbm>> -> memref<10000x128xf32, #tpu.memory_space<hbm>>
            tpu.enqueue_indirect_dma source(%dma_start3A_430 : memref<10000x128xf32, #tpu.memory_space<hbm>>) target(%run_scoped3A_2 : memref<80x128xf32, #tpu.memory_space<vmem>>) offsets(%run_scoped3A_10 : memref<80xi32, #tpu.memory_space<vmem>>) semaphore(%run_scoped3A_18 : memref<!tpu.dma_semaphore, #tpu.memory_space<semaphore_mem>>)
            %add3A_431 = arith.constant 4 : i32
            %add3A_432 = arith.addi %add3A_372, %add3A_431 : i32
            %dma_start3A_433 = arith.constant 0 : i32
            %dma_start3A_434 = arith.constant 0 : i32
            %dma_start3A_435 = tpu.memref_slice %arg4[%add3A, %dma_start3A_433, %dma_start3A_434] : memref<32x125x80xi32, #tpu.memory_space<hbm>> -> memref<1x125x80xi32, #tpu.memory_space<hbm>>
            %dma_start3A_436 = tpu.memref_squeeze %dma_start3A_435 : memref<1x125x80xi32, #tpu.memory_space<hbm>> -> memref<125x80xi32, #tpu.memory_space<hbm>>
            %dma_start3A_437 = arith.constant 0 : i32
            %dma_start3A_438 = tpu.memref_slice %dma_start3A_436[%add3A_432, %dma_start3A_437] : memref<125x80xi32, #tpu.memory_space<hbm>> -> memref<1x80xi32, #tpu.memory_space<hbm>>
            %dma_start3A_439 = tpu.memref_squeeze %dma_start3A_438 : memref<1x80xi32, #tpu.memory_space<hbm>> -> memref<80xi32, #tpu.memory_space<hbm>>
            %dma_start3A_440 = arith.constant 0 : i32
            %dma_start3A_441 = arith.constant 0 : i32
            %dma_start3A_442 = tpu.memref_slice %arg4[%add3A, %dma_start3A_440, %dma_start3A_441] : memref<32x125x80xi32, #tpu.memory_space<hbm>> -> memref<1x125x80xi32, #tpu.memory_space<hbm>>
            %dma_start3A_443 = tpu.memref_squeeze %dma_start3A_442 : memref<1x125x80xi32, #tpu.memory_space<hbm>> -> memref<125x80xi32, #tpu.memory_space<hbm>>
            %dma_start3A_444 = arith.constant 0 : i32
            %dma_start3A_445 = tpu.memref_slice %dma_start3A_443[%add3A_432, %dma_start3A_444] : memref<125x80xi32, #tpu.memory_space<hbm>> -> memref<1x80xi32, #tpu.memory_space<hbm>>
            %dma_start3A_446 = tpu.memref_squeeze %dma_start3A_445 : memref<1x80xi32, #tpu.memory_space<hbm>> -> memref<80xi32, #tpu.memory_space<hbm>>
            tpu.enqueue_dma source(%dma_start3A_446 : memref<80xi32, #tpu.memory_space<hbm>>) target(%run_scoped3A_6 : memref<80xi32, #tpu.memory_space<vmem>>) target_semaphore(%run_scoped3A_22 : memref<!tpu.dma_semaphore, #tpu.memory_space<semaphore_mem>>)
          } else {
          }
          %add3A_405 = arith.constant 8 : i32
          %add3A_406 = arith.addi %add3A_372, %add3A_405 : i32
          %lt3A_407 = arith.constant 125 : i32
          %lt3A_408 = arith.cmpi slt, %add3A_406, %lt3A_407 : i32
          %convert_element_type3A_409 = arith.extui %lt3A_408 : i1 to i32
          %cond3A_410 = arith.constant 0 : i32
          %cond3A_411 = arith.cmpi ne, %convert_element_type3A_409, %cond3A_410 : i32
          scf.if %cond3A_411 {
            %add3A_412 = arith.constant 8 : i32
            %add3A_413 = arith.addi %add3A_372, %add3A_412 : i32
            %dma_start3A_414 = arith.constant 0 : i32
            %dma_start3A_415 = arith.constant 0 : i32
            %dma_start3A_416 = tpu.memref_slice %arg3[%add3A, %dma_start3A_414, %dma_start3A_415] : memref<32x125x80xi32, #tpu.memory_space<hbm>> -> memref<1x125x80xi32, #tpu.memory_space<hbm>>
            %dma_start3A_417 = tpu.memref_squeeze %dma_start3A_416 : memref<1x125x80xi32, #tpu.memory_space<hbm>> -> memref<125x80xi32, #tpu.memory_space<hbm>>
            %dma_start3A_418 = arith.constant 0 : i32
            %dma_start3A_419 = tpu.memref_slice %dma_start3A_417[%add3A_413, %dma_start3A_418] : memref<125x80xi32, #tpu.memory_space<hbm>> -> memref<1x80xi32, #tpu.memory_space<hbm>>
            %dma_start3A_420 = tpu.memref_squeeze %dma_start3A_419 : memref<1x80xi32, #tpu.memory_space<hbm>> -> memref<80xi32, #tpu.memory_space<hbm>>
            %dma_start3A_421 = arith.constant 0 : i32
            %dma_start3A_422 = arith.constant 0 : i32
            %dma_start3A_423 = tpu.memref_slice %arg3[%add3A, %dma_start3A_421, %dma_start3A_422] : memref<32x125x80xi32, #tpu.memory_space<hbm>> -> memref<1x125x80xi32, #tpu.memory_space<hbm>>
            %dma_start3A_424 = tpu.memref_squeeze %dma_start3A_423 : memref<1x125x80xi32, #tpu.memory_space<hbm>> -> memref<125x80xi32, #tpu.memory_space<hbm>>
            %dma_start3A_425 = arith.constant 0 : i32
            %dma_start3A_426 = tpu.memref_slice %dma_start3A_424[%add3A_413, %dma_start3A_425] : memref<125x80xi32, #tpu.memory_space<hbm>> -> memref<1x80xi32, #tpu.memory_space<hbm>>
            %dma_start3A_427 = tpu.memref_squeeze %dma_start3A_426 : memref<1x80xi32, #tpu.memory_space<hbm>> -> memref<80xi32, #tpu.memory_space<hbm>>
            tpu.enqueue_dma source(%dma_start3A_427 : memref<80xi32, #tpu.memory_space<hbm>>) target(%run_scoped3A_14 : memref<80xi32, #tpu.memory_space<vmem>>) target_semaphore(%run_scoped3A_30 : memref<!tpu.dma_semaphore, #tpu.memory_space<semaphore_mem>>)
          } else {
          }
        } else {
        }
      }
      %scan3A_300 = arith.constant 16 : i32
      %barrier3A_301 = arith.constant 0 : index
      tpu.barrier barrier_id(%barrier3A_301)
      %sub3A_302 = arith.constant 625 : i32
      %sub3A_303 = arith.subi %sub3A_302, %arg1 : i32
      %sub3A_304 = arith.constant 16 : i32
      %sub3A_305 = arith.constant 1 : i32
      %sub3A_306 = arith.subi %sub3A_304, %sub3A_305 : i32
      %add3A_307 = arith.addi %sub3A_303, %sub3A_306 : i32
      %div3A_308 = arith.constant 16 : i32
      %div3A_309 = arith.divsi %add3A_307, %div3A_308 : i32
      %while3A_310 = arith.constant 16 : i32
      %while3A_311 = arith.constant 0 : i32
      %while3A_312 = arith.subi %div3A_309, %while3A_311 : i32
      %while3A_313 = arith.addi %while3A_311, %while3A_312 : i32
      %while3A_314 = arith.constant 1 : i32
      %while3A_315 = arith.divsi %while3A_312, %while3A_314 : i32
      %while3A_316 = arith.muli %while3A_315, %while3A_314 : i32
      %while3A_317 = arith.addi %while3A_311, %while3A_316 : i32
      %while3A_318 = arith.constant 1 : i32
      scf.for %while3A_320 = %while3A_311 to %while3A_317 step %while3A_318  : i32 {
        %mul3A_321 = arith.muli %while3A_320, %while3A_310 : i32
        %add3A_322 = arith.addi %arg1, %mul3A_321 : i32
        %mul3A_323 = arith.constant 16 : i32
        %mul3A_324 = arith.muli %add3A_322, %mul3A_323 : i32
        %mul3A_325 = arith.constant 16 : i32
        %mul3A_326 = arith.muli %add3A_322, %mul3A_325 : i32
        "tpu.region"() ({
          %run_scoped3A_327 = tpu.sem_alloc : memref<!tpu.dma_semaphore, #tpu.memory_space<semaphore_mem>>
          %dma_start3A_328 = arith.constant 0 : i32
          %dma_start3A_329 = arith.constant 0 : i32
          %dma_start3A_330 = tpu.memref_slice %arg6[%arg0, %dma_start3A_328, %dma_start3A_329] : memref<2x10000x128xf32, #tpu.memory_space<hbm>> -> memref<1x10000x128xf32, #tpu.memory_space<hbm>>
          %dma_start3A_331 = tpu.memref_squeeze %dma_start3A_330 : memref<1x10000x128xf32, #tpu.memory_space<hbm>> -> memref<10000x128xf32, #tpu.memory_space<hbm>>
          %dma_start3A_332 = arith.constant 0 : i32
          %dma_start3A_333 = tpu.memref_slice %dma_start3A_331[%mul3A_326, %dma_start3A_332] : memref<10000x128xf32, #tpu.memory_space<hbm>> -> memref<16x128xf32, #tpu.memory_space<hbm>>
          %dma_start3A_334 = arith.constant 0 : i32
          %dma_start3A_335 = tpu.memref_slice %arg7[%mul3A_324, %dma_start3A_334] : memref<10000x128xf32, #tpu.memory_space<vmem_shared>> -> memref<16x128xf32, #tpu.memory_space<vmem_shared>>
          tpu.enqueue_dma source(%dma_start3A_335 : memref<16x128xf32, #tpu.memory_space<vmem_shared>>) target(%dma_start3A_333 : memref<16x128xf32, #tpu.memory_space<hbm>>) target_semaphore(%run_scoped3A_327 : memref<!tpu.dma_semaphore, #tpu.memory_space<semaphore_mem>>)
          %dma_wait3A_336 = arith.constant 0 : i32
          %dma_wait3A_337 = arith.constant 0 : i32
          %dma_wait3A_338 = tpu.memref_slice %arg6[%arg0, %dma_wait3A_336, %dma_wait3A_337] : memref<2x10000x128xf32, #tpu.memory_space<hbm>> -> memref<1x10000x128xf32, #tpu.memory_space<hbm>>
          %dma_wait3A_339 = tpu.memref_squeeze %dma_wait3A_338 : memref<1x10000x128xf32, #tpu.memory_space<hbm>> -> memref<10000x128xf32, #tpu.memory_space<hbm>>
          %dma_wait3A_340 = arith.constant 0 : i32
          %dma_wait3A_341 = tpu.memref_slice %dma_wait3A_339[%mul3A_326, %dma_wait3A_340] : memref<10000x128xf32, #tpu.memory_space<hbm>> -> memref<16x128xf32, #tpu.memory_space<hbm>>
          %dma_wait3A_342 = arith.constant 0 : i32
          %dma_wait3A_343 = tpu.memref_slice %arg7[%mul3A_324, %dma_wait3A_342] : memref<10000x128xf32, #tpu.memory_space<vmem_shared>> -> memref<16x128xf32, #tpu.memory_space<vmem_shared>>
          tpu.wait_dma2 semaphore(%run_scoped3A_327 : memref<!tpu.dma_semaphore, #tpu.memory_space<semaphore_mem>>) src(%dma_wait3A_343 : memref<16x128xf32, #tpu.memory_space<vmem_shared>>) dst(%dma_wait3A_341 : memref<16x128xf32, #tpu.memory_space<hbm>>)
          tpu.yield
        }) : () -> ()
      }
      %while3A_319 = arith.constant 1 : i32
      scf.for %while3A_320 = %while3A_317 to %while3A_313 step %while3A_319  : i32 {
        %mul3A_321 = arith.muli %while3A_320, %while3A_310 : i32
        %add3A_322 = arith.addi %arg1, %mul3A_321 : i32
        %mul3A_323 = arith.constant 16 : i32
        %mul3A_324 = arith.muli %add3A_322, %mul3A_323 : i32
        %mul3A_325 = arith.constant 16 : i32
        %mul3A_326 = arith.muli %add3A_322, %mul3A_325 : i32
        "tpu.region"() ({
          %run_scoped3A_327 = tpu.sem_alloc : memref<!tpu.dma_semaphore, #tpu.memory_space<semaphore_mem>>
          %dma_start3A_328 = arith.constant 0 : i32
          %dma_start3A_329 = arith.constant 0 : i32
          %dma_start3A_330 = tpu.memref_slice %arg6[%arg0, %dma_start3A_328, %dma_start3A_329] : memref<2x10000x128xf32, #tpu.memory_space<hbm>> -> memref<1x10000x128xf32, #tpu.memory_space<hbm>>
          %dma_start3A_331 = tpu.memref_squeeze %dma_start3A_330 : memref<1x10000x128xf32, #tpu.memory_space<hbm>> -> memref<10000x128xf32, #tpu.memory_space<hbm>>
          %dma_start3A_332 = arith.constant 0 : i32
          %dma_start3A_333 = tpu.memref_slice %dma_start3A_331[%mul3A_326, %dma_start3A_332] : memref<10000x128xf32, #tpu.memory_space<hbm>> -> memref<16x128xf32, #tpu.memory_space<hbm>>
          %dma_start3A_334 = arith.constant 0 : i32
          %dma_start3A_335 = tpu.memref_slice %arg7[%mul3A_324, %dma_start3A_334] : memref<10000x128xf32, #tpu.memory_space<vmem_shared>> -> memref<16x128xf32, #tpu.memory_space<vmem_shared>>
          tpu.enqueue_dma source(%dma_start3A_335 : memref<16x128xf32, #tpu.memory_space<vmem_shared>>) target(%dma_start3A_333 : memref<16x128xf32, #tpu.memory_space<hbm>>) target_semaphore(%run_scoped3A_327 : memref<!tpu.dma_semaphore, #tpu.memory_space<semaphore_mem>>)
          %dma_wait3A_336 = arith.constant 0 : i32
          %dma_wait3A_337 = arith.constant 0 : i32
          %dma_wait3A_338 = tpu.memref_slice %arg6[%arg0, %dma_wait3A_336, %dma_wait3A_337] : memref<2x10000x128xf32, #tpu.memory_space<hbm>> -> memref<1x10000x128xf32, #tpu.memory_space<hbm>>
          %dma_wait3A_339 = tpu.memref_squeeze %dma_wait3A_338 : memref<1x10000x128xf32, #tpu.memory_space<hbm>> -> memref<10000x128xf32, #tpu.memory_space<hbm>>
          %dma_wait3A_340 = arith.constant 0 : i32
          %dma_wait3A_341 = tpu.memref_slice %dma_wait3A_339[%mul3A_326, %dma_wait3A_340] : memref<10000x128xf32, #tpu.memory_space<hbm>> -> memref<16x128xf32, #tpu.memory_space<hbm>>
          %dma_wait3A_342 = arith.constant 0 : i32
          %dma_wait3A_343 = tpu.memref_slice %arg7[%mul3A_324, %dma_wait3A_342] : memref<10000x128xf32, #tpu.memory_space<vmem_shared>> -> memref<16x128xf32, #tpu.memory_space<vmem_shared>>
          tpu.wait_dma2 semaphore(%run_scoped3A_327 : memref<!tpu.dma_semaphore, #tpu.memory_space<semaphore_mem>>) src(%dma_wait3A_343 : memref<16x128xf32, #tpu.memory_space<vmem_shared>>) dst(%dma_wait3A_341 : memref<16x128xf32, #tpu.memory_space<hbm>>)
          tpu.yield
        }) : () -> ()
      }
      tpu.yield
    }) : () -> ()
    return
  }
}

module attributes {stable_mosaic.version = 14 : i64} {
  func.func @body(%arg0: i32, %arg1: memref<10000x128xf32, #tpu.memory_space<vmem>>, %arg2: memref<128x128xf32, #tpu.memory_space<vmem>>, %arg3: memref<10000x128xf32, #tpu.memory_space<vmem>>) attributes {dimension_semantics = [#tpu.dimension_semantics<arbitrary>], iteration_bounds = array<i64: 1>, scalar_prefetch = 0 : i64, scratch_operands = 0 : i64, tpu.core_type = #tpu.core_type<tc>, window_params = [{transform_indices = @transform_0, window_bounds = array<i64: 10000, 128>}, {pipeline_mode = #tpu.pipeline_mode<synchronous>, transform_indices = @transform_1, window_bounds = array<i64: 128, 128>}, {transform_indices = @transform_2, window_bounds = array<i64: 10000, 128>}]} {
    %get3A = arith.constant 0 : index
    %get3A_0 = arith.constant 0 : index
    %get3A_1 = vector.load %arg1[%get3A, %get3A_0] : memref<10000x128xf32, #tpu.memory_space<vmem>>, vector<10000x128xf32>
    %get3A_2 = arith.constant 0 : index
    %get3A_3 = arith.constant 0 : index
    %get3A_4 = vector.load %arg2[%get3A_2, %get3A_3] : memref<128x128xf32, #tpu.memory_space<vmem>>, vector<128x128xf32>
    %dot_general3A = arith.constant dense<0.000000e+00> : vector<10000x128xf32>
    %dot_general3A_5 = tpu.matmul %get3A_1, %get3A_4, %dot_general3A {dimension_numbers = #tpu.dot_dimension_numbers<[1], [1], [0], [0], [0, 0, 1, 0], [], []>, transpose_lhs_hint = false} : vector<10000x128xf32>, vector<128x128xf32>, vector<10000x128xf32> -> vector<10000x128xf32>
    %swap3A = arith.constant 0 : index
    %swap3A_6 = arith.constant 0 : index
    %swap3A_7 = vector.load %arg3[%swap3A, %swap3A_6] : memref<10000x128xf32, #tpu.memory_space<vmem>>, vector<10000x128xf32>
    tpu.vector_store %arg3[%swap3A, %swap3A_6], %dot_general3A_5 {strides = array<i32>} : memref<10000x128xf32, #tpu.memory_space<vmem>>, vector<10000x128xf32>,
    return
  }
  func.func @transform_0(%arg0: i32) -> (i32, i32) {
    %c0_i32 = arith.constant 0 : i32
    %c0_i32_0 = arith.constant 0 : i32
    return %arg0, %c0_i32 : i32, i32
  }
  func.func @transform_1(%arg0: i32) -> (i32, i32) {
    %c0_i32 = arith.constant 0 : i32
    %c0_i32_0 = arith.constant 0 : i32
    %c0_i32_1 = arith.constant 0 : i32
    return %c0_i32, %c0_i32_0 : i32, i32
  }
  func.func @transform_2(%arg0: i32) -> (i32, i32) {
    %c0_i32 = arith.constant 0 : i32
    %c0_i32_0 = arith.constant 0 : i32
    return %arg0, %c0_i32 : i32, i32
  }
}

module attributes {stable_mosaic.version = 14 : i64} {
  func.func @body(%arg0: i32, %arg1: memref<2x10000x128xf32, #tpu.memory_space<vmem>>, %arg2: memref<1x128xf32, #tpu.memory_space<vmem>>, %arg3: memref<128x128xf32, #tpu.memory_space<vmem>>, %arg4: memref<10000x128xf32, #tpu.memory_space<vmem>>) attributes {dimension_semantics = [#tpu.dimension_semantics<arbitrary>], iteration_bounds = array<i64: 1>, scalar_prefetch = 0 : i64, scratch_operands = 0 : i64, tpu.core_type = #tpu.core_type<tc>, window_params = [{transform_indices = @transform_0, window_bounds = array<i64: 2, 10000, 128>}, {pipeline_mode = #tpu.pipeline_mode<synchronous>, transform_indices = @transform_1, window_bounds = array<i64: 1, 128>}, {pipeline_mode = #tpu.pipeline_mode<synchronous>, transform_indices = @transform_2, window_bounds = array<i64: 128, 128>}, {transform_indices = @transform_3, window_bounds = array<i64: 10000, 128>}]} {
    %get3A = arith.constant 0 : index
    %get3A_0 = arith.constant 0 : index
    %get3A_1 = arith.constant 0 : index
    %get3A_2 = vector.load %arg1[%get3A, %get3A_0, %get3A_1] : memref<2x10000x128xf32, #tpu.memory_space<vmem>>, vector<1x10000x128xf32>
    %get3A_3 = vector.shape_cast %get3A_2 : vector<1x10000x128xf32> to vector<10000x128xf32>
    %get3A_4 = arith.constant 1 : index
    %get3A_5 = arith.constant 0 : index
    %get3A_6 = arith.constant 0 : index
    %get3A_7 = vector.load %arg1[%get3A_4, %get3A_5, %get3A_6] : memref<2x10000x128xf32, #tpu.memory_space<vmem>>, vector<1x10000x128xf32>
    %get3A_8 = vector.shape_cast %get3A_7 : vector<1x10000x128xf32> to vector<10000x128xf32>
    %add3A = arith.addf %get3A_3, %get3A_8 : vector<10000x128xf32>
    %get3A_9 = arith.constant 0 : index
    %get3A_10 = arith.constant 0 : index
    %get3A_11 = vector.load %arg2[%get3A_9, %get3A_10] : memref<1x128xf32, #tpu.memory_space<vmem>>, vector<1x128xf32>
    %add3A_12 = vector.broadcast %get3A_11 : vector<1x128xf32> to vector<10000x128xf32>
    %add3A_13 = arith.addf %add3A, %add3A_12 : vector<10000x128xf32>
    %max3A = arith.constant 0.000000e+00 : f32
    %max3A_14 = vector.broadcast %max3A : f32 to vector<10000x128xf32>
    %max3A_15 = arith.maximumf %add3A_13, %max3A_14 : vector<10000x128xf32>
    %get3A_16 = arith.constant 0 : index
    %get3A_17 = arith.constant 0 : index
    %get3A_18 = vector.load %arg3[%get3A_16, %get3A_17] : memref<128x128xf32, #tpu.memory_space<vmem>>, vector<128x128xf32>
    %dot_general3A = arith.constant dense<0.000000e+00> : vector<10000x128xf32>
    %dot_general3A_19 = tpu.matmul %max3A_15, %get3A_18, %dot_general3A {dimension_numbers = #tpu.dot_dimension_numbers<[1], [1], [0], [0], [0, 0, 1, 0], [], []>, transpose_lhs_hint = false} : vector<10000x128xf32>, vector<128x128xf32>, vector<10000x128xf32> -> vector<10000x128xf32>
    %swap3A = arith.constant 0 : index
    %swap3A_20 = arith.constant 0 : index
    %swap3A_21 = vector.load %arg4[%swap3A, %swap3A_20] : memref<10000x128xf32, #tpu.memory_space<vmem>>, vector<10000x128xf32>
    tpu.vector_store %arg4[%swap3A, %swap3A_20], %dot_general3A_19 {strides = array<i32>} : memref<10000x128xf32, #tpu.memory_space<vmem>>, vector<10000x128xf32>,
    return
  }
  func.func @transform_0(%arg0: i32) -> (i32, i32, i32) {
    %c0_i32 = arith.constant 0 : i32
    %c0_i32_0 = arith.constant 0 : i32
    %c0_i32_1 = arith.constant 0 : i32
    return %c0_i32, %arg0, %c0_i32_0 : i32, i32, i32
  }
  func.func @transform_1(%arg0: i32) -> (i32, i32) {
    %c0_i32 = arith.constant 0 : i32
    %c0_i32_0 = arith.constant 0 : i32
    %c0_i32_1 = arith.constant 0 : i32
    return %c0_i32, %c0_i32_0 : i32, i32
  }
  func.func @transform_2(%arg0: i32) -> (i32, i32) {
    %c0_i32 = arith.constant 0 : i32
    %c0_i32_0 = arith.constant 0 : i32
    %c0_i32_1 = arith.constant 0 : i32
    return %c0_i32, %c0_i32_0 : i32, i32
  }
  func.func @transform_3(%arg0: i32) -> (i32, i32) {
    %c0_i32 = arith.constant 0 : i32
    %c0_i32_0 = arith.constant 0 : i32
    return %arg0, %c0_i32 : i32, i32
  }
}

module attributes {stable_mosaic.version = 14 : i64} {
  func.func @body(%arg0: i32, %arg1: memref<2x10000x128xf32, #tpu.memory_space<vmem>>, %arg2: memref<1x128xf32, #tpu.memory_space<vmem>>, %arg3: memref<10000x128xf32, #tpu.memory_space<vmem>>) attributes {dimension_semantics = [#tpu.dimension_semantics<arbitrary>], iteration_bounds = array<i64: 1>, scalar_prefetch = 0 : i64, scratch_operands = 0 : i64, tpu.core_type = #tpu.core_type<tc>, window_params = [{transform_indices = @transform_0, window_bounds = array<i64: 2, 10000, 128>}, {pipeline_mode = #tpu.pipeline_mode<synchronous>, transform_indices = @transform_1, window_bounds = array<i64: 1, 128>}, {transform_indices = @transform_2, window_bounds = array<i64: 10000, 128>}]} {
    %get3A = arith.constant 0 : index
    %get3A_0 = arith.constant 0 : index
    %get3A_1 = arith.constant 0 : index
    %get3A_2 = vector.load %arg1[%get3A, %get3A_0, %get3A_1] : memref<2x10000x128xf32, #tpu.memory_space<vmem>>, vector<1x10000x128xf32>
    %get3A_3 = vector.shape_cast %get3A_2 : vector<1x10000x128xf32> to vector<10000x128xf32>
    %get3A_4 = arith.constant 1 : index
    %get3A_5 = arith.constant 0 : index
    %get3A_6 = arith.constant 0 : index
    %get3A_7 = vector.load %arg1[%get3A_4, %get3A_5, %get3A_6] : memref<2x10000x128xf32, #tpu.memory_space<vmem>>, vector<1x10000x128xf32>
    %get3A_8 = vector.shape_cast %get3A_7 : vector<1x10000x128xf32> to vector<10000x128xf32>
    %add3A = arith.addf %get3A_3, %get3A_8 : vector<10000x128xf32>
    %get3A_9 = arith.constant 0 : index
    %get3A_10 = arith.constant 0 : index
    %get3A_11 = vector.load %arg2[%get3A_9, %get3A_10] : memref<1x128xf32, #tpu.memory_space<vmem>>, vector<1x128xf32>
    %add3A_12 = vector.broadcast %get3A_11 : vector<1x128xf32> to vector<10000x128xf32>
    %add3A_13 = arith.addf %add3A, %add3A_12 : vector<10000x128xf32>
    %max3A = arith.constant 0.000000e+00 : f32
    %max3A_14 = vector.broadcast %max3A : f32 to vector<10000x128xf32>
    %max3A_15 = arith.maximumf %add3A_13, %max3A_14 : vector<10000x128xf32>
    %swap3A = arith.constant 0 : index
    %swap3A_16 = arith.constant 0 : index
    %swap3A_17 = vector.load %arg3[%swap3A, %swap3A_16] : memref<10000x128xf32, #tpu.memory_space<vmem>>, vector<10000x128xf32>
    tpu.vector_store %arg3[%swap3A, %swap3A_16], %max3A_15 {strides = array<i32>} : memref<10000x128xf32, #tpu.memory_space<vmem>>, vector<10000x128xf32>,
    return
  }
  func.func @transform_0(%arg0: i32) -> (i32, i32, i32) {
    %c0_i32 = arith.constant 0 : i32
    %c0_i32_0 = arith.constant 0 : i32
    %c0_i32_1 = arith.constant 0 : i32
    return %c0_i32, %arg0, %c0_i32_0 : i32, i32, i32
  }
  func.func @transform_1(%arg0: i32) -> (i32, i32) {
    %c0_i32 = arith.constant 0 : i32
    %c0_i32_0 = arith.constant 0 : i32
    %c0_i32_1 = arith.constant 0 : i32
    return %c0_i32, %c0_i32_0 : i32, i32
  }
  func.func @transform_2(%arg0: i32) -> (i32, i32) {
    %c0_i32 = arith.constant 0 : i32
    %c0_i32_0 = arith.constant 0 : i32
    return %arg0, %c0_i32 : i32, i32
  }
}

</mosaic_0001>

<sc_bundles>
// kernel: kernel.10.cloned.1.call-start
scs
__scs_entry_jumppad:
0x0: {  	(pc) =	sbr.rel $0x88, $3  }
0x1: {  	(tag) =	ssettag $0x0;
	lr =	simm.s32 $0x1  }
0x2: {  	[smem:$0x3F9B] =	sst lr;
	_ =	strace $0xD0000000  }
0x3: {  	_ = 	snop  }
0x4: {  	_ = 	snop  }
0x5: {  	_ = 	snop  }
0x6: {  	_ = 	snop  }
0x7: {  	_ = 	snop  }
__scs_overlays_trampoline_lowered:
0x8: {  	[smem:$0x3FAA] =	sst s0  }
0x9: {  	[smem:$0x3FAB] =	sst s1  }
0xa: {  	[smem:$0x3FAC] =	sst s2  }
0xb: {  	[smem:$0x3FAD] =	sst s3  }
0xc: {  	[smem:$0x3FAE] =	sst s4  }
0xd: {  	[smem:$0x3FAF] =	sst s5  }
0xe: {  	[smem:$0x3FB0] =	sst s6  }
0xf: {  	[smem:$0x3FB1] =	sst s7  }
0x10: {  	[smem:$0x3FB2] =	sst s8  }
0x11: {  	[smem:$0x3FB3] =	sst s9;
	s0 =	simm.s32 @!p0 $0x0  }
0x12: {  	s1 =	sld [smem:$0x3F99];
	s0 =	simm.s32 @p0 $0x1  }
0x13: {  	[smem:$0x3FB4] =	sst s0;
	s0 =	simm.s32 @!p1 $0x0  }
0x14: {  	s2 =	sld [smem:$0x3F98];
	s0 =	simm.s32 @p1 $0x1  }
0x15: {  	[smem:$0x3FB5] =	sst s0;
	s0 =	simm.s32 @!p2 $0x0  }
0x16: {  	s3 =	sld [smem:$0x3FDB];
	s0 =	simm.s32 @p2 $0x1  }
0x17: {  	s4 =	simm.s32 $0x1BF5;
	[smem:$0x3FB7] =	sst s0  }
0x18: {  	s0 =	sld [smem:$0x3F9A];
	_ =	swait.ge [sflag:s4], $0x0  }
0x19: {  	s7 =	sld [smem:$0x3F9B]  }
0x1a: {  	s8 =	sadd.s32 $0xFFFFE003, lr  }
0x1b: {  	s9 =	sadd.s32 $0xFFFFFEF7, lr;
	s5 =	simm.s32 $0xFFFFFFFF;
	p2 =	slt.u32 s8, $0xFFFFF086  }
0x1c: {  	p1 =	slt.u32 s9, $0xF7A;
	s5 =	simm.s32 @!p2 $0x0  }
0x1d: {  	s5 =	simm.s32 @p1 $0x1;
	p0 =	seq.s32 s7, s2  }
0x1e: {  	s7 =	smul.u32 @!p0 $0xF7A, s2;
	p2 =	seq.s32 @!p0 s5, $0x0  }
0x1f: {  	s9 =	smul.u32 $0xF7A, s1;
	s8 =	simm.s32 @!p0 $0x1BF5;
	p2 =	por !p2, p0  }
0x20: {  	[sflag:s8] =	ssyncset.s32 @!p0 $0xFFFFF086;
	s6 =	sadd.s32 @!p0 s3, s7;
	s7 =	simm.s32 @!p0 $0x108  }
0x21: {  	s3 =	sadd.s32 s3, s9;
	s6 =	sadd.s32 @!p0 $0x88, s6;
	s7 =	simm.s32 @p2 $0x1082  }
0x22: {  	[simem:s7], [sflag:s8] =	dma.local @!p0 [hbm:s6], $0xF7A  }
0x23: {  	s9 =	sor.u32 $0xD0000000, s2;
	s6 =	simm.s32 $0x108;
	_ =	swait.ge @!p0 [sflag:s8], $0x0  }
0x24: {  	s3 =	sadd.s32 $0x88, s3;
	s6 =	simm.s32 @!p1 $0x1082;
	[sflag:s4] =	ssyncset.s32 $0xFFFFF086  }
0x25: {  	[simem:s6], [sflag:s4] =	dma.local [hbm:s3], $0xF7A  }
0x26: {  	[smem:$0x3F9B] =	sst s1;
	(tag) =	ssettag s2;
	_ =	strace s9  }
0x27: {  	s1 =	sld [smem:$0x3FAB]  }
0x28: {  	s2 =	sld [smem:$0x3FAC]  }
0x29: {  	s4 =	sld [smem:$0x3FAE]  }
0x2a: {  	p0 =	seq.s32 s5, $0x0;
	s5 =	sld [smem:$0x3FAF]  }
0x2b: {  	s6 =	sld [smem:$0x3FB0]  }
0x2c: {  	s7 =	sld [smem:$0x3FB1]  }
0x2d: {  	s3 =	simm.s32 $0x108;
	s8 =	sld [smem:$0x3FB2]  }
0x2e: {  	s3 =	simm.s32 @!p0 $0x1082;
	s9 =	sld [smem:$0x3FB3]  }
0x2f: {  	lr =	sadd.s32 s0, s3;
	s0 =	sld [smem:$0x3FAA]  }
0x30: {  	s3 =	sld [smem:$0x3FAD]  }
0x31: {  	[smem:$0x3FB6] =	sst s10  }
0x32: {  	s10 =	sld [smem:$0x3FB4];
	_ =	sdelay $0x3  }
0x33: {  	p0 =	seq.s32 s10, $0x1;
	s10 =	sld [smem:$0x3FB6];
	_ =	sdelay $0x3  }
0x34: {  	[smem:$0x3FB6] =	sst s10  }
0x35: {  	s10 =	sld [smem:$0x3FB5];
	_ =	sdelay $0x3  }
0x36: {  	p1 =	seq.s32 s10, $0x1;
	s10 =	sld [smem:$0x3FB6];
	_ =	sdelay $0x3  }
0x37: {  	[smem:$0x3FB6] =	sst s10  }
0x38: {  	s10 =	sld [smem:$0x3FB7]  }
0x39: {  	_ = 	snop;
	(pc) =	sbr.ind lr, $3  }
0x3a: {  	_ = 	snop  }
0x3b: {  	_ = 	snop  }
0x3c: {  	p2 =	seq.s32 s10, $0x1;
	s10 =	sld [smem:$0x3FB6]  }
0x3d: {  	_ =	shalt  }
0x3e: {  	_ =	shalt  }
0x3f: {  	_ =	shalt  }
0x40: {  	_ =	shalt  }
0x41: {  	_ =	shalt  }
0x42: {  	_ =	shalt  }
0x43: {  	_ =	shalt  }
0x44: {  	_ =	shalt  }
0x45: {  	_ =	shalt  }
0x46: {  	_ =	shalt  }
0x47: {  	_ =	shalt  }
0x48: {  	_ =	shalt  }
0x49: {  	_ =	shalt  }
0x4a: {  	_ =	shalt  }
0x4b: {  	_ =	shalt  }
0x4c: {  	_ =	shalt  }
0x4d: {  	_ =	shalt  }
0x4e: {  	_ =	shalt  }
0x4f: {  	_ =	shalt  }
0x50: {  	_ =	shalt  }
0x51: {  	_ =	shalt  }
0x52: {  	_ =	shalt  }
0x53: {  	_ =	shalt  }
0x54: {  	_ =	shalt  }
0x55: {  	_ =	shalt  }
0x56: {  	_ =	shalt  }
0x57: {  	_ =	shalt  }
0x58: {  	_ =	shalt  }
0x59: {  	_ =	shalt  }
0x5a: {  	_ =	shalt  }
0x5b: {  	_ =	shalt  }
0x5c: {  	_ =	shalt  }
0x5d: {  	_ =	shalt  }
0x5e: {  	_ =	shalt  }
0x5f: {  	_ =	shalt  }
0x60: {  	_ =	shalt  }
0x61: {  	_ =	shalt  }
0x62: {  	_ =	shalt  }
0x63: {  	_ =	shalt  }
0x64: {  	_ =	shalt  }
0x65: {  	_ =	shalt  }
0x66: {  	_ =	shalt  }
0x67: {  	_ =	shalt  }
0x68: {  	_ =	shalt  }
0x69: {  	_ =	shalt  }
0x6a: {  	_ =	shalt  }
0x6b: {  	_ =	shalt  }
0x6c: {  	_ =	shalt  }
0x6d: {  	_ =	shalt  }
0x6e: {  	_ =	shalt  }
0x6f: {  	_ =	shalt  }
0x70: {  	_ =	shalt  }
0x71: {  	_ =	shalt  }
0x72: {  	_ =	shalt  }
0x73: {  	_ =	shalt  }
0x74: {  	_ =	shalt  }
0x75: {  	_ =	shalt  }
0x76: {  	_ =	shalt  }
0x77: {  	_ =	shalt  }
0x78: {  	_ =	shalt  }
0x79: {  	_ =	shalt  }
0x7a: {  	_ =	shalt  }
0x7b: {  	_ =	shalt  }
0x7c: {  	_ =	shalt  }
0x7d: {  	_ =	shalt  }
0x7e: {  	_ =	shalt  }
0x7f: {  	_ =	shalt  }
0x80: {  	_ =	shalt  }
0x81: {  	_ =	shalt  }
0x82: {  	_ =	shalt  }
0x83: {  	_ =	shalt  }
0x84: {  	_ =	shalt  }
0x85: {  	_ =	shalt  }
0x86: {  	_ =	shalt  }
0x87: {  	_ =	shalt  }
.Lfunc_end0:
.L_simem_size_0:
called_computation.1_lowered:
.L_overlay_start_0:
0x88: {  	s2 =	sld [smem:$0x3FD9]  }
0x89: {  	s3 =	sld [smem:$0x3FFE];
	_ =	sdelay $0x1  }
0x8a: {  	s1 =	srdreg.scid  }
0x8b: {  	s0 =	sand.u32 $0x1, s1  }
0x8c: {  	s17 =	sshll.u32 s0, $0xA;
	s2 =	sadd.s32 s3, s2  }
0x8d: {  	s2 =	sadd.s32 s2, s17  }
0x8e: {  	[smem:$0x3FC2] =	sst s2  }
0x8f: {  	_ = 	snop  }
0x90: {  	s2 =	sld [smem:$0x3FD0];
	(tm) =	ssettm $0x1  }
0x91: {  	s18 =	sld [smem:$0x3FFB];
	_ =	sdelay $0x3  }
0x92: {  	_ =	strace s18  }
0x93: {  	s3 =	sld [smem:$0x3FFC];
	_ =	sdelay $0x3  }
0x94: {  	_ =	strace s3  }
0x95: {  	s3 =	sld [smem:$0x3FFD];
	_ =	sdelay $0x3  }
0x96: {  	_ =	strace s3  }
0x97: {  	_ =	strace $0x8FFFFFFF  }
0x98: {  	s19 =	sld [smem:$0x3FDB];
	_ =	sdelay $0x1  }
0x99: {  	s4 =	simm.s32 $_scs_section_size  }
0x9a: {  	s5 =	simm.s32 $_size__tile_overlayer_lowered;
	s6 =	simm.s32 $_tile_overlayer_lowered  }
0x9b: {  	s22 =	simm.s32 $0x1BFF;
	s21 =	sshll.u32 s6, $0x1;
	s3 =	sadd.s32 s4, s19  }
0x9c: {  	s7 =	simm.s32 $0x0;
	s20 =	sshll.u32 s5, $0x1;
	s5 =	sadd.s32 s21, s3  }
0x9d: {  	[timem:s7], [sflag:s22] =	dma.local [hbm:s5], s20  }
0x9e: {  	_ =	swait.ge [sflag:s22], s20  }
0x9f: {  	s4 =	ssub.s32 $0x0, s20;
	[sflag:s22] =	ssyncset.done $0x0  }
0xa0: {  	[sflag:s22] =	ssyncadd.s32 s4;
	_ =	sdelay $0x1  }
0xa1: {  	s23 =	simm.s32 $0x1B8B  }
0xa2: {  	_ =	swait.ge [sflag:s23], $0x1  }
0xa3: {  	[sflag:s23] =	ssyncset.done $0x0  }
0xa4: {  	s25 =	simm.s32 $0x1B8E;
	s24 =	sld [smem:$0x3FFE];
	[sflag:s23] =	ssyncadd.s32 $0xFFFFFFFF  }
0xa5: {  	s26 =	simm.s32 $execute0_lowered;
	[smem:$0x3FD2] =	sst s25  }
0xa6: {  	s5 =	sshll.u32 s26, $0x1;
	_ =	strace $0x80000049;
	[dreg:$0x1] =	wrdreg $0xFFFFFFFF  }
0xa7: {  	s28 =	simm.s32 $_size_execute0_lowered;
	s3 =	sadd.s32 s3, s5;
	[dreg:$0x0] =	wrdreg $0x0  }
0xa8: {  	s5 =	sshll.u32 s28, $0x1;
	[dreg:$0x2] =	wrdreg s3  }
0xa9: {  	[dreg:$0x3] =	wrdreg s5  }
0xaa: {  	[dreg:$0x4] =	wrdreg $0xC0  }
0xab: {  	_ =	task [dreg:s7], $0x5FFFF  }
0xac: {  	[dreg:$0x1] =	wrdreg $0xFFFFFFFF  }
0xad: {  	[dreg:$0x0] =	wrdreg $0x60  }
0xae: {  	[dreg:$0x2] =	wrdreg s2  }
0xaf: {  	[dreg:$0x3] =	wrdreg s24  }
0xb0: {  	[dreg:$0x4] =	wrdreg $0x0  }
0xb1: {  	[dreg:$0x5] =	wrdreg $0x9  }
0xb2: {  	_ =	task.clear_ibuf [dreg:s7], $0x6FFFF;
	_ =	strace $0x90000049  }
0xb3: {  	s29 =	simm.s32 $0x9;
	_ =	strace $0x8000004B  }
0xb4: {  	_ =	swait.ge [sflag:s29], $0x1  }
0xb5: {  	[sflag:s29] =	ssyncadd.s32 $0xFFFFFFFF  }
0xb6: {  	_ =	strace $0x9000004B  }
0xb7: {  	_ =	sfence  }
0xb8: {  	s30 =	sld [smem:$0x0];
	_ =	sdelay $0x2  }
0xb9: {  	s31 =	sshll.u32 s1, $0xD;
	s1 =	sshrl.u32 s1, $0x2  }
0xba: {  	s3 =	sand.u32 $0x4000, s31;
	s1 =	sadd.s32 s1, s30  }
0xbb: {  	s0 =	sor.u32 s3, s0;
	s1 =	sshll.u32 s1, $0x11  }
0xbc: {  	s0 =	sor.u32 s1, s0  }
0xbd: {  	s0 =	sadd.s32 $0x8F2B, s0  }
0xbe: {  	[sflag:s0] =	ssyncadd.remote.s32 $0x1  }
0xbf: {  	_ =	sfence.sel $0xFFFF  }
0xc0: {  	[dreg:$0x0] =	wrdreg $0xFFFFFFFF;
	(pc) =	sbr.abs _section_cstart, $3  }
0xc1: {  	[dreg:$0x1] =	wrdreg $0xFFFFFFFF  }
0xc2: {  	_ =	task.clear_ibuf [dreg:s7], $0x2FFFF;
	_ =	strace $0x9FFFFFFF  }
0xc3: {  	(tm) =	ssettm $0x7FFFFFFF  }
tec
execute0_lowered:
.L_overlay_start_1:
0x0: {  	(tag) =	ssettag $0x1  }
0x1: {  	s1 =	rddreg [dreg:$0x0]  }
0x2: {  	s0 =	rddreg [dreg:$0x1]  }
0x3: {  	s2 =	rddreg [dreg:$0x2];
	s4 =	simm.s32 $0x0;
	s3 =	srdreg.scid  }
0x4: {  	s11 =	stileid.u32;
	s29 =	simm.s32 $0x50;
	s30 =	simm.s32 $0x13880  }
0x5: {  	s31 =	simm.s32 $0x1D880;
	s28 =	simm.s32 $0x16080;
	s12 =	simm.s32 $0x1DA00  }
0x6: {  	s15 =	simm.s32 $0x11;
	[smem:$0x7FF] =	sst s4;
	s3 =	sand.u32 $0x1, s3  }
0x7: {  	s6 =	sshll.u32 s11, $0xB;
	s9 =	sshll.u32 s11, $0x8;
	s24 =	ssub.s32 $0x280, s11  }
0x8: {  	_ =	strace $0x8000004A;
	s5 =	sshll.u32 s3, $0xF;
	s7 =	smul.u32 $0x27100, s3  }
0x9: {  	s10 =	sadd.s32 s9, s0;
	s26 =	sadd.s32 s6, s2;
	s5 =	sor.u32 s6, s5  }
0xa: {  	s25 =	sadd.s32 $0x21200, s10;
	[dreg:$0xf] =	wrdreg s26;
	s8 =	sadd.s32 s5, s0  }
0xb: {  	s0 =	sadd.s32 s7, s0;
	s7 =	sshrl.u32 s24, $0x4;
	[dreg:$0xe] =	wrdreg s25  }
0xc: {  	s11 =	simm.s32 $0x1B080;
	s17 =	sadd.s32 $0x11210, s8;
	[dreg:$0xc] =	wrdreg s7  }
0xd: {  	s3 =	ssub.s32 $0x2, s3;
	s18 =	sadd.s32 $0x11220, s8;
	[dreg:$0x4] =	wrdreg s17  }
0xe: {  	s16 =	sshrl.u32 s3, $0x1;
	s19 =	sadd.s32 $0x11230, s8;
	[dreg:$0x5] =	wrdreg s18  }
0xf: {  	s6 =	simm.s32 $0x1D900;
	s20 =	sadd.s32 $0x11240, s8;
	[dreg:$0x6] =	wrdreg s19  }
0x10: {  	s26 =	simm.s32 $0x3;
	s21 =	sadd.s32 $0x11250, s8;
	[dreg:$0x7] =	wrdreg s20  }
0x11: {  	s3 =	ssub.s32 s3, s16;
	s22 =	sadd.s32 $0x11260, s8;
	[dreg:$0x8] =	wrdreg s21  }
0x12: {  	s16 =	simm.s32 $0x1;
	s23 =	sadd.s32 $0x11270, s8;
	[dreg:$0x9] =	wrdreg s22  }
0x13: {  	s5 =	sadd.s32 $0x11200, s8;
	s8 =	sadd.s32 $0x1200, s8;
	[dreg:$0xa] =	wrdreg s23  }
0x14: {  	s24 =	simm.s32 $0x5;
	s3 =	smax.u32 s3, $0x1;
	[dreg:$0xb] =	wrdreg s8  }
0x15: {  	s25 =	simm.s32 $0x4;
	s0 =	sadd.s32 $0x48400, s0;
	[dreg:$0xd] =	wrdreg s3  }
0x16: {  	s0 =	sadd.s32 s0, s9;
	s8 =	simm.s32 $0x18880;
	s9 =	simm.s32 $0x1D980  }
0x17: {  	s17 =	simm.s32 $0x2;
	s23 =	simm.s32 $0x6;
	s18 =	simm.s32 $0x7  }
0x18: {  	s19 =	simm.s32 $0x8;
	s3 =	simm.s32 $0x0;
	[dreg:$0x10] =	wrdreg s0  }
.LBB2_1:
0x19: {  	[dreg:$0x11] =	wrdreg s3;
	s7 =	simm.s32 $0x1DA80  }
0x1a: {  	[tilespmem:s7], [sflag:$0x9] =	stream.linear.gather [hbm4b:s5+s4], $0x80, $0x38;
	[tilespmem:$0x1DE80] =	vst v63  }
0x1b: {  	s0 =	rddreg [dreg:$0x4];
	s10 =	simm.s32 $0x1DB00  }
0x1c: {  	[tilespmem:s10], [sflag:$0xA] =	stream.linear.gather [hbm4b:s0+s4], $0x80, $0x38;
	[tilespmem:$0x1DE80] =	vst v63  }
0x1d: {  	s21 =	rddreg [dreg:$0x5];
	s20 =	simm.s32 $0x1DB80  }
0x1e: {  	[tilespmem:s20], [sflag:$0xB] =	stream.linear.gather [hbm4b:s21+s4], $0x80, $0x38;
	[tilespmem:$0x1DE80] =	vst v63  }
0x1f: {  	s22 =	rddreg [dreg:$0x6];
	s14 =	simm.s32 $0x1DC00  }
0x20: {  	[tilespmem:s14], [sflag:$0xC] =	stream.linear.gather [hbm4b:s22+s4], $0x80, $0x38;
	[tilespmem:$0x1DE80] =	vst v63  }
0x21: {  	s3 =	simm.s32 $0x1DC80;
	s13 =	rddreg [dreg:$0x7]  }
0x22: {  	[tilespmem:s3], [sflag:$0xD] =	stream.linear.gather [hbm4b:s13+s4], $0x80, $0x38;
	[tilespmem:$0x1DE80] =	vst v63  }
0x23: {  	s21 =	rddreg [dreg:$0x8];
	s22 =	simm.s32 $0x1DD00  }
0x24: {  	[tilespmem:s22], [sflag:$0xE] =	stream.linear.gather [hbm4b:s21+s4], $0x80, $0x38;
	[tilespmem:$0x1DE80] =	vst v63  }
0x25: {  	s3 =	rddreg [dreg:$0x9];
	s13 =	simm.s32 $0x1DD80  }
0x26: {  	[tilespmem:s13], [sflag:$0xF] =	stream.linear.gather [hbm4b:s3+s4], $0x80, $0x38;
	[tilespmem:$0x1DE80] =	vst v63  }
0x27: {  	s21 =	rddreg [dreg:$0xa];
	s22 =	simm.s32 $0x1DE00;
	s13 =	simm.s32 $0x9  }
0x28: {  	[tilespmem:s22], [sflag:$0x10] =	stream.linear.gather [hbm4b:s21+s4], $0x80, $0x38;
	[tilespmem:$0x1DE80] =	vst v63  }
0x29: {  	_ =	swait.ge [sflag:s13], $0x80  }
0x2a: {  	[sflag:s13] =	ssyncset.done $0x0  }
0x2b: {  	[sflag:s13] =	ssyncadd.s32 $0xFFFFFF80  }
0x2c: {  	[tilespmem:s30], [sflag:$0x1] =	stream.indirect.gather [hbm4b:s1+s29], $0x80, s7, s29, $0xb8;
	[tilespmem:$0x1DE80] =	vst v63  }
0x2d: {  	s22 =	simm.s32 $0xA;
	s21 =	rddreg [dreg:$0xb]  }
0x2e: {  	[tilespmem:s31], [sflag:$0x5] =	stream.linear.gather [hbm4b:s21+s4], $0x80, $0x38;
	[tilespmem:$0x1DE80] =	vst v63  }
0x2f: {  	_ =	swait.ge [sflag:s22], $0x80  }
0x30: {  	[sflag:s22] =	ssyncset.done $0x0  }
0x31: {  	[sflag:s22] =	ssyncadd.s32 $0xFFFFFF80  }
0x32: {  	[tilespmem:s28], [sflag:$0x2] =	stream.indirect.gather [hbm4b:s1+s29], $0x80, s10, s29, $0xb8;
	[tilespmem:$0x1DE80] =	vst v63  }
0x33: {  	s13 =	sadd.s32 $0x10, s21;
	s7 =	simm.s32 $0xB  }
0x34: {  	[tilespmem:s6], [sflag:$0x6] =	stream.linear.gather [hbm4b:s13+s4], $0x80, $0x38;
	[tilespmem:$0x1DE80] =	vst v63  }
0x35: {  	_ =	swait.ge [sflag:s7], $0x80  }
0x36: {  	[sflag:s7] =	ssyncset.done $0x0  }
0x37: {  	[sflag:s7] =	ssyncadd.s32 $0xFFFFFF80  }
0x38: {  	[tilespmem:s8], [sflag:$0x3] =	stream.indirect.gather [hbm4b:s1+s29], $0x80, s20, s29, $0xb8;
	[tilespmem:$0x1DE80] =	vst v63  }
0x39: {  	s10 =	sadd.s32 $0x20, s21;
	s13 =	simm.s32 $0xC  }
0x3a: {  	[tilespmem:s9], [sflag:$0x7] =	stream.linear.gather [hbm4b:s10+s4], $0x80, $0x38;
	[tilespmem:$0x1DE80] =	vst v63  }
0x3b: {  	_ =	swait.ge [sflag:s13], $0x80  }
0x3c: {  	[sflag:s13] =	ssyncset.done $0x0;
	s28 =	rddreg [dreg:$0xf]  }
0x3d: {  	s20 =	stileid.u32;
	s22 =	rddreg [dreg:$0xe];
	[sflag:s13] =	ssyncadd.s32 $0xFFFFFF80  }
0x3e: {  	[tilespmem:s11], [sflag:$0x4] =	stream.indirect.gather [hbm4b:s1+s29], $0x80, s14, s29, $0xb8;
	[tilespmem:$0x1DE80] =	vst v63  }
0x3f: {  	s13 =	sshll.u32 s20, $0x6;
	s14 =	sadd.s32 $0x30, s21;
	s21 =	sshrl.u32 s28, $0x3  }
0x40: {  	s20 =	sor.u32 $0x1C11, s13;
	[dreg:$0x12] =	wrdreg s21  }
0x41: {  	[tilespmem:s12], [sflag:$0x8] =	stream.linear.gather [hbm4b:s14+s4], $0x80, $0x38;
	[tilespmem:$0x1DE80] =	vst v63  }
0x42: {  	[spmem:s21], [sflag:s20] =	dma.local [hbm:s22], $0x100  }
0x43: {  	s0 =	rddreg [dreg:$0xc]  }
0x44: {  	p0 =	sne.s32 s0, $0x1  }
.Ltmp0:
0x45: {  	_ = 	snop;
	(pc) =	sbr.rel @!p0 .LBB2_3-.Ltmp0, $2  }
0x46: {  	_ =	sdelay $0x2  }
0x47: {  	s22 =	sadd.s32 $0x1000, s22;
	_ =	swait.ge [sflag:s15], $0x100;
	s21 =	sadd.s32 $0xFFFFFFFF, s0  }
.LBB2_2:
0x48: {  	[sflag:s15] =	ssyncset.done $0x0  }
0x49: {  	s28 =	sadd.s32 $0x8000, s28;
	s20 =	sor.u32 $0x1C11, s13;
	p1 =	sne.s32 s21, $0x1  }
.Ltmp1:
0x4a: {  	s0 =	sshrl.u32 s28, $0x3;
	[sflag:s15] =	ssyncadd.s32 $0xFFFFFF00;
	(pc) =	sbr.rel @p1 .LBB2_2-.Ltmp1, $3  }
0x4b: {  	[spmem:s0], [sflag:s20] =	dma.local [hbm:s22], $0x100  }
0x4c: {  	s21 =	sadd.s32 $0xFFFFFFFF, s21;
	_ =	sdelay $0x1  }
0x4d: {  	s22 =	sadd.s32 $0x1000, s22;
	_ =	swait.ge [sflag:s15], $0x100  }
.LBB2_3:
.Ltmp2:
0x4e: {  	(pc) =	sbr.rel .LBB2_4-.Ltmp2, $4  }
0x4f: {  	[sflag:s15] =	ssyncset.done $0x0  }
0x50: {  	[sflag:s15] =	ssyncadd.s32 $0xFFFFFF00  }
0x51: {  	s21 =	simm.s32 $0x0;
	s22 =	simm.s32 $0x0;
	[bflag:$0x0] =	sbarrier.arrive $0xFFFF  }
0x52: {  	s3 =	simm.s32 $0x1DC80;
	s6 =	simm.s32 $0x16080;
	s8 =	simm.s32 $0x1D900  }
.LBB2_13:
0x53: {  	s0 =	simm.s32 $0x10  }
0x54: {  	_ =	swait.ge [sflag:s0], $0x80  }
0x55: {  	[sflag:s0] =	ssyncset.done $0x0  }
0x56: {  	s9 =	simm.s32 $0x1DE00;
	[sflag:s0] =	ssyncadd.s32 $0xFFFFFF80  }
0x57: {  	[tilespmem:s11], [sflag:$0x4] =	stream.indirect.gather [hbm4b:s1+s29], $0x80, s9, s29, $0xb8;
	[tilespmem:$0x1DE80] =	vst v63  }
0x58: {  	s14 =	sadd.s32 $0x70, s13  }
0x59: {  	[tilespmem:s12], [sflag:$0x8] =	stream.linear.gather [hbm4b:s14+s4], $0x80, $0x38;
	[tilespmem:$0x1DE80] =	vst v63  }
.LBB2_15:
0x5a: {  	s0 =	sadd.s32 s21, s5  }
0x5b: {  	s14 =	simm.s32 $0x1DC00;
	s7 =	sadd.s32 $0xB0, s0  }
0x5c: {  	[tilespmem:s14], [sflag:$0xC] =	stream.linear.gather [hbm4b:s7+s4], $0x80, $0x38;
	[tilespmem:$0x1DE80] =	vst v63  }
0x5d: {  	_ =	swait.ge [sflag:s16], $0x2800  }
0x5e: {  	[sflag:s16] =	ssyncset.done $0x0  }
0x5f: {  	[sflag:s16] =	ssyncadd.s32 $0xFFFFD800  }
0x60: {  	_ =	swait.ge [sflag:s24], $0x80  }
0x61: {  	[sflag:s24] =	ssyncset.done $0x0  }
0x62: {  	[sflag:s24] =	ssyncadd.s32 $0xFFFFFF80  }
0x63: {  	[spmem:s2] =	stream.indirect.scatter.add.f32 [tilespmem:s30], [sflag:$0x11], $0x80, s31, s29, $0xb8;
	[tilespmem:$0x1DE80] =	vst v63  }
0x64: {  	_ =	swait.ge [sflag:s15], $0x2800  }
0x65: {  	[sflag:s15] =	ssyncset.done $0x0  }
0x66: {  	s3 =	simm.s32 $0x9;
	[sflag:s15] =	ssyncadd.s32 $0xFFFFD800  }
0x67: {  	_ =	swait.ge [sflag:s3], $0x80  }
0x68: {  	[sflag:s3] =	ssyncset.done $0x0  }
0x69: {  	s11 =	simm.s32 $0x1DA80;
	[sflag:s3] =	ssyncadd.s32 $0xFFFFFF80  }
0x6a: {  	[tilespmem:s30], [sflag:$0x1] =	stream.indirect.gather [hbm4b:s1+s29], $0x80, s11, s29, $0xb8;
	[tilespmem:$0x1DE80] =	vst v63  }
0x6b: {  	s3 =	sadd.s32 $0x80, s13  }
0x6c: {  	[tilespmem:s31], [sflag:$0x5] =	stream.linear.gather [hbm4b:s3+s4], $0x80, $0x38;
	[tilespmem:$0x1DE80] =	vst v63  }
0x6d: {  	s0 =	sadd.s32 $0xC0, s0  }
0x6e: {  	[tilespmem:s10], [sflag:$0xD] =	stream.linear.gather [hbm4b:s0+s4], $0x80, $0x38;
	[tilespmem:$0x1DE80] =	vst v63  }
0x6f: {  	_ =	swait.ge [sflag:s17], $0x2800  }
0x70: {  	[sflag:s17] =	ssyncset.done $0x0  }
0x71: {  	[sflag:s17] =	ssyncadd.s32 $0xFFFFD800  }
0x72: {  	_ =	swait.ge [sflag:s23], $0x80  }
0x73: {  	[sflag:s23] =	ssyncset.done $0x0  }
0x74: {  	[sflag:s23] =	ssyncadd.s32 $0xFFFFFF80  }
0x75: {  	[spmem:s2] =	stream.indirect.scatter.add.f32 [tilespmem:s28], [sflag:$0x11], $0x80, s6, s29, $0xb8;
	[tilespmem:$0x1DE80] =	vst v63  }
0x76: {  	_ =	swait.ge [sflag:s15], $0x2800  }
0x77: {  	[sflag:s15] =	ssyncset.done $0x0  }
0x78: {  	s7 =	simm.s32 $0xA;
	[sflag:s15] =	ssyncadd.s32 $0xFFFFD800  }
0x79: {  	_ =	swait.ge [sflag:s7], $0x80  }
0x7a: {  	[sflag:s7] =	ssyncset.done $0x0  }
0x7b: {  	s8 =	simm.s32 $0x1DB00;
	p1 =	seq.s32 s22, $0xE;
	[sflag:s7] =	ssyncadd.s32 $0xFFFFFF80  }
0x7c: {  	[tilespmem:s28], [sflag:$0x2] =	stream.indirect.gather [hbm4b:s1+s29], $0x80, s8, s29, $0xb8;
	[tilespmem:$0x1DE80] =	vst v63  }
0x7d: {  	s9 =	sadd.s32 $0x90, s13;
	s0 =	sadd.s32 @!p1 s21, s5  }
0x7e: {  	[tilespmem:s6], [sflag:$0x6] =	stream.linear.gather [hbm4b:s9+s4], $0x80, $0x38;
	[tilespmem:$0x1DE80] =	vst v63  }
0x7f: {  	s10 =	simm.s32 @!p1 $0x1DD00;
	s7 =	sadd.s32 @!p1 $0xD0, s0;
	s28 =	simm.s32 @!p1 $0x0  }
0x80: {  	[tilespmem:s10], [sflag:$0xE] =	stream.linear.gather @!p1 [hbm4b:s7+s28], $0x80, $0x38;
	[tilespmem:$0x1DE80] =	vst v63  }
0x81: {  	_ =	swait.ge [sflag:s26], $0x2800  }
0x82: {  	[sflag:s26] =	ssyncset.done $0x0  }
0x83: {  	[sflag:s26] =	ssyncadd.s32 $0xFFFFD800  }
0x84: {  	_ =	swait.ge [sflag:s18], $0x80  }
0x85: {  	[sflag:s18] =	ssyncset.done $0x0  }
0x86: {  	s11 =	simm.s32 $0x1D980;
	s9 =	simm.s32 $0x18880;
	[sflag:s18] =	ssyncadd.s32 $0xFFFFFF80  }
0x87: {  	[spmem:s2] =	stream.indirect.scatter.add.f32 [tilespmem:s9], [sflag:$0x11], $0x80, s11, s29, $0xb8;
	[tilespmem:$0x1DE80] =	vst v63  }
0x88: {  	_ =	swait.ge [sflag:s15], $0x2800  }
0x89: {  	[sflag:s15] =	ssyncset.done $0x0  }
0x8a: {  	s10 =	simm.s32 $0xB;
	[sflag:s15] =	ssyncadd.s32 $0xFFFFD800  }
0x8b: {  	_ =	swait.ge [sflag:s10], $0x80  }
0x8c: {  	[sflag:s10] =	ssyncset.done $0x0  }
0x8d: {  	[sflag:s10] =	ssyncadd.s32 $0xFFFFFF80;
	s10 =	simm.s32 $0x1DB80  }
0x8e: {  	[tilespmem:s9], [sflag:$0x3] =	stream.indirect.gather [hbm4b:s1+s29], $0x80, s10, s29, $0xb8;
	[tilespmem:$0x1DE80] =	vst v63  }
0x8f: {  	s9 =	simm.s32 $0x1D980;
	s10 =	sadd.s32 $0xA0, s13  }
0x90: {  	[tilespmem:s9], [sflag:$0x7] =	stream.linear.gather [hbm4b:s10+s4], $0x80, $0x38;
	[tilespmem:$0x1DE80] =	vst v63  }
0x91: {  	s7 =	sadd.s32 @!p1 $0xE0, s0;
	s10 =	simm.s32 @!p1 $0x1DD80  }
0x92: {  	[tilespmem:s10], [sflag:$0xF] =	stream.linear.gather @!p1 [hbm4b:s7+s28], $0x80, $0x38;
	[tilespmem:$0x1DE80] =	vst v63  }
0x93: {  	_ =	swait.ge [sflag:s25], $0x2800  }
0x94: {  	[sflag:s25] =	ssyncset.done $0x0  }
0x95: {  	[sflag:s25] =	ssyncadd.s32 $0xFFFFD800  }
0x96: {  	_ =	swait.ge [sflag:s19], $0x80  }
0x97: {  	[sflag:s19] =	ssyncset.done $0x0  }
0x98: {  	s11 =	simm.s32 $0x1B080;
	[sflag:s19] =	ssyncadd.s32 $0xFFFFFF80  }
0x99: {  	[spmem:s2] =	stream.indirect.scatter.add.f32 [tilespmem:s11], [sflag:$0x11], $0x80, s12, s29, $0xb8;
	[tilespmem:$0x1DE80] =	vst v63  }
0x9a: {  	_ =	swait.ge [sflag:s15], $0x2800  }
0x9b: {  	[sflag:s15] =	ssyncset.done $0x0  }
0x9c: {  	s10 =	simm.s32 $0xC;
	[sflag:s15] =	ssyncadd.s32 $0xFFFFD800  }
0x9d: {  	_ =	swait.ge [sflag:s10], $0x80  }
0x9e: {  	[sflag:s10] =	ssyncset.done $0x0  }
0x9f: {  	s22 =	sadd.s32 $0x1, s22;
	s3 =	simm.s32 $0x1DC80;
	[sflag:s10] =	ssyncadd.s32 $0xFFFFFF80  }
0xa0: {  	[tilespmem:s11], [sflag:$0x4] =	stream.indirect.gather [hbm4b:s1+s29], $0x80, s14, s29, $0xb8;
	[tilespmem:$0x1DE80] =	vst v63  }
0xa1: {  	s21 =	sadd.s32 $0x80, s21;
	s8 =	simm.s32 $0x1D900;
	s14 =	sadd.s32 $0xB0, s13  }
0xa2: {  	[tilespmem:s12], [sflag:$0x8] =	stream.linear.gather [hbm4b:s14+s4], $0x80, $0x38;
	[tilespmem:$0x1DE80] =	vst v63  }
0xa3: {  	s6 =	simm.s32 $0x16080;
	s0 =	sadd.s32 @!p1 $0xF0, s0;
	s7 =	simm.s32 @!p1 $0x1DE00  }
0xa4: {  	[tilespmem:s7], [sflag:$0x10] =	stream.linear.gather @!p1 [hbm4b:s0+s28], $0x80, $0x38;
	[tilespmem:$0x1DE80] =	vst v63  }
.LBB2_4:
0xa5: {  	_ =	swait.ge [sflag:s16], $0x2800  }
0xa6: {  	[sflag:s16] =	ssyncset.done $0x0  }
0xa7: {  	[sflag:s16] =	ssyncadd.s32 $0xFFFFD800  }
0xa8: {  	_ =	swait.ge [sflag:s24], $0x80  }
0xa9: {  	[sflag:s24] =	ssyncset.done $0x0  }
0xaa: {  	[sflag:s24] =	ssyncadd.s32 $0xFFFFFF80  }
0xab: {  	[spmem:s2] =	stream.indirect.scatter.add.f32 [tilespmem:s30], [sflag:$0x11], $0x80, s31, s29, $0xb8;
	[tilespmem:$0x1DE80] =	vst v63  }
0xac: {  	_ =	swait.ge [sflag:s15], $0x2800  }
0xad: {  	[sflag:s15] =	ssyncset.done $0x0  }
0xae: {  	s0 =	simm.s32 $0xD;
	[sflag:s15] =	ssyncadd.s32 $0xFFFFD800  }
0xaf: {  	_ =	swait.ge [sflag:s0], $0x80  }
0xb0: {  	[sflag:s0] =	ssyncset.done $0x0;
	s14 =	rddreg [dreg:$0xb]  }
0xb1: {  	[sflag:s0] =	ssyncadd.s32 $0xFFFFFF80;
	s13 =	sadd.s32 s21, s14  }
0xb2: {  	[tilespmem:s30], [sflag:$0x1] =	stream.indirect.gather [hbm4b:s1+s29], $0x80, s3, s29, $0xb8;
	[tilespmem:$0x1DE80] =	vst v63  }
0xb3: {  	p1 =	seq.s32 s22, $0xF;
	s0 =	sadd.s32 $0x40, s13  }
0xb4: {  	[tilespmem:s31], [sflag:$0x5] =	stream.linear.gather [hbm4b:s0+s4], $0x80, $0x38;
	[tilespmem:$0x1DE80] =	vst v63  }
0xb5: {  	s0 =	sadd.s32 @!p1 s21, s5  }
0xb6: {  	s28 =	simm.s32 @!p1 $0x0;
	s7 =	simm.s32 @!p1 $0x1DA80;
	s0 =	sadd.s32 @!p1 $0x80, s0  }
0xb7: {  	[tilespmem:s7], [sflag:$0x9] =	stream.linear.gather @!p1 [hbm4b:s0+s28], $0x80, $0x38;
	[tilespmem:$0x1DE80] =	vst v63  }
0xb8: {  	_ =	swait.ge [sflag:s17], $0x2800  }
0xb9: {  	[sflag:s17] =	ssyncset.done $0x0  }
0xba: {  	[sflag:s17] =	ssyncadd.s32 $0xFFFFD800  }
0xbb: {  	_ =	swait.ge [sflag:s23], $0x80  }
0xbc: {  	p2 =	sgt.u32 s22, $0xE;
	[sflag:s23] =	ssyncset.done $0x0  }
.Ltmp3:
0xbd: {  	[sflag:s23] =	ssyncadd.s32 $0xFFFFFF80;
	(pc) =	sbr.rel @p2 .LBB2_6-.Ltmp3, $4  }
0xbe: {  	[spmem:s2] =	stream.indirect.scatter.add.f32 [tilespmem:s6], [sflag:$0x11], $0x80, s8, s29, $0xb8;
	[tilespmem:$0x1DE80] =	vst v63  }
0xbf: {  	_ =	swait.ge [sflag:s15], $0x2800  }
0xc0: {  	s10 =	simm.s32 $0x1DC80;
	[sflag:s15] =	ssyncset.done $0x0  }
0xc1: {  	s28 =	simm.s32 $0x16080;
	s6 =	simm.s32 $0x1D900;
	[sflag:s15] =	ssyncadd.s32 $0xFFFFD800  }
0xc2: {  	s0 =	simm.s32 $0xE  }
0xc3: {  	_ =	swait.ge [sflag:s0], $0x80  }
.Ltmp4:
0xc4: {  	[sflag:s0] =	ssyncset.done $0x0;
	(pc) =	sbr.rel .LBB2_7-.Ltmp4, $4  }
0xc5: {  	s8 =	simm.s32 $0x1DD00;
	[sflag:s0] =	ssyncadd.s32 $0xFFFFFF80  }
0xc6: {  	[tilespmem:s28], [sflag:$0x2] =	stream.indirect.gather [hbm4b:s1+s29], $0x80, s8, s29, $0xb8;
	[tilespmem:$0x1DE80] =	vst v63  }
0xc7: {  	s14 =	sadd.s32 $0x50, s13;
	s8 =	simm.s32 $0x18880  }
0xc8: {  	[tilespmem:s6], [sflag:$0x6] =	stream.linear.gather [hbm4b:s14+s4], $0x80, $0x38;
	[tilespmem:$0x1DE80] =	vst v63  }
.LBB2_6:
.Ltmp5:
0xc9: {  	(pc) =	sbr.rel @p1 .LBB2_8-.Ltmp5, $2  }
0xca: {  	_ =	sdelay $0x2  }
0xcb: {  	s8 =	simm.s32 $0x18880  }
.LBB2_7:
0xcc: {  	s0 =	sadd.s32 s21, s5  }
0xcd: {  	s7 =	simm.s32 $0x1DB00;
	s0 =	sadd.s32 $0x90, s0  }
0xce: {  	[tilespmem:s7], [sflag:$0xA] =	stream.linear.gather [hbm4b:s0+s4], $0x80, $0x38;
	[tilespmem:$0x1DE80] =	vst v63  }
.LBB2_8:
0xcf: {  	_ =	swait.ge [sflag:s26], $0x2800  }
0xd0: {  	[sflag:s26] =	ssyncset.done $0x0  }
0xd1: {  	[sflag:s26] =	ssyncadd.s32 $0xFFFFD800  }
0xd2: {  	_ =	swait.ge [sflag:s18], $0x80  }
0xd3: {  	[sflag:s18] =	ssyncset.done $0x0  }
.Ltmp6:
0xd4: {  	[sflag:s18] =	ssyncadd.s32 $0xFFFFFF80;
	(pc) =	sbr.rel @p2 .LBB2_10-.Ltmp6, $4  }
0xd5: {  	[spmem:s2] =	stream.indirect.scatter.add.f32 [tilespmem:s8], [sflag:$0x11], $0x80, s9, s29, $0xb8;
	[tilespmem:$0x1DE80] =	vst v63  }
0xd6: {  	_ =	swait.ge [sflag:s15], $0x2800  }
0xd7: {  	[sflag:s15] =	ssyncset.done $0x0  }
0xd8: {  	[sflag:s15] =	ssyncadd.s32 $0xFFFFD800  }
0xd9: {  	s0 =	simm.s32 $0xF  }
0xda: {  	_ =	swait.ge [sflag:s0], $0x80  }
.Ltmp7:
0xdb: {  	[sflag:s0] =	ssyncset.done $0x0;
	(pc) =	sbr.rel .LBB2_11-.Ltmp7, $4  }
0xdc: {  	s7 =	simm.s32 $0x1DD80;
	[sflag:s0] =	ssyncadd.s32 $0xFFFFFF80  }
0xdd: {  	[tilespmem:s8], [sflag:$0x3] =	stream.indirect.gather [hbm4b:s1+s29], $0x80, s7, s29, $0xb8;
	[tilespmem:$0x1DE80] =	vst v63  }
0xde: {  	s14 =	sadd.s32 $0x60, s13  }
0xdf: {  	[tilespmem:s9], [sflag:$0x7] =	stream.linear.gather [hbm4b:s14+s4], $0x80, $0x38;
	[tilespmem:$0x1DE80] =	vst v63  }
.LBB2_10:
.Ltmp8:
0xe0: {  	(pc) =	sbr.rel @p1 .LBB2_12-.Ltmp8, $1  }
0xe1: {  	_ =	sdelay $0x3  }
.LBB2_11:
0xe2: {  	s0 =	sadd.s32 s21, s5  }
0xe3: {  	s7 =	simm.s32 $0x1DB80;
	s0 =	sadd.s32 $0xA0, s0  }
0xe4: {  	[tilespmem:s7], [sflag:$0xB] =	stream.linear.gather [hbm4b:s0+s4], $0x80, $0x38;
	[tilespmem:$0x1DE80] =	vst v63  }
.LBB2_12:
0xe5: {  	_ =	swait.ge [sflag:s25], $0x2800  }
0xe6: {  	[sflag:s25] =	ssyncset.done $0x0  }
0xe7: {  	[sflag:s25] =	ssyncadd.s32 $0xFFFFD800  }
0xe8: {  	_ =	swait.ge [sflag:s19], $0x80  }
0xe9: {  	[sflag:s19] =	ssyncset.done $0x0  }
.Ltmp9:
0xea: {  	[sflag:s19] =	ssyncadd.s32 $0xFFFFFF80;
	(pc) =	sbr.rel @!p2 .LBB2_13-.Ltmp9, $4  }
0xeb: {  	[spmem:s2] =	stream.indirect.scatter.add.f32 [tilespmem:s11], [sflag:$0x11], $0x80, s12, s29, $0xb8;
	[tilespmem:$0x1DE80] =	vst v63  }
0xec: {  	_ =	swait.ge [sflag:s15], $0x2800  }
0xed: {  	[sflag:s15] =	ssyncset.done $0x0  }
0xee: {  	[sflag:s15] =	ssyncadd.s32 $0xFFFFD800  }
.Ltmp10:
0xef: {  	(pc) =	sbr.rel @!p1 .LBB2_15-.Ltmp10, $1  }
0xf0: {  	_ =	sdelay $0x3  }
0xf1: {  	_ =	swait.ge [sflag:s16], $0x2800  }
0xf2: {  	[sflag:s16] =	ssyncset.done $0x0  }
0xf3: {  	[sflag:s16] =	ssyncadd.s32 $0xFFFFD800  }
0xf4: {  	_ =	swait.ge [sflag:s24], $0x80  }
0xf5: {  	[sflag:s24] =	ssyncset.done $0x0  }
0xf6: {  	[sflag:s24] =	ssyncadd.s32 $0xFFFFFF80  }
0xf7: {  	[spmem:s2] =	stream.indirect.scatter.add.f32 [tilespmem:s30], [sflag:$0x11], $0x80, s31, s29, $0xb8;
	[tilespmem:$0x1DE80] =	vst v63  }
0xf8: {  	_ =	swait.ge [sflag:s15], $0x2800  }
0xf9: {  	[sflag:s15] =	ssyncset.done $0x0  }
0xfa: {  	[sflag:s15] =	ssyncadd.s32 $0xFFFFD800  }
0xfb: {  	[bflag:$0x0] =	sbarrier.arrive $0xFFFF  }
0xfc: {  	s22 =	rddreg [dreg:$0x10]  }
0xfd: {  	s0 =	rddreg [dreg:$0x12]  }
0xfe: {  	[hbm:s22], [sflag:s20] =	dma.local [spmem:s0], $0x100  }
.Ltmp11:
0xff: {  	_ = 	snop;
	(pc) =	sbr.rel @!p0 .LBB2_18-.Ltmp11, $4  }
0x100: {  	_ =	swait.ge [sflag:s15], $0x100  }
0x101: {  	s14 =	rddreg [dreg:$0xc]  }
0x102: {  	s21 =	rddreg [dreg:$0xf]  }
0x103: {  	[sflag:s15] =	ssyncset.done $0x0;
	s13 =	sadd.s32 $0xFFFFFFFF, s14;
	s21 =	sadd.s32 $0x8000, s21  }
.LBB2_17:
0x104: {  	s0 =	sshrl.u32 s21, $0x3  }
0x105: {  	[sflag:s15] =	ssyncadd.s32 $0xFFFFFF00;
	s22 =	sadd.s32 $0x1000, s22;
	p0 =	sne.s32 s13, $0x1  }
0x106: {  	[hbm:s22], [sflag:s20] =	dma.local [spmem:s0], $0x100  }
.Ltmp12:
0x107: {  	_ = 	snop;
	(pc) =	sbr.rel @p0 .LBB2_17-.Ltmp12, $4  }
0x108: {  	_ = 	snop  }
0x109: {  	s13 =	sadd.s32 $0xFFFFFFFF, s13  }
0x10a: {  	_ =	swait.ge [sflag:s15], $0x100  }
0x10b: {  	s21 =	sadd.s32 $0x8000, s21;
	[sflag:s15] =	ssyncset.done $0x0  }
.LBB2_18:
0x10c: {  	s3 =	rddreg [dreg:$0x11]  }
0x10d: {  	s0 =	rddreg [dreg:$0xd];
	s3 =	sadd.s32 $0x1, s3  }
0x10e: {  	p0 =	sne.s32 s3, s0  }
.Ltmp13:
0x10f: {  	_ = 	snop;
	(pc) =	sbr.rel @p0 .LBB2_1-.Ltmp13, $2  }
0x110: {  	_ =	sdelay $0x2  }
0x111: {  	[sflag:s15] =	ssyncadd.s32 $0xFFFFFF00  }
0x112: {  	_ =	sfence.sel $0x180000  }
0x113: {  	[bflag:$0x0] =	sbarrier.arrive $0xFFFF  }
0x114: {  	_ =	strace $0x9000004A  }
0x115: {  	s0 =	stileid.u32;
	[bflag:$0x2] =	sbarrier.arrive $0xFFFF  }
0x116: {  	p0 =	sne.s32 s0, $0x0;
	s0 =	rddreg [dreg:$0x3]  }
0x117: {  	s0 =	sadd.s32 @!p0 $0x100000, s0  }
0x118: {  	[sflag:s0] =	ssyncadd.tile.s32 @!p0 $0x1;
	_ =	shalt  }
.Lfunc_end2:
_tile_overlayer_lowered:
.L_overlay_start_2:
0x119: {  	(tag) =	ssettag $0x2  }
0x11a: {  	s0 =	rddreg [dreg:$0x0];
	s2 =	stileid.u32  }
0x11b: {  	s1 =	rddreg [dreg:$0x1];
	p0 =	sne.s32 s2, $0x0  }
0x11c: {  	s3 =	rddreg [dreg:$0x2];
	[bflag:$0x3] =	sbarrier.arrive $0xFFFF;
	s2 =	simm.s32 @!p0 $0x1C01  }
0x11d: {  	[timem:s3], [sflag:s2] =	dma.local @!p0 [hbm:s0], s1  }
0x11e: {  	s0 =	simm.s32 @!p0 $0x1  }
0x11f: {  	_ =	swait.ge @!p0 [sflag:s0], s1  }
0x120: {  	s1 =	ssub.s32 @!p0 $0x0, s1;
	[sflag:s0] =	ssyncset.done @!p0 $0x0  }
0x121: {  	[sflag:s0] =	ssyncadd.s32 @!p0 s1  }
0x122: {  	[bflag:$0x3] =	sbarrier.arrive $0xFFFF  }
0x123: {  	_ =	shalt  }

// kernel: kernel.7.cloned.1.call-start
scs
__scs_entry_jumppad:
0x0: {  	(pc) =	sbr.rel $0x88, $3  }
0x1: {  	(tag) =	ssettag $0x0;
	lr =	simm.s32 $0x1  }
0x2: {  	[smem:$0x3F9B] =	sst lr;
	_ =	strace $0xD0000000  }
0x3: {  	_ = 	snop  }
0x4: {  	_ = 	snop  }
0x5: {  	_ = 	snop  }
0x6: {  	_ = 	snop  }
0x7: {  	_ = 	snop  }
__scs_overlays_trampoline_lowered:
0x8: {  	[smem:$0x3FAA] =	sst s0  }
0x9: {  	[smem:$0x3FAB] =	sst s1  }
0xa: {  	[smem:$0x3FAC] =	sst s2  }
0xb: {  	[smem:$0x3FAD] =	sst s3  }
0xc: {  	[smem:$0x3FAE] =	sst s4  }
0xd: {  	[smem:$0x3FAF] =	sst s5  }
0xe: {  	[smem:$0x3FB0] =	sst s6  }
0xf: {  	[smem:$0x3FB1] =	sst s7  }
0x10: {  	[smem:$0x3FB2] =	sst s8  }
0x11: {  	[smem:$0x3FB3] =	sst s9;
	s0 =	simm.s32 @!p0 $0x0  }
0x12: {  	s1 =	sld [smem:$0x3F99];
	s0 =	simm.s32 @p0 $0x1  }
0x13: {  	[smem:$0x3FB4] =	sst s0;
	s0 =	simm.s32 @!p1 $0x0  }
0x14: {  	s2 =	sld [smem:$0x3F98];
	s0 =	simm.s32 @p1 $0x1  }
0x15: {  	[smem:$0x3FB5] =	sst s0;
	s0 =	simm.s32 @!p2 $0x0  }
0x16: {  	s3 =	sld [smem:$0x3FDB];
	s0 =	simm.s32 @p2 $0x1  }
0x17: {  	s4 =	simm.s32 $0x1BF5;
	[smem:$0x3FB7] =	sst s0  }
0x18: {  	s0 =	sld [smem:$0x3F9A];
	_ =	swait.ge [sflag:s4], $0x0  }
0x19: {  	s7 =	sld [smem:$0x3F9B]  }
0x1a: {  	s8 =	sadd.s32 $0xFFFFE003, lr  }
0x1b: {  	s9 =	sadd.s32 $0xFFFFFEF7, lr;
	s5 =	simm.s32 $0xFFFFFFFF;
	p2 =	slt.u32 s8, $0xFFFFF086  }
0x1c: {  	p1 =	slt.u32 s9, $0xF7A;
	s5 =	simm.s32 @!p2 $0x0  }
0x1d: {  	s5 =	simm.s32 @p1 $0x1;
	p0 =	seq.s32 s7, s2  }
0x1e: {  	s7 =	smul.u32 @!p0 $0xF7A, s2;
	p2 =	seq.s32 @!p0 s5, $0x0  }
0x1f: {  	s9 =	smul.u32 $0xF7A, s1;
	s8 =	simm.s32 @!p0 $0x1BF5;
	p2 =	por !p2, p0  }
0x20: {  	[sflag:s8] =	ssyncset.s32 @!p0 $0xFFFFF086;
	s6 =	sadd.s32 @!p0 s3, s7;
	s7 =	simm.s32 @!p0 $0x108  }
0x21: {  	s3 =	sadd.s32 s3, s9;
	s6 =	sadd.s32 @!p0 $0x88, s6;
	s7 =	simm.s32 @p2 $0x1082  }
0x22: {  	[simem:s7], [sflag:s8] =	dma.local @!p0 [hbm:s6], $0xF7A  }
0x23: {  	s9 =	sor.u32 $0xD0000000, s2;
	s6 =	simm.s32 $0x108;
	_ =	swait.ge @!p0 [sflag:s8], $0x0  }
0x24: {  	s3 =	sadd.s32 $0x88, s3;
	s6 =	simm.s32 @!p1 $0x1082;
	[sflag:s4] =	ssyncset.s32 $0xFFFFF086  }
0x25: {  	[simem:s6], [sflag:s4] =	dma.local [hbm:s3], $0xF7A  }
0x26: {  	[smem:$0x3F9B] =	sst s1;
	(tag) =	ssettag s2;
	_ =	strace s9  }
0x27: {  	s1 =	sld [smem:$0x3FAB]  }
0x28: {  	s2 =	sld [smem:$0x3FAC]  }
0x29: {  	s4 =	sld [smem:$0x3FAE]  }
0x2a: {  	p0 =	seq.s32 s5, $0x0;
	s5 =	sld [smem:$0x3FAF]  }
0x2b: {  	s6 =	sld [smem:$0x3FB0]  }
0x2c: {  	s7 =	sld [smem:$0x3FB1]  }
0x2d: {  	s3 =	simm.s32 $0x108;
	s8 =	sld [smem:$0x3FB2]  }
0x2e: {  	s3 =	simm.s32 @!p0 $0x1082;
	s9 =	sld [smem:$0x3FB3]  }
0x2f: {  	lr =	sadd.s32 s0, s3;
	s0 =	sld [smem:$0x3FAA]  }
0x30: {  	s3 =	sld [smem:$0x3FAD]  }
0x31: {  	[smem:$0x3FB6] =	sst s10  }
0x32: {  	s10 =	sld [smem:$0x3FB4];
	_ =	sdelay $0x3  }
0x33: {  	p0 =	seq.s32 s10, $0x1;
	s10 =	sld [smem:$0x3FB6];
	_ =	sdelay $0x3  }
0x34: {  	[smem:$0x3FB6] =	sst s10  }
0x35: {  	s10 =	sld [smem:$0x3FB5];
	_ =	sdelay $0x3  }
0x36: {  	p1 =	seq.s32 s10, $0x1;
	s10 =	sld [smem:$0x3FB6];
	_ =	sdelay $0x3  }
0x37: {  	[smem:$0x3FB6] =	sst s10  }
0x38: {  	s10 =	sld [smem:$0x3FB7]  }
0x39: {  	_ = 	snop;
	(pc) =	sbr.ind lr, $3  }
0x3a: {  	_ = 	snop  }
0x3b: {  	_ = 	snop  }
0x3c: {  	p2 =	seq.s32 s10, $0x1;
	s10 =	sld [smem:$0x3FB6]  }
0x3d: {  	_ =	shalt  }
0x3e: {  	_ =	shalt  }
0x3f: {  	_ =	shalt  }
0x40: {  	_ =	shalt  }
0x41: {  	_ =	shalt  }
0x42: {  	_ =	shalt  }
0x43: {  	_ =	shalt  }
0x44: {  	_ =	shalt  }
0x45: {  	_ =	shalt  }
0x46: {  	_ =	shalt  }
0x47: {  	_ =	shalt  }
0x48: {  	_ =	shalt  }
0x49: {  	_ =	shalt  }
0x4a: {  	_ =	shalt  }
0x4b: {  	_ =	shalt  }
0x4c: {  	_ =	shalt  }
0x4d: {  	_ =	shalt  }
0x4e: {  	_ =	shalt  }
0x4f: {  	_ =	shalt  }
0x50: {  	_ =	shalt  }
0x51: {  	_ =	shalt  }
0x52: {  	_ =	shalt  }
0x53: {  	_ =	shalt  }
0x54: {  	_ =	shalt  }
0x55: {  	_ =	shalt  }
0x56: {  	_ =	shalt  }
0x57: {  	_ =	shalt  }
0x58: {  	_ =	shalt  }
0x59: {  	_ =	shalt  }
0x5a: {  	_ =	shalt  }
0x5b: {  	_ =	shalt  }
0x5c: {  	_ =	shalt  }
0x5d: {  	_ =	shalt  }
0x5e: {  	_ =	shalt  }
0x5f: {  	_ =	shalt  }
0x60: {  	_ =	shalt  }
0x61: {  	_ =	shalt  }
0x62: {  	_ =	shalt  }
0x63: {  	_ =	shalt  }
0x64: {  	_ =	shalt  }
0x65: {  	_ =	shalt  }
0x66: {  	_ =	shalt  }
0x67: {  	_ =	shalt  }
0x68: {  	_ =	shalt  }
0x69: {  	_ =	shalt  }
0x6a: {  	_ =	shalt  }
0x6b: {  	_ =	shalt  }
0x6c: {  	_ =	shalt  }
0x6d: {  	_ =	shalt  }
0x6e: {  	_ =	shalt  }
0x6f: {  	_ =	shalt  }
0x70: {  	_ =	shalt  }
0x71: {  	_ =	shalt  }
0x72: {  	_ =	shalt  }
0x73: {  	_ =	shalt  }
0x74: {  	_ =	shalt  }
0x75: {  	_ =	shalt  }
0x76: {  	_ =	shalt  }
0x77: {  	_ =	shalt  }
0x78: {  	_ =	shalt  }
0x79: {  	_ =	shalt  }
0x7a: {  	_ =	shalt  }
0x7b: {  	_ =	shalt  }
0x7c: {  	_ =	shalt  }
0x7d: {  	_ =	shalt  }
0x7e: {  	_ =	shalt  }
0x7f: {  	_ =	shalt  }
0x80: {  	_ =	shalt  }
0x81: {  	_ =	shalt  }
0x82: {  	_ =	shalt  }
0x83: {  	_ =	shalt  }
0x84: {  	_ =	shalt  }
0x85: {  	_ =	shalt  }
0x86: {  	_ =	shalt  }
0x87: {  	_ =	shalt  }
.Lfunc_end0:
.L_simem_size_0:
called_computation_lowered:
.L_overlay_start_0:
0x88: {  	s2 =	sld [smem:$0x3FD9]  }
0x89: {  	s3 =	sld [smem:$0x3FFE];
	_ =	sdelay $0x1  }
0x8a: {  	s1 =	srdreg.scid  }
0x8b: {  	s0 =	sand.u32 $0x1, s1  }
0x8c: {  	s17 =	sshll.u32 s0, $0xA;
	s2 =	sadd.s32 s3, s2  }
0x8d: {  	s2 =	sadd.s32 s2, s17  }
0x8e: {  	[smem:$0x3FC2] =	sst s2  }
0x8f: {  	_ = 	snop  }
0x90: {  	s2 =	sld [smem:$0x3FD0];
	(tm) =	ssettm $0x1  }
0x91: {  	s18 =	sld [smem:$0x3FFB];
	_ =	sdelay $0x3  }
0x92: {  	_ =	strace s18  }
0x93: {  	s3 =	sld [smem:$0x3FFC];
	_ =	sdelay $0x3  }
0x94: {  	_ =	strace s3  }
0x95: {  	s3 =	sld [smem:$0x3FFD];
	_ =	sdelay $0x3  }
0x96: {  	_ =	strace s3  }
0x97: {  	_ =	strace $0x8FFFFFFF  }
0x98: {  	s19 =	sld [smem:$0x3FDB];
	_ =	sdelay $0x1  }
0x99: {  	s4 =	simm.s32 $_scs_section_size  }
0x9a: {  	s5 =	simm.s32 $_size__tile_overlayer_lowered;
	s6 =	simm.s32 $_tile_overlayer_lowered  }
0x9b: {  	s22 =	simm.s32 $0x1BFF;
	s21 =	sshll.u32 s6, $0x1;
	s3 =	sadd.s32 s4, s19  }
0x9c: {  	s7 =	simm.s32 $0x0;
	s20 =	sshll.u32 s5, $0x1;
	s5 =	sadd.s32 s21, s3  }
0x9d: {  	[timem:s7], [sflag:s22] =	dma.local [hbm:s5], s20  }
0x9e: {  	_ =	swait.ge [sflag:s22], s20  }
0x9f: {  	s4 =	ssub.s32 $0x0, s20;
	[sflag:s22] =	ssyncset.done $0x0  }
0xa0: {  	[sflag:s22] =	ssyncadd.s32 s4;
	_ =	sdelay $0x1  }
0xa1: {  	s23 =	simm.s32 $0x1B8B  }
0xa2: {  	_ =	swait.ge [sflag:s23], $0x1  }
0xa3: {  	[sflag:s23] =	ssyncset.done $0x0  }
0xa4: {  	s25 =	simm.s32 $0x1B8E;
	s24 =	sld [smem:$0x3FFE];
	[sflag:s23] =	ssyncadd.s32 $0xFFFFFFFF  }
0xa5: {  	s26 =	simm.s32 $execute0_lowered;
	[smem:$0x3FD2] =	sst s25  }
0xa6: {  	s5 =	sshll.u32 s26, $0x1;
	_ =	strace $0x80000046;
	[dreg:$0x1] =	wrdreg $0xFFFFFFFF  }
0xa7: {  	s28 =	simm.s32 $_size_execute0_lowered;
	s3 =	sadd.s32 s3, s5;
	[dreg:$0x0] =	wrdreg $0x0  }
0xa8: {  	s5 =	sshll.u32 s28, $0x1;
	[dreg:$0x2] =	wrdreg s3  }
0xa9: {  	[dreg:$0x3] =	wrdreg s5  }
0xaa: {  	[dreg:$0x4] =	wrdreg $0xC0  }
0xab: {  	_ =	task [dreg:s7], $0x5FFFF  }
0xac: {  	[dreg:$0x1] =	wrdreg $0xFFFFFFFF  }
0xad: {  	[dreg:$0x0] =	wrdreg $0x60  }
0xae: {  	[dreg:$0x2] =	wrdreg s2  }
0xaf: {  	[dreg:$0x3] =	wrdreg s24  }
0xb0: {  	[dreg:$0x4] =	wrdreg $0x0  }
0xb1: {  	[dreg:$0x5] =	wrdreg $0x9  }
0xb2: {  	_ =	task.clear_ibuf [dreg:s7], $0x6FFFF;
	_ =	strace $0x90000046  }
0xb3: {  	s29 =	simm.s32 $0x9;
	_ =	strace $0x80000048  }
0xb4: {  	_ =	swait.ge [sflag:s29], $0x1  }
0xb5: {  	[sflag:s29] =	ssyncadd.s32 $0xFFFFFFFF  }
0xb6: {  	_ =	strace $0x90000048  }
0xb7: {  	_ =	sfence  }
0xb8: {  	s30 =	sld [smem:$0x0];
	_ =	sdelay $0x2  }
0xb9: {  	s31 =	sshll.u32 s1, $0xD;
	s1 =	sshrl.u32 s1, $0x2  }
0xba: {  	s3 =	sand.u32 $0x4000, s31;
	s1 =	sadd.s32 s1, s30  }
0xbb: {  	s0 =	sor.u32 s3, s0;
	s1 =	sshll.u32 s1, $0x11  }
0xbc: {  	s0 =	sor.u32 s1, s0  }
0xbd: {  	s0 =	sadd.s32 $0x8F2B, s0  }
0xbe: {  	[sflag:s0] =	ssyncadd.remote.s32 $0x1  }
0xbf: {  	_ =	sfence.sel $0xFFFF  }
0xc0: {  	[dreg:$0x0] =	wrdreg $0xFFFFFFFF;
	(pc) =	sbr.abs _section_cstart, $3  }
0xc1: {  	[dreg:$0x1] =	wrdreg $0xFFFFFFFF  }
0xc2: {  	_ =	task.clear_ibuf [dreg:s7], $0x2FFFF;
	_ =	strace $0x9FFFFFFF  }
0xc3: {  	(tm) =	ssettm $0x7FFFFFFF  }
tec
execute0_lowered:
.L_overlay_start_1:
0x0: {  	(tag) =	ssettag $0x1  }
0x1: {  	s1 =	rddreg [dreg:$0x0]  }
0x2: {  	s0 =	rddreg [dreg:$0x1]  }
0x3: {  	s2 =	rddreg [dreg:$0x2];
	s4 =	simm.s32 $0x0;
	s3 =	srdreg.scid  }
0x4: {  	s11 =	stileid.u32;
	s29 =	simm.s32 $0x50;
	s30 =	simm.s32 $0x13880  }
0x5: {  	s31 =	simm.s32 $0x1D880;
	s28 =	simm.s32 $0x16080;
	s12 =	simm.s32 $0x1DA00  }
0x6: {  	s15 =	simm.s32 $0x11;
	[smem:$0x7FF] =	sst s4;
	s3 =	sand.u32 $0x1, s3  }
0x7: {  	s6 =	sshll.u32 s11, $0xB;
	s9 =	sshll.u32 s11, $0x8;
	s24 =	ssub.s32 $0x280, s11  }
0x8: {  	_ =	strace $0x80000047;
	s5 =	sshll.u32 s3, $0xF;
	s7 =	smul.u32 $0x27100, s3  }
0x9: {  	s10 =	sadd.s32 s9, s0;
	s26 =	sadd.s32 s6, s2;
	s5 =	sor.u32 s6, s5  }
0xa: {  	s25 =	sadd.s32 $0x21200, s10;
	[dreg:$0xf] =	wrdreg s26;
	s8 =	sadd.s32 s5, s0  }
0xb: {  	s0 =	sadd.s32 s7, s0;
	s7 =	sshrl.u32 s24, $0x4;
	[dreg:$0xe] =	wrdreg s25  }
0xc: {  	s11 =	simm.s32 $0x1B080;
	s17 =	sadd.s32 $0x11210, s8;
	[dreg:$0xc] =	wrdreg s7  }
0xd: {  	s3 =	ssub.s32 $0x2, s3;
	s18 =	sadd.s32 $0x11220, s8;
	[dreg:$0x4] =	wrdreg s17  }
0xe: {  	s16 =	sshrl.u32 s3, $0x1;
	s19 =	sadd.s32 $0x11230, s8;
	[dreg:$0x5] =	wrdreg s18  }
0xf: {  	s6 =	simm.s32 $0x1D900;
	s20 =	sadd.s32 $0x11240, s8;
	[dreg:$0x6] =	wrdreg s19  }
0x10: {  	s26 =	simm.s32 $0x3;
	s21 =	sadd.s32 $0x11250, s8;
	[dreg:$0x7] =	wrdreg s20  }
0x11: {  	s3 =	ssub.s32 s3, s16;
	s22 =	sadd.s32 $0x11260, s8;
	[dreg:$0x8] =	wrdreg s21  }
0x12: {  	s16 =	simm.s32 $0x1;
	s23 =	sadd.s32 $0x11270, s8;
	[dreg:$0x9] =	wrdreg s22  }
0x13: {  	s5 =	sadd.s32 $0x11200, s8;
	s8 =	sadd.s32 $0x1200, s8;
	[dreg:$0xa] =	wrdreg s23  }
0x14: {  	s24 =	simm.s32 $0x5;
	s3 =	smax.u32 s3, $0x1;
	[dreg:$0xb] =	wrdreg s8  }
0x15: {  	s25 =	simm.s32 $0x4;
	s0 =	sadd.s32 $0x48400, s0;
	[dreg:$0xd] =	wrdreg s3  }
0x16: {  	s0 =	sadd.s32 s0, s9;
	s8 =	simm.s32 $0x18880;
	s9 =	simm.s32 $0x1D980  }
0x17: {  	s17 =	simm.s32 $0x2;
	s23 =	simm.s32 $0x6;
	s18 =	simm.s32 $0x7  }
0x18: {  	s19 =	simm.s32 $0x8;
	s3 =	simm.s32 $0x0;
	[dreg:$0x10] =	wrdreg s0  }
.LBB2_1:
0x19: {  	[dreg:$0x11] =	wrdreg s3;
	s7 =	simm.s32 $0x1DA80  }
0x1a: {  	[tilespmem:s7], [sflag:$0x9] =	stream.linear.gather [hbm4b:s5+s4], $0x80, $0x38;
	[tilespmem:$0x1DE80] =	vst v63  }
0x1b: {  	s0 =	rddreg [dreg:$0x4];
	s10 =	simm.s32 $0x1DB00  }
0x1c: {  	[tilespmem:s10], [sflag:$0xA] =	stream.linear.gather [hbm4b:s0+s4], $0x80, $0x38;
	[tilespmem:$0x1DE80] =	vst v63  }
0x1d: {  	s21 =	rddreg [dreg:$0x5];
	s20 =	simm.s32 $0x1DB80  }
0x1e: {  	[tilespmem:s20], [sflag:$0xB] =	stream.linear.gather [hbm4b:s21+s4], $0x80, $0x38;
	[tilespmem:$0x1DE80] =	vst v63  }
0x1f: {  	s22 =	rddreg [dreg:$0x6];
	s14 =	simm.s32 $0x1DC00  }
0x20: {  	[tilespmem:s14], [sflag:$0xC] =	stream.linear.gather [hbm4b:s22+s4], $0x80, $0x38;
	[tilespmem:$0x1DE80] =	vst v63  }
0x21: {  	s3 =	simm.s32 $0x1DC80;
	s13 =	rddreg [dreg:$0x7]  }
0x22: {  	[tilespmem:s3], [sflag:$0xD] =	stream.linear.gather [hbm4b:s13+s4], $0x80, $0x38;
	[tilespmem:$0x1DE80] =	vst v63  }
0x23: {  	s21 =	rddreg [dreg:$0x8];
	s22 =	simm.s32 $0x1DD00  }
0x24: {  	[tilespmem:s22], [sflag:$0xE] =	stream.linear.gather [hbm4b:s21+s4], $0x80, $0x38;
	[tilespmem:$0x1DE80] =	vst v63  }
0x25: {  	s3 =	rddreg [dreg:$0x9];
	s13 =	simm.s32 $0x1DD80  }
0x26: {  	[tilespmem:s13], [sflag:$0xF] =	stream.linear.gather [hbm4b:s3+s4], $0x80, $0x38;
	[tilespmem:$0x1DE80] =	vst v63  }
0x27: {  	s21 =	rddreg [dreg:$0xa];
	s22 =	simm.s32 $0x1DE00;
	s13 =	simm.s32 $0x9  }
0x28: {  	[tilespmem:s22], [sflag:$0x10] =	stream.linear.gather [hbm4b:s21+s4], $0x80, $0x38;
	[tilespmem:$0x1DE80] =	vst v63  }
0x29: {  	_ =	swait.ge [sflag:s13], $0x80  }
0x2a: {  	[sflag:s13] =	ssyncset.done $0x0  }
0x2b: {  	[sflag:s13] =	ssyncadd.s32 $0xFFFFFF80  }
0x2c: {  	[tilespmem:s30], [sflag:$0x1] =	stream.indirect.gather [hbm4b:s1+s29], $0x80, s7, s29, $0xb8;
	[tilespmem:$0x1DE80] =	vst v63  }
0x2d: {  	s22 =	simm.s32 $0xA;
	s21 =	rddreg [dreg:$0xb]  }
0x2e: {  	[tilespmem:s31], [sflag:$0x5] =	stream.linear.gather [hbm4b:s21+s4], $0x80, $0x38;
	[tilespmem:$0x1DE80] =	vst v63  }
0x2f: {  	_ =	swait.ge [sflag:s22], $0x80  }
0x30: {  	[sflag:s22] =	ssyncset.done $0x0  }
0x31: {  	[sflag:s22] =	ssyncadd.s32 $0xFFFFFF80  }
0x32: {  	[tilespmem:s28], [sflag:$0x2] =	stream.indirect.gather [hbm4b:s1+s29], $0x80, s10, s29, $0xb8;
	[tilespmem:$0x1DE80] =	vst v63  }
0x33: {  	s13 =	sadd.s32 $0x10, s21;
	s7 =	simm.s32 $0xB  }
0x34: {  	[tilespmem:s6], [sflag:$0x6] =	stream.linear.gather [hbm4b:s13+s4], $0x80, $0x38;
	[tilespmem:$0x1DE80] =	vst v63  }
0x35: {  	_ =	swait.ge [sflag:s7], $0x80  }
0x36: {  	[sflag:s7] =	ssyncset.done $0x0  }
0x37: {  	[sflag:s7] =	ssyncadd.s32 $0xFFFFFF80  }
0x38: {  	[tilespmem:s8], [sflag:$0x3] =	stream.indirect.gather [hbm4b:s1+s29], $0x80, s20, s29, $0xb8;
	[tilespmem:$0x1DE80] =	vst v63  }
0x39: {  	s10 =	sadd.s32 $0x20, s21;
	s13 =	simm.s32 $0xC  }
0x3a: {  	[tilespmem:s9], [sflag:$0x7] =	stream.linear.gather [hbm4b:s10+s4], $0x80, $0x38;
	[tilespmem:$0x1DE80] =	vst v63  }
0x3b: {  	_ =	swait.ge [sflag:s13], $0x80  }
0x3c: {  	[sflag:s13] =	ssyncset.done $0x0;
	s28 =	rddreg [dreg:$0xf]  }
0x3d: {  	s20 =	stileid.u32;
	s22 =	rddreg [dreg:$0xe];
	[sflag:s13] =	ssyncadd.s32 $0xFFFFFF80  }
0x3e: {  	[tilespmem:s11], [sflag:$0x4] =	stream.indirect.gather [hbm4b:s1+s29], $0x80, s14, s29, $0xb8;
	[tilespmem:$0x1DE80] =	vst v63  }
0x3f: {  	s13 =	sshll.u32 s20, $0x6;
	s14 =	sadd.s32 $0x30, s21;
	s21 =	sshrl.u32 s28, $0x3  }
0x40: {  	s20 =	sor.u32 $0x1C11, s13;
	[dreg:$0x12] =	wrdreg s21  }
0x41: {  	[tilespmem:s12], [sflag:$0x8] =	stream.linear.gather [hbm4b:s14+s4], $0x80, $0x38;
	[tilespmem:$0x1DE80] =	vst v63  }
0x42: {  	[spmem:s21], [sflag:s20] =	dma.local [hbm:s22], $0x100  }
0x43: {  	s0 =	rddreg [dreg:$0xc]  }
0x44: {  	p0 =	sne.s32 s0, $0x1  }
.Ltmp0:
0x45: {  	_ = 	snop;
	(pc) =	sbr.rel @!p0 .LBB2_3-.Ltmp0, $2  }
0x46: {  	_ =	sdelay $0x2  }
0x47: {  	s22 =	sadd.s32 $0x1000, s22;
	_ =	swait.ge [sflag:s15], $0x100;
	s21 =	sadd.s32 $0xFFFFFFFF, s0  }
.LBB2_2:
0x48: {  	[sflag:s15] =	ssyncset.done $0x0  }
0x49: {  	s28 =	sadd.s32 $0x8000, s28;
	s20 =	sor.u32 $0x1C11, s13;
	p1 =	sne.s32 s21, $0x1  }
.Ltmp1:
0x4a: {  	s0 =	sshrl.u32 s28, $0x3;
	[sflag:s15] =	ssyncadd.s32 $0xFFFFFF00;
	(pc) =	sbr.rel @p1 .LBB2_2-.Ltmp1, $3  }
0x4b: {  	[spmem:s0], [sflag:s20] =	dma.local [hbm:s22], $0x100  }
0x4c: {  	s21 =	sadd.s32 $0xFFFFFFFF, s21;
	_ =	sdelay $0x1  }
0x4d: {  	s22 =	sadd.s32 $0x1000, s22;
	_ =	swait.ge [sflag:s15], $0x100  }
.LBB2_3:
.Ltmp2:
0x4e: {  	(pc) =	sbr.rel .LBB2_4-.Ltmp2, $4  }
0x4f: {  	[sflag:s15] =	ssyncset.done $0x0  }
0x50: {  	[sflag:s15] =	ssyncadd.s32 $0xFFFFFF00  }
0x51: {  	s21 =	simm.s32 $0x0;
	s22 =	simm.s32 $0x0;
	[bflag:$0x0] =	sbarrier.arrive $0xFFFF  }
0x52: {  	s3 =	simm.s32 $0x1DC80;
	s6 =	simm.s32 $0x16080;
	s8 =	simm.s32 $0x1D900  }
.LBB2_13:
0x53: {  	s0 =	simm.s32 $0x10  }
0x54: {  	_ =	swait.ge [sflag:s0], $0x80  }
0x55: {  	[sflag:s0] =	ssyncset.done $0x0  }
0x56: {  	s9 =	simm.s32 $0x1DE00;
	[sflag:s0] =	ssyncadd.s32 $0xFFFFFF80  }
0x57: {  	[tilespmem:s11], [sflag:$0x4] =	stream.indirect.gather [hbm4b:s1+s29], $0x80, s9, s29, $0xb8;
	[tilespmem:$0x1DE80] =	vst v63  }
0x58: {  	s14 =	sadd.s32 $0x70, s13  }
0x59: {  	[tilespmem:s12], [sflag:$0x8] =	stream.linear.gather [hbm4b:s14+s4], $0x80, $0x38;
	[tilespmem:$0x1DE80] =	vst v63  }
.LBB2_15:
0x5a: {  	s0 =	sadd.s32 s21, s5  }
0x5b: {  	s14 =	simm.s32 $0x1DC00;
	s7 =	sadd.s32 $0xB0, s0  }
0x5c: {  	[tilespmem:s14], [sflag:$0xC] =	stream.linear.gather [hbm4b:s7+s4], $0x80, $0x38;
	[tilespmem:$0x1DE80] =	vst v63  }
0x5d: {  	_ =	swait.ge [sflag:s16], $0x2800  }
0x5e: {  	[sflag:s16] =	ssyncset.done $0x0  }
0x5f: {  	[sflag:s16] =	ssyncadd.s32 $0xFFFFD800  }
0x60: {  	_ =	swait.ge [sflag:s24], $0x80  }
0x61: {  	[sflag:s24] =	ssyncset.done $0x0  }
0x62: {  	[sflag:s24] =	ssyncadd.s32 $0xFFFFFF80  }
0x63: {  	[spmem:s2] =	stream.indirect.scatter.add.f32 [tilespmem:s30], [sflag:$0x11], $0x80, s31, s29, $0xb8;
	[tilespmem:$0x1DE80] =	vst v63  }
0x64: {  	_ =	swait.ge [sflag:s15], $0x2800  }
0x65: {  	[sflag:s15] =	ssyncset.done $0x0  }
0x66: {  	s3 =	simm.s32 $0x9;
	[sflag:s15] =	ssyncadd.s32 $0xFFFFD800  }
0x67: {  	_ =	swait.ge [sflag:s3], $0x80  }
0x68: {  	[sflag:s3] =	ssyncset.done $0x0  }
0x69: {  	s11 =	simm.s32 $0x1DA80;
	[sflag:s3] =	ssyncadd.s32 $0xFFFFFF80  }
0x6a: {  	[tilespmem:s30], [sflag:$0x1] =	stream.indirect.gather [hbm4b:s1+s29], $0x80, s11, s29, $0xb8;
	[tilespmem:$0x1DE80] =	vst v63  }
0x6b: {  	s3 =	sadd.s32 $0x80, s13  }
0x6c: {  	[tilespmem:s31], [sflag:$0x5] =	stream.linear.gather [hbm4b:s3+s4], $0x80, $0x38;
	[tilespmem:$0x1DE80] =	vst v63  }
0x6d: {  	s0 =	sadd.s32 $0xC0, s0  }
0x6e: {  	[tilespmem:s10], [sflag:$0xD] =	stream.linear.gather [hbm4b:s0+s4], $0x80, $0x38;
	[tilespmem:$0x1DE80] =	vst v63  }
0x6f: {  	_ =	swait.ge [sflag:s17], $0x2800  }
0x70: {  	[sflag:s17] =	ssyncset.done $0x0  }
0x71: {  	[sflag:s17] =	ssyncadd.s32 $0xFFFFD800  }
0x72: {  	_ =	swait.ge [sflag:s23], $0x80  }
0x73: {  	[sflag:s23] =	ssyncset.done $0x0  }
0x74: {  	[sflag:s23] =	ssyncadd.s32 $0xFFFFFF80  }
0x75: {  	[spmem:s2] =	stream.indirect.scatter.add.f32 [tilespmem:s28], [sflag:$0x11], $0x80, s6, s29, $0xb8;
	[tilespmem:$0x1DE80] =	vst v63  }
0x76: {  	_ =	swait.ge [sflag:s15], $0x2800  }
0x77: {  	[sflag:s15] =	ssyncset.done $0x0  }
0x78: {  	s7 =	simm.s32 $0xA;
	[sflag:s15] =	ssyncadd.s32 $0xFFFFD800  }
0x79: {  	_ =	swait.ge [sflag:s7], $0x80  }
0x7a: {  	[sflag:s7] =	ssyncset.done $0x0  }
0x7b: {  	s8 =	simm.s32 $0x1DB00;
	p1 =	seq.s32 s22, $0xE;
	[sflag:s7] =	ssyncadd.s32 $0xFFFFFF80  }
0x7c: {  	[tilespmem:s28], [sflag:$0x2] =	stream.indirect.gather [hbm4b:s1+s29], $0x80, s8, s29, $0xb8;
	[tilespmem:$0x1DE80] =	vst v63  }
0x7d: {  	s9 =	sadd.s32 $0x90, s13;
	s0 =	sadd.s32 @!p1 s21, s5  }
0x7e: {  	[tilespmem:s6], [sflag:$0x6] =	stream.linear.gather [hbm4b:s9+s4], $0x80, $0x38;
	[tilespmem:$0x1DE80] =	vst v63  }
0x7f: {  	s10 =	simm.s32 @!p1 $0x1DD00;
	s7 =	sadd.s32 @!p1 $0xD0, s0;
	s28 =	simm.s32 @!p1 $0x0  }
0x80: {  	[tilespmem:s10], [sflag:$0xE] =	stream.linear.gather @!p1 [hbm4b:s7+s28], $0x80, $0x38;
	[tilespmem:$0x1DE80] =	vst v63  }
0x81: {  	_ =	swait.ge [sflag:s26], $0x2800  }
0x82: {  	[sflag:s26] =	ssyncset.done $0x0  }
0x83: {  	[sflag:s26] =	ssyncadd.s32 $0xFFFFD800  }
0x84: {  	_ =	swait.ge [sflag:s18], $0x80  }
0x85: {  	[sflag:s18] =	ssyncset.done $0x0  }
0x86: {  	s11 =	simm.s32 $0x1D980;
	s9 =	simm.s32 $0x18880;
	[sflag:s18] =	ssyncadd.s32 $0xFFFFFF80  }
0x87: {  	[spmem:s2] =	stream.indirect.scatter.add.f32 [tilespmem:s9], [sflag:$0x11], $0x80, s11, s29, $0xb8;
	[tilespmem:$0x1DE80] =	vst v63  }
0x88: {  	_ =	swait.ge [sflag:s15], $0x2800  }
0x89: {  	[sflag:s15] =	ssyncset.done $0x0  }
0x8a: {  	s10 =	simm.s32 $0xB;
	[sflag:s15] =	ssyncadd.s32 $0xFFFFD800  }
0x8b: {  	_ =	swait.ge [sflag:s10], $0x80  }
0x8c: {  	[sflag:s10] =	ssyncset.done $0x0  }
0x8d: {  	[sflag:s10] =	ssyncadd.s32 $0xFFFFFF80;
	s10 =	simm.s32 $0x1DB80  }
0x8e: {  	[tilespmem:s9], [sflag:$0x3] =	stream.indirect.gather [hbm4b:s1+s29], $0x80, s10, s29, $0xb8;
	[tilespmem:$0x1DE80] =	vst v63  }
0x8f: {  	s9 =	simm.s32 $0x1D980;
	s10 =	sadd.s32 $0xA0, s13  }
0x90: {  	[tilespmem:s9], [sflag:$0x7] =	stream.linear.gather [hbm4b:s10+s4], $0x80, $0x38;
	[tilespmem:$0x1DE80] =	vst v63  }
0x91: {  	s7 =	sadd.s32 @!p1 $0xE0, s0;
	s10 =	simm.s32 @!p1 $0x1DD80  }
0x92: {  	[tilespmem:s10], [sflag:$0xF] =	stream.linear.gather @!p1 [hbm4b:s7+s28], $0x80, $0x38;
	[tilespmem:$0x1DE80] =	vst v63  }
0x93: {  	_ =	swait.ge [sflag:s25], $0x2800  }
0x94: {  	[sflag:s25] =	ssyncset.done $0x0  }
0x95: {  	[sflag:s25] =	ssyncadd.s32 $0xFFFFD800  }
0x96: {  	_ =	swait.ge [sflag:s19], $0x80  }
0x97: {  	[sflag:s19] =	ssyncset.done $0x0  }
0x98: {  	s11 =	simm.s32 $0x1B080;
	[sflag:s19] =	ssyncadd.s32 $0xFFFFFF80  }
0x99: {  	[spmem:s2] =	stream.indirect.scatter.add.f32 [tilespmem:s11], [sflag:$0x11], $0x80, s12, s29, $0xb8;
	[tilespmem:$0x1DE80] =	vst v63  }
0x9a: {  	_ =	swait.ge [sflag:s15], $0x2800  }
0x9b: {  	[sflag:s15] =	ssyncset.done $0x0  }
0x9c: {  	s10 =	simm.s32 $0xC;
	[sflag:s15] =	ssyncadd.s32 $0xFFFFD800  }
0x9d: {  	_ =	swait.ge [sflag:s10], $0x80  }
0x9e: {  	[sflag:s10] =	ssyncset.done $0x0  }
0x9f: {  	s22 =	sadd.s32 $0x1, s22;
	s3 =	simm.s32 $0x1DC80;
	[sflag:s10] =	ssyncadd.s32 $0xFFFFFF80  }
0xa0: {  	[tilespmem:s11], [sflag:$0x4] =	stream.indirect.gather [hbm4b:s1+s29], $0x80, s14, s29, $0xb8;
	[tilespmem:$0x1DE80] =	vst v63  }
0xa1: {  	s21 =	sadd.s32 $0x80, s21;
	s8 =	simm.s32 $0x1D900;
	s14 =	sadd.s32 $0xB0, s13  }
0xa2: {  	[tilespmem:s12], [sflag:$0x8] =	stream.linear.gather [hbm4b:s14+s4], $0x80, $0x38;
	[tilespmem:$0x1DE80] =	vst v63  }
0xa3: {  	s6 =	simm.s32 $0x16080;
	s0 =	sadd.s32 @!p1 $0xF0, s0;
	s7 =	simm.s32 @!p1 $0x1DE00  }
0xa4: {  	[tilespmem:s7], [sflag:$0x10] =	stream.linear.gather @!p1 [hbm4b:s0+s28], $0x80, $0x38;
	[tilespmem:$0x1DE80] =	vst v63  }
.LBB2_4:
0xa5: {  	_ =	swait.ge [sflag:s16], $0x2800  }
0xa6: {  	[sflag:s16] =	ssyncset.done $0x0  }
0xa7: {  	[sflag:s16] =	ssyncadd.s32 $0xFFFFD800  }
0xa8: {  	_ =	swait.ge [sflag:s24], $0x80  }
0xa9: {  	[sflag:s24] =	ssyncset.done $0x0  }
0xaa: {  	[sflag:s24] =	ssyncadd.s32 $0xFFFFFF80  }
0xab: {  	[spmem:s2] =	stream.indirect.scatter.add.f32 [tilespmem:s30], [sflag:$0x11], $0x80, s31, s29, $0xb8;
	[tilespmem:$0x1DE80] =	vst v63  }
0xac: {  	_ =	swait.ge [sflag:s15], $0x2800  }
0xad: {  	[sflag:s15] =	ssyncset.done $0x0  }
0xae: {  	s0 =	simm.s32 $0xD;
	[sflag:s15] =	ssyncadd.s32 $0xFFFFD800  }
0xaf: {  	_ =	swait.ge [sflag:s0], $0x80  }
0xb0: {  	[sflag:s0] =	ssyncset.done $0x0;
	s14 =	rddreg [dreg:$0xb]  }
0xb1: {  	[sflag:s0] =	ssyncadd.s32 $0xFFFFFF80;
	s13 =	sadd.s32 s21, s14  }
0xb2: {  	[tilespmem:s30], [sflag:$0x1] =	stream.indirect.gather [hbm4b:s1+s29], $0x80, s3, s29, $0xb8;
	[tilespmem:$0x1DE80] =	vst v63  }
0xb3: {  	p1 =	seq.s32 s22, $0xF;
	s0 =	sadd.s32 $0x40, s13  }
0xb4: {  	[tilespmem:s31], [sflag:$0x5] =	stream.linear.gather [hbm4b:s0+s4], $0x80, $0x38;
	[tilespmem:$0x1DE80] =	vst v63  }
0xb5: {  	s0 =	sadd.s32 @!p1 s21, s5  }
0xb6: {  	s28 =	simm.s32 @!p1 $0x0;
	s7 =	simm.s32 @!p1 $0x1DA80;
	s0 =	sadd.s32 @!p1 $0x80, s0  }
0xb7: {  	[tilespmem:s7], [sflag:$0x9] =	stream.linear.gather @!p1 [hbm4b:s0+s28], $0x80, $0x38;
	[tilespmem:$0x1DE80] =	vst v63  }
0xb8: {  	_ =	swait.ge [sflag:s17], $0x2800  }
0xb9: {  	[sflag:s17] =	ssyncset.done $0x0  }
0xba: {  	[sflag:s17] =	ssyncadd.s32 $0xFFFFD800  }
0xbb: {  	_ =	swait.ge [sflag:s23], $0x80  }
0xbc: {  	p2 =	sgt.u32 s22, $0xE;
	[sflag:s23] =	ssyncset.done $0x0  }
.Ltmp3:
0xbd: {  	[sflag:s23] =	ssyncadd.s32 $0xFFFFFF80;
	(pc) =	sbr.rel @p2 .LBB2_6-.Ltmp3, $4  }
0xbe: {  	[spmem:s2] =	stream.indirect.scatter.add.f32 [tilespmem:s6], [sflag:$0x11], $0x80, s8, s29, $0xb8;
	[tilespmem:$0x1DE80] =	vst v63  }
0xbf: {  	_ =	swait.ge [sflag:s15], $0x2800  }
0xc0: {  	s10 =	simm.s32 $0x1DC80;
	[sflag:s15] =	ssyncset.done $0x0  }
0xc1: {  	s28 =	simm.s32 $0x16080;
	s6 =	simm.s32 $0x1D900;
	[sflag:s15] =	ssyncadd.s32 $0xFFFFD800  }
0xc2: {  	s0 =	simm.s32 $0xE  }
0xc3: {  	_ =	swait.ge [sflag:s0], $0x80  }
.Ltmp4:
0xc4: {  	[sflag:s0] =	ssyncset.done $0x0;
	(pc) =	sbr.rel .LBB2_7-.Ltmp4, $4  }
0xc5: {  	s8 =	simm.s32 $0x1DD00;
	[sflag:s0] =	ssyncadd.s32 $0xFFFFFF80  }
0xc6: {  	[tilespmem:s28], [sflag:$0x2] =	stream.indirect.gather [hbm4b:s1+s29], $0x80, s8, s29, $0xb8;
	[tilespmem:$0x1DE80] =	vst v63  }
0xc7: {  	s14 =	sadd.s32 $0x50, s13;
	s8 =	simm.s32 $0x18880  }
0xc8: {  	[tilespmem:s6], [sflag:$0x6] =	stream.linear.gather [hbm4b:s14+s4], $0x80, $0x38;
	[tilespmem:$0x1DE80] =	vst v63  }
.LBB2_6:
.Ltmp5:
0xc9: {  	(pc) =	sbr.rel @p1 .LBB2_8-.Ltmp5, $2  }
0xca: {  	_ =	sdelay $0x2  }
0xcb: {  	s8 =	simm.s32 $0x18880  }
.LBB2_7:
0xcc: {  	s0 =	sadd.s32 s21, s5  }
0xcd: {  	s7 =	simm.s32 $0x1DB00;
	s0 =	sadd.s32 $0x90, s0  }
0xce: {  	[tilespmem:s7], [sflag:$0xA] =	stream.linear.gather [hbm4b:s0+s4], $0x80, $0x38;
	[tilespmem:$0x1DE80] =	vst v63  }
.LBB2_8:
0xcf: {  	_ =	swait.ge [sflag:s26], $0x2800  }
0xd0: {  	[sflag:s26] =	ssyncset.done $0x0  }
0xd1: {  	[sflag:s26] =	ssyncadd.s32 $0xFFFFD800  }
0xd2: {  	_ =	swait.ge [sflag:s18], $0x80  }
0xd3: {  	[sflag:s18] =	ssyncset.done $0x0  }
.Ltmp6:
0xd4: {  	[sflag:s18] =	ssyncadd.s32 $0xFFFFFF80;
	(pc) =	sbr.rel @p2 .LBB2_10-.Ltmp6, $4  }
0xd5: {  	[spmem:s2] =	stream.indirect.scatter.add.f32 [tilespmem:s8], [sflag:$0x11], $0x80, s9, s29, $0xb8;
	[tilespmem:$0x1DE80] =	vst v63  }
0xd6: {  	_ =	swait.ge [sflag:s15], $0x2800  }
0xd7: {  	[sflag:s15] =	ssyncset.done $0x0  }
0xd8: {  	[sflag:s15] =	ssyncadd.s32 $0xFFFFD800  }
0xd9: {  	s0 =	simm.s32 $0xF  }
0xda: {  	_ =	swait.ge [sflag:s0], $0x80  }
.Ltmp7:
0xdb: {  	[sflag:s0] =	ssyncset.done $0x0;
	(pc) =	sbr.rel .LBB2_11-.Ltmp7, $4  }
0xdc: {  	s7 =	simm.s32 $0x1DD80;
	[sflag:s0] =	ssyncadd.s32 $0xFFFFFF80  }
0xdd: {  	[tilespmem:s8], [sflag:$0x3] =	stream.indirect.gather [hbm4b:s1+s29], $0x80, s7, s29, $0xb8;
	[tilespmem:$0x1DE80] =	vst v63  }
0xde: {  	s14 =	sadd.s32 $0x60, s13  }
0xdf: {  	[tilespmem:s9], [sflag:$0x7] =	stream.linear.gather [hbm4b:s14+s4], $0x80, $0x38;
	[tilespmem:$0x1DE80] =	vst v63  }
.LBB2_10:
.Ltmp8:
0xe0: {  	(pc) =	sbr.rel @p1 .LBB2_12-.Ltmp8, $1  }
0xe1: {  	_ =	sdelay $0x3  }
.LBB2_11:
0xe2: {  	s0 =	sadd.s32 s21, s5  }
0xe3: {  	s7 =	simm.s32 $0x1DB80;
	s0 =	sadd.s32 $0xA0, s0  }
0xe4: {  	[tilespmem:s7], [sflag:$0xB] =	stream.linear.gather [hbm4b:s0+s4], $0x80, $0x38;
	[tilespmem:$0x1DE80] =	vst v63  }
.LBB2_12:
0xe5: {  	_ =	swait.ge [sflag:s25], $0x2800  }
0xe6: {  	[sflag:s25] =	ssyncset.done $0x0  }
0xe7: {  	[sflag:s25] =	ssyncadd.s32 $0xFFFFD800  }
0xe8: {  	_ =	swait.ge [sflag:s19], $0x80  }
0xe9: {  	[sflag:s19] =	ssyncset.done $0x0  }
.Ltmp9:
0xea: {  	[sflag:s19] =	ssyncadd.s32 $0xFFFFFF80;
	(pc) =	sbr.rel @!p2 .LBB2_13-.Ltmp9, $4  }
0xeb: {  	[spmem:s2] =	stream.indirect.scatter.add.f32 [tilespmem:s11], [sflag:$0x11], $0x80, s12, s29, $0xb8;
	[tilespmem:$0x1DE80] =	vst v63  }
0xec: {  	_ =	swait.ge [sflag:s15], $0x2800  }
0xed: {  	[sflag:s15] =	ssyncset.done $0x0  }
0xee: {  	[sflag:s15] =	ssyncadd.s32 $0xFFFFD800  }
.Ltmp10:
0xef: {  	(pc) =	sbr.rel @!p1 .LBB2_15-.Ltmp10, $1  }
0xf0: {  	_ =	sdelay $0x3  }
0xf1: {  	_ =	swait.ge [sflag:s16], $0x2800  }
0xf2: {  	[sflag:s16] =	ssyncset.done $0x0  }
0xf3: {  	[sflag:s16] =	ssyncadd.s32 $0xFFFFD800  }
0xf4: {  	_ =	swait.ge [sflag:s24], $0x80  }
0xf5: {  	[sflag:s24] =	ssyncset.done $0x0  }
0xf6: {  	[sflag:s24] =	ssyncadd.s32 $0xFFFFFF80  }
0xf7: {  	[spmem:s2] =	stream.indirect.scatter.add.f32 [tilespmem:s30], [sflag:$0x11], $0x80, s31, s29, $0xb8;
	[tilespmem:$0x1DE80] =	vst v63  }
0xf8: {  	_ =	swait.ge [sflag:s15], $0x2800  }
0xf9: {  	[sflag:s15] =	ssyncset.done $0x0  }
0xfa: {  	[sflag:s15] =	ssyncadd.s32 $0xFFFFD800  }
0xfb: {  	[bflag:$0x0] =	sbarrier.arrive $0xFFFF  }
0xfc: {  	s22 =	rddreg [dreg:$0x10]  }
0xfd: {  	s0 =	rddreg [dreg:$0x12]  }
0xfe: {  	[hbm:s22], [sflag:s20] =	dma.local [spmem:s0], $0x100  }
.Ltmp11:
0xff: {  	_ = 	snop;
	(pc) =	sbr.rel @!p0 .LBB2_18-.Ltmp11, $4  }
0x100: {  	_ =	swait.ge [sflag:s15], $0x100  }
0x101: {  	s14 =	rddreg [dreg:$0xc]  }
0x102: {  	s21 =	rddreg [dreg:$0xf]  }
0x103: {  	[sflag:s15] =	ssyncset.done $0x0;
	s13 =	sadd.s32 $0xFFFFFFFF, s14;
	s21 =	sadd.s32 $0x8000, s21  }
.LBB2_17:
0x104: {  	s0 =	sshrl.u32 s21, $0x3  }
0x105: {  	[sflag:s15] =	ssyncadd.s32 $0xFFFFFF00;
	s22 =	sadd.s32 $0x1000, s22;
	p0 =	sne.s32 s13, $0x1  }
0x106: {  	[hbm:s22], [sflag:s20] =	dma.local [spmem:s0], $0x100  }
.Ltmp12:
0x107: {  	_ = 	snop;
	(pc) =	sbr.rel @p0 .LBB2_17-.Ltmp12, $4  }
0x108: {  	_ = 	snop  }
0x109: {  	s13 =	sadd.s32 $0xFFFFFFFF, s13  }
0x10a: {  	_ =	swait.ge [sflag:s15], $0x100  }
0x10b: {  	s21 =	sadd.s32 $0x8000, s21;
	[sflag:s15] =	ssyncset.done $0x0  }
.LBB2_18:
0x10c: {  	s3 =	rddreg [dreg:$0x11]  }
0x10d: {  	s0 =	rddreg [dreg:$0xd];
	s3 =	sadd.s32 $0x1, s3  }
0x10e: {  	p0 =	sne.s32 s3, s0  }
.Ltmp13:
0x10f: {  	_ = 	snop;
	(pc) =	sbr.rel @p0 .LBB2_1-.Ltmp13, $2  }
0x110: {  	_ =	sdelay $0x2  }
0x111: {  	[sflag:s15] =	ssyncadd.s32 $0xFFFFFF00  }
0x112: {  	_ =	sfence.sel $0x180000  }
0x113: {  	[bflag:$0x0] =	sbarrier.arrive $0xFFFF  }
0x114: {  	_ =	strace $0x90000047  }
0x115: {  	s0 =	stileid.u32;
	[bflag:$0x2] =	sbarrier.arrive $0xFFFF  }
0x116: {  	p0 =	sne.s32 s0, $0x0;
	s0 =	rddreg [dreg:$0x3]  }
0x117: {  	s0 =	sadd.s32 @!p0 $0x100000, s0  }
0x118: {  	[sflag:s0] =	ssyncadd.tile.s32 @!p0 $0x1;
	_ =	shalt  }
.Lfunc_end2:
_tile_overlayer_lowered:
.L_overlay_start_2:
0x119: {  	(tag) =	ssettag $0x2  }
0x11a: {  	s0 =	rddreg [dreg:$0x0];
	s2 =	stileid.u32  }
0x11b: {  	s1 =	rddreg [dreg:$0x1];
	p0 =	sne.s32 s2, $0x0  }
0x11c: {  	s3 =	rddreg [dreg:$0x2];
	[bflag:$0x3] =	sbarrier.arrive $0xFFFF;
	s2 =	simm.s32 @!p0 $0x1C01  }
0x11d: {  	[timem:s3], [sflag:s2] =	dma.local @!p0 [hbm:s0], s1  }
0x11e: {  	s0 =	simm.s32 @!p0 $0x1  }
0x11f: {  	_ =	swait.ge @!p0 [sflag:s0], s1  }
0x120: {  	s1 =	ssub.s32 @!p0 $0x0, s1;
	[sflag:s0] =	ssyncset.done @!p0 $0x0  }
0x121: {  	[sflag:s0] =	ssyncadd.s32 @!p0 s1  }
0x122: {  	[bflag:$0x3] =	sbarrier.arrive $0xFFFF  }
0x123: {  	_ =	shalt  }

</sc_bundles>
